<compile_context>
chip_gen: v7x
topology: tpu7x:2x2x1
jax: 0.10.2.dev20260603
libtpu: 0.0.44.dev20260713+nightly
codegen_flags: <defaults>
</compile_context>

<pallas_src>
import functools

import jax
import jax.numpy as jnp
import numpy as np
from jax import lax
from jax.experimental import pallas as pl
from jax.experimental.pallas import tpu as pltpu
from jax.experimental.pallas import tpu_sc as plsc

N_NODES = 10000
N_EDGES = 160000
D_IN = 256
HID = 256
HEADS = 8
D_OUT = 128

ROW_BLK = 400
_EPS = 1e-16

_NC = 2
_NS = 16
_L = 16
_NW = _NC * _NS
E_PAD = 163840
_ECH = 5120
N_PAD = 10112


def _tc1_body(x_ref, w1_ref, acat_ref, xw_ref, a_ref, gmax_ref):
    i = pl.program_id(0)
    xw = jnp.dot(x_ref[...], w1_ref[...], preferred_element_type=jnp.float32)
    xw_ref[...] = xw
    a = jnp.dot(xw, acat_ref[...], preferred_element_type=jnp.float32)
    a_ref[...] = a
    blkmax = jnp.max(a, axis=0, keepdims=True)

    @pl.when(i == 0)
    def _():
        gmax_ref[...] = blkmax

    @pl.when(i != 0)
    def _():
        gmax_ref[...] = jnp.maximum(gmax_ref[...], blkmax)


def _tc1(X, W1, Acat):
    grid = N_NODES // ROW_BLK
    return pl.pallas_call(
        _tc1_body,
        grid=(grid,),
        in_specs=[
            pl.BlockSpec((ROW_BLK, D_IN), lambda i: (i, 0)),
            pl.BlockSpec((D_IN, HEADS * HID), lambda i: (0, 0)),
            pl.BlockSpec((HEADS * HID, 16), lambda i: (0, 0)),
        ],
        out_specs=[
            pl.BlockSpec((ROW_BLK, HEADS * HID), lambda i: (i, 0)),
            pl.BlockSpec((ROW_BLK, 16), lambda i: (i, 0)),
            pl.BlockSpec((1, 16), lambda i: (0, 0)),
        ],
        out_shape=[
            jax.ShapeDtypeStruct((N_NODES, HEADS * HID), jnp.float32),
            jax.ShapeDtypeStruct((N_NODES, 16), jnp.float32),
            jax.ShapeDtypeStruct((1, 16), jnp.float32),
        ],
    )(X, W1, Acat)


def _tc2_body(agg_ref, dp_ref, k1_ref, e8_ref, b1_ref, w2_ref, a2c_ref,
              xw2_ref, a2_ref, gmax2_ref):
    i = pl.program_id(0)
    denom = jnp.dot(dp_ref[...], k1_ref[...], preferred_element_type=jnp.float32)
    recip = 1.0 / (denom + _EPS)
    scale = jnp.dot(recip, e8_ref[...], preferred_element_type=jnp.float32)
    h = jnp.maximum(agg_ref[...] * scale + b1_ref[...], 0.0)
    xw2 = jnp.dot(h, w2_ref[...], preferred_element_type=jnp.float32)
    xw2_ref[...] = xw2
    a2 = jnp.dot(xw2, a2c_ref[...], preferred_element_type=jnp.float32)
    a2_ref[...] = a2
    blkmax = jnp.max(a2, axis=0, keepdims=True)

    @pl.when(i == 0)
    def _():
        gmax2_ref[...] = blkmax

    @pl.when(i != 0)
    def _():
        gmax2_ref[...] = jnp.maximum(gmax2_ref[...], blkmax)


def _tc2(agg1, dp1T, K1, E8, b1, W2, att2cat):
    grid = N_NODES // ROW_BLK
    return pl.pallas_call(
        _tc2_body,
        grid=(grid,),
        in_specs=[
            pl.BlockSpec((ROW_BLK, HEADS * HID), lambda i: (i, 0)),
            pl.BlockSpec((ROW_BLK, 32), lambda i: (i, 0)),
            pl.BlockSpec((32, HEADS), lambda i: (0, 0)),
            pl.BlockSpec((HEADS, HEADS * HID), lambda i: (0, 0)),
            pl.BlockSpec((1, HEADS * HID), lambda i: (0, 0)),
            pl.BlockSpec((HEADS * HID, HID), lambda i: (0, 0)),
            pl.BlockSpec((HID, 16), lambda i: (0, 0)),
        ],
        out_specs=[
            pl.BlockSpec((ROW_BLK, HID), lambda i: (i, 0)),
            pl.BlockSpec((ROW_BLK, 16), lambda i: (i, 0)),
            pl.BlockSpec((1, 16), lambda i: (0, 0)),
        ],
        out_shape=[
            jax.ShapeDtypeStruct((N_NODES, HID), jnp.float32),
            jax.ShapeDtypeStruct((N_NODES, 16), jnp.float32),
            jax.ShapeDtypeStruct((1, 16), jnp.float32),
        ],
    )(agg1, dp1T, K1, E8, b1, W2, att2cat)


def _tc3_body(agg_ref, dp_ref, ones_ref, e1_ref, b2_ref, wfc_ref, bfc_ref,
              out_ref):
    denom = jnp.dot(dp_ref[...], ones_ref[...], preferred_element_type=jnp.float32)
    recip = 1.0 / (denom + _EPS)
    scale = jnp.dot(recip, e1_ref[...], preferred_element_type=jnp.float32)
    h = jnp.maximum(agg_ref[...] * scale + b2_ref[...], 0.0)
    out_ref[...] = jnp.dot(h, wfc_ref[...], preferred_element_type=jnp.float32) + bfc_ref[...]


def _tc3(agg2, dp2T, ones32, E1, b2, Wfc, bfc):
    grid = N_NODES // ROW_BLK
    return pl.pallas_call(
        _tc3_body,
        grid=(grid,),
        in_specs=[
            pl.BlockSpec((ROW_BLK, HID), lambda i: (i, 0)),
            pl.BlockSpec((ROW_BLK, 32), lambda i: (i, 0)),
            pl.BlockSpec((32, 8), lambda i: (0, 0)),
            pl.BlockSpec((8, HID), lambda i: (0, 0)),
            pl.BlockSpec((1, HID), lambda i: (0, 0)),
            pl.BlockSpec((HID, D_OUT), lambda i: (0, 0)),
            pl.BlockSpec((1, D_OUT), lambda i: (0, 0)),
        ],
        out_specs=[pl.BlockSpec((ROW_BLK, D_OUT), lambda i: (i, 0))],
        out_shape=[jax.ShapeDtypeStruct((N_NODES, D_OUT), jnp.float32)],
    )(agg2, dp2T, ones32, E1, b2, Wfc, bfc)


@functools.lru_cache(maxsize=None)
def _make_edge_softmax(H):
    nseg = _NW // H
    eper = E_PAD // nseg
    nchunks = eper // _ECH
    mesh = plsc.VectorSubcoreMesh(core_axis_name="c", subcore_axis_name="s",
                                  num_cores=_NC, num_subcores=_NS)

    @functools.partial(
        pl.kernel,
        out_type=[
            jax.ShapeDtypeStruct((H, 1, E_PAD), jnp.float32),
            jax.ShapeDtypeStruct((_NW, 1, N_PAD), jnp.float32),
        ],
        mesh=mesh,
        compiler_params=pltpu.CompilerParams(needs_layout_passes=False),
        scratch_types=[
            pltpu.VMEM((N_PAD,), jnp.float32),
            pltpu.VMEM((N_PAD,), jnp.float32),
            pltpu.VMEM((N_PAD,), jnp.float32),
            pltpu.VMEM((16,), jnp.float32),
            pltpu.VMEM((_ECH,), jnp.int32),
            pltpu.VMEM((_ECH,), jnp.int32),
            pltpu.VMEM((_ECH,), jnp.float32),
        ],
    )
    def edge_softmax(asT, srcp, dstp, g, exT, dpart, asrc_v, adst_v, den_v,
                     g_v, srcv, dstv, exv):
        c = lax.axis_index("c")
        s = lax.axis_index("s")
        wid = s * _NC + c
        if H == 1:
            head = 0
            seg = wid
        else:
            head = wid % H
            seg = wid // H
        pltpu.sync_copy(asT.at[head, 0], asrc_v)
        pltpu.sync_copy(asT.at[8 + head, 0], adst_v)
        pltpu.sync_copy(g, g_v)
        iota = lax.iota(jnp.int32, _L)
        gvv = g_v[...]
        ghead = jnp.max(jnp.where(iota == head, gvv, -3.4e38))
        gb = jnp.full((_L,), ghead)

        def zero_body(i, _):
            den_v[pl.ds(i * _L, _L)] = jnp.zeros((_L,), jnp.float32)
            return 0

        lax.fori_loop(0, N_PAD // _L, zero_body, 0)

        for ci in range(nchunks):
            base = pl.multiple_of(seg * eper + ci * _ECH, _ECH)
            pltpu.sync_copy(srcp.at[pl.ds(base, _ECH)], srcv)
            pltpu.sync_copy(dstp.at[pl.ds(base, _ECH)], dstv)

            def grp(j, _):
                sv = srcv[pl.ds(j * _L, _L)]
                dv = dstv[pl.ds(j * _L, _L)]
                t = plsc.load_gather(asrc_v, [sv]) + plsc.load_gather(adst_v, [dv])
                alpha = jnp.where(t >= 0.0, t, 0.2 * t)
                ex = jnp.exp(alpha - gb)
                eid = base + j * _L + iota
                ex = jnp.where(eid < N_EDGES, ex, 0.0)
                exv[pl.ds(j * _L, _L)] = ex
                plsc.addupdate_scatter(den_v, [dv], ex)
                return 0

            lax.fori_loop(0, _ECH // _L, grp, 0)
            pltpu.sync_copy(exv, exT.at[head, 0, pl.ds(base, _ECH)])
        pltpu.sync_copy(den_v, dpart.at[wid, 0])

    return edge_softmax


@functools.lru_cache(maxsize=None)
def _make_agg(NSLICE, D, Cw, NPASS):
    Dh = D // NSLICE
    NWIN = _NW // NSLICE
    NOUT = NWIN * Cw * NPASS
    ECH2 = 2560
    NCH = E_PAD // ECH2
    nq = Dh // _L
    mesh = plsc.VectorSubcoreMesh(core_axis_name="c", subcore_axis_name="s",
                                  num_cores=_NC, num_subcores=_NS)

    @functools.partial(
        pl.kernel,
        out_type=jax.ShapeDtypeStruct((NOUT, D), jnp.float32),
        mesh=mesh,
        compiler_params=pltpu.CompilerParams(needs_layout_passes=False),
        scratch_types=[
            pltpu.VMEM((Cw + 8, Dh), jnp.float32),
            pltpu.VMEM((ECH2,), jnp.int32),
            pltpu.VMEM((ECH2,), jnp.int32),
            pltpu.VMEM((ECH2,), jnp.float32),
            pltpu.VMEM((ECH2 + 2 * _L,), jnp.int32),
            pltpu.VMEM((ECH2 + 2 * _L,), jnp.int32),
            pltpu.VMEM((ECH2 + 2 * _L,), jnp.float32),
            pltpu.VMEM((2 * _L,), jnp.int32),
            pltpu.VMEM((2 * _L, Dh), jnp.float32),
        ],
    )
    def agg_kernel(xw, srcp, dstp, exT, agg, acc, srcv, dstv, exv,
                   cs, cd, cex, idxs, rows):
        c = lax.axis_index("c")
        s = lax.axis_index("s")
        if NSLICE == 1:
            h = 0
            w = c * _NS + s
        else:
            h = s % NSLICE
            w = c * (_NS // NSLICE) + s // NSLICE
        iota = lax.iota(jnp.int32, _L)
        tmask = iota >= 0
        zero16 = jnp.zeros((_L,), jnp.float32)

        def pass_body(p, _):
            lo = (p * NWIN + w) * Cw

            def zero_row(r, _z):
                for q in range(nq):
                    acc[r, pl.ds(q * _L, _L)] = zero16
                return 0

            lax.fori_loop(0, Cw + 8, zero_row, 0)

            def chunk_body(ch, _c):
                ebase = pl.multiple_of(ch * ECH2, 128)
                pltpu.sync_copy(srcp.at[pl.ds(ebase, ECH2)], srcv)
                pltpu.sync_copy(dstp.at[pl.ds(ebase, ECH2)], dstv)
                pltpu.sync_copy(exT.at[h, 0, pl.ds(ebase, ECH2)], exv)

                def scan_grp(j, cnt):
                    sv = srcv[pl.ds(j * _L, _L)]
                    dv = dstv[pl.ds(j * _L, _L)]
                    xv = exv[pl.ds(j * _L, _L)]
                    dloc = dv - lo
                    m = (dloc >= 0) & (dloc < Cw)
                    plsc.store_compressed(cs.at[pl.ds(cnt, _L)], sv, mask=m)
                    plsc.store_compressed(cd.at[pl.ds(cnt, _L)], dloc, mask=m)
                    plsc.store_compressed(cex.at[pl.ds(cnt, _L)], xv, mask=m)
                    pc = plsc.all_reduce_population_count(m)
                    return cnt + pc[0]

                cnt = lax.fori_loop(0, ECH2 // _L, scan_grp, 0)
                for pg in range(2):
                    at = pl.ds(cnt + pg * _L, _L)
                    plsc.store_compressed(cs.at[at],
                                          jnp.zeros((_L,), jnp.int32),
                                          mask=tmask)
                    plsc.store_compressed(cd.at[at],
                                          jnp.full((_L,), Cw, jnp.int32),
                                          mask=tmask)
                    plsc.store_compressed(cex.at[at], zero16, mask=tmask)
                nb = (cnt + 2 * _L - 1) // (2 * _L)

                def drain(b, _d):
                    for g in range(2):
                        bi = b * 2 * _L + g * _L + iota
                        idxs[pl.ds(g * _L, _L)] = plsc.load_gather(cs, [bi])
                    if NSLICE == 1:
                        pltpu.sync_copy(xw.at[idxs], rows)
                    else:
                        pltpu.sync_copy(xw.at[idxs, pl.ds(h * Dh, Dh)], rows)
                    for g in range(2):
                        bi = b * 2 * _L + g * _L + iota
                        dlv = plsc.load_gather(cd, [bi])
                        xvv = plsc.load_gather(cex, [bi])

                        def edge_body(e, _e):
                            em = iota == e
                            dl = jnp.max(jnp.where(em, dlv, 0))
                            bc = jnp.full((_L,),
                                          jnp.max(jnp.where(em, xvv, 0.0)))
                            for q in range(nq):
                                v = rows[e + g * _L, pl.ds(q * _L, _L)] * bc
                                plsc.addupdate(acc.at[dl, pl.ds(q * _L, _L)],
                                               v)
                            return 0

                        lax.fori_loop(0, _L, edge_body, 0)
                    return 0

                lax.fori_loop(0, nb, drain, 0)
                return 0

            lax.fori_loop(0, NCH, chunk_body, 0)
            row0 = pl.multiple_of((p * NWIN + w) * Cw, 8)
            if NSLICE == 1:
                pltpu.sync_copy(acc.at[pl.ds(0, Cw)],
                                agg.at[pl.ds(row0, Cw)])
            else:
                pltpu.sync_copy(acc.at[pl.ds(0, Cw)],
                                agg.at[pl.ds(row0, Cw), pl.ds(h * Dh, Dh)])
            return 0

        lax.fori_loop(0, NPASS, pass_body, 0)

    return agg_kernel


def _edge_phase_jax(a_cat, gvec, src, dst, heads):
    a_src = a_cat[:, :heads]
    a_dst = a_cat[:, 8:8 + heads]
    alpha = a_src[src] + a_dst[dst]
    alpha = jax.nn.leaky_relu(alpha, 0.2)
    ex = jnp.exp(alpha - gvec[None, :heads])
    denom = jax.ops.segment_sum(ex, dst, num_segments=N_NODES)
    return ex, denom


def _agg_jax(ex, xw, src, dst, heads, ch):
    msg = xw.reshape(N_NODES, heads, ch)[src] * ex[:, :, None]
    agg = jax.ops.segment_sum(msg, dst, num_segments=N_NODES)
    return agg.reshape(N_NODES, heads * ch)


def _make_consts():
    e8 = np.repeat(np.eye(HEADS, dtype=np.float32), HID, axis=1)
    k1 = np.tile(np.eye(HEADS, dtype=np.float32), (4, 1))
    ones32 = np.zeros((32, 8), np.float32)
    ones32[:, 0] = 1.0
    e1 = np.zeros((8, HID), np.float32)
    e1[0, :] = 1.0
    return jnp.asarray(e8), jnp.asarray(k1), jnp.asarray(ones32), jnp.asarray(e1)


def kernel(X, edge_index, W1, att_src1, att_dst1, b1, W2, att_src2, att_dst2,
           b2, Wfc, bfc):
    E8, K1, ONES32, E1 = _make_consts()
    src = edge_index[0]
    dst = edge_index[1]

    hh = jnp.arange(HEADS * HID) // HID
    blockdiag = (hh[:, None] == jnp.arange(HEADS)[None, :]).astype(jnp.float32)
    acat = jnp.concatenate(
        [blockdiag * att_src1.reshape(-1)[:, None],
         blockdiag * att_dst1.reshape(-1)[:, None]], axis=1)

    att2cat = jnp.zeros((HID, 16), jnp.float32)
    att2cat = att2cat.at[:, 0].set(att_src2[0]).at[:, 8].set(att_dst2[0])

    srcp = jnp.pad(src, (0, E_PAD - N_EDGES))
    dstp = jnp.pad(dst, (0, E_PAD - N_EDGES))

    xw1, a1cat, gmax1 = _tc1(X, W1, acat)
    g1 = gmax1[0, :HEADS] + gmax1[0, 8:16]
    g1vec = jnp.pad(g1, (0, 8))

    asT1 = jnp.pad(a1cat.T, ((0, 0), (0, N_PAD - N_NODES))).reshape(16, 1, N_PAD)
    exT1, dpart1 = _make_edge_softmax(8)(asT1, srcp, dstp, g1vec)
    agg1 = _make_agg(HEADS, HEADS * HID, 320, 8)(
        xw1, srcp, dstp, exT1)[:N_NODES]
    dp1T = dpart1[:, 0, :N_NODES].T

    xw2, a2cat, gmax2 = _tc2(agg1, dp1T, K1, E8, b1.reshape(1, -1), W2, att2cat)
    g2 = gmax2[0, :1] + gmax2[0, 8:9]
    g2vec = jnp.pad(g2, (0, 15))

    asT2 = jnp.pad(a2cat.T, ((0, 0), (0, N_PAD - N_NODES))).reshape(16, 1, N_PAD)
    exT2, dpart2 = _make_edge_softmax(1)(asT2, srcp, dstp, g2vec)
    agg2 = _make_agg(1, HID, 320, 1)(
        xw2, srcp, dstp, exT2)[:N_NODES]
    dp2T = dpart2[:, 0, :N_NODES].T

    (out,) = _tc3(agg2, dp2T, ONES32, E1, b2.reshape(1, -1), Wfc,
                  bfc.reshape(1, -1))
    return out

# --- scband reference (transcript-rebuilt; emitter-appended) ---
"""Pipeline reference for scband-cite-net-63702954934858 (READ-ONLY COPY).

The authoritative reference and input builder live on the scoring server;
editing this copy changes nothing except your own understanding.
"""

import jax, jax.numpy as jnp
import numpy as np

N_NODES = 10000
N_EDGES = 160000
D_IN = 256
HID = 256
HEADS = 8
D_OUT = 128


def gat_layer(x, edge_index, W, att_src, att_dst, bias, heads, out_ch):
    # Faithful PyG GATConv (eval mode, dropout disabled): edge_index[0]=src, edge_index[1]=dst.
    N = x.shape[0]
    xw = (x @ W).reshape(N, heads, out_ch)
    a_src = (xw * att_src[None]).sum(-1)  # [N, H]
    a_dst = (xw * att_dst[None]).sum(-1)  # [N, H]
    src = edge_index[0]
    dst = edge_index[1]
    alpha = a_src[src] + a_dst[dst]            # [E, H]
    alpha = jax.nn.leaky_relu(alpha, 0.2)
    amax = jax.ops.segment_max(alpha, dst, num_segments=N)
    amax = jnp.where(jnp.isfinite(amax), amax, 0.0)
    ex = jnp.exp(alpha - amax[dst])
    denom = jax.ops.segment_sum(ex, dst, num_segments=N)
    coef = ex / (denom[dst] + 1e-16)           # softmax over incoming edges per dst
    msg = xw[src] * coef[:, :, None]           # [E, H, C]
    out = jax.ops.segment_sum(msg, dst, num_segments=N)
    return out.reshape(N, heads * out_ch) + bias


def setup_inputs(seed: int = 0) -> dict:
    key = jax.random.key(seed)
    ks = jax.random.split(key, 12)
    X = jax.random.normal(ks[0], (N_NODES, D_IN), dtype=jnp.float32)
    edge_index = jax.random.randint(ks[1], (2, N_EDGES), 0, N_NODES, dtype=jnp.int32)
    # gat1: in=256, out=256 per head, heads=8, concat -> 2048
    W1 = jax.random.normal(ks[2], (D_IN, HEADS * HID), dtype=jnp.float32) * (1.0 / np.sqrt(D_IN))
    att_src1 = jax.random.normal(ks[3], (HEADS, HID), dtype=jnp.float32) * 0.1
    att_dst1 = jax.random.normal(ks[4], (HEADS, HID), dtype=jnp.float32) * 0.1
    b1 = jnp.zeros((HEADS * HID,), dtype=jnp.float32)
    # gat2: in=2048, out=256, heads=1
    W2 = jax.random.normal(ks[5], (HEADS * HID, 1 * HID), dtype=jnp.float32) * (1.0 / np.sqrt(HEADS * HID))
    att_src2 = jax.random.normal(ks[6], (1, HID), dtype=jnp.float32) * 0.1
    att_dst2 = jax.random.normal(ks[7], (1, HID), dtype=jnp.float32) * 0.1
    b2 = jnp.zeros((HID,), dtype=jnp.float32)
    # fc: 256 -> 128
    Wfc = jax.random.normal(ks[8], (HID, D_OUT), dtype=jnp.float32) * (1.0 / np.sqrt(HID))
    bfc = jnp.zeros((D_OUT,), dtype=jnp.float32)
    return {"X": X, "edge_index": edge_index, "W1": W1, "att_src1": att_src1, "att_dst1": att_dst1,
            "b1": b1, "W2": W2, "att_src2": att_src2, "att_dst2": att_dst2, "b2": b2,
            "Wfc": Wfc, "bfc": bfc}


def reference(X, edge_index, W1, att_src1, att_dst1, b1, W2, att_src2, att_dst2, b2, Wfc, bfc):
    h = jax.nn.relu(gat_layer(X, edge_index, W1, att_src1, att_dst1, b1, HEADS, HID))
    h = jax.nn.relu(gat_layer(h, edge_index, W2, att_src2, att_dst2, b2, 1, HID))
    return h @ Wfc + bfc

if __name__ == "__main__":
    import jax
    _d = setup_inputs()
    print(jax.jit(kernel)(*tuple(_d.values())))

</pallas_src>

<mosaic_0001>
#map = affine_map<(d0, d1) -> (0, 0, 0)>
#map1 = affine_map<(d0, d1) -> (0)>
module attributes {stable_mosaic.version = 14 : i64} {
  func.func @edge_softmax(%arg0: i32, %arg1: i32, %arg2: memref<16x1x10112xf32, #tpu.memory_space<hbm>>, %arg3: memref<163840xi32, #tpu.memory_space<hbm>>, %arg4: memref<163840xi32, #tpu.memory_space<hbm>>, %arg5: memref<16xf32, #tpu.memory_space<hbm>>, %arg6: memref<1x1x163840xf32, #tpu.memory_space<hbm>>, %arg7: memref<32x1x10112xf32, #tpu.memory_space<hbm>>, %arg8: memref<10112xf32, #tpu.memory_space<vmem>>, %arg9: memref<10112xf32, #tpu.memory_space<vmem>>, %arg10: memref<10112xf32, #tpu.memory_space<vmem>>, %arg11: memref<16xf32, #tpu.memory_space<vmem>>, %arg12: memref<5120xi32, #tpu.memory_space<vmem>>, %arg13: memref<5120xi32, #tpu.memory_space<vmem>>, %arg14: memref<5120xf32, #tpu.memory_space<vmem>>) attributes {dimension_semantics = [#tpu.dimension_semantics<core_parallel>, #tpu.dimension_semantics<subcore_parallel>], iteration_bounds = array<i64: 2, 16>, scalar_prefetch = 0 : i64, scratch_operands = 7 : i64, tpu.core_type = #tpu.core_type<sc_vector_subcore>, window_params = [{transform_indices = #map}, {transform_indices = #map1}, {transform_indices = #map1}, {transform_indices = #map1}, {transform_indices = #map}, {transform_indices = #map}]} {
    %mul3A = arith.constant 2 : i32
    %mul3A_0 = arith.muli %arg1, %mul3A : i32
    %add3A = arith.addi %mul3A_0, %arg0 : i32
    %run_scoped3A = arith.constant 0 : i32
    %run_scoped3A_1 = arith.constant 0 : i32
    "tpu.region"() ({
      %run_scoped3A_31 = tpu.sem_alloc : memref<!tpu.dma_semaphore, #tpu.memory_space<semaphore_mem>>
      %dma_start3A = arith.constant 0 : i32
      %dma_start3A_32 = tpu.memref_slice %arg2[%run_scoped3A, %run_scoped3A_1, %dma_start3A] : memref<16x1x10112xf32, #tpu.memory_space<hbm>> -> memref<1x1x10112xf32, #tpu.memory_space<hbm>>
      %dma_start3A_33 = tpu.memref_squeeze %dma_start3A_32 : memref<1x1x10112xf32, #tpu.memory_space<hbm>> -> memref<10112xf32, #tpu.memory_space<hbm>>
      %dma_start3A_34 = arith.constant 0 : i32
      %dma_start3A_35 = tpu.memref_slice %arg2[%run_scoped3A, %run_scoped3A_1, %dma_start3A_34] : memref<16x1x10112xf32, #tpu.memory_space<hbm>> -> memref<1x1x10112xf32, #tpu.memory_space<hbm>>
      %dma_start3A_36 = tpu.memref_squeeze %dma_start3A_35 : memref<1x1x10112xf32, #tpu.memory_space<hbm>> -> memref<10112xf32, #tpu.memory_space<hbm>>
      tpu.enqueue_dma source(%dma_start3A_36 : memref<10112xf32, #tpu.memory_space<hbm>>) target(%arg8 : memref<10112xf32, #tpu.memory_space<vmem>>) target_semaphore(%run_scoped3A_31 : memref<!tpu.dma_semaphore, #tpu.memory_space<semaphore_mem>>)
      %dma_wait3A = arith.constant 0 : i32
      %dma_wait3A_37 = tpu.memref_slice %arg2[%run_scoped3A, %run_scoped3A_1, %dma_wait3A] : memref<16x1x10112xf32, #tpu.memory_space<hbm>> -> memref<1x1x10112xf32, #tpu.memory_space<hbm>>
      %dma_wait3A_38 = tpu.memref_squeeze %dma_wait3A_37 : memref<1x1x10112xf32, #tpu.memory_space<hbm>> -> memref<10112xf32, #tpu.memory_space<hbm>>
      %dma_wait3A_39 = arith.constant 0 : i32
      %dma_wait3A_40 = tpu.memref_slice %arg2[%run_scoped3A, %run_scoped3A_1, %dma_wait3A_39] : memref<16x1x10112xf32, #tpu.memory_space<hbm>> -> memref<1x1x10112xf32, #tpu.memory_space<hbm>>
      %dma_wait3A_41 = tpu.memref_squeeze %dma_wait3A_40 : memref<1x1x10112xf32, #tpu.memory_space<hbm>> -> memref<10112xf32, #tpu.memory_space<hbm>>
      tpu.wait_dma2 semaphore(%run_scoped3A_31 : memref<!tpu.dma_semaphore, #tpu.memory_space<semaphore_mem>>) src(%dma_wait3A_41 : memref<10112xf32, #tpu.memory_space<hbm>>) dst(%arg8 : memref<10112xf32, #tpu.memory_space<vmem>>)
      tpu.yield
    }) : () -> ()
    %run_scoped3A_2 = arith.constant 8 : i32
    %run_scoped3A_3 = arith.constant 0 : i32
    "tpu.region"() ({
      %run_scoped3A_31 = tpu.sem_alloc : memref<!tpu.dma_semaphore, #tpu.memory_space<semaphore_mem>>
      %dma_start3A = arith.constant 0 : i32
      %dma_start3A_32 = tpu.memref_slice %arg2[%run_scoped3A_2, %run_scoped3A_3, %dma_start3A] : memref<16x1x10112xf32, #tpu.memory_space<hbm>> -> memref<1x1x10112xf32, #tpu.memory_space<hbm>>
      %dma_start3A_33 = tpu.memref_squeeze %dma_start3A_32 : memref<1x1x10112xf32, #tpu.memory_space<hbm>> -> memref<10112xf32, #tpu.memory_space<hbm>>
      %dma_start3A_34 = arith.constant 0 : i32
      %dma_start3A_35 = tpu.memref_slice %arg2[%run_scoped3A_2, %run_scoped3A_3, %dma_start3A_34] : memref<16x1x10112xf32, #tpu.memory_space<hbm>> -> memref<1x1x10112xf32, #tpu.memory_space<hbm>>
      %dma_start3A_36 = tpu.memref_squeeze %dma_start3A_35 : memref<1x1x10112xf32, #tpu.memory_space<hbm>> -> memref<10112xf32, #tpu.memory_space<hbm>>
      tpu.enqueue_dma source(%dma_start3A_36 : memref<10112xf32, #tpu.memory_space<hbm>>) target(%arg9 : memref<10112xf32, #tpu.memory_space<vmem>>) target_semaphore(%run_scoped3A_31 : memref<!tpu.dma_semaphore, #tpu.memory_space<semaphore_mem>>)
      %dma_wait3A = arith.constant 0 : i32
      %dma_wait3A_37 = tpu.memref_slice %arg2[%run_scoped3A_2, %run_scoped3A_3, %dma_wait3A] : memref<16x1x10112xf32, #tpu.memory_space<hbm>> -> memref<1x1x10112xf32, #tpu.memory_space<hbm>>
      %dma_wait3A_38 = tpu.memref_squeeze %dma_wait3A_37 : memref<1x1x10112xf32, #tpu.memory_space<hbm>> -> memref<10112xf32, #tpu.memory_space<hbm>>
      %dma_wait3A_39 = arith.constant 0 : i32
      %dma_wait3A_40 = tpu.memref_slice %arg2[%run_scoped3A_2, %run_scoped3A_3, %dma_wait3A_39] : memref<16x1x10112xf32, #tpu.memory_space<hbm>> -> memref<1x1x10112xf32, #tpu.memory_space<hbm>>
      %dma_wait3A_41 = tpu.memref_squeeze %dma_wait3A_40 : memref<1x1x10112xf32, #tpu.memory_space<hbm>> -> memref<10112xf32, #tpu.memory_space<hbm>>
      tpu.wait_dma2 semaphore(%run_scoped3A_31 : memref<!tpu.dma_semaphore, #tpu.memory_space<semaphore_mem>>) src(%dma_wait3A_41 : memref<10112xf32, #tpu.memory_space<hbm>>) dst(%arg9 : memref<10112xf32, #tpu.memory_space<vmem>>)
      tpu.yield
    }) : () -> ()
    "tpu.region"() ({
      %run_scoped3A_31 = tpu.sem_alloc : memref<!tpu.dma_semaphore, #tpu.memory_space<semaphore_mem>>
      tpu.enqueue_dma source(%arg5 : memref<16xf32, #tpu.memory_space<hbm>>) target(%arg11 : memref<16xf32, #tpu.memory_space<vmem>>) target_semaphore(%run_scoped3A_31 : memref<!tpu.dma_semaphore, #tpu.memory_space<semaphore_mem>>)
      tpu.wait_dma2 semaphore(%run_scoped3A_31 : memref<!tpu.dma_semaphore, #tpu.memory_space<semaphore_mem>>) src(%arg5 : memref<16xf32, #tpu.memory_space<hbm>>) dst(%arg11 : memref<16xf32, #tpu.memory_space<vmem>>)
      tpu.yield
    }) : () -> ()
    %iota3A = tpu.iota {dimensions = array<i32: 0>} : vector<16xi32>
    %get3A = arith.constant 0 : index
    %get3A_4 = tpu.vector_load %arg11[%get3A] {strides = array<i32>} : memref<16xf32, #tpu.memory_space<vmem>>, vector<16xf32>,
    %eq3A = arith.constant 0 : i32
    %eq3A_5 = vector.broadcast %eq3A : i32 to vector<16xi32>
    %eq3A_6 = arith.cmpi eq, %iota3A, %eq3A_5 : vector<16xi32>
    %jit3A = arith.constant -3.400000e+38 : f32
    %broadcast_in_dim3A = vector.broadcast %jit3A : f32 to vector<16xf32>
    %select_n3A = arith.select %eq3A_6, %get3A_4, %broadcast_in_dim3A : vector<16xi1>, vector<16xf32>
    %reduce_max3A = arith.constant true
    %reduce_max3A_7 = vector.broadcast %reduce_max3A : i1 to vector<16xi1>
    %reduce_max3A_8 = tpu.scan <max>, %select_n3A masked %reduce_max3A_7 : vector<16xf32>, vector<16xi1> -> vector<16xf32>
    %reduce_max3A_9 = vector.extract %reduce_max3A_8[15] : f32 from vector<16xf32>
    %broadcast_in_dim3A_10 = vector.broadcast %reduce_max3A_9 : f32 to vector<16xf32>
    %scan3A = arith.constant 0 : i32
    %scan3A_11 = arith.constant 0 : i32
    %scan3A_12 = arith.constant 632 : i32
    %scan3A_13 = arith.addi %scan3A_11, %scan3A_12 : i32
    %scan3A_14 = arith.constant 1 : i32
    %scan3A_15 = scf.for %scan3A_31 = %scan3A_11 to %scan3A_13 step %scan3A_14 iter_args(%scan3A_32 = %scan3A) -> (i32)  : i32 {
      %broadcast_in_dim3A_33 = arith.constant 0.000000e+00 : f32
      %broadcast_in_dim3A_34 = vector.broadcast %broadcast_in_dim3A_33 : f32 to vector<16xf32>
      %mul3A_35 = arith.constant 16 : i32
      %mul3A_36 = arith.muli %scan3A_31, %mul3A_35 : i32
      %swap3A = arith.index_cast %mul3A_36 : i32 to index
      %swap3A_37 = tpu.vector_load %arg10[%swap3A] {strides = array<i32>} : memref<10112xf32, #tpu.memory_space<vmem>>, vector<16xf32>,
      tpu.vector_store %arg10[%swap3A], %broadcast_in_dim3A_34 {strides = array<i32>} : memref<10112xf32, #tpu.memory_space<vmem>>, vector<16xf32>,
      %scan3A_38 = arith.constant 0 : i32
      scf.yield %scan3A_38 : i32
    }
    %scan3A_16 = arith.constant 632 : i32
    %mul3A_17 = arith.constant 5120 : i32
    %mul3A_18 = arith.muli %add3A, %mul3A_17 : i32
    %add3A_19 = arith.constant 0 : i32
    %add3A_20 = arith.addi %mul3A_18, %add3A_19 : i32
    %multiple_of3A = tpu.assume_multiple %add3A_20, 5120 : i32
    "tpu.region"() ({
      %run_scoped3A_31 = tpu.sem_alloc : memref<!tpu.dma_semaphore, #tpu.memory_space<semaphore_mem>>
      %dma_start3A = tpu.memref_slice %arg3[%multiple_of3A] : memref<163840xi32, #tpu.memory_space<hbm>> -> memref<5120xi32, #tpu.memory_space<hbm>>
      %dma_start3A_32 = tpu.memref_slice %arg3[%multiple_of3A] : memref<163840xi32, #tpu.memory_space<hbm>> -> memref<5120xi32, #tpu.memory_space<hbm>>
      tpu.enqueue_dma source(%dma_start3A_32 : memref<5120xi32, #tpu.memory_space<hbm>>) target(%arg12 : memref<5120xi32, #tpu.memory_space<vmem>>) target_semaphore(%run_scoped3A_31 : memref<!tpu.dma_semaphore, #tpu.memory_space<semaphore_mem>>)
      %dma_wait3A = tpu.memref_slice %arg3[%multiple_of3A] : memref<163840xi32, #tpu.memory_space<hbm>> -> memref<5120xi32, #tpu.memory_space<hbm>>
      %dma_wait3A_33 = tpu.memref_slice %arg3[%multiple_of3A] : memref<163840xi32, #tpu.memory_space<hbm>> -> memref<5120xi32, #tpu.memory_space<hbm>>
      tpu.wait_dma2 semaphore(%run_scoped3A_31 : memref<!tpu.dma_semaphore, #tpu.memory_space<semaphore_mem>>) src(%dma_wait3A_33 : memref<5120xi32, #tpu.memory_space<hbm>>) dst(%arg12 : memref<5120xi32, #tpu.memory_space<vmem>>)
      tpu.yield
    }) : () -> ()
    "tpu.region"() ({
      %run_scoped3A_31 = tpu.sem_alloc : memref<!tpu.dma_semaphore, #tpu.memory_space<semaphore_mem>>
      %dma_start3A = tpu.memref_slice %arg4[%multiple_of3A] : memref<163840xi32, #tpu.memory_space<hbm>> -> memref<5120xi32, #tpu.memory_space<hbm>>
      %dma_start3A_32 = tpu.memref_slice %arg4[%multiple_of3A] : memref<163840xi32, #tpu.memory_space<hbm>> -> memref<5120xi32, #tpu.memory_space<hbm>>
      tpu.enqueue_dma source(%dma_start3A_32 : memref<5120xi32, #tpu.memory_space<hbm>>) target(%arg13 : memref<5120xi32, #tpu.memory_space<vmem>>) target_semaphore(%run_scoped3A_31 : memref<!tpu.dma_semaphore, #tpu.memory_space<semaphore_mem>>)
      %dma_wait3A = tpu.memref_slice %arg4[%multiple_of3A] : memref<163840xi32, #tpu.memory_space<hbm>> -> memref<5120xi32, #tpu.memory_space<hbm>>
      %dma_wait3A_33 = tpu.memref_slice %arg4[%multiple_of3A] : memref<163840xi32, #tpu.memory_space<hbm>> -> memref<5120xi32, #tpu.memory_space<hbm>>
      tpu.wait_dma2 semaphore(%run_scoped3A_31 : memref<!tpu.dma_semaphore, #tpu.memory_space<semaphore_mem>>) src(%dma_wait3A_33 : memref<5120xi32, #tpu.memory_space<hbm>>) dst(%arg13 : memref<5120xi32, #tpu.memory_space<vmem>>)
      tpu.yield
    }) : () -> ()
    %scan3A_21 = arith.constant 0 : i32
    %scan3A_22 = arith.constant 0 : i32
    %scan3A_23 = arith.constant 320 : i32
    %scan3A_24 = arith.addi %scan3A_22, %scan3A_23 : i32
    %scan3A_25 = arith.constant 1 : i32
    %scan3A_26 = scf.for %scan3A_31 = %scan3A_22 to %scan3A_24 step %scan3A_25 iter_args(%scan3A_32 = %scan3A_21) -> (i32)  : i32 {
      %mul3A_33 = arith.constant 16 : i32
      %mul3A_34 = arith.muli %scan3A_31, %mul3A_33 : i32
      %get3A_35 = arith.index_cast %mul3A_34 : i32 to index
      %get3A_36 = tpu.vector_load %arg12[%get3A_35] {strides = array<i32>} : memref<5120xi32, #tpu.memory_space<vmem>>, vector<16xi32>,
      %mul3A_37 = arith.constant 16 : i32
      %mul3A_38 = arith.muli %scan3A_31, %mul3A_37 : i32
      %get3A_39 = arith.index_cast %mul3A_38 : i32 to index
      %get3A_40 = tpu.vector_load %arg13[%get3A_39] {strides = array<i32>} : memref<5120xi32, #tpu.memory_space<vmem>>, vector<16xi32>,
      %gather3A = tpu.vector_load_idx %arg8[%get3A_36] : memref<10112xf32, #tpu.memory_space<vmem>>[vector<16xi32>], vector<16xf32>,
      %gather3A_41 = tpu.vector_load_idx %arg9[%get3A_40] : memref<10112xf32, #tpu.memory_space<vmem>>[vector<16xi32>], vector<16xf32>,
      %add3A_42 = arith.addf %gather3A, %gather3A_41 : vector<16xf32>
      %ge3A = arith.constant 0.000000e+00 : f32
      %ge3A_43 = vector.broadcast %ge3A : f32 to vector<16xf32>
      %ge3A_44 = arith.cmpf oge, %add3A_42, %ge3A_43 : vector<16xf32>
      %mul3A_45 = arith.constant 2.000000e-01 : f32
      %mul3A_46 = vector.broadcast %mul3A_45 : f32 to vector<16xf32>
      %mul3A_47 = arith.mulf %mul3A_46, %add3A_42 : vector<16xf32>
      %select_n3A_48 = arith.select %ge3A_44, %add3A_42, %mul3A_47 : vector<16xi1>, vector<16xf32>
      %sub3A = arith.subf %select_n3A_48, %broadcast_in_dim3A_10 : vector<16xf32>
      %exp3A = math.exp %sub3A : vector<16xf32>
      %mul3A_49 = arith.constant 16 : i32
      %mul3A_50 = arith.muli %scan3A_31, %mul3A_49 : i32
      %add3A_51 = arith.addi %multiple_of3A, %mul3A_50 : i32
      %add3A_52 = vector.broadcast %add3A_51 : i32 to vector<16xi32>
      %add3A_53 = arith.addi %add3A_52, %iota3A : vector<16xi32>
      %lt3A = arith.constant 160000 : i32
      %lt3A_54 = vector.broadcast %lt3A : i32 to vector<16xi32>
      %lt3A_55 = arith.cmpi slt, %add3A_53, %lt3A_54 : vector<16xi32>
      %jit3A_56 = arith.constant 0.000000e+00 : f32
      %broadcast_in_dim3A_57 = vector.broadcast %jit3A_56 : f32 to vector<16xf32>
      %select_n3A_58 = arith.select %lt3A_55, %exp3A, %broadcast_in_dim3A_57 : vector<16xi1>, vector<16xf32>
      %mul3A_59 = arith.constant 16 : i32
      %mul3A_60 = arith.muli %scan3A_31, %mul3A_59 : i32
      %swap3A = arith.index_cast %mul3A_60 : i32 to index
      %swap3A_61 = tpu.vector_load %arg14[%swap3A] {strides = array<i32>} : memref<5120xf32, #tpu.memory_space<vmem>>, vector<16xf32>,
      tpu.vector_store %arg14[%swap3A], %select_n3A_58 {strides = array<i32>} : memref<5120xf32, #tpu.memory_space<vmem>>, vector<16xf32>,
      tpu.vector_store_idx %arg10[%get3A_40], %select_n3A_58 {add = true} : memref<10112xf32, #tpu.memory_space<vmem>>[vector<16xi32>], vector<16xf32>,
      %scan3A_62 = arith.constant 0 : i32
      scf.yield %scan3A_62 : i32
    }
    %scan3A_27 = arith.constant 320 : i32
    %run_scoped3A_28 = arith.constant 0 : i32
    %run_scoped3A_29 = arith.constant 0 : i32
    "tpu.region"() ({
      %run_scoped3A_31 = tpu.sem_alloc : memref<!tpu.dma_semaphore, #tpu.memory_space<semaphore_mem>>
      %dma_start3A = tpu.memref_slice %arg6[%run_scoped3A_28, %run_scoped3A_29, %multiple_of3A] : memref<1x1x163840xf32, #tpu.memory_space<hbm>> -> memref<1x1x5120xf32, #tpu.memory_space<hbm>>
      %dma_start3A_32 = tpu.memref_squeeze %dma_start3A : memref<1x1x5120xf32, #tpu.memory_space<hbm>> -> memref<5120xf32, #tpu.memory_space<hbm>>
      %dma_start3A_33 = tpu.memref_slice %arg6[%run_scoped3A_28, %run_scoped3A_29, %multiple_of3A] : memref<1x1x163840xf32, #tpu.memory_space<hbm>> -> memref<1x1x5120xf32, #tpu.memory_space<hbm>>
      %dma_start3A_34 = tpu.memref_squeeze %dma_start3A_33 : memref<1x1x5120xf32, #tpu.memory_space<hbm>> -> memref<5120xf32, #tpu.memory_space<hbm>>
      tpu.enqueue_dma source(%arg14 : memref<5120xf32, #tpu.memory_space<vmem>>) target(%dma_start3A_34 : memref<5120xf32, #tpu.memory_space<hbm>>) target_semaphore(%run_scoped3A_31 : memref<!tpu.dma_semaphore, #tpu.memory_space<semaphore_mem>>)
      %dma_wait3A = tpu.memref_slice %arg6[%run_scoped3A_28, %run_scoped3A_29, %multiple_of3A] : memref<1x1x163840xf32, #tpu.memory_space<hbm>> -> memref<1x1x5120xf32, #tpu.memory_space<hbm>>
      %dma_wait3A_35 = tpu.memref_squeeze %dma_wait3A : memref<1x1x5120xf32, #tpu.memory_space<hbm>> -> memref<5120xf32, #tpu.memory_space<hbm>>
      %dma_wait3A_36 = tpu.memref_slice %arg6[%run_scoped3A_28, %run_scoped3A_29, %multiple_of3A] : memref<1x1x163840xf32, #tpu.memory_space<hbm>> -> memref<1x1x5120xf32, #tpu.memory_space<hbm>>
      %dma_wait3A_37 = tpu.memref_squeeze %dma_wait3A_36 : memref<1x1x5120xf32, #tpu.memory_space<hbm>> -> memref<5120xf32, #tpu.memory_space<hbm>>
      tpu.wait_dma2 semaphore(%run_scoped3A_31 : memref<!tpu.dma_semaphore, #tpu.memory_space<semaphore_mem>>) src(%arg14 : memref<5120xf32, #tpu.memory_space<vmem>>) dst(%dma_wait3A_37 : memref<5120xf32, #tpu.memory_space<hbm>>)
      tpu.yield
    }) : () -> ()
    %run_scoped3A_30 = arith.constant 0 : i32
    "tpu.region"() ({
      %run_scoped3A_31 = tpu.sem_alloc : memref<!tpu.dma_semaphore, #tpu.memory_space<semaphore_mem>>
      %dma_start3A = arith.constant 0 : i32
      %dma_start3A_32 = tpu.memref_slice %arg7[%add3A, %run_scoped3A_30, %dma_start3A] : memref<32x1x10112xf32, #tpu.memory_space<hbm>> -> memref<1x1x10112xf32, #tpu.memory_space<hbm>>
      %dma_start3A_33 = tpu.memref_squeeze %dma_start3A_32 : memref<1x1x10112xf32, #tpu.memory_space<hbm>> -> memref<10112xf32, #tpu.memory_space<hbm>>
      %dma_start3A_34 = arith.constant 0 : i32
      %dma_start3A_35 = tpu.memref_slice %arg7[%add3A, %run_scoped3A_30, %dma_start3A_34] : memref<32x1x10112xf32, #tpu.memory_space<hbm>> -> memref<1x1x10112xf32, #tpu.memory_space<hbm>>
      %dma_start3A_36 = tpu.memref_squeeze %dma_start3A_35 : memref<1x1x10112xf32, #tpu.memory_space<hbm>> -> memref<10112xf32, #tpu.memory_space<hbm>>
      tpu.enqueue_dma source(%arg10 : memref<10112xf32, #tpu.memory_space<vmem>>) target(%dma_start3A_36 : memref<10112xf32, #tpu.memory_space<hbm>>) target_semaphore(%run_scoped3A_31 : memref<!tpu.dma_semaphore, #tpu.memory_space<semaphore_mem>>)
      %dma_wait3A = arith.constant 0 : i32
      %dma_wait3A_37 = tpu.memref_slice %arg7[%add3A, %run_scoped3A_30, %dma_wait3A] : memref<32x1x10112xf32, #tpu.memory_space<hbm>> -> memref<1x1x10112xf32, #tpu.memory_space<hbm>>
      %dma_wait3A_38 = tpu.memref_squeeze %dma_wait3A_37 : memref<1x1x10112xf32, #tpu.memory_space<hbm>> -> memref<10112xf32, #tpu.memory_space<hbm>>
      %dma_wait3A_39 = arith.constant 0 : i32
      %dma_wait3A_40 = tpu.memref_slice %arg7[%add3A, %run_scoped3A_30, %dma_wait3A_39] : memref<32x1x10112xf32, #tpu.memory_space<hbm>> -> memref<1x1x10112xf32, #tpu.memory_space<hbm>>
      %dma_wait3A_41 = tpu.memref_squeeze %dma_wait3A_40 : memref<1x1x10112xf32, #tpu.memory_space<hbm>> -> memref<10112xf32, #tpu.memory_space<hbm>>
      tpu.wait_dma2 semaphore(%run_scoped3A_31 : memref<!tpu.dma_semaphore, #tpu.memory_space<semaphore_mem>>) src(%arg10 : memref<10112xf32, #tpu.memory_space<vmem>>) dst(%dma_wait3A_41 : memref<10112xf32, #tpu.memory_space<hbm>>)
      tpu.yield
    }) : () -> ()
    return
  }
}

#map = affine_map<(d0, d1) -> (0, 0)>
#map1 = affine_map<(d0, d1) -> (0)>
#map2 = affine_map<(d0, d1) -> (0, 0, 0)>
module attributes {stable_mosaic.version = 14 : i64} {
  func.func @agg_kernel(%arg0: i32, %arg1: i32, %arg2: memref<10000x2048xf32, #tpu.memory_space<hbm>>, %arg3: memref<163840xi32, #tpu.memory_space<hbm>>, %arg4: memref<163840xi32, #tpu.memory_space<hbm>>, %arg5: memref<8x1x163840xf32, #tpu.memory_space<hbm>>, %arg6: memref<10240x2048xf32, #tpu.memory_space<hbm>>, %arg7: memref<328x256xf32, #tpu.memory_space<vmem>>, %arg8: memref<2560xi32, #tpu.memory_space<vmem>>, %arg9: memref<2560xi32, #tpu.memory_space<vmem>>, %arg10: memref<2560xf32, #tpu.memory_space<vmem>>, %arg11: memref<2592xi32, #tpu.memory_space<vmem>>, %arg12: memref<2592xi32, #tpu.memory_space<vmem>>, %arg13: memref<2592xf32, #tpu.memory_space<vmem>>, %arg14: memref<32xi32, #tpu.memory_space<vmem>>, %arg15: memref<32x256xf32, #tpu.memory_space<vmem>>) attributes {dimension_semantics = [#tpu.dimension_semantics<core_parallel>, #tpu.dimension_semantics<subcore_parallel>], iteration_bounds = array<i64: 2, 16>, scalar_prefetch = 0 : i64, scratch_operands = 9 : i64, tpu.core_type = #tpu.core_type<sc_vector_subcore>, window_params = [{transform_indices = #map}, {transform_indices = #map1}, {transform_indices = #map1}, {transform_indices = #map2}, {transform_indices = #map}]} {
    %jit3A = arith.constant 8 : i32
    %eq3A = arith.constant 0 : i32
    %eq3A_0 = arith.cmpi eq, %jit3A, %eq3A : i32
    %jit3A_1 = arith.constant 1 : i32
    %select_n3A = arith.select %eq3A_0, %jit3A_1, %jit3A : i32
    %rem3A = arith.remsi %arg1, %select_n3A : i32
    %ne3A = arith.constant 0 : i32
    %ne3A_2 = arith.cmpi ne, %rem3A, %ne3A : i32
    %lt3A = arith.constant 0 : i32
    %lt3A_3 = arith.cmpi slt, %rem3A, %lt3A : i32
    %lt3A_4 = arith.constant 0 : i32
    %lt3A_5 = arith.cmpi slt, %select_n3A, %lt3A_4 : i32
    %ne3A_6 = arith.xori %lt3A_3, %lt3A_5 : i1
    %and3A = arith.andi %ne3A_6, %ne3A_2 : i1
    %add3A = arith.addi %rem3A, %select_n3A : i32
    %select_n3A_7 = arith.select %and3A, %add3A, %rem3A : i32
    %mul3A = arith.constant 2 : i32
    %mul3A_8 = arith.muli %arg0, %mul3A : i32
    %jit3A_9 = arith.constant 8 : i32
    %div3A = arith.divsi %arg1, %jit3A_9 : i32
    %sign3A = arith.constant 0 : i32
    %sign3A_10 = arith.cmpi sgt, %arg1, %sign3A : i32
    %sign3A_11 = arith.extui %sign3A_10 : i1 to i32
    %sign3A_12 = arith.constant 0 : i32
    %sign3A_13 = arith.cmpi slt, %arg1, %sign3A_12 : i32
    %sign3A_14 = arith.extui %sign3A_13 : i1 to i32
    %sign3A_15 = arith.subi %sign3A_11, %sign3A_14 : i32
    %sign3A_16 = arith.constant 0 : i32
    %sign3A_17 = arith.cmpi sgt, %jit3A_9, %sign3A_16 : i32
    %sign3A_18 = arith.extui %sign3A_17 : i1 to i32
    %sign3A_19 = arith.constant 0 : i32
    %sign3A_20 = arith.cmpi slt, %jit3A_9, %sign3A_19 : i32
    %sign3A_21 = arith.extui %sign3A_20 : i1 to i32
    %sign3A_22 = arith.subi %sign3A_18, %sign3A_21 : i32
    %ne3A_23 = arith.cmpi ne, %sign3A_15, %sign3A_22 : i32
    %rem3A_24 = arith.remsi %arg1, %jit3A_9 : i32
    %ne3A_25 = arith.constant 0 : i32
    %ne3A_26 = arith.cmpi ne, %rem3A_24, %ne3A_25 : i32
    %and3A_27 = arith.andi %ne3A_23, %ne3A_26 : i1
    %sub3A = arith.constant 1 : i32
    %sub3A_28 = arith.subi %div3A, %sub3A : i32
    %select_n3A_29 = arith.select %and3A_27, %sub3A_28, %div3A : i32
    %add3A_30 = arith.addi %mul3A_8, %select_n3A_29 : i32
    %iota3A = tpu.iota {dimensions = array<i32: 0>} : vector<16xi32>
    %ge3A = arith.constant 0 : i32
    %ge3A_31 = vector.broadcast %ge3A : i32 to vector<16xi32>
    %ge3A_32 = arith.cmpi sge, %iota3A, %ge3A_31 : vector<16xi32>
    %broadcast_in_dim3A = arith.constant 0.000000e+00 : f32
    %broadcast_in_dim3A_33 = vector.broadcast %broadcast_in_dim3A : f32 to vector<16xf32>
    %scan3A = arith.constant 0 : i32
    %scan3A_34 = arith.constant 0 : i32
    %scan3A_35 = arith.constant 8 : i32
    %scan3A_36 = arith.addi %scan3A_34, %scan3A_35 : i32
    %scan3A_37 = arith.constant 1 : i32
    %scan3A_38 = scf.for %scan3A_40 = %scan3A_34 to %scan3A_36 step %scan3A_37 iter_args(%scan3A_41 = %scan3A) -> (i32)  : i32 {
      %mul3A_42 = arith.constant 4 : i32
      %mul3A_43 = arith.muli %scan3A_40, %mul3A_42 : i32
      %add3A_44 = arith.addi %mul3A_43, %add3A_30 : i32
      %mul3A_45 = arith.constant 320 : i32
      %mul3A_46 = arith.muli %add3A_44, %mul3A_45 : i32
      %scan3A_47 = arith.constant 0 : i32
      %scan3A_48 = arith.constant 0 : i32
      %scan3A_49 = arith.constant 328 : i32
      %scan3A_50 = arith.addi %scan3A_48, %scan3A_49 : i32
      %scan3A_51 = arith.constant 1 : i32
      %scan3A_52 = scf.for %scan3A_69 = %scan3A_48 to %scan3A_50 step %scan3A_51 iter_args(%scan3A_70 = %scan3A_47) -> (i32)  : i32 {
        %swap3A = arith.index_cast %scan3A_69 : i32 to index
        %swap3A_71 = arith.constant 0 : index
        %swap3A_72 = tpu.vector_load %arg7[%swap3A, %swap3A_71] {strides = array<i32>} : memref<328x256xf32, #tpu.memory_space<vmem>>, vector<16xf32>,
        tpu.vector_store %arg7[%swap3A, %swap3A_71], %broadcast_in_dim3A_33 {strides = array<i32>} : memref<328x256xf32, #tpu.memory_space<vmem>>, vector<16xf32>,
        %swap3A_73 = arith.index_cast %scan3A_69 : i32 to index
        %swap3A_74 = arith.constant 16 : index
        %swap3A_75 = tpu.vector_load %arg7[%swap3A_73, %swap3A_74] {strides = array<i32>} : memref<328x256xf32, #tpu.memory_space<vmem>>, vector<16xf32>,
        tpu.vector_store %arg7[%swap3A_73, %swap3A_74], %broadcast_in_dim3A_33 {strides = array<i32>} : memref<328x256xf32, #tpu.memory_space<vmem>>, vector<16xf32>,
        %swap3A_76 = arith.index_cast %scan3A_69 : i32 to index
        %swap3A_77 = arith.constant 32 : index
        %swap3A_78 = tpu.vector_load %arg7[%swap3A_76, %swap3A_77] {strides = array<i32>} : memref<328x256xf32, #tpu.memory_space<vmem>>, vector<16xf32>,
        tpu.vector_store %arg7[%swap3A_76, %swap3A_77], %broadcast_in_dim3A_33 {strides = array<i32>} : memref<328x256xf32, #tpu.memory_space<vmem>>, vector<16xf32>,
        %swap3A_79 = arith.index_cast %scan3A_69 : i32 to index
        %swap3A_80 = arith.constant 48 : index
        %swap3A_81 = tpu.vector_load %arg7[%swap3A_79, %swap3A_80] {strides = array<i32>} : memref<328x256xf32, #tpu.memory_space<vmem>>, vector<16xf32>,
        tpu.vector_store %arg7[%swap3A_79, %swap3A_80], %broadcast_in_dim3A_33 {strides = array<i32>} : memref<328x256xf32, #tpu.memory_space<vmem>>, vector<16xf32>,
        %swap3A_82 = arith.index_cast %scan3A_69 : i32 to index
        %swap3A_83 = arith.constant 64 : index
        %swap3A_84 = tpu.vector_load %arg7[%swap3A_82, %swap3A_83] {strides = array<i32>} : memref<328x256xf32, #tpu.memory_space<vmem>>, vector<16xf32>,
        tpu.vector_store %arg7[%swap3A_82, %swap3A_83], %broadcast_in_dim3A_33 {strides = array<i32>} : memref<328x256xf32, #tpu.memory_space<vmem>>, vector<16xf32>,
        %swap3A_85 = arith.index_cast %scan3A_69 : i32 to index
        %swap3A_86 = arith.constant 80 : index
        %swap3A_87 = tpu.vector_load %arg7[%swap3A_85, %swap3A_86] {strides = array<i32>} : memref<328x256xf32, #tpu.memory_space<vmem>>, vector<16xf32>,
        tpu.vector_store %arg7[%swap3A_85, %swap3A_86], %broadcast_in_dim3A_33 {strides = array<i32>} : memref<328x256xf32, #tpu.memory_space<vmem>>, vector<16xf32>,
        %swap3A_88 = arith.index_cast %scan3A_69 : i32 to index
        %swap3A_89 = arith.constant 96 : index
        %swap3A_90 = tpu.vector_load %arg7[%swap3A_88, %swap3A_89] {strides = array<i32>} : memref<328x256xf32, #tpu.memory_space<vmem>>, vector<16xf32>,
        tpu.vector_store %arg7[%swap3A_88, %swap3A_89], %broadcast_in_dim3A_33 {strides = array<i32>} : memref<328x256xf32, #tpu.memory_space<vmem>>, vector<16xf32>,
        %swap3A_91 = arith.index_cast %scan3A_69 : i32 to index
        %swap3A_92 = arith.constant 112 : index
        %swap3A_93 = tpu.vector_load %arg7[%swap3A_91, %swap3A_92] {strides = array<i32>} : memref<328x256xf32, #tpu.memory_space<vmem>>, vector<16xf32>,
        tpu.vector_store %arg7[%swap3A_91, %swap3A_92], %broadcast_in_dim3A_33 {strides = array<i32>} : memref<328x256xf32, #tpu.memory_space<vmem>>, vector<16xf32>,
        %swap3A_94 = arith.index_cast %scan3A_69 : i32 to index
        %swap3A_95 = arith.constant 128 : index
        %swap3A_96 = tpu.vector_load %arg7[%swap3A_94, %swap3A_95] {strides = array<i32>} : memref<328x256xf32, #tpu.memory_space<vmem>>, vector<16xf32>,
        tpu.vector_store %arg7[%swap3A_94, %swap3A_95], %broadcast_in_dim3A_33 {strides = array<i32>} : memref<328x256xf32, #tpu.memory_space<vmem>>, vector<16xf32>,
        %swap3A_97 = arith.index_cast %scan3A_69 : i32 to index
        %swap3A_98 = arith.constant 144 : index
        %swap3A_99 = tpu.vector_load %arg7[%swap3A_97, %swap3A_98] {strides = array<i32>} : memref<328x256xf32, #tpu.memory_space<vmem>>, vector<16xf32>,
        tpu.vector_store %arg7[%swap3A_97, %swap3A_98], %broadcast_in_dim3A_33 {strides = array<i32>} : memref<328x256xf32, #tpu.memory_space<vmem>>, vector<16xf32>,
        %swap3A_100 = arith.index_cast %scan3A_69 : i32 to index
        %swap3A_101 = arith.constant 160 : index
        %swap3A_102 = tpu.vector_load %arg7[%swap3A_100, %swap3A_101] {strides = array<i32>} : memref<328x256xf32, #tpu.memory_space<vmem>>, vector<16xf32>,
        tpu.vector_store %arg7[%swap3A_100, %swap3A_101], %broadcast_in_dim3A_33 {strides = array<i32>} : memref<328x256xf32, #tpu.memory_space<vmem>>, vector<16xf32>,
        %swap3A_103 = arith.index_cast %scan3A_69 : i32 to index
        %swap3A_104 = arith.constant 176 : index
        %swap3A_105 = tpu.vector_load %arg7[%swap3A_103, %swap3A_104] {strides = array<i32>} : memref<328x256xf32, #tpu.memory_space<vmem>>, vector<16xf32>,
        tpu.vector_store %arg7[%swap3A_103, %swap3A_104], %broadcast_in_dim3A_33 {strides = array<i32>} : memref<328x256xf32, #tpu.memory_space<vmem>>, vector<16xf32>,
        %swap3A_106 = arith.index_cast %scan3A_69 : i32 to index
        %swap3A_107 = arith.constant 192 : index
        %swap3A_108 = tpu.vector_load %arg7[%swap3A_106, %swap3A_107] {strides = array<i32>} : memref<328x256xf32, #tpu.memory_space<vmem>>, vector<16xf32>,
        tpu.vector_store %arg7[%swap3A_106, %swap3A_107], %broadcast_in_dim3A_33 {strides = array<i32>} : memref<328x256xf32, #tpu.memory_space<vmem>>, vector<16xf32>,
        %swap3A_109 = arith.index_cast %scan3A_69 : i32 to index
        %swap3A_110 = arith.constant 208 : index
        %swap3A_111 = tpu.vector_load %arg7[%swap3A_109, %swap3A_110] {strides = array<i32>} : memref<328x256xf32, #tpu.memory_space<vmem>>, vector<16xf32>,
        tpu.vector_store %arg7[%swap3A_109, %swap3A_110], %broadcast_in_dim3A_33 {strides = array<i32>} : memref<328x256xf32, #tpu.memory_space<vmem>>, vector<16xf32>,
        %swap3A_112 = arith.index_cast %scan3A_69 : i32 to index
        %swap3A_113 = arith.constant 224 : index
        %swap3A_114 = tpu.vector_load %arg7[%swap3A_112, %swap3A_113] {strides = array<i32>} : memref<328x256xf32, #tpu.memory_space<vmem>>, vector<16xf32>,
        tpu.vector_store %arg7[%swap3A_112, %swap3A_113], %broadcast_in_dim3A_33 {strides = array<i32>} : memref<328x256xf32, #tpu.memory_space<vmem>>, vector<16xf32>,
        %swap3A_115 = arith.index_cast %scan3A_69 : i32 to index
        %swap3A_116 = arith.constant 240 : index
        %swap3A_117 = tpu.vector_load %arg7[%swap3A_115, %swap3A_116] {strides = array<i32>} : memref<328x256xf32, #tpu.memory_space<vmem>>, vector<16xf32>,
        tpu.vector_store %arg7[%swap3A_115, %swap3A_116], %broadcast_in_dim3A_33 {strides = array<i32>} : memref<328x256xf32, #tpu.memory_space<vmem>>, vector<16xf32>,
        %scan3A_118 = arith.constant 0 : i32
        scf.yield %scan3A_118 : i32
      }
      %scan3A_53 = arith.constant 328 : i32
      %scan3A_54 = arith.constant 0 : i32
      %scan3A_55 = arith.constant 0 : i32
      %scan3A_56 = arith.constant 64 : i32
      %scan3A_57 = arith.addi %scan3A_55, %scan3A_56 : i32
      %scan3A_58 = arith.constant 1 : i32
      %scan3A_59 = scf.for %scan3A_69 = %scan3A_55 to %scan3A_57 step %scan3A_58 iter_args(%scan3A_70 = %scan3A_54) -> (i32)  : i32 {
        %mul3A_71 = arith.constant 2560 : i32
        %mul3A_72 = arith.muli %scan3A_69, %mul3A_71 : i32
        %multiple_of3A_73 = tpu.assume_multiple %mul3A_72, 128 : i32
        "tpu.region"() ({
          %run_scoped3A_144 = tpu.sem_alloc : memref<!tpu.dma_semaphore, #tpu.memory_space<semaphore_mem>>
          %dma_start3A = tpu.memref_slice %arg3[%multiple_of3A_73] : memref<163840xi32, #tpu.memory_space<hbm>> -> memref<2560xi32, #tpu.memory_space<hbm>>
          %dma_start3A_145 = tpu.memref_slice %arg3[%multiple_of3A_73] : memref<163840xi32, #tpu.memory_space<hbm>> -> memref<2560xi32, #tpu.memory_space<hbm>>
          tpu.enqueue_dma source(%dma_start3A_145 : memref<2560xi32, #tpu.memory_space<hbm>>) target(%arg8 : memref<2560xi32, #tpu.memory_space<vmem>>) target_semaphore(%run_scoped3A_144 : memref<!tpu.dma_semaphore, #tpu.memory_space<semaphore_mem>>)
          %dma_wait3A = tpu.memref_slice %arg3[%multiple_of3A_73] : memref<163840xi32, #tpu.memory_space<hbm>> -> memref<2560xi32, #tpu.memory_space<hbm>>
          %dma_wait3A_146 = tpu.memref_slice %arg3[%multiple_of3A_73] : memref<163840xi32, #tpu.memory_space<hbm>> -> memref<2560xi32, #tpu.memory_space<hbm>>
          tpu.wait_dma2 semaphore(%run_scoped3A_144 : memref<!tpu.dma_semaphore, #tpu.memory_space<semaphore_mem>>) src(%dma_wait3A_146 : memref<2560xi32, #tpu.memory_space<hbm>>) dst(%arg8 : memref<2560xi32, #tpu.memory_space<vmem>>)
          tpu.yield
        }) : () -> ()
        "tpu.region"() ({
          %run_scoped3A_144 = tpu.sem_alloc : memref<!tpu.dma_semaphore, #tpu.memory_space<semaphore_mem>>
          %dma_start3A = tpu.memref_slice %arg4[%multiple_of3A_73] : memref<163840xi32, #tpu.memory_space<hbm>> -> memref<2560xi32, #tpu.memory_space<hbm>>
          %dma_start3A_145 = tpu.memref_slice %arg4[%multiple_of3A_73] : memref<163840xi32, #tpu.memory_space<hbm>> -> memref<2560xi32, #tpu.memory_space<hbm>>
          tpu.enqueue_dma source(%dma_start3A_145 : memref<2560xi32, #tpu.memory_space<hbm>>) target(%arg9 : memref<2560xi32, #tpu.memory_space<vmem>>) target_semaphore(%run_scoped3A_144 : memref<!tpu.dma_semaphore, #tpu.memory_space<semaphore_mem>>)
          %dma_wait3A = tpu.memref_slice %arg4[%multiple_of3A_73] : memref<163840xi32, #tpu.memory_space<hbm>> -> memref<2560xi32, #tpu.memory_space<hbm>>
          %dma_wait3A_146 = tpu.memref_slice %arg4[%multiple_of3A_73] : memref<163840xi32, #tpu.memory_space<hbm>> -> memref<2560xi32, #tpu.memory_space<hbm>>
          tpu.wait_dma2 semaphore(%run_scoped3A_144 : memref<!tpu.dma_semaphore, #tpu.memory_space<semaphore_mem>>) src(%dma_wait3A_146 : memref<2560xi32, #tpu.memory_space<hbm>>) dst(%arg9 : memref<2560xi32, #tpu.memory_space<vmem>>)
          tpu.yield
        }) : () -> ()
        %run_scoped3A = arith.constant 0 : i32
        "tpu.region"() ({
          %run_scoped3A_144 = tpu.sem_alloc : memref<!tpu.dma_semaphore, #tpu.memory_space<semaphore_mem>>
          %dma_start3A = tpu.memref_slice %arg5[%select_n3A_7, %run_scoped3A, %multiple_of3A_73] : memref<8x1x163840xf32, #tpu.memory_space<hbm>> -> memref<1x1x2560xf32, #tpu.memory_space<hbm>>
          %dma_start3A_145 = tpu.memref_squeeze %dma_start3A : memref<1x1x2560xf32, #tpu.memory_space<hbm>> -> memref<2560xf32, #tpu.memory_space<hbm>>
          %dma_start3A_146 = tpu.memref_slice %arg5[%select_n3A_7, %run_scoped3A, %multiple_of3A_73] : memref<8x1x163840xf32, #tpu.memory_space<hbm>> -> memref<1x1x2560xf32, #tpu.memory_space<hbm>>
          %dma_start3A_147 = tpu.memref_squeeze %dma_start3A_146 : memref<1x1x2560xf32, #tpu.memory_space<hbm>> -> memref<2560xf32, #tpu.memory_space<hbm>>
          tpu.enqueue_dma source(%dma_start3A_147 : memref<2560xf32, #tpu.memory_space<hbm>>) target(%arg10 : memref<2560xf32, #tpu.memory_space<vmem>>) target_semaphore(%run_scoped3A_144 : memref<!tpu.dma_semaphore, #tpu.memory_space<semaphore_mem>>)
          %dma_wait3A = tpu.memref_slice %arg5[%select_n3A_7, %run_scoped3A, %multiple_of3A_73] : memref<8x1x163840xf32, #tpu.memory_space<hbm>> -> memref<1x1x2560xf32, #tpu.memory_space<hbm>>
          %dma_wait3A_148 = tpu.memref_squeeze %dma_wait3A : memref<1x1x2560xf32, #tpu.memory_space<hbm>> -> memref<2560xf32, #tpu.memory_space<hbm>>
          %dma_wait3A_149 = tpu.memref_slice %arg5[%select_n3A_7, %run_scoped3A, %multiple_of3A_73] : memref<8x1x163840xf32, #tpu.memory_space<hbm>> -> memref<1x1x2560xf32, #tpu.memory_space<hbm>>
          %dma_wait3A_150 = tpu.memref_squeeze %dma_wait3A_149 : memref<1x1x2560xf32, #tpu.memory_space<hbm>> -> memref<2560xf32, #tpu.memory_space<hbm>>
          tpu.wait_dma2 semaphore(%run_scoped3A_144 : memref<!tpu.dma_semaphore, #tpu.memory_space<semaphore_mem>>) src(%dma_wait3A_150 : memref<2560xf32, #tpu.memory_space<hbm>>) dst(%arg10 : memref<2560xf32, #tpu.memory_space<vmem>>)
          tpu.yield
        }) : () -> ()
        %scan3A_74 = arith.constant 0 : i32
        %scan3A_75 = arith.constant 0 : i32
        %scan3A_76 = arith.constant 160 : i32
        %scan3A_77 = arith.addi %scan3A_75, %scan3A_76 : i32
        %scan3A_78 = arith.constant 1 : i32
        %scan3A_79 = scf.for %scan3A_144 = %scan3A_75 to %scan3A_77 step %scan3A_78 iter_args(%scan3A_145 = %scan3A_74) -> (i32)  : i32 {
          %mul3A_146 = arith.constant 16 : i32
          %mul3A_147 = arith.muli %scan3A_144, %mul3A_146 : i32
          %get3A = arith.index_cast %mul3A_147 : i32 to index
          %get3A_148 = tpu.vector_load %arg8[%get3A] {strides = array<i32>} : memref<2560xi32, #tpu.memory_space<vmem>>, vector<16xi32>,
          %mul3A_149 = arith.constant 16 : i32
          %mul3A_150 = arith.muli %scan3A_144, %mul3A_149 : i32
          %get3A_151 = arith.index_cast %mul3A_150 : i32 to index
          %get3A_152 = tpu.vector_load %arg9[%get3A_151] {strides = array<i32>} : memref<2560xi32, #tpu.memory_space<vmem>>, vector<16xi32>,
          %mul3A_153 = arith.constant 16 : i32
          %mul3A_154 = arith.muli %scan3A_144, %mul3A_153 : i32
          %get3A_155 = arith.index_cast %mul3A_154 : i32 to index
          %get3A_156 = tpu.vector_load %arg10[%get3A_155] {strides = array<i32>} : memref<2560xf32, #tpu.memory_space<vmem>>, vector<16xf32>,
          %sub3A_157 = vector.broadcast %mul3A_46 : i32 to vector<16xi32>
          %sub3A_158 = arith.subi %get3A_152, %sub3A_157 : vector<16xi32>
          %ge3A_159 = arith.constant 0 : i32
          %ge3A_160 = vector.broadcast %ge3A_159 : i32 to vector<16xi32>
          %ge3A_161 = arith.cmpi sge, %sub3A_158, %ge3A_160 : vector<16xi32>
          %lt3A_162 = arith.constant 320 : i32
          %lt3A_163 = vector.broadcast %lt3A_162 : i32 to vector<16xi32>
          %lt3A_164 = arith.cmpi slt, %sub3A_158, %lt3A_163 : vector<16xi32>
          %and3A_165 = arith.andi %ge3A_161, %lt3A_164 : vector<16xi1>
          %swap3A_166 = arith.index_cast %scan3A_145 : i32 to index
          %swap3A_167 = tpu.vector_load %arg11[%swap3A_166] masked %and3A_165 {strides = array<i32>} : memref<2592xi32, #tpu.memory_space<vmem>>, vector<16xi32>, vector<16xi1>
          tpu.vector_store %arg11[%swap3A_166], %get3A_148 masked %and3A_165 {strides = array<i32>} : memref<2592xi32, #tpu.memory_space<vmem>>, vector<16xi32>, vector<16xi1>
          %swap3A_168 = arith.index_cast %scan3A_145 : i32 to index
          %swap3A_169 = tpu.vector_load %arg12[%swap3A_168] masked %and3A_165 {strides = array<i32>} : memref<2592xi32, #tpu.memory_space<vmem>>, vector<16xi32>, vector<16xi1>
          tpu.vector_store %arg12[%swap3A_168], %sub3A_158 masked %and3A_165 {strides = array<i32>} : memref<2592xi32, #tpu.memory_space<vmem>>, vector<16xi32>, vector<16xi1>
          %swap3A_170 = arith.index_cast %scan3A_145 : i32 to index
          %swap3A_171 = tpu.vector_load %arg13[%swap3A_170] masked %and3A_165 {strides = array<i32>} : memref<2592xf32, #tpu.memory_space<vmem>>, vector<16xf32>, vector<16xi1>
          tpu.vector_store %arg13[%swap3A_170], %get3A_156 masked %and3A_165 {strides = array<i32>} : memref<2592xf32, #tpu.memory_space<vmem>>, vector<16xf32>, vector<16xi1>
          %all_reduce_population_count3A = tpu.all_reduce %and3A_165 {dim = 0 : i64, kind = #tpu.reduction_kind<sum>} : vector<16xi1> -> vector<16xi32>
          %slice3A = vector.extract_strided_slice %all_reduce_population_count3A {offsets = [0], sizes = [1], strides = [1]} : vector<16xi32> to vector<1xi32>
          %squeeze3A = vector.extract %slice3A[0] : i32 from vector<1xi32>
          %add3A_172 = arith.addi %scan3A_145, %squeeze3A : i32
          scf.yield %add3A_172 : i32
        }
        %scan3A_80 = arith.constant 160 : i32
        %add3A_81 = arith.constant 0 : i32
        %add3A_82 = arith.addi %scan3A_79, %add3A_81 : i32
        %broadcast_in_dim3A_83 = arith.constant 0 : i32
        %broadcast_in_dim3A_84 = vector.broadcast %broadcast_in_dim3A_83 : i32 to vector<16xi32>
        %swap3A = arith.index_cast %add3A_82 : i32 to index
        %swap3A_85 = tpu.vector_load %arg11[%swap3A] masked %ge3A_32 {strides = array<i32>} : memref<2592xi32, #tpu.memory_space<vmem>>, vector<16xi32>, vector<16xi1>
        tpu.vector_store %arg11[%swap3A], %broadcast_in_dim3A_84 masked %ge3A_32 {strides = array<i32>} : memref<2592xi32, #tpu.memory_space<vmem>>, vector<16xi32>, vector<16xi1>
        %broadcast_in_dim3A_86 = arith.constant 320 : i32
        %broadcast_in_dim3A_87 = vector.broadcast %broadcast_in_dim3A_86 : i32 to vector<16xi32>
        %swap3A_88 = arith.index_cast %add3A_82 : i32 to index
        %swap3A_89 = tpu.vector_load %arg12[%swap3A_88] masked %ge3A_32 {strides = array<i32>} : memref<2592xi32, #tpu.memory_space<vmem>>, vector<16xi32>, vector<16xi1>
        tpu.vector_store %arg12[%swap3A_88], %broadcast_in_dim3A_87 masked %ge3A_32 {strides = array<i32>} : memref<2592xi32, #tpu.memory_space<vmem>>, vector<16xi32>, vector<16xi1>
        %swap3A_90 = arith.index_cast %add3A_82 : i32 to index
        %swap3A_91 = tpu.vector_load %arg13[%swap3A_90] masked %ge3A_32 {strides = array<i32>} : memref<2592xf32, #tpu.memory_space<vmem>>, vector<16xf32>, vector<16xi1>
        tpu.vector_store %arg13[%swap3A_90], %broadcast_in_dim3A_33 masked %ge3A_32 {strides = array<i32>} : memref<2592xf32, #tpu.memory_space<vmem>>, vector<16xf32>, vector<16xi1>
        %add3A_92 = arith.constant 16 : i32
        %add3A_93 = arith.addi %scan3A_79, %add3A_92 : i32
        %broadcast_in_dim3A_94 = arith.constant 0 : i32
        %broadcast_in_dim3A_95 = vector.broadcast %broadcast_in_dim3A_94 : i32 to vector<16xi32>
        %swap3A_96 = arith.index_cast %add3A_93 : i32 to index
        %swap3A_97 = tpu.vector_load %arg11[%swap3A_96] masked %ge3A_32 {strides = array<i32>} : memref<2592xi32, #tpu.memory_space<vmem>>, vector<16xi32>, vector<16xi1>
        tpu.vector_store %arg11[%swap3A_96], %broadcast_in_dim3A_95 masked %ge3A_32 {strides = array<i32>} : memref<2592xi32, #tpu.memory_space<vmem>>, vector<16xi32>, vector<16xi1>
        %broadcast_in_dim3A_98 = arith.constant 320 : i32
        %broadcast_in_dim3A_99 = vector.broadcast %broadcast_in_dim3A_98 : i32 to vector<16xi32>
        %swap3A_100 = arith.index_cast %add3A_93 : i32 to index
        %swap3A_101 = tpu.vector_load %arg12[%swap3A_100] masked %ge3A_32 {strides = array<i32>} : memref<2592xi32, #tpu.memory_space<vmem>>, vector<16xi32>, vector<16xi1>
        tpu.vector_store %arg12[%swap3A_100], %broadcast_in_dim3A_99 masked %ge3A_32 {strides = array<i32>} : memref<2592xi32, #tpu.memory_space<vmem>>, vector<16xi32>, vector<16xi1>
        %swap3A_102 = arith.index_cast %add3A_93 : i32 to index
        %swap3A_103 = tpu.vector_load %arg13[%swap3A_102] masked %ge3A_32 {strides = array<i32>} : memref<2592xf32, #tpu.memory_space<vmem>>, vector<16xf32>, vector<16xi1>
        tpu.vector_store %arg13[%swap3A_102], %broadcast_in_dim3A_33 masked %ge3A_32 {strides = array<i32>} : memref<2592xf32, #tpu.memory_space<vmem>>, vector<16xf32>, vector<16xi1>
        %add3A_104 = arith.constant 32 : i32
        %add3A_105 = arith.addi %scan3A_79, %add3A_104 : i32
        %sub3A_106 = arith.constant 1 : i32
        %sub3A_107 = arith.subi %add3A_105, %sub3A_106 : i32
        %jit3A_108 = arith.constant 32 : i32
        %div3A_109 = arith.divsi %sub3A_107, %jit3A_108 : i32
        %sign3A_110 = arith.constant 0 : i32
        %sign3A_111 = arith.cmpi sgt, %sub3A_107, %sign3A_110 : i32
        %sign3A_112 = arith.extui %sign3A_111 : i1 to i32
        %sign3A_113 = arith.constant 0 : i32
        %sign3A_114 = arith.cmpi slt, %sub3A_107, %sign3A_113 : i32
        %sign3A_115 = arith.extui %sign3A_114 : i1 to i32
        %sign3A_116 = arith.subi %sign3A_112, %sign3A_115 : i32
        %sign3A_117 = arith.constant 0 : i32
        %sign3A_118 = arith.cmpi sgt, %jit3A_108, %sign3A_117 : i32
        %sign3A_119 = arith.extui %sign3A_118 : i1 to i32
        %sign3A_120 = arith.constant 0 : i32
        %sign3A_121 = arith.cmpi slt, %jit3A_108, %sign3A_120 : i32
        %sign3A_122 = arith.extui %sign3A_121 : i1 to i32
        %sign3A_123 = arith.subi %sign3A_119, %sign3A_122 : i32
        %ne3A_124 = arith.cmpi ne, %sign3A_116, %sign3A_123 : i32
        %rem3A_125 = arith.remsi %sub3A_107, %jit3A_108 : i32
        %ne3A_126 = arith.constant 0 : i32
        %ne3A_127 = arith.cmpi ne, %rem3A_125, %ne3A_126 : i32
        %and3A_128 = arith.andi %ne3A_124, %ne3A_127 : i1
        %sub3A_129 = arith.constant 1 : i32
        %sub3A_130 = arith.subi %div3A_109, %sub3A_129 : i32
        %select_n3A_131 = arith.select %and3A_128, %sub3A_130, %div3A_109 : i32
        %while3A = arith.constant 0 : i32
        %while3A_132 = arith.constant 0 : i32
        %while3A_133 = arith.subi %select_n3A_131, %while3A : i32
        %while3A_134 = arith.addi %while3A, %while3A_133 : i32
        %while3A_135 = arith.constant 1 : i32
        %while3A_136 = arith.divsi %while3A_133, %while3A_135 : i32
        %while3A_137 = arith.muli %while3A_136, %while3A_135 : i32
        %while3A_138 = arith.addi %while3A, %while3A_137 : i32
        %while3A_139 = arith.constant 1 : i32
        %while3A_140 = scf.for %while3A_144 = %while3A to %while3A_138 step %while3A_139 iter_args(%while3A_145 = %while3A_132) -> (i32)  : i32 {
          %mul3A_146 = arith.constant 2 : i32
          %mul3A_147 = arith.muli %while3A_144, %mul3A_146 : i32
          %mul3A_148 = arith.constant 16 : i32
          %mul3A_149 = arith.muli %mul3A_147, %mul3A_148 : i32
          %add3A_150 = arith.constant 0 : i32
          %add3A_151 = arith.addi %mul3A_149, %add3A_150 : i32
          %add3A_152 = vector.broadcast %add3A_151 : i32 to vector<16xi32>
          %add3A_153 = arith.addi %add3A_152, %iota3A : vector<16xi32>
          %gather3A = tpu.vector_load_idx %arg11[%add3A_153] : memref<2592xi32, #tpu.memory_space<vmem>>[vector<16xi32>], vector<16xi32>,
          %swap3A_154 = arith.constant 0 : index
          %swap3A_155 = tpu.vector_load %arg14[%swap3A_154] {strides = array<i32>} : memref<32xi32, #tpu.memory_space<vmem>>, vector<16xi32>,
          tpu.vector_store %arg14[%swap3A_154], %gather3A {strides = array<i32>} : memref<32xi32, #tpu.memory_space<vmem>>, vector<16xi32>,
          %mul3A_156 = arith.constant 2 : i32
          %mul3A_157 = arith.muli %while3A_144, %mul3A_156 : i32
          %mul3A_158 = arith.constant 16 : i32
          %mul3A_159 = arith.muli %mul3A_157, %mul3A_158 : i32
          %add3A_160 = arith.constant 16 : i32
          %add3A_161 = arith.addi %mul3A_159, %add3A_160 : i32
          %add3A_162 = vector.broadcast %add3A_161 : i32 to vector<16xi32>
          %add3A_163 = arith.addi %add3A_162, %iota3A : vector<16xi32>
          %gather3A_164 = tpu.vector_load_idx %arg11[%add3A_163] : memref<2592xi32, #tpu.memory_space<vmem>>[vector<16xi32>], vector<16xi32>,
          %swap3A_165 = arith.constant 16 : index
          %swap3A_166 = tpu.vector_load %arg14[%swap3A_165] {strides = array<i32>} : memref<32xi32, #tpu.memory_space<vmem>>, vector<16xi32>,
          tpu.vector_store %arg14[%swap3A_165], %gather3A_164 {strides = array<i32>} : memref<32xi32, #tpu.memory_space<vmem>>, vector<16xi32>,
          %mul3A_167 = arith.constant 256 : i32
          %mul3A_168 = arith.muli %select_n3A_7, %mul3A_167 : i32
          "tpu.region"() ({
            %run_scoped3A_204 = tpu.sem_alloc : memref<!tpu.dma_semaphore, #tpu.memory_space<semaphore_mem>>
            %dma_start3A = arith.constant 0 : i32
            %dma_start3A_205 = tpu.memref_slice %arg2[%dma_start3A, %mul3A_168] : memref<10000x2048xf32, #tpu.memory_space<hbm>> -> memref<10000x256xf32, #tpu.memory_space<hbm>>
            tpu.enqueue_indirect_dma source(%dma_start3A_205 : memref<10000x256xf32, #tpu.memory_space<hbm>>) target(%arg15 : memref<32x256xf32, #tpu.memory_space<vmem>>) offsets(%arg14 : memref<32xi32, #tpu.memory_space<vmem>>) semaphore(%run_scoped3A_204 : memref<!tpu.dma_semaphore, #tpu.memory_space<semaphore_mem>>)
            %dma_wait3A = arith.constant 0 : i32
            %dma_wait3A_206 = tpu.memref_slice %arg2[%dma_wait3A, %mul3A_168] : memref<10000x2048xf32, #tpu.memory_space<hbm>> -> memref<10000x256xf32, #tpu.memory_space<hbm>>
            tpu.wait_indirect_dma semaphore(%run_scoped3A_204 : memref<!tpu.dma_semaphore, #tpu.memory_space<semaphore_mem>>) src(%dma_wait3A_206 : memref<10000x256xf32, #tpu.memory_space<hbm>>) dst(%arg15 : memref<32x256xf32, #tpu.memory_space<vmem>>)
            tpu.yield
          }) : () -> ()
          %mul3A_169 = arith.constant 2 : i32
          %mul3A_170 = arith.muli %while3A_144, %mul3A_169 : i32
          %mul3A_171 = arith.constant 16 : i32
          %mul3A_172 = arith.muli %mul3A_170, %mul3A_171 : i32
          %add3A_173 = arith.constant 0 : i32
          %add3A_174 = arith.addi %mul3A_172, %add3A_173 : i32
          %add3A_175 = vector.broadcast %add3A_174 : i32 to vector<16xi32>
          %add3A_176 = arith.addi %add3A_175, %iota3A : vector<16xi32>
          %gather3A_177 = tpu.vector_load_idx %arg12[%add3A_176] : memref<2592xi32, #tpu.memory_space<vmem>>[vector<16xi32>], vector<16xi32>,
          %gather3A_178 = tpu.vector_load_idx %arg13[%add3A_176] : memref<2592xf32, #tpu.memory_space<vmem>>[vector<16xi32>], vector<16xf32>,
          %scan3A_179 = arith.constant 0 : i32
          %scan3A_180 = arith.constant 0 : i32
          %scan3A_181 = arith.constant 16 : i32
          %scan3A_182 = arith.addi %scan3A_180, %scan3A_181 : i32
          %scan3A_183 = arith.constant 1 : i32
          %scan3A_184 = scf.for %scan3A_204 = %scan3A_180 to %scan3A_182 step %scan3A_183 iter_args(%scan3A_205 = %scan3A_179) -> (i32)  : i32 {
            %eq3A_206 = vector.broadcast %scan3A_204 : i32 to vector<16xi32>
            %eq3A_207 = arith.cmpi eq, %iota3A, %eq3A_206 : vector<16xi32>
            %jit3A_208 = arith.constant 0 : i32
            %broadcast_in_dim3A_209 = vector.broadcast %jit3A_208 : i32 to vector<16xi32>
            %select_n3A_210 = arith.select %eq3A_207, %gather3A_177, %broadcast_in_dim3A_209 : vector<16xi1>, vector<16xi32>
            %reduce_max3A = arith.constant true
            %reduce_max3A_211 = vector.broadcast %reduce_max3A : i1 to vector<16xi1>
            %reduce_max3A_212 = arith.constant -2147483648 : i32
            %reduce_max3A_213 = vector.broadcast %reduce_max3A_212 : i32 to vector<16xi32>
            %reduce_max3A_214 = arith.xori %select_n3A_210, %reduce_max3A_213 : vector<16xi32>
            %reduce_max3A_215 = tpu.scan <max>, %reduce_max3A_214 masked %reduce_max3A_211 : vector<16xi32>, vector<16xi1> -> vector<16xi32>
            %reduce_max3A_216 = arith.xori %reduce_max3A_215, %reduce_max3A_213 : vector<16xi32>
            %reduce_max3A_217 = vector.extract %reduce_max3A_216[15] : i32 from vector<16xi32>
            %jit3A_218 = arith.constant 0.000000e+00 : f32
            %broadcast_in_dim3A_219 = vector.broadcast %jit3A_218 : f32 to vector<16xf32>
            %select_n3A_220 = arith.select %eq3A_207, %gather3A_178, %broadcast_in_dim3A_219 : vector<16xi1>, vector<16xf32>
            %reduce_max3A_221 = arith.constant true
            %reduce_max3A_222 = vector.broadcast %reduce_max3A_221 : i1 to vector<16xi1>
            %reduce_max3A_223 = tpu.scan <max>, %select_n3A_220 masked %reduce_max3A_222 : vector<16xf32>, vector<16xi1> -> vector<16xf32>
            %reduce_max3A_224 = vector.extract %reduce_max3A_223[15] : f32 from vector<16xf32>
            %broadcast_in_dim3A_225 = vector.broadcast %reduce_max3A_224 : f32 to vector<16xf32>
            %add3A_226 = arith.constant 0 : i32
            %add3A_227 = arith.addi %scan3A_204, %add3A_226 : i32
            %get3A = arith.index_cast %add3A_227 : i32 to index
            %get3A_228 = arith.constant 0 : index
            %get3A_229 = tpu.vector_load %arg15[%get3A, %get3A_228] {strides = array<i32>} : memref<32x256xf32, #tpu.memory_space<vmem>>, vector<16xf32>,
            %mul3A_230 = arith.mulf %get3A_229, %broadcast_in_dim3A_225 : vector<16xf32>
            %swap3A_231 = arith.index_cast %reduce_max3A_217 : i32 to index
            %swap3A_232 = arith.constant 0 : index
            %swap3A_233 = tpu.vector_load %arg7[%swap3A_231, %swap3A_232] {strides = array<i32>} : memref<328x256xf32, #tpu.memory_space<vmem>>, vector<16xf32>,
            tpu.vector_store %arg7[%swap3A_231, %swap3A_232], %mul3A_230 {add = true, strides = array<i32>} : memref<328x256xf32, #tpu.memory_space<vmem>>, vector<16xf32>,
            %add3A_234 = arith.constant 0 : i32
            %add3A_235 = arith.addi %scan3A_204, %add3A_234 : i32
            %get3A_236 = arith.index_cast %add3A_235 : i32 to index
            %get3A_237 = arith.constant 16 : index
            %get3A_238 = tpu.vector_load %arg15[%get3A_236, %get3A_237] {strides = array<i32>} : memref<32x256xf32, #tpu.memory_space<vmem>>, vector<16xf32>,
            %mul3A_239 = arith.mulf %get3A_238, %broadcast_in_dim3A_225 : vector<16xf32>
            %swap3A_240 = arith.index_cast %reduce_max3A_217 : i32 to index
            %swap3A_241 = arith.constant 16 : index
            %swap3A_242 = tpu.vector_load %arg7[%swap3A_240, %swap3A_241] {strides = array<i32>} : memref<328x256xf32, #tpu.memory_space<vmem>>, vector<16xf32>,
            tpu.vector_store %arg7[%swap3A_240, %swap3A_241], %mul3A_239 {add = true, strides = array<i32>} : memref<328x256xf32, #tpu.memory_space<vmem>>, vector<16xf32>,
            %add3A_243 = arith.constant 0 : i32
            %add3A_244 = arith.addi %scan3A_204, %add3A_243 : i32
            %get3A_245 = arith.index_cast %add3A_244 : i32 to index
            %get3A_246 = arith.constant 32 : index
            %get3A_247 = tpu.vector_load %arg15[%get3A_245, %get3A_246] {strides = array<i32>} : memref<32x256xf32, #tpu.memory_space<vmem>>, vector<16xf32>,
            %mul3A_248 = arith.mulf %get3A_247, %broadcast_in_dim3A_225 : vector<16xf32>
            %swap3A_249 = arith.index_cast %reduce_max3A_217 : i32 to index
            %swap3A_250 = arith.constant 32 : index
            %swap3A_251 = tpu.vector_load %arg7[%swap3A_249, %swap3A_250] {strides = array<i32>} : memref<328x256xf32, #tpu.memory_space<vmem>>, vector<16xf32>,
            tpu.vector_store %arg7[%swap3A_249, %swap3A_250], %mul3A_248 {add = true, strides = array<i32>} : memref<328x256xf32, #tpu.memory_space<vmem>>, vector<16xf32>,
            %add3A_252 = arith.constant 0 : i32
            %add3A_253 = arith.addi %scan3A_204, %add3A_252 : i32
            %get3A_254 = arith.index_cast %add3A_253 : i32 to index
            %get3A_255 = arith.constant 48 : index
            %get3A_256 = tpu.vector_load %arg15[%get3A_254, %get3A_255] {strides = array<i32>} : memref<32x256xf32, #tpu.memory_space<vmem>>, vector<16xf32>,
            %mul3A_257 = arith.mulf %get3A_256, %broadcast_in_dim3A_225 : vector<16xf32>
            %swap3A_258 = arith.index_cast %reduce_max3A_217 : i32 to index
            %swap3A_259 = arith.constant 48 : index
            %swap3A_260 = tpu.vector_load %arg7[%swap3A_258, %swap3A_259] {strides = array<i32>} : memref<328x256xf32, #tpu.memory_space<vmem>>, vector<16xf32>,
            tpu.vector_store %arg7[%swap3A_258, %swap3A_259], %mul3A_257 {add = true, strides = array<i32>} : memref<328x256xf32, #tpu.memory_space<vmem>>, vector<16xf32>,
            %add3A_261 = arith.constant 0 : i32
            %add3A_262 = arith.addi %scan3A_204, %add3A_261 : i32
            %get3A_263 = arith.index_cast %add3A_262 : i32 to index
            %get3A_264 = arith.constant 64 : index
            %get3A_265 = tpu.vector_load %arg15[%get3A_263, %get3A_264] {strides = array<i32>} : memref<32x256xf32, #tpu.memory_space<vmem>>, vector<16xf32>,
            %mul3A_266 = arith.mulf %get3A_265, %broadcast_in_dim3A_225 : vector<16xf32>
            %swap3A_267 = arith.index_cast %reduce_max3A_217 : i32 to index
            %swap3A_268 = arith.constant 64 : index
            %swap3A_269 = tpu.vector_load %arg7[%swap3A_267, %swap3A_268] {strides = array<i32>} : memref<328x256xf32, #tpu.memory_space<vmem>>, vector<16xf32>,
            tpu.vector_store %arg7[%swap3A_267, %swap3A_268], %mul3A_266 {add = true, strides = array<i32>} : memref<328x256xf32, #tpu.memory_space<vmem>>, vector<16xf32>,
            %add3A_270 = arith.constant 0 : i32
            %add3A_271 = arith.addi %scan3A_204, %add3A_270 : i32
            %get3A_272 = arith.index_cast %add3A_271 : i32 to index
            %get3A_273 = arith.constant 80 : index
            %get3A_274 = tpu.vector_load %arg15[%get3A_272, %get3A_273] {strides = array<i32>} : memref<32x256xf32, #tpu.memory_space<vmem>>, vector<16xf32>,
            %mul3A_275 = arith.mulf %get3A_274, %broadcast_in_dim3A_225 : vector<16xf32>
            %swap3A_276 = arith.index_cast %reduce_max3A_217 : i32 to index
            %swap3A_277 = arith.constant 80 : index
            %swap3A_278 = tpu.vector_load %arg7[%swap3A_276, %swap3A_277] {strides = array<i32>} : memref<328x256xf32, #tpu.memory_space<vmem>>, vector<16xf32>,
            tpu.vector_store %arg7[%swap3A_276, %swap3A_277], %mul3A_275 {add = true, strides = array<i32>} : memref<328x256xf32, #tpu.memory_space<vmem>>, vector<16xf32>,
            %add3A_279 = arith.constant 0 : i32
            %add3A_280 = arith.addi %scan3A_204, %add3A_279 : i32
            %get3A_281 = arith.index_cast %add3A_280 : i32 to index
            %get3A_282 = arith.constant 96 : index
            %get3A_283 = tpu.vector_load %arg15[%get3A_281, %get3A_282] {strides = array<i32>} : memref<32x256xf32, #tpu.memory_space<vmem>>, vector<16xf32>,
            %mul3A_284 = arith.mulf %get3A_283, %broadcast_in_dim3A_225 : vector<16xf32>
            %swap3A_285 = arith.index_cast %reduce_max3A_217 : i32 to index
            %swap3A_286 = arith.constant 96 : index
            %swap3A_287 = tpu.vector_load %arg7[%swap3A_285, %swap3A_286] {strides = array<i32>} : memref<328x256xf32, #tpu.memory_space<vmem>>, vector<16xf32>,
            tpu.vector_store %arg7[%swap3A_285, %swap3A_286], %mul3A_284 {add = true, strides = array<i32>} : memref<328x256xf32, #tpu.memory_space<vmem>>, vector<16xf32>,
            %add3A_288 = arith.constant 0 : i32
            %add3A_289 = arith.addi %scan3A_204, %add3A_288 : i32
            %get3A_290 = arith.index_cast %add3A_289 : i32 to index
            %get3A_291 = arith.constant 112 : index
            %get3A_292 = tpu.vector_load %arg15[%get3A_290, %get3A_291] {strides = array<i32>} : memref<32x256xf32, #tpu.memory_space<vmem>>, vector<16xf32>,
            %mul3A_293 = arith.mulf %get3A_292, %broadcast_in_dim3A_225 : vector<16xf32>
            %swap3A_294 = arith.index_cast %reduce_max3A_217 : i32 to index
            %swap3A_295 = arith.constant 112 : index
            %swap3A_296 = tpu.vector_load %arg7[%swap3A_294, %swap3A_295] {strides = array<i32>} : memref<328x256xf32, #tpu.memory_space<vmem>>, vector<16xf32>,
            tpu.vector_store %arg7[%swap3A_294, %swap3A_295], %mul3A_293 {add = true, strides = array<i32>} : memref<328x256xf32, #tpu.memory_space<vmem>>, vector<16xf32>,
            %add3A_297 = arith.constant 0 : i32
            %add3A_298 = arith.addi %scan3A_204, %add3A_297 : i32
            %get3A_299 = arith.index_cast %add3A_298 : i32 to index
            %get3A_300 = arith.constant 128 : index
            %get3A_301 = tpu.vector_load %arg15[%get3A_299, %get3A_300] {strides = array<i32>} : memref<32x256xf32, #tpu.memory_space<vmem>>, vector<16xf32>,
            %mul3A_302 = arith.mulf %get3A_301, %broadcast_in_dim3A_225 : vector<16xf32>
            %swap3A_303 = arith.index_cast %reduce_max3A_217 : i32 to index
            %swap3A_304 = arith.constant 128 : index
            %swap3A_305 = tpu.vector_load %arg7[%swap3A_303, %swap3A_304] {strides = array<i32>} : memref<328x256xf32, #tpu.memory_space<vmem>>, vector<16xf32>,
            tpu.vector_store %arg7[%swap3A_303, %swap3A_304], %mul3A_302 {add = true, strides = array<i32>} : memref<328x256xf32, #tpu.memory_space<vmem>>, vector<16xf32>,
            %add3A_306 = arith.constant 0 : i32
            %add3A_307 = arith.addi %scan3A_204, %add3A_306 : i32
            %get3A_308 = arith.index_cast %add3A_307 : i32 to index
            %get3A_309 = arith.constant 144 : index
            %get3A_310 = tpu.vector_load %arg15[%get3A_308, %get3A_309] {strides = array<i32>} : memref<32x256xf32, #tpu.memory_space<vmem>>, vector<16xf32>,
            %mul3A_311 = arith.mulf %get3A_310, %broadcast_in_dim3A_225 : vector<16xf32>
            %swap3A_312 = arith.index_cast %reduce_max3A_217 : i32 to index
            %swap3A_313 = arith.constant 144 : index
            %swap3A_314 = tpu.vector_load %arg7[%swap3A_312, %swap3A_313] {strides = array<i32>} : memref<328x256xf32, #tpu.memory_space<vmem>>, vector<16xf32>,
            tpu.vector_store %arg7[%swap3A_312, %swap3A_313], %mul3A_311 {add = true, strides = array<i32>} : memref<328x256xf32, #tpu.memory_space<vmem>>, vector<16xf32>,
            %add3A_315 = arith.constant 0 : i32
            %add3A_316 = arith.addi %scan3A_204, %add3A_315 : i32
            %get3A_317 = arith.index_cast %add3A_316 : i32 to index
            %get3A_318 = arith.constant 160 : index
            %get3A_319 = tpu.vector_load %arg15[%get3A_317, %get3A_318] {strides = array<i32>} : memref<32x256xf32, #tpu.memory_space<vmem>>, vector<16xf32>,
            %mul3A_320 = arith.mulf %get3A_319, %broadcast_in_dim3A_225 : vector<16xf32>
            %swap3A_321 = arith.index_cast %reduce_max3A_217 : i32 to index
            %swap3A_322 = arith.constant 160 : index
            %swap3A_323 = tpu.vector_load %arg7[%swap3A_321, %swap3A_322] {strides = array<i32>} : memref<328x256xf32, #tpu.memory_space<vmem>>, vector<16xf32>,
            tpu.vector_store %arg7[%swap3A_321, %swap3A_322], %mul3A_320 {add = true, strides = array<i32>} : memref<328x256xf32, #tpu.memory_space<vmem>>, vector<16xf32>,
            %add3A_324 = arith.constant 0 : i32
            %add3A_325 = arith.addi %scan3A_204, %add3A_324 : i32
            %get3A_326 = arith.index_cast %add3A_325 : i32 to index
            %get3A_327 = arith.constant 176 : index
            %get3A_328 = tpu.vector_load %arg15[%get3A_326, %get3A_327] {strides = array<i32>} : memref<32x256xf32, #tpu.memory_space<vmem>>, vector<16xf32>,
            %mul3A_329 = arith.mulf %get3A_328, %broadcast_in_dim3A_225 : vector<16xf32>
            %swap3A_330 = arith.index_cast %reduce_max3A_217 : i32 to index
            %swap3A_331 = arith.constant 176 : index
            %swap3A_332 = tpu.vector_load %arg7[%swap3A_330, %swap3A_331] {strides = array<i32>} : memref<328x256xf32, #tpu.memory_space<vmem>>, vector<16xf32>,
            tpu.vector_store %arg7[%swap3A_330, %swap3A_331], %mul3A_329 {add = true, strides = array<i32>} : memref<328x256xf32, #tpu.memory_space<vmem>>, vector<16xf32>,
            %add3A_333 = arith.constant 0 : i32
            %add3A_334 = arith.addi %scan3A_204, %add3A_333 : i32
            %get3A_335 = arith.index_cast %add3A_334 : i32 to index
            %get3A_336 = arith.constant 192 : index
            %get3A_337 = tpu.vector_load %arg15[%get3A_335, %get3A_336] {strides = array<i32>} : memref<32x256xf32, #tpu.memory_space<vmem>>, vector<16xf32>,
            %mul3A_338 = arith.mulf %get3A_337, %broadcast_in_dim3A_225 : vector<16xf32>
            %swap3A_339 = arith.index_cast %reduce_max3A_217 : i32 to index
            %swap3A_340 = arith.constant 192 : index
            %swap3A_341 = tpu.vector_load %arg7[%swap3A_339, %swap3A_340] {strides = array<i32>} : memref<328x256xf32, #tpu.memory_space<vmem>>, vector<16xf32>,
            tpu.vector_store %arg7[%swap3A_339, %swap3A_340], %mul3A_338 {add = true, strides = array<i32>} : memref<328x256xf32, #tpu.memory_space<vmem>>, vector<16xf32>,
            %add3A_342 = arith.constant 0 : i32
            %add3A_343 = arith.addi %scan3A_204, %add3A_342 : i32
            %get3A_344 = arith.index_cast %add3A_343 : i32 to index
            %get3A_345 = arith.constant 208 : index
            %get3A_346 = tpu.vector_load %arg15[%get3A_344, %get3A_345] {strides = array<i32>} : memref<32x256xf32, #tpu.memory_space<vmem>>, vector<16xf32>,
            %mul3A_347 = arith.mulf %get3A_346, %broadcast_in_dim3A_225 : vector<16xf32>
            %swap3A_348 = arith.index_cast %reduce_max3A_217 : i32 to index
            %swap3A_349 = arith.constant 208 : index
            %swap3A_350 = tpu.vector_load %arg7[%swap3A_348, %swap3A_349] {strides = array<i32>} : memref<328x256xf32, #tpu.memory_space<vmem>>, vector<16xf32>,
            tpu.vector_store %arg7[%swap3A_348, %swap3A_349], %mul3A_347 {add = true, strides = array<i32>} : memref<328x256xf32, #tpu.memory_space<vmem>>, vector<16xf32>,
            %add3A_351 = arith.constant 0 : i32
            %add3A_352 = arith.addi %scan3A_204, %add3A_351 : i32
            %get3A_353 = arith.index_cast %add3A_352 : i32 to index
            %get3A_354 = arith.constant 224 : index
            %get3A_355 = tpu.vector_load %arg15[%get3A_353, %get3A_354] {strides = array<i32>} : memref<32x256xf32, #tpu.memory_space<vmem>>, vector<16xf32>,
            %mul3A_356 = arith.mulf %get3A_355, %broadcast_in_dim3A_225 : vector<16xf32>
            %swap3A_357 = arith.index_cast %reduce_max3A_217 : i32 to index
            %swap3A_358 = arith.constant 224 : index
            %swap3A_359 = tpu.vector_load %arg7[%swap3A_357, %swap3A_358] {strides = array<i32>} : memref<328x256xf32, #tpu.memory_space<vmem>>, vector<16xf32>,
            tpu.vector_store %arg7[%swap3A_357, %swap3A_358], %mul3A_356 {add = true, strides = array<i32>} : memref<328x256xf32, #tpu.memory_space<vmem>>, vector<16xf32>,
            %add3A_360 = arith.constant 0 : i32
            %add3A_361 = arith.addi %scan3A_204, %add3A_360 : i32
            %get3A_362 = arith.index_cast %add3A_361 : i32 to index
            %get3A_363 = arith.constant 240 : index
            %get3A_364 = tpu.vector_load %arg15[%get3A_362, %get3A_363] {strides = array<i32>} : memref<32x256xf32, #tpu.memory_space<vmem>>, vector<16xf32>,
            %mul3A_365 = arith.mulf %get3A_364, %broadcast_in_dim3A_225 : vector<16xf32>
            %swap3A_366 = arith.index_cast %reduce_max3A_217 : i32 to index
            %swap3A_367 = arith.constant 240 : index
            %swap3A_368 = tpu.vector_load %arg7[%swap3A_366, %swap3A_367] {strides = array<i32>} : memref<328x256xf32, #tpu.memory_space<vmem>>, vector<16xf32>,
            tpu.vector_store %arg7[%swap3A_366, %swap3A_367], %mul3A_365 {add = true, strides = array<i32>} : memref<328x256xf32, #tpu.memory_space<vmem>>, vector<16xf32>,
            %scan3A_369 = arith.constant 0 : i32
            scf.yield %scan3A_369 : i32
          }
          %scan3A_185 = arith.constant 16 : i32
          %mul3A_186 = arith.constant 2 : i32
          %mul3A_187 = arith.muli %while3A_144, %mul3A_186 : i32
          %mul3A_188 = arith.constant 16 : i32
          %mul3A_189 = arith.muli %mul3A_187, %mul3A_188 : i32
          %add3A_190 = arith.constant 16 : i32
          %add3A_191 = arith.addi %mul3A_189, %add3A_190 : i32
          %add3A_192 = vector.broadcast %add3A_191 : i32 to vector<16xi32>
          %add3A_193 = arith.addi %add3A_192, %iota3A : vector<16xi32>
          %gather3A_194 = tpu.vector_load_idx %arg12[%add3A_193] : memref<2592xi32, #tpu.memory_space<vmem>>[vector<16xi32>], vector<16xi32>,
          %gather3A_195 = tpu.vector_load_idx %arg13[%add3A_193] : memref<2592xf32, #tpu.memory_space<vmem>>[vector<16xi32>], vector<16xf32>,
          %scan3A_196 = arith.constant 0 : i32
          %scan3A_197 = arith.constant 0 : i32
          %scan3A_198 = arith.constant 16 : i32
          %scan3A_199 = arith.addi %scan3A_197, %scan3A_198 : i32
          %scan3A_200 = arith.constant 1 : i32
          %scan3A_201 = scf.for %scan3A_204 = %scan3A_197 to %scan3A_199 step %scan3A_200 iter_args(%scan3A_205 = %scan3A_196) -> (i32)  : i32 {
            %eq3A_206 = vector.broadcast %scan3A_204 : i32 to vector<16xi32>
            %eq3A_207 = arith.cmpi eq, %iota3A, %eq3A_206 : vector<16xi32>
            %jit3A_208 = arith.constant 0 : i32
            %broadcast_in_dim3A_209 = vector.broadcast %jit3A_208 : i32 to vector<16xi32>
            %select_n3A_210 = arith.select %eq3A_207, %gather3A_194, %broadcast_in_dim3A_209 : vector<16xi1>, vector<16xi32>
            %reduce_max3A = arith.constant true
            %reduce_max3A_211 = vector.broadcast %reduce_max3A : i1 to vector<16xi1>
            %reduce_max3A_212 = arith.constant -2147483648 : i32
            %reduce_max3A_213 = vector.broadcast %reduce_max3A_212 : i32 to vector<16xi32>
            %reduce_max3A_214 = arith.xori %select_n3A_210, %reduce_max3A_213 : vector<16xi32>
            %reduce_max3A_215 = tpu.scan <max>, %reduce_max3A_214 masked %reduce_max3A_211 : vector<16xi32>, vector<16xi1> -> vector<16xi32>
            %reduce_max3A_216 = arith.xori %reduce_max3A_215, %reduce_max3A_213 : vector<16xi32>
            %reduce_max3A_217 = vector.extract %reduce_max3A_216[15] : i32 from vector<16xi32>
            %jit3A_218 = arith.constant 0.000000e+00 : f32
            %broadcast_in_dim3A_219 = vector.broadcast %jit3A_218 : f32 to vector<16xf32>
            %select_n3A_220 = arith.select %eq3A_207, %gather3A_195, %broadcast_in_dim3A_219 : vector<16xi1>, vector<16xf32>
            %reduce_max3A_221 = arith.constant true
            %reduce_max3A_222 = vector.broadcast %reduce_max3A_221 : i1 to vector<16xi1>
            %reduce_max3A_223 = tpu.scan <max>, %select_n3A_220 masked %reduce_max3A_222 : vector<16xf32>, vector<16xi1> -> vector<16xf32>
            %reduce_max3A_224 = vector.extract %reduce_max3A_223[15] : f32 from vector<16xf32>
            %broadcast_in_dim3A_225 = vector.broadcast %reduce_max3A_224 : f32 to vector<16xf32>
            %add3A_226 = arith.constant 16 : i32
            %add3A_227 = arith.addi %scan3A_204, %add3A_226 : i32
            %get3A = arith.index_cast %add3A_227 : i32 to index
            %get3A_228 = arith.constant 0 : index
            %get3A_229 = tpu.vector_load %arg15[%get3A, %get3A_228] {strides = array<i32>} : memref<32x256xf32, #tpu.memory_space<vmem>>, vector<16xf32>,
            %mul3A_230 = arith.mulf %get3A_229, %broadcast_in_dim3A_225 : vector<16xf32>
            %swap3A_231 = arith.index_cast %reduce_max3A_217 : i32 to index
            %swap3A_232 = arith.constant 0 : index
            %swap3A_233 = tpu.vector_load %arg7[%swap3A_231, %swap3A_232] {strides = array<i32>} : memref<328x256xf32, #tpu.memory_space<vmem>>, vector<16xf32>,
            tpu.vector_store %arg7[%swap3A_231, %swap3A_232], %mul3A_230 {add = true, strides = array<i32>} : memref<328x256xf32, #tpu.memory_space<vmem>>, vector<16xf32>,
            %add3A_234 = arith.constant 16 : i32
            %add3A_235 = arith.addi %scan3A_204, %add3A_234 : i32
            %get3A_236 = arith.index_cast %add3A_235 : i32 to index
            %get3A_237 = arith.constant 16 : index
            %get3A_238 = tpu.vector_load %arg15[%get3A_236, %get3A_237] {strides = array<i32>} : memref<32x256xf32, #tpu.memory_space<vmem>>, vector<16xf32>,
            %mul3A_239 = arith.mulf %get3A_238, %broadcast_in_dim3A_225 : vector<16xf32>
            %swap3A_240 = arith.index_cast %reduce_max3A_217 : i32 to index
            %swap3A_241 = arith.constant 16 : index
            %swap3A_242 = tpu.vector_load %arg7[%swap3A_240, %swap3A_241] {strides = array<i32>} : memref<328x256xf32, #tpu.memory_space<vmem>>, vector<16xf32>,
            tpu.vector_store %arg7[%swap3A_240, %swap3A_241], %mul3A_239 {add = true, strides = array<i32>} : memref<328x256xf32, #tpu.memory_space<vmem>>, vector<16xf32>,
            %add3A_243 = arith.constant 16 : i32
            %add3A_244 = arith.addi %scan3A_204, %add3A_243 : i32
            %get3A_245 = arith.index_cast %add3A_244 : i32 to index
            %get3A_246 = arith.constant 32 : index
            %get3A_247 = tpu.vector_load %arg15[%get3A_245, %get3A_246] {strides = array<i32>} : memref<32x256xf32, #tpu.memory_space<vmem>>, vector<16xf32>,
            %mul3A_248 = arith.mulf %get3A_247, %broadcast_in_dim3A_225 : vector<16xf32>
            %swap3A_249 = arith.index_cast %reduce_max3A_217 : i32 to index
            %swap3A_250 = arith.constant 32 : index
            %swap3A_251 = tpu.vector_load %arg7[%swap3A_249, %swap3A_250] {strides = array<i32>} : memref<328x256xf32, #tpu.memory_space<vmem>>, vector<16xf32>,
            tpu.vector_store %arg7[%swap3A_249, %swap3A_250], %mul3A_248 {add = true, strides = array<i32>} : memref<328x256xf32, #tpu.memory_space<vmem>>, vector<16xf32>,
            %add3A_252 = arith.constant 16 : i32
            %add3A_253 = arith.addi %scan3A_204, %add3A_252 : i32
            %get3A_254 = arith.index_cast %add3A_253 : i32 to index
            %get3A_255 = arith.constant 48 : index
            %get3A_256 = tpu.vector_load %arg15[%get3A_254, %get3A_255] {strides = array<i32>} : memref<32x256xf32, #tpu.memory_space<vmem>>, vector<16xf32>,
            %mul3A_257 = arith.mulf %get3A_256, %broadcast_in_dim3A_225 : vector<16xf32>
            %swap3A_258 = arith.index_cast %reduce_max3A_217 : i32 to index
            %swap3A_259 = arith.constant 48 : index
            %swap3A_260 = tpu.vector_load %arg7[%swap3A_258, %swap3A_259] {strides = array<i32>} : memref<328x256xf32, #tpu.memory_space<vmem>>, vector<16xf32>,
            tpu.vector_store %arg7[%swap3A_258, %swap3A_259], %mul3A_257 {add = true, strides = array<i32>} : memref<328x256xf32, #tpu.memory_space<vmem>>, vector<16xf32>,
            %add3A_261 = arith.constant 16 : i32
            %add3A_262 = arith.addi %scan3A_204, %add3A_261 : i32
            %get3A_263 = arith.index_cast %add3A_262 : i32 to index
            %get3A_264 = arith.constant 64 : index
            %get3A_265 = tpu.vector_load %arg15[%get3A_263, %get3A_264] {strides = array<i32>} : memref<32x256xf32, #tpu.memory_space<vmem>>, vector<16xf32>,
            %mul3A_266 = arith.mulf %get3A_265, %broadcast_in_dim3A_225 : vector<16xf32>
            %swap3A_267 = arith.index_cast %reduce_max3A_217 : i32 to index
            %swap3A_268 = arith.constant 64 : index
            %swap3A_269 = tpu.vector_load %arg7[%swap3A_267, %swap3A_268] {strides = array<i32>} : memref<328x256xf32, #tpu.memory_space<vmem>>, vector<16xf32>,
            tpu.vector_store %arg7[%swap3A_267, %swap3A_268], %mul3A_266 {add = true, strides = array<i32>} : memref<328x256xf32, #tpu.memory_space<vmem>>, vector<16xf32>,
            %add3A_270 = arith.constant 16 : i32
            %add3A_271 = arith.addi %scan3A_204, %add3A_270 : i32
            %get3A_272 = arith.index_cast %add3A_271 : i32 to index
            %get3A_273 = arith.constant 80 : index
            %get3A_274 = tpu.vector_load %arg15[%get3A_272, %get3A_273] {strides = array<i32>} : memref<32x256xf32, #tpu.memory_space<vmem>>, vector<16xf32>,
            %mul3A_275 = arith.mulf %get3A_274, %broadcast_in_dim3A_225 : vector<16xf32>
            %swap3A_276 = arith.index_cast %reduce_max3A_217 : i32 to index
            %swap3A_277 = arith.constant 80 : index
            %swap3A_278 = tpu.vector_load %arg7[%swap3A_276, %swap3A_277] {strides = array<i32>} : memref<328x256xf32, #tpu.memory_space<vmem>>, vector<16xf32>,
            tpu.vector_store %arg7[%swap3A_276, %swap3A_277], %mul3A_275 {add = true, strides = array<i32>} : memref<328x256xf32, #tpu.memory_space<vmem>>, vector<16xf32>,
            %add3A_279 = arith.constant 16 : i32
            %add3A_280 = arith.addi %scan3A_204, %add3A_279 : i32
            %get3A_281 = arith.index_cast %add3A_280 : i32 to index
            %get3A_282 = arith.constant 96 : index
            %get3A_283 = tpu.vector_load %arg15[%get3A_281, %get3A_282] {strides = array<i32>} : memref<32x256xf32, #tpu.memory_space<vmem>>, vector<16xf32>,
            %mul3A_284 = arith.mulf %get3A_283, %broadcast_in_dim3A_225 : vector<16xf32>
            %swap3A_285 = arith.index_cast %reduce_max3A_217 : i32 to index
            %swap3A_286 = arith.constant 96 : index
            %swap3A_287 = tpu.vector_load %arg7[%swap3A_285, %swap3A_286] {strides = array<i32>} : memref<328x256xf32, #tpu.memory_space<vmem>>, vector<16xf32>,
            tpu.vector_store %arg7[%swap3A_285, %swap3A_286], %mul3A_284 {add = true, strides = array<i32>} : memref<328x256xf32, #tpu.memory_space<vmem>>, vector<16xf32>,
            %add3A_288 = arith.constant 16 : i32
            %add3A_289 = arith.addi %scan3A_204, %add3A_288 : i32
            %get3A_290 = arith.index_cast %add3A_289 : i32 to index
            %get3A_291 = arith.constant 112 : index
            %get3A_292 = tpu.vector_load %arg15[%get3A_290, %get3A_291] {strides = array<i32>} : memref<32x256xf32, #tpu.memory_space<vmem>>, vector<16xf32>,
            %mul3A_293 = arith.mulf %get3A_292, %broadcast_in_dim3A_225 : vector<16xf32>
            %swap3A_294 = arith.index_cast %reduce_max3A_217 : i32 to index
            %swap3A_295 = arith.constant 112 : index
            %swap3A_296 = tpu.vector_load %arg7[%swap3A_294, %swap3A_295] {strides = array<i32>} : memref<328x256xf32, #tpu.memory_space<vmem>>, vector<16xf32>,
            tpu.vector_store %arg7[%swap3A_294, %swap3A_295], %mul3A_293 {add = true, strides = array<i32>} : memref<328x256xf32, #tpu.memory_space<vmem>>, vector<16xf32>,
            %add3A_297 = arith.constant 16 : i32
            %add3A_298 = arith.addi %scan3A_204, %add3A_297 : i32
            %get3A_299 = arith.index_cast %add3A_298 : i32 to index
            %get3A_300 = arith.constant 128 : index
            %get3A_301 = tpu.vector_load %arg15[%get3A_299, %get3A_300] {strides = array<i32>} : memref<32x256xf32, #tpu.memory_space<vmem>>, vector<16xf32>,
            %mul3A_302 = arith.mulf %get3A_301, %broadcast_in_dim3A_225 : vector<16xf32>
            %swap3A_303 = arith.index_cast %reduce_max3A_217 : i32 to index
            %swap3A_304 = arith.constant 128 : index
            %swap3A_305 = tpu.vector_load %arg7[%swap3A_303, %swap3A_304] {strides = array<i32>} : memref<328x256xf32, #tpu.memory_space<vmem>>, vector<16xf32>,
            tpu.vector_store %arg7[%swap3A_303, %swap3A_304], %mul3A_302 {add = true, strides = array<i32>} : memref<328x256xf32, #tpu.memory_space<vmem>>, vector<16xf32>,
            %add3A_306 = arith.constant 16 : i32
            %add3A_307 = arith.addi %scan3A_204, %add3A_306 : i32
            %get3A_308 = arith.index_cast %add3A_307 : i32 to index
            %get3A_309 = arith.constant 144 : index
            %get3A_310 = tpu.vector_load %arg15[%get3A_308, %get3A_309] {strides = array<i32>} : memref<32x256xf32, #tpu.memory_space<vmem>>, vector<16xf32>,
            %mul3A_311 = arith.mulf %get3A_310, %broadcast_in_dim3A_225 : vector<16xf32>
            %swap3A_312 = arith.index_cast %reduce_max3A_217 : i32 to index
            %swap3A_313 = arith.constant 144 : index
            %swap3A_314 = tpu.vector_load %arg7[%swap3A_312, %swap3A_313] {strides = array<i32>} : memref<328x256xf32, #tpu.memory_space<vmem>>, vector<16xf32>,
            tpu.vector_store %arg7[%swap3A_312, %swap3A_313], %mul3A_311 {add = true, strides = array<i32>} : memref<328x256xf32, #tpu.memory_space<vmem>>, vector<16xf32>,
            %add3A_315 = arith.constant 16 : i32
            %add3A_316 = arith.addi %scan3A_204, %add3A_315 : i32
            %get3A_317 = arith.index_cast %add3A_316 : i32 to index
            %get3A_318 = arith.constant 160 : index
            %get3A_319 = tpu.vector_load %arg15[%get3A_317, %get3A_318] {strides = array<i32>} : memref<32x256xf32, #tpu.memory_space<vmem>>, vector<16xf32>,
            %mul3A_320 = arith.mulf %get3A_319, %broadcast_in_dim3A_225 : vector<16xf32>
            %swap3A_321 = arith.index_cast %reduce_max3A_217 : i32 to index
            %swap3A_322 = arith.constant 160 : index
            %swap3A_323 = tpu.vector_load %arg7[%swap3A_321, %swap3A_322] {strides = array<i32>} : memref<328x256xf32, #tpu.memory_space<vmem>>, vector<16xf32>,
            tpu.vector_store %arg7[%swap3A_321, %swap3A_322], %mul3A_320 {add = true, strides = array<i32>} : memref<328x256xf32, #tpu.memory_space<vmem>>, vector<16xf32>,
            %add3A_324 = arith.constant 16 : i32
            %add3A_325 = arith.addi %scan3A_204, %add3A_324 : i32
            %get3A_326 = arith.index_cast %add3A_325 : i32 to index
            %get3A_327 = arith.constant 176 : index
            %get3A_328 = tpu.vector_load %arg15[%get3A_326, %get3A_327] {strides = array<i32>} : memref<32x256xf32, #tpu.memory_space<vmem>>, vector<16xf32>,
            %mul3A_329 = arith.mulf %get3A_328, %broadcast_in_dim3A_225 : vector<16xf32>
            %swap3A_330 = arith.index_cast %reduce_max3A_217 : i32 to index
            %swap3A_331 = arith.constant 176 : index
            %swap3A_332 = tpu.vector_load %arg7[%swap3A_330, %swap3A_331] {strides = array<i32>} : memref<328x256xf32, #tpu.memory_space<vmem>>, vector<16xf32>,
            tpu.vector_store %arg7[%swap3A_330, %swap3A_331], %mul3A_329 {add = true, strides = array<i32>} : memref<328x256xf32, #tpu.memory_space<vmem>>, vector<16xf32>,
            %add3A_333 = arith.constant 16 : i32
            %add3A_334 = arith.addi %scan3A_204, %add3A_333 : i32
            %get3A_335 = arith.index_cast %add3A_334 : i32 to index
            %get3A_336 = arith.constant 192 : index
            %get3A_337 = tpu.vector_load %arg15[%get3A_335, %get3A_336] {strides = array<i32>} : memref<32x256xf32, #tpu.memory_space<vmem>>, vector<16xf32>,
            %mul3A_338 = arith.mulf %get3A_337, %broadcast_in_dim3A_225 : vector<16xf32>
            %swap3A_339 = arith.index_cast %reduce_max3A_217 : i32 to index
            %swap3A_340 = arith.constant 192 : index
            %swap3A_341 = tpu.vector_load %arg7[%swap3A_339, %swap3A_340] {strides = array<i32>} : memref<328x256xf32, #tpu.memory_space<vmem>>, vector<16xf32>,
            tpu.vector_store %arg7[%swap3A_339, %swap3A_340], %mul3A_338 {add = true, strides = array<i32>} : memref<328x256xf32, #tpu.memory_space<vmem>>, vector<16xf32>,
            %add3A_342 = arith.constant 16 : i32
            %add3A_343 = arith.addi %scan3A_204, %add3A_342 : i32
            %get3A_344 = arith.index_cast %add3A_343 : i32 to index
            %get3A_345 = arith.constant 208 : index
            %get3A_346 = tpu.vector_load %arg15[%get3A_344, %get3A_345] {strides = array<i32>} : memref<32x256xf32, #tpu.memory_space<vmem>>, vector<16xf32>,
            %mul3A_347 = arith.mulf %get3A_346, %broadcast_in_dim3A_225 : vector<16xf32>
            %swap3A_348 = arith.index_cast %reduce_max3A_217 : i32 to index
            %swap3A_349 = arith.constant 208 : index
            %swap3A_350 = tpu.vector_load %arg7[%swap3A_348, %swap3A_349] {strides = array<i32>} : memref<328x256xf32, #tpu.memory_space<vmem>>, vector<16xf32>,
            tpu.vector_store %arg7[%swap3A_348, %swap3A_349], %mul3A_347 {add = true, strides = array<i32>} : memref<328x256xf32, #tpu.memory_space<vmem>>, vector<16xf32>,
            %add3A_351 = arith.constant 16 : i32
            %add3A_352 = arith.addi %scan3A_204, %add3A_351 : i32
            %get3A_353 = arith.index_cast %add3A_352 : i32 to index
            %get3A_354 = arith.constant 224 : index
            %get3A_355 = tpu.vector_load %arg15[%get3A_353, %get3A_354] {strides = array<i32>} : memref<32x256xf32, #tpu.memory_space<vmem>>, vector<16xf32>,
            %mul3A_356 = arith.mulf %get3A_355, %broadcast_in_dim3A_225 : vector<16xf32>
            %swap3A_357 = arith.index_cast %reduce_max3A_217 : i32 to index
            %swap3A_358 = arith.constant 224 : index
            %swap3A_359 = tpu.vector_load %arg7[%swap3A_357, %swap3A_358] {strides = array<i32>} : memref<328x256xf32, #tpu.memory_space<vmem>>, vector<16xf32>,
            tpu.vector_store %arg7[%swap3A_357, %swap3A_358], %mul3A_356 {add = true, strides = array<i32>} : memref<328x256xf32, #tpu.memory_space<vmem>>, vector<16xf32>,
            %add3A_360 = arith.constant 16 : i32
            %add3A_361 = arith.addi %scan3A_204, %add3A_360 : i32
            %get3A_362 = arith.index_cast %add3A_361 : i32 to index
            %get3A_363 = arith.constant 240 : index
            %get3A_364 = tpu.vector_load %arg15[%get3A_362, %get3A_363] {strides = array<i32>} : memref<32x256xf32, #tpu.memory_space<vmem>>, vector<16xf32>,
            %mul3A_365 = arith.mulf %get3A_364, %broadcast_in_dim3A_225 : vector<16xf32>
            %swap3A_366 = arith.index_cast %reduce_max3A_217 : i32 to index
            %swap3A_367 = arith.constant 240 : index
            %swap3A_368 = tpu.vector_load %arg7[%swap3A_366, %swap3A_367] {strides = array<i32>} : memref<328x256xf32, #tpu.memory_space<vmem>>, vector<16xf32>,
            tpu.vector_store %arg7[%swap3A_366, %swap3A_367], %mul3A_365 {add = true, strides = array<i32>} : memref<328x256xf32, #tpu.memory_space<vmem>>, vector<16xf32>,
            %scan3A_369 = arith.constant 0 : i32
            scf.yield %scan3A_369 : i32
          }
          %scan3A_202 = arith.constant 16 : i32
          %while3A_203 = arith.constant 0 : i32
          scf.yield %while3A_203 : i32
        }
        %while3A_141 = arith.constant 1 : i32
        %while3A_142 = scf.for %while3A_144 = %while3A_138 to %while3A_134 step %while3A_141 iter_args(%while3A_145 = %while3A_140) -> (i32)  : i32 {
          %mul3A_146 = arith.constant 2 : i32
          %mul3A_147 = arith.muli %while3A_144, %mul3A_146 : i32
          %mul3A_148 = arith.constant 16 : i32
          %mul3A_149 = arith.muli %mul3A_147, %mul3A_148 : i32
          %add3A_150 = arith.constant 0 : i32
          %add3A_151 = arith.addi %mul3A_149, %add3A_150 : i32
          %add3A_152 = vector.broadcast %add3A_151 : i32 to vector<16xi32>
          %add3A_153 = arith.addi %add3A_152, %iota3A : vector<16xi32>
          %gather3A = tpu.vector_load_idx %arg11[%add3A_153] : memref<2592xi32, #tpu.memory_space<vmem>>[vector<16xi32>], vector<16xi32>,
          %swap3A_154 = arith.constant 0 : index
          %swap3A_155 = tpu.vector_load %arg14[%swap3A_154] {strides = array<i32>} : memref<32xi32, #tpu.memory_space<vmem>>, vector<16xi32>,
          tpu.vector_store %arg14[%swap3A_154], %gather3A {strides = array<i32>} : memref<32xi32, #tpu.memory_space<vmem>>, vector<16xi32>,
          %mul3A_156 = arith.constant 2 : i32
          %mul3A_157 = arith.muli %while3A_144, %mul3A_156 : i32
          %mul3A_158 = arith.constant 16 : i32
          %mul3A_159 = arith.muli %mul3A_157, %mul3A_158 : i32
          %add3A_160 = arith.constant 16 : i32
          %add3A_161 = arith.addi %mul3A_159, %add3A_160 : i32
          %add3A_162 = vector.broadcast %add3A_161 : i32 to vector<16xi32>
          %add3A_163 = arith.addi %add3A_162, %iota3A : vector<16xi32>
          %gather3A_164 = tpu.vector_load_idx %arg11[%add3A_163] : memref<2592xi32, #tpu.memory_space<vmem>>[vector<16xi32>], vector<16xi32>,
          %swap3A_165 = arith.constant 16 : index
          %swap3A_166 = tpu.vector_load %arg14[%swap3A_165] {strides = array<i32>} : memref<32xi32, #tpu.memory_space<vmem>>, vector<16xi32>,
          tpu.vector_store %arg14[%swap3A_165], %gather3A_164 {strides = array<i32>} : memref<32xi32, #tpu.memory_space<vmem>>, vector<16xi32>,
          %mul3A_167 = arith.constant 256 : i32
          %mul3A_168 = arith.muli %select_n3A_7, %mul3A_167 : i32
          "tpu.region"() ({
            %run_scoped3A_204 = tpu.sem_alloc : memref<!tpu.dma_semaphore, #tpu.memory_space<semaphore_mem>>
            %dma_start3A = arith.constant 0 : i32
            %dma_start3A_205 = tpu.memref_slice %arg2[%dma_start3A, %mul3A_168] : memref<10000x2048xf32, #tpu.memory_space<hbm>> -> memref<10000x256xf32, #tpu.memory_space<hbm>>
            tpu.enqueue_indirect_dma source(%dma_start3A_205 : memref<10000x256xf32, #tpu.memory_space<hbm>>) target(%arg15 : memref<32x256xf32, #tpu.memory_space<vmem>>) offsets(%arg14 : memref<32xi32, #tpu.memory_space<vmem>>) semaphore(%run_scoped3A_204 : memref<!tpu.dma_semaphore, #tpu.memory_space<semaphore_mem>>)
            %dma_wait3A = arith.constant 0 : i32
            %dma_wait3A_206 = tpu.memref_slice %arg2[%dma_wait3A, %mul3A_168] : memref<10000x2048xf32, #tpu.memory_space<hbm>> -> memref<10000x256xf32, #tpu.memory_space<hbm>>
            tpu.wait_indirect_dma semaphore(%run_scoped3A_204 : memref<!tpu.dma_semaphore, #tpu.memory_space<semaphore_mem>>) src(%dma_wait3A_206 : memref<10000x256xf32, #tpu.memory_space<hbm>>) dst(%arg15 : memref<32x256xf32, #tpu.memory_space<vmem>>)
            tpu.yield
          }) : () -> ()
          %mul3A_169 = arith.constant 2 : i32
          %mul3A_170 = arith.muli %while3A_144, %mul3A_169 : i32
          %mul3A_171 = arith.constant 16 : i32
          %mul3A_172 = arith.muli %mul3A_170, %mul3A_171 : i32
          %add3A_173 = arith.constant 0 : i32
          %add3A_174 = arith.addi %mul3A_172, %add3A_173 : i32
          %add3A_175 = vector.broadcast %add3A_174 : i32 to vector<16xi32>
          %add3A_176 = arith.addi %add3A_175, %iota3A : vector<16xi32>
          %gather3A_177 = tpu.vector_load_idx %arg12[%add3A_176] : memref<2592xi32, #tpu.memory_space<vmem>>[vector<16xi32>], vector<16xi32>,
          %gather3A_178 = tpu.vector_load_idx %arg13[%add3A_176] : memref<2592xf32, #tpu.memory_space<vmem>>[vector<16xi32>], vector<16xf32>,
          %scan3A_179 = arith.constant 0 : i32
          %scan3A_180 = arith.constant 0 : i32
          %scan3A_181 = arith.constant 16 : i32
          %scan3A_182 = arith.addi %scan3A_180, %scan3A_181 : i32
          %scan3A_183 = arith.constant 1 : i32
          %scan3A_184 = scf.for %scan3A_204 = %scan3A_180 to %scan3A_182 step %scan3A_183 iter_args(%scan3A_205 = %scan3A_179) -> (i32)  : i32 {
            %eq3A_206 = vector.broadcast %scan3A_204 : i32 to vector<16xi32>
            %eq3A_207 = arith.cmpi eq, %iota3A, %eq3A_206 : vector<16xi32>
            %jit3A_208 = arith.constant 0 : i32
            %broadcast_in_dim3A_209 = vector.broadcast %jit3A_208 : i32 to vector<16xi32>
            %select_n3A_210 = arith.select %eq3A_207, %gather3A_177, %broadcast_in_dim3A_209 : vector<16xi1>, vector<16xi32>
            %reduce_max3A = arith.constant true
            %reduce_max3A_211 = vector.broadcast %reduce_max3A : i1 to vector<16xi1>
            %reduce_max3A_212 = arith.constant -2147483648 : i32
            %reduce_max3A_213 = vector.broadcast %reduce_max3A_212 : i32 to vector<16xi32>
            %reduce_max3A_214 = arith.xori %select_n3A_210, %reduce_max3A_213 : vector<16xi32>
            %reduce_max3A_215 = tpu.scan <max>, %reduce_max3A_214 masked %reduce_max3A_211 : vector<16xi32>, vector<16xi1> -> vector<16xi32>
            %reduce_max3A_216 = arith.xori %reduce_max3A_215, %reduce_max3A_213 : vector<16xi32>
            %reduce_max3A_217 = vector.extract %reduce_max3A_216[15] : i32 from vector<16xi32>
            %jit3A_218 = arith.constant 0.000000e+00 : f32
            %broadcast_in_dim3A_219 = vector.broadcast %jit3A_218 : f32 to vector<16xf32>
            %select_n3A_220 = arith.select %eq3A_207, %gather3A_178, %broadcast_in_dim3A_219 : vector<16xi1>, vector<16xf32>
            %reduce_max3A_221 = arith.constant true
            %reduce_max3A_222 = vector.broadcast %reduce_max3A_221 : i1 to vector<16xi1>
            %reduce_max3A_223 = tpu.scan <max>, %select_n3A_220 masked %reduce_max3A_222 : vector<16xf32>, vector<16xi1> -> vector<16xf32>
            %reduce_max3A_224 = vector.extract %reduce_max3A_223[15] : f32 from vector<16xf32>
            %broadcast_in_dim3A_225 = vector.broadcast %reduce_max3A_224 : f32 to vector<16xf32>
            %add3A_226 = arith.constant 0 : i32
            %add3A_227 = arith.addi %scan3A_204, %add3A_226 : i32
            %get3A = arith.index_cast %add3A_227 : i32 to index
            %get3A_228 = arith.constant 0 : index
            %get3A_229 = tpu.vector_load %arg15[%get3A, %get3A_228] {strides = array<i32>} : memref<32x256xf32, #tpu.memory_space<vmem>>, vector<16xf32>,
            %mul3A_230 = arith.mulf %get3A_229, %broadcast_in_dim3A_225 : vector<16xf32>
            %swap3A_231 = arith.index_cast %reduce_max3A_217 : i32 to index
            %swap3A_232 = arith.constant 0 : index
            %swap3A_233 = tpu.vector_load %arg7[%swap3A_231, %swap3A_232] {strides = array<i32>} : memref<328x256xf32, #tpu.memory_space<vmem>>, vector<16xf32>,
            tpu.vector_store %arg7[%swap3A_231, %swap3A_232], %mul3A_230 {add = true, strides = array<i32>} : memref<328x256xf32, #tpu.memory_space<vmem>>, vector<16xf32>,
            %add3A_234 = arith.constant 0 : i32
            %add3A_235 = arith.addi %scan3A_204, %add3A_234 : i32
            %get3A_236 = arith.index_cast %add3A_235 : i32 to index
            %get3A_237 = arith.constant 16 : index
            %get3A_238 = tpu.vector_load %arg15[%get3A_236, %get3A_237] {strides = array<i32>} : memref<32x256xf32, #tpu.memory_space<vmem>>, vector<16xf32>,
            %mul3A_239 = arith.mulf %get3A_238, %broadcast_in_dim3A_225 : vector<16xf32>
            %swap3A_240 = arith.index_cast %reduce_max3A_217 : i32 to index
            %swap3A_241 = arith.constant 16 : index
            %swap3A_242 = tpu.vector_load %arg7[%swap3A_240, %swap3A_241] {strides = array<i32>} : memref<328x256xf32, #tpu.memory_space<vmem>>, vector<16xf32>,
            tpu.vector_store %arg7[%swap3A_240, %swap3A_241], %mul3A_239 {add = true, strides = array<i32>} : memref<328x256xf32, #tpu.memory_space<vmem>>, vector<16xf32>,
            %add3A_243 = arith.constant 0 : i32
            %add3A_244 = arith.addi %scan3A_204, %add3A_243 : i32
            %get3A_245 = arith.index_cast %add3A_244 : i32 to index
            %get3A_246 = arith.constant 32 : index
            %get3A_247 = tpu.vector_load %arg15[%get3A_245, %get3A_246] {strides = array<i32>} : memref<32x256xf32, #tpu.memory_space<vmem>>, vector<16xf32>,
            %mul3A_248 = arith.mulf %get3A_247, %broadcast_in_dim3A_225 : vector<16xf32>
            %swap3A_249 = arith.index_cast %reduce_max3A_217 : i32 to index
            %swap3A_250 = arith.constant 32 : index
            %swap3A_251 = tpu.vector_load %arg7[%swap3A_249, %swap3A_250] {strides = array<i32>} : memref<328x256xf32, #tpu.memory_space<vmem>>, vector<16xf32>,
            tpu.vector_store %arg7[%swap3A_249, %swap3A_250], %mul3A_248 {add = true, strides = array<i32>} : memref<328x256xf32, #tpu.memory_space<vmem>>, vector<16xf32>,
            %add3A_252 = arith.constant 0 : i32
            %add3A_253 = arith.addi %scan3A_204, %add3A_252 : i32
            %get3A_254 = arith.index_cast %add3A_253 : i32 to index
            %get3A_255 = arith.constant 48 : index
            %get3A_256 = tpu.vector_load %arg15[%get3A_254, %get3A_255] {strides = array<i32>} : memref<32x256xf32, #tpu.memory_space<vmem>>, vector<16xf32>,
            %mul3A_257 = arith.mulf %get3A_256, %broadcast_in_dim3A_225 : vector<16xf32>
            %swap3A_258 = arith.index_cast %reduce_max3A_217 : i32 to index
            %swap3A_259 = arith.constant 48 : index
            %swap3A_260 = tpu.vector_load %arg7[%swap3A_258, %swap3A_259] {strides = array<i32>} : memref<328x256xf32, #tpu.memory_space<vmem>>, vector<16xf32>,
            tpu.vector_store %arg7[%swap3A_258, %swap3A_259], %mul3A_257 {add = true, strides = array<i32>} : memref<328x256xf32, #tpu.memory_space<vmem>>, vector<16xf32>,
            %add3A_261 = arith.constant 0 : i32
            %add3A_262 = arith.addi %scan3A_204, %add3A_261 : i32
            %get3A_263 = arith.index_cast %add3A_262 : i32 to index
            %get3A_264 = arith.constant 64 : index
            %get3A_265 = tpu.vector_load %arg15[%get3A_263, %get3A_264] {strides = array<i32>} : memref<32x256xf32, #tpu.memory_space<vmem>>, vector<16xf32>,
            %mul3A_266 = arith.mulf %get3A_265, %broadcast_in_dim3A_225 : vector<16xf32>
            %swap3A_267 = arith.index_cast %reduce_max3A_217 : i32 to index
            %swap3A_268 = arith.constant 64 : index
            %swap3A_269 = tpu.vector_load %arg7[%swap3A_267, %swap3A_268] {strides = array<i32>} : memref<328x256xf32, #tpu.memory_space<vmem>>, vector<16xf32>,
            tpu.vector_store %arg7[%swap3A_267, %swap3A_268], %mul3A_266 {add = true, strides = array<i32>} : memref<328x256xf32, #tpu.memory_space<vmem>>, vector<16xf32>,
            %add3A_270 = arith.constant 0 : i32
            %add3A_271 = arith.addi %scan3A_204, %add3A_270 : i32
            %get3A_272 = arith.index_cast %add3A_271 : i32 to index
            %get3A_273 = arith.constant 80 : index
            %get3A_274 = tpu.vector_load %arg15[%get3A_272, %get3A_273] {strides = array<i32>} : memref<32x256xf32, #tpu.memory_space<vmem>>, vector<16xf32>,
            %mul3A_275 = arith.mulf %get3A_274, %broadcast_in_dim3A_225 : vector<16xf32>
            %swap3A_276 = arith.index_cast %reduce_max3A_217 : i32 to index
            %swap3A_277 = arith.constant 80 : index
            %swap3A_278 = tpu.vector_load %arg7[%swap3A_276, %swap3A_277] {strides = array<i32>} : memref<328x256xf32, #tpu.memory_space<vmem>>, vector<16xf32>,
            tpu.vector_store %arg7[%swap3A_276, %swap3A_277], %mul3A_275 {add = true, strides = array<i32>} : memref<328x256xf32, #tpu.memory_space<vmem>>, vector<16xf32>,
            %add3A_279 = arith.constant 0 : i32
            %add3A_280 = arith.addi %scan3A_204, %add3A_279 : i32
            %get3A_281 = arith.index_cast %add3A_280 : i32 to index
            %get3A_282 = arith.constant 96 : index
            %get3A_283 = tpu.vector_load %arg15[%get3A_281, %get3A_282] {strides = array<i32>} : memref<32x256xf32, #tpu.memory_space<vmem>>, vector<16xf32>,
            %mul3A_284 = arith.mulf %get3A_283, %broadcast_in_dim3A_225 : vector<16xf32>
            %swap3A_285 = arith.index_cast %reduce_max3A_217 : i32 to index
            %swap3A_286 = arith.constant 96 : index
            %swap3A_287 = tpu.vector_load %arg7[%swap3A_285, %swap3A_286] {strides = array<i32>} : memref<328x256xf32, #tpu.memory_space<vmem>>, vector<16xf32>,
            tpu.vector_store %arg7[%swap3A_285, %swap3A_286], %mul3A_284 {add = true, strides = array<i32>} : memref<328x256xf32, #tpu.memory_space<vmem>>, vector<16xf32>,
            %add3A_288 = arith.constant 0 : i32
            %add3A_289 = arith.addi %scan3A_204, %add3A_288 : i32
            %get3A_290 = arith.index_cast %add3A_289 : i32 to index
            %get3A_291 = arith.constant 112 : index
            %get3A_292 = tpu.vector_load %arg15[%get3A_290, %get3A_291] {strides = array<i32>} : memref<32x256xf32, #tpu.memory_space<vmem>>, vector<16xf32>,
            %mul3A_293 = arith.mulf %get3A_292, %broadcast_in_dim3A_225 : vector<16xf32>
            %swap3A_294 = arith.index_cast %reduce_max3A_217 : i32 to index
            %swap3A_295 = arith.constant 112 : index
            %swap3A_296 = tpu.vector_load %arg7[%swap3A_294, %swap3A_295] {strides = array<i32>} : memref<328x256xf32, #tpu.memory_space<vmem>>, vector<16xf32>,
            tpu.vector_store %arg7[%swap3A_294, %swap3A_295], %mul3A_293 {add = true, strides = array<i32>} : memref<328x256xf32, #tpu.memory_space<vmem>>, vector<16xf32>,
            %add3A_297 = arith.constant 0 : i32
            %add3A_298 = arith.addi %scan3A_204, %add3A_297 : i32
            %get3A_299 = arith.index_cast %add3A_298 : i32 to index
            %get3A_300 = arith.constant 128 : index
            %get3A_301 = tpu.vector_load %arg15[%get3A_299, %get3A_300] {strides = array<i32>} : memref<32x256xf32, #tpu.memory_space<vmem>>, vector<16xf32>,
            %mul3A_302 = arith.mulf %get3A_301, %broadcast_in_dim3A_225 : vector<16xf32>
            %swap3A_303 = arith.index_cast %reduce_max3A_217 : i32 to index
            %swap3A_304 = arith.constant 128 : index
            %swap3A_305 = tpu.vector_load %arg7[%swap3A_303, %swap3A_304] {strides = array<i32>} : memref<328x256xf32, #tpu.memory_space<vmem>>, vector<16xf32>,
            tpu.vector_store %arg7[%swap3A_303, %swap3A_304], %mul3A_302 {add = true, strides = array<i32>} : memref<328x256xf32, #tpu.memory_space<vmem>>, vector<16xf32>,
            %add3A_306 = arith.constant 0 : i32
            %add3A_307 = arith.addi %scan3A_204, %add3A_306 : i32
            %get3A_308 = arith.index_cast %add3A_307 : i32 to index
            %get3A_309 = arith.constant 144 : index
            %get3A_310 = tpu.vector_load %arg15[%get3A_308, %get3A_309] {strides = array<i32>} : memref<32x256xf32, #tpu.memory_space<vmem>>, vector<16xf32>,
            %mul3A_311 = arith.mulf %get3A_310, %broadcast_in_dim3A_225 : vector<16xf32>
            %swap3A_312 = arith.index_cast %reduce_max3A_217 : i32 to index
            %swap3A_313 = arith.constant 144 : index
            %swap3A_314 = tpu.vector_load %arg7[%swap3A_312, %swap3A_313] {strides = array<i32>} : memref<328x256xf32, #tpu.memory_space<vmem>>, vector<16xf32>,
            tpu.vector_store %arg7[%swap3A_312, %swap3A_313], %mul3A_311 {add = true, strides = array<i32>} : memref<328x256xf32, #tpu.memory_space<vmem>>, vector<16xf32>,
            %add3A_315 = arith.constant 0 : i32
            %add3A_316 = arith.addi %scan3A_204, %add3A_315 : i32
            %get3A_317 = arith.index_cast %add3A_316 : i32 to index
            %get3A_318 = arith.constant 160 : index
            %get3A_319 = tpu.vector_load %arg15[%get3A_317, %get3A_318] {strides = array<i32>} : memref<32x256xf32, #tpu.memory_space<vmem>>, vector<16xf32>,
            %mul3A_320 = arith.mulf %get3A_319, %broadcast_in_dim3A_225 : vector<16xf32>
            %swap3A_321 = arith.index_cast %reduce_max3A_217 : i32 to index
            %swap3A_322 = arith.constant 160 : index
            %swap3A_323 = tpu.vector_load %arg7[%swap3A_321, %swap3A_322] {strides = array<i32>} : memref<328x256xf32, #tpu.memory_space<vmem>>, vector<16xf32>,
            tpu.vector_store %arg7[%swap3A_321, %swap3A_322], %mul3A_320 {add = true, strides = array<i32>} : memref<328x256xf32, #tpu.memory_space<vmem>>, vector<16xf32>,
            %add3A_324 = arith.constant 0 : i32
            %add3A_325 = arith.addi %scan3A_204, %add3A_324 : i32
            %get3A_326 = arith.index_cast %add3A_325 : i32 to index
            %get3A_327 = arith.constant 176 : index
            %get3A_328 = tpu.vector_load %arg15[%get3A_326, %get3A_327] {strides = array<i32>} : memref<32x256xf32, #tpu.memory_space<vmem>>, vector<16xf32>,
            %mul3A_329 = arith.mulf %get3A_328, %broadcast_in_dim3A_225 : vector<16xf32>
            %swap3A_330 = arith.index_cast %reduce_max3A_217 : i32 to index
            %swap3A_331 = arith.constant 176 : index
            %swap3A_332 = tpu.vector_load %arg7[%swap3A_330, %swap3A_331] {strides = array<i32>} : memref<328x256xf32, #tpu.memory_space<vmem>>, vector<16xf32>,
            tpu.vector_store %arg7[%swap3A_330, %swap3A_331], %mul3A_329 {add = true, strides = array<i32>} : memref<328x256xf32, #tpu.memory_space<vmem>>, vector<16xf32>,
            %add3A_333 = arith.constant 0 : i32
            %add3A_334 = arith.addi %scan3A_204, %add3A_333 : i32
            %get3A_335 = arith.index_cast %add3A_334 : i32 to index
            %get3A_336 = arith.constant 192 : index
            %get3A_337 = tpu.vector_load %arg15[%get3A_335, %get3A_336] {strides = array<i32>} : memref<32x256xf32, #tpu.memory_space<vmem>>, vector<16xf32>,
            %mul3A_338 = arith.mulf %get3A_337, %broadcast_in_dim3A_225 : vector<16xf32>
            %swap3A_339 = arith.index_cast %reduce_max3A_217 : i32 to index
            %swap3A_340 = arith.constant 192 : index
            %swap3A_341 = tpu.vector_load %arg7[%swap3A_339, %swap3A_340] {strides = array<i32>} : memref<328x256xf32, #tpu.memory_space<vmem>>, vector<16xf32>,
            tpu.vector_store %arg7[%swap3A_339, %swap3A_340], %mul3A_338 {add = true, strides = array<i32>} : memref<328x256xf32, #tpu.memory_space<vmem>>, vector<16xf32>,
            %add3A_342 = arith.constant 0 : i32
            %add3A_343 = arith.addi %scan3A_204, %add3A_342 : i32
            %get3A_344 = arith.index_cast %add3A_343 : i32 to index
            %get3A_345 = arith.constant 208 : index
            %get3A_346 = tpu.vector_load %arg15[%get3A_344, %get3A_345] {strides = array<i32>} : memref<32x256xf32, #tpu.memory_space<vmem>>, vector<16xf32>,
            %mul3A_347 = arith.mulf %get3A_346, %broadcast_in_dim3A_225 : vector<16xf32>
            %swap3A_348 = arith.index_cast %reduce_max3A_217 : i32 to index
            %swap3A_349 = arith.constant 208 : index
            %swap3A_350 = tpu.vector_load %arg7[%swap3A_348, %swap3A_349] {strides = array<i32>} : memref<328x256xf32, #tpu.memory_space<vmem>>, vector<16xf32>,
            tpu.vector_store %arg7[%swap3A_348, %swap3A_349], %mul3A_347 {add = true, strides = array<i32>} : memref<328x256xf32, #tpu.memory_space<vmem>>, vector<16xf32>,
            %add3A_351 = arith.constant 0 : i32
            %add3A_352 = arith.addi %scan3A_204, %add3A_351 : i32
            %get3A_353 = arith.index_cast %add3A_352 : i32 to index
            %get3A_354 = arith.constant 224 : index
            %get3A_355 = tpu.vector_load %arg15[%get3A_353, %get3A_354] {strides = array<i32>} : memref<32x256xf32, #tpu.memory_space<vmem>>, vector<16xf32>,
            %mul3A_356 = arith.mulf %get3A_355, %broadcast_in_dim3A_225 : vector<16xf32>
            %swap3A_357 = arith.index_cast %reduce_max3A_217 : i32 to index
            %swap3A_358 = arith.constant 224 : index
            %swap3A_359 = tpu.vector_load %arg7[%swap3A_357, %swap3A_358] {strides = array<i32>} : memref<328x256xf32, #tpu.memory_space<vmem>>, vector<16xf32>,
            tpu.vector_store %arg7[%swap3A_357, %swap3A_358], %mul3A_356 {add = true, strides = array<i32>} : memref<328x256xf32, #tpu.memory_space<vmem>>, vector<16xf32>,
            %add3A_360 = arith.constant 0 : i32
            %add3A_361 = arith.addi %scan3A_204, %add3A_360 : i32
            %get3A_362 = arith.index_cast %add3A_361 : i32 to index
            %get3A_363 = arith.constant 240 : index
            %get3A_364 = tpu.vector_load %arg15[%get3A_362, %get3A_363] {strides = array<i32>} : memref<32x256xf32, #tpu.memory_space<vmem>>, vector<16xf32>,
            %mul3A_365 = arith.mulf %get3A_364, %broadcast_in_dim3A_225 : vector<16xf32>
            %swap3A_366 = arith.index_cast %reduce_max3A_217 : i32 to index
            %swap3A_367 = arith.constant 240 : index
            %swap3A_368 = tpu.vector_load %arg7[%swap3A_366, %swap3A_367] {strides = array<i32>} : memref<328x256xf32, #tpu.memory_space<vmem>>, vector<16xf32>,
            tpu.vector_store %arg7[%swap3A_366, %swap3A_367], %mul3A_365 {add = true, strides = array<i32>} : memref<328x256xf32, #tpu.memory_space<vmem>>, vector<16xf32>,
            %scan3A_369 = arith.constant 0 : i32
            scf.yield %scan3A_369 : i32
          }
          %scan3A_185 = arith.constant 16 : i32
          %mul3A_186 = arith.constant 2 : i32
          %mul3A_187 = arith.muli %while3A_144, %mul3A_186 : i32
          %mul3A_188 = arith.constant 16 : i32
          %mul3A_189 = arith.muli %mul3A_187, %mul3A_188 : i32
          %add3A_190 = arith.constant 16 : i32
          %add3A_191 = arith.addi %mul3A_189, %add3A_190 : i32
          %add3A_192 = vector.broadcast %add3A_191 : i32 to vector<16xi32>
          %add3A_193 = arith.addi %add3A_192, %iota3A : vector<16xi32>
          %gather3A_194 = tpu.vector_load_idx %arg12[%add3A_193] : memref<2592xi32, #tpu.memory_space<vmem>>[vector<16xi32>], vector<16xi32>,
          %gather3A_195 = tpu.vector_load_idx %arg13[%add3A_193] : memref<2592xf32, #tpu.memory_space<vmem>>[vector<16xi32>], vector<16xf32>,
          %scan3A_196 = arith.constant 0 : i32
          %scan3A_197 = arith.constant 0 : i32
          %scan3A_198 = arith.constant 16 : i32
          %scan3A_199 = arith.addi %scan3A_197, %scan3A_198 : i32
          %scan3A_200 = arith.constant 1 : i32
          %scan3A_201 = scf.for %scan3A_204 = %scan3A_197 to %scan3A_199 step %scan3A_200 iter_args(%scan3A_205 = %scan3A_196) -> (i32)  : i32 {
            %eq3A_206 = vector.broadcast %scan3A_204 : i32 to vector<16xi32>
            %eq3A_207 = arith.cmpi eq, %iota3A, %eq3A_206 : vector<16xi32>
            %jit3A_208 = arith.constant 0 : i32
            %broadcast_in_dim3A_209 = vector.broadcast %jit3A_208 : i32 to vector<16xi32>
            %select_n3A_210 = arith.select %eq3A_207, %gather3A_194, %broadcast_in_dim3A_209 : vector<16xi1>, vector<16xi32>
            %reduce_max3A = arith.constant true
            %reduce_max3A_211 = vector.broadcast %reduce_max3A : i1 to vector<16xi1>
            %reduce_max3A_212 = arith.constant -2147483648 : i32
            %reduce_max3A_213 = vector.broadcast %reduce_max3A_212 : i32 to vector<16xi32>
            %reduce_max3A_214 = arith.xori %select_n3A_210, %reduce_max3A_213 : vector<16xi32>
            %reduce_max3A_215 = tpu.scan <max>, %reduce_max3A_214 masked %reduce_max3A_211 : vector<16xi32>, vector<16xi1> -> vector<16xi32>
            %reduce_max3A_216 = arith.xori %reduce_max3A_215, %reduce_max3A_213 : vector<16xi32>
            %reduce_max3A_217 = vector.extract %reduce_max3A_216[15] : i32 from vector<16xi32>
            %jit3A_218 = arith.constant 0.000000e+00 : f32
            %broadcast_in_dim3A_219 = vector.broadcast %jit3A_218 : f32 to vector<16xf32>
            %select_n3A_220 = arith.select %eq3A_207, %gather3A_195, %broadcast_in_dim3A_219 : vector<16xi1>, vector<16xf32>
            %reduce_max3A_221 = arith.constant true
            %reduce_max3A_222 = vector.broadcast %reduce_max3A_221 : i1 to vector<16xi1>
            %reduce_max3A_223 = tpu.scan <max>, %select_n3A_220 masked %reduce_max3A_222 : vector<16xf32>, vector<16xi1> -> vector<16xf32>
            %reduce_max3A_224 = vector.extract %reduce_max3A_223[15] : f32 from vector<16xf32>
            %broadcast_in_dim3A_225 = vector.broadcast %reduce_max3A_224 : f32 to vector<16xf32>
            %add3A_226 = arith.constant 16 : i32
            %add3A_227 = arith.addi %scan3A_204, %add3A_226 : i32
            %get3A = arith.index_cast %add3A_227 : i32 to index
            %get3A_228 = arith.constant 0 : index
            %get3A_229 = tpu.vector_load %arg15[%get3A, %get3A_228] {strides = array<i32>} : memref<32x256xf32, #tpu.memory_space<vmem>>, vector<16xf32>,
            %mul3A_230 = arith.mulf %get3A_229, %broadcast_in_dim3A_225 : vector<16xf32>
            %swap3A_231 = arith.index_cast %reduce_max3A_217 : i32 to index
            %swap3A_232 = arith.constant 0 : index
            %swap3A_233 = tpu.vector_load %arg7[%swap3A_231, %swap3A_232] {strides = array<i32>} : memref<328x256xf32, #tpu.memory_space<vmem>>, vector<16xf32>,
            tpu.vector_store %arg7[%swap3A_231, %swap3A_232], %mul3A_230 {add = true, strides = array<i32>} : memref<328x256xf32, #tpu.memory_space<vmem>>, vector<16xf32>,
            %add3A_234 = arith.constant 16 : i32
            %add3A_235 = arith.addi %scan3A_204, %add3A_234 : i32
            %get3A_236 = arith.index_cast %add3A_235 : i32 to index
            %get3A_237 = arith.constant 16 : index
            %get3A_238 = tpu.vector_load %arg15[%get3A_236, %get3A_237] {strides = array<i32>} : memref<32x256xf32, #tpu.memory_space<vmem>>, vector<16xf32>,
            %mul3A_239 = arith.mulf %get3A_238, %broadcast_in_dim3A_225 : vector<16xf32>
            %swap3A_240 = arith.index_cast %reduce_max3A_217 : i32 to index
            %swap3A_241 = arith.constant 16 : index
            %swap3A_242 = tpu.vector_load %arg7[%swap3A_240, %swap3A_241] {strides = array<i32>} : memref<328x256xf32, #tpu.memory_space<vmem>>, vector<16xf32>,
            tpu.vector_store %arg7[%swap3A_240, %swap3A_241], %mul3A_239 {add = true, strides = array<i32>} : memref<328x256xf32, #tpu.memory_space<vmem>>, vector<16xf32>,
            %add3A_243 = arith.constant 16 : i32
            %add3A_244 = arith.addi %scan3A_204, %add3A_243 : i32
            %get3A_245 = arith.index_cast %add3A_244 : i32 to index
            %get3A_246 = arith.constant 32 : index
            %get3A_247 = tpu.vector_load %arg15[%get3A_245, %get3A_246] {strides = array<i32>} : memref<32x256xf32, #tpu.memory_space<vmem>>, vector<16xf32>,
            %mul3A_248 = arith.mulf %get3A_247, %broadcast_in_dim3A_225 : vector<16xf32>
            %swap3A_249 = arith.index_cast %reduce_max3A_217 : i32 to index
            %swap3A_250 = arith.constant 32 : index
            %swap3A_251 = tpu.vector_load %arg7[%swap3A_249, %swap3A_250] {strides = array<i32>} : memref<328x256xf32, #tpu.memory_space<vmem>>, vector<16xf32>,
            tpu.vector_store %arg7[%swap3A_249, %swap3A_250], %mul3A_248 {add = true, strides = array<i32>} : memref<328x256xf32, #tpu.memory_space<vmem>>, vector<16xf32>,
            %add3A_252 = arith.constant 16 : i32
            %add3A_253 = arith.addi %scan3A_204, %add3A_252 : i32
            %get3A_254 = arith.index_cast %add3A_253 : i32 to index
            %get3A_255 = arith.constant 48 : index
            %get3A_256 = tpu.vector_load %arg15[%get3A_254, %get3A_255] {strides = array<i32>} : memref<32x256xf32, #tpu.memory_space<vmem>>, vector<16xf32>,
            %mul3A_257 = arith.mulf %get3A_256, %broadcast_in_dim3A_225 : vector<16xf32>
            %swap3A_258 = arith.index_cast %reduce_max3A_217 : i32 to index
            %swap3A_259 = arith.constant 48 : index
            %swap3A_260 = tpu.vector_load %arg7[%swap3A_258, %swap3A_259] {strides = array<i32>} : memref<328x256xf32, #tpu.memory_space<vmem>>, vector<16xf32>,
            tpu.vector_store %arg7[%swap3A_258, %swap3A_259], %mul3A_257 {add = true, strides = array<i32>} : memref<328x256xf32, #tpu.memory_space<vmem>>, vector<16xf32>,
            %add3A_261 = arith.constant 16 : i32
            %add3A_262 = arith.addi %scan3A_204, %add3A_261 : i32
            %get3A_263 = arith.index_cast %add3A_262 : i32 to index
            %get3A_264 = arith.constant 64 : index
            %get3A_265 = tpu.vector_load %arg15[%get3A_263, %get3A_264] {strides = array<i32>} : memref<32x256xf32, #tpu.memory_space<vmem>>, vector<16xf32>,
            %mul3A_266 = arith.mulf %get3A_265, %broadcast_in_dim3A_225 : vector<16xf32>
            %swap3A_267 = arith.index_cast %reduce_max3A_217 : i32 to index
            %swap3A_268 = arith.constant 64 : index
            %swap3A_269 = tpu.vector_load %arg7[%swap3A_267, %swap3A_268] {strides = array<i32>} : memref<328x256xf32, #tpu.memory_space<vmem>>, vector<16xf32>,
            tpu.vector_store %arg7[%swap3A_267, %swap3A_268], %mul3A_266 {add = true, strides = array<i32>} : memref<328x256xf32, #tpu.memory_space<vmem>>, vector<16xf32>,
            %add3A_270 = arith.constant 16 : i32
            %add3A_271 = arith.addi %scan3A_204, %add3A_270 : i32
            %get3A_272 = arith.index_cast %add3A_271 : i32 to index
            %get3A_273 = arith.constant 80 : index
            %get3A_274 = tpu.vector_load %arg15[%get3A_272, %get3A_273] {strides = array<i32>} : memref<32x256xf32, #tpu.memory_space<vmem>>, vector<16xf32>,
            %mul3A_275 = arith.mulf %get3A_274, %broadcast_in_dim3A_225 : vector<16xf32>
            %swap3A_276 = arith.index_cast %reduce_max3A_217 : i32 to index
            %swap3A_277 = arith.constant 80 : index
            %swap3A_278 = tpu.vector_load %arg7[%swap3A_276, %swap3A_277] {strides = array<i32>} : memref<328x256xf32, #tpu.memory_space<vmem>>, vector<16xf32>,
            tpu.vector_store %arg7[%swap3A_276, %swap3A_277], %mul3A_275 {add = true, strides = array<i32>} : memref<328x256xf32, #tpu.memory_space<vmem>>, vector<16xf32>,
            %add3A_279 = arith.constant 16 : i32
            %add3A_280 = arith.addi %scan3A_204, %add3A_279 : i32
            %get3A_281 = arith.index_cast %add3A_280 : i32 to index
            %get3A_282 = arith.constant 96 : index
            %get3A_283 = tpu.vector_load %arg15[%get3A_281, %get3A_282] {strides = array<i32>} : memref<32x256xf32, #tpu.memory_space<vmem>>, vector<16xf32>,
            %mul3A_284 = arith.mulf %get3A_283, %broadcast_in_dim3A_225 : vector<16xf32>
            %swap3A_285 = arith.index_cast %reduce_max3A_217 : i32 to index
            %swap3A_286 = arith.constant 96 : index
            %swap3A_287 = tpu.vector_load %arg7[%swap3A_285, %swap3A_286] {strides = array<i32>} : memref<328x256xf32, #tpu.memory_space<vmem>>, vector<16xf32>,
            tpu.vector_store %arg7[%swap3A_285, %swap3A_286], %mul3A_284 {add = true, strides = array<i32>} : memref<328x256xf32, #tpu.memory_space<vmem>>, vector<16xf32>,
            %add3A_288 = arith.constant 16 : i32
            %add3A_289 = arith.addi %scan3A_204, %add3A_288 : i32
            %get3A_290 = arith.index_cast %add3A_289 : i32 to index
            %get3A_291 = arith.constant 112 : index
            %get3A_292 = tpu.vector_load %arg15[%get3A_290, %get3A_291] {strides = array<i32>} : memref<32x256xf32, #tpu.memory_space<vmem>>, vector<16xf32>,
            %mul3A_293 = arith.mulf %get3A_292, %broadcast_in_dim3A_225 : vector<16xf32>
            %swap3A_294 = arith.index_cast %reduce_max3A_217 : i32 to index
            %swap3A_295 = arith.constant 112 : index
            %swap3A_296 = tpu.vector_load %arg7[%swap3A_294, %swap3A_295] {strides = array<i32>} : memref<328x256xf32, #tpu.memory_space<vmem>>, vector<16xf32>,
            tpu.vector_store %arg7[%swap3A_294, %swap3A_295], %mul3A_293 {add = true, strides = array<i32>} : memref<328x256xf32, #tpu.memory_space<vmem>>, vector<16xf32>,
            %add3A_297 = arith.constant 16 : i32
            %add3A_298 = arith.addi %scan3A_204, %add3A_297 : i32
            %get3A_299 = arith.index_cast %add3A_298 : i32 to index
            %get3A_300 = arith.constant 128 : index
            %get3A_301 = tpu.vector_load %arg15[%get3A_299, %get3A_300] {strides = array<i32>} : memref<32x256xf32, #tpu.memory_space<vmem>>, vector<16xf32>,
            %mul3A_302 = arith.mulf %get3A_301, %broadcast_in_dim3A_225 : vector<16xf32>
            %swap3A_303 = arith.index_cast %reduce_max3A_217 : i32 to index
            %swap3A_304 = arith.constant 128 : index
            %swap3A_305 = tpu.vector_load %arg7[%swap3A_303, %swap3A_304] {strides = array<i32>} : memref<328x256xf32, #tpu.memory_space<vmem>>, vector<16xf32>,
            tpu.vector_store %arg7[%swap3A_303, %swap3A_304], %mul3A_302 {add = true, strides = array<i32>} : memref<328x256xf32, #tpu.memory_space<vmem>>, vector<16xf32>,
            %add3A_306 = arith.constant 16 : i32
            %add3A_307 = arith.addi %scan3A_204, %add3A_306 : i32
            %get3A_308 = arith.index_cast %add3A_307 : i32 to index
            %get3A_309 = arith.constant 144 : index
            %get3A_310 = tpu.vector_load %arg15[%get3A_308, %get3A_309] {strides = array<i32>} : memref<32x256xf32, #tpu.memory_space<vmem>>, vector<16xf32>,
            %mul3A_311 = arith.mulf %get3A_310, %broadcast_in_dim3A_225 : vector<16xf32>
            %swap3A_312 = arith.index_cast %reduce_max3A_217 : i32 to index
            %swap3A_313 = arith.constant 144 : index
            %swap3A_314 = tpu.vector_load %arg7[%swap3A_312, %swap3A_313] {strides = array<i32>} : memref<328x256xf32, #tpu.memory_space<vmem>>, vector<16xf32>,
            tpu.vector_store %arg7[%swap3A_312, %swap3A_313], %mul3A_311 {add = true, strides = array<i32>} : memref<328x256xf32, #tpu.memory_space<vmem>>, vector<16xf32>,
            %add3A_315 = arith.constant 16 : i32
            %add3A_316 = arith.addi %scan3A_204, %add3A_315 : i32
            %get3A_317 = arith.index_cast %add3A_316 : i32 to index
            %get3A_318 = arith.constant 160 : index
            %get3A_319 = tpu.vector_load %arg15[%get3A_317, %get3A_318] {strides = array<i32>} : memref<32x256xf32, #tpu.memory_space<vmem>>, vector<16xf32>,
            %mul3A_320 = arith.mulf %get3A_319, %broadcast_in_dim3A_225 : vector<16xf32>
            %swap3A_321 = arith.index_cast %reduce_max3A_217 : i32 to index
            %swap3A_322 = arith.constant 160 : index
            %swap3A_323 = tpu.vector_load %arg7[%swap3A_321, %swap3A_322] {strides = array<i32>} : memref<328x256xf32, #tpu.memory_space<vmem>>, vector<16xf32>,
            tpu.vector_store %arg7[%swap3A_321, %swap3A_322], %mul3A_320 {add = true, strides = array<i32>} : memref<328x256xf32, #tpu.memory_space<vmem>>, vector<16xf32>,
            %add3A_324 = arith.constant 16 : i32
            %add3A_325 = arith.addi %scan3A_204, %add3A_324 : i32
            %get3A_326 = arith.index_cast %add3A_325 : i32 to index
            %get3A_327 = arith.constant 176 : index
            %get3A_328 = tpu.vector_load %arg15[%get3A_326, %get3A_327] {strides = array<i32>} : memref<32x256xf32, #tpu.memory_space<vmem>>, vector<16xf32>,
            %mul3A_329 = arith.mulf %get3A_328, %broadcast_in_dim3A_225 : vector<16xf32>
            %swap3A_330 = arith.index_cast %reduce_max3A_217 : i32 to index
            %swap3A_331 = arith.constant 176 : index
            %swap3A_332 = tpu.vector_load %arg7[%swap3A_330, %swap3A_331] {strides = array<i32>} : memref<328x256xf32, #tpu.memory_space<vmem>>, vector<16xf32>,
            tpu.vector_store %arg7[%swap3A_330, %swap3A_331], %mul3A_329 {add = true, strides = array<i32>} : memref<328x256xf32, #tpu.memory_space<vmem>>, vector<16xf32>,
            %add3A_333 = arith.constant 16 : i32
            %add3A_334 = arith.addi %scan3A_204, %add3A_333 : i32
            %get3A_335 = arith.index_cast %add3A_334 : i32 to index
            %get3A_336 = arith.constant 192 : index
            %get3A_337 = tpu.vector_load %arg15[%get3A_335, %get3A_336] {strides = array<i32>} : memref<32x256xf32, #tpu.memory_space<vmem>>, vector<16xf32>,
            %mul3A_338 = arith.mulf %get3A_337, %broadcast_in_dim3A_225 : vector<16xf32>
            %swap3A_339 = arith.index_cast %reduce_max3A_217 : i32 to index
            %swap3A_340 = arith.constant 192 : index
            %swap3A_341 = tpu.vector_load %arg7[%swap3A_339, %swap3A_340] {strides = array<i32>} : memref<328x256xf32, #tpu.memory_space<vmem>>, vector<16xf32>,
            tpu.vector_store %arg7[%swap3A_339, %swap3A_340], %mul3A_338 {add = true, strides = array<i32>} : memref<328x256xf32, #tpu.memory_space<vmem>>, vector<16xf32>,
            %add3A_342 = arith.constant 16 : i32
            %add3A_343 = arith.addi %scan3A_204, %add3A_342 : i32
            %get3A_344 = arith.index_cast %add3A_343 : i32 to index
            %get3A_345 = arith.constant 208 : index
            %get3A_346 = tpu.vector_load %arg15[%get3A_344, %get3A_345] {strides = array<i32>} : memref<32x256xf32, #tpu.memory_space<vmem>>, vector<16xf32>,
            %mul3A_347 = arith.mulf %get3A_346, %broadcast_in_dim3A_225 : vector<16xf32>
            %swap3A_348 = arith.index_cast %reduce_max3A_217 : i32 to index
            %swap3A_349 = arith.constant 208 : index
            %swap3A_350 = tpu.vector_load %arg7[%swap3A_348, %swap3A_349] {strides = array<i32>} : memref<328x256xf32, #tpu.memory_space<vmem>>, vector<16xf32>,
            tpu.vector_store %arg7[%swap3A_348, %swap3A_349], %mul3A_347 {add = true, strides = array<i32>} : memref<328x256xf32, #tpu.memory_space<vmem>>, vector<16xf32>,
            %add3A_351 = arith.constant 16 : i32
            %add3A_352 = arith.addi %scan3A_204, %add3A_351 : i32
            %get3A_353 = arith.index_cast %add3A_352 : i32 to index
            %get3A_354 = arith.constant 224 : index
            %get3A_355 = tpu.vector_load %arg15[%get3A_353, %get3A_354] {strides = array<i32>} : memref<32x256xf32, #tpu.memory_space<vmem>>, vector<16xf32>,
            %mul3A_356 = arith.mulf %get3A_355, %broadcast_in_dim3A_225 : vector<16xf32>
            %swap3A_357 = arith.index_cast %reduce_max3A_217 : i32 to index
            %swap3A_358 = arith.constant 224 : index
            %swap3A_359 = tpu.vector_load %arg7[%swap3A_357, %swap3A_358] {strides = array<i32>} : memref<328x256xf32, #tpu.memory_space<vmem>>, vector<16xf32>,
            tpu.vector_store %arg7[%swap3A_357, %swap3A_358], %mul3A_356 {add = true, strides = array<i32>} : memref<328x256xf32, #tpu.memory_space<vmem>>, vector<16xf32>,
            %add3A_360 = arith.constant 16 : i32
            %add3A_361 = arith.addi %scan3A_204, %add3A_360 : i32
            %get3A_362 = arith.index_cast %add3A_361 : i32 to index
            %get3A_363 = arith.constant 240 : index
            %get3A_364 = tpu.vector_load %arg15[%get3A_362, %get3A_363] {strides = array<i32>} : memref<32x256xf32, #tpu.memory_space<vmem>>, vector<16xf32>,
            %mul3A_365 = arith.mulf %get3A_364, %broadcast_in_dim3A_225 : vector<16xf32>
            %swap3A_366 = arith.index_cast %reduce_max3A_217 : i32 to index
            %swap3A_367 = arith.constant 240 : index
            %swap3A_368 = tpu.vector_load %arg7[%swap3A_366, %swap3A_367] {strides = array<i32>} : memref<328x256xf32, #tpu.memory_space<vmem>>, vector<16xf32>,
            tpu.vector_store %arg7[%swap3A_366, %swap3A_367], %mul3A_365 {add = true, strides = array<i32>} : memref<328x256xf32, #tpu.memory_space<vmem>>, vector<16xf32>,
            %scan3A_369 = arith.constant 0 : i32
            scf.yield %scan3A_369 : i32
          }
          %scan3A_202 = arith.constant 16 : i32
          %while3A_203 = arith.constant 0 : i32
          scf.yield %while3A_203 : i32
        }
        %scan3A_143 = arith.constant 0 : i32
        scf.yield %scan3A_143 : i32
      }
      %scan3A_60 = arith.constant 64 : i32
      %mul3A_61 = arith.constant 4 : i32
      %mul3A_62 = arith.muli %scan3A_40, %mul3A_61 : i32
      %add3A_63 = arith.addi %mul3A_62, %add3A_30 : i32
      %mul3A_64 = arith.constant 320 : i32
      %mul3A_65 = arith.muli %add3A_63, %mul3A_64 : i32
      %multiple_of3A = tpu.assume_multiple %mul3A_65, 8 : i32
      %mul3A_66 = arith.constant 256 : i32
      %mul3A_67 = arith.muli %select_n3A_7, %mul3A_66 : i32
      "tpu.region"() ({
        %run_scoped3A = tpu.sem_alloc : memref<!tpu.dma_semaphore, #tpu.memory_space<semaphore_mem>>
        %dma_start3A = arith.constant 0 : i32
        %dma_start3A_69 = arith.constant 0 : i32
        %dma_start3A_70 = tpu.memref_slice %arg7[%dma_start3A, %dma_start3A_69] : memref<328x256xf32, #tpu.memory_space<vmem>> -> memref<320x256xf32, #tpu.memory_space<vmem>>
        %dma_start3A_71 = tpu.memref_slice %arg6[%multiple_of3A, %mul3A_67] : memref<10240x2048xf32, #tpu.memory_space<hbm>> -> memref<320x256xf32, #tpu.memory_space<hbm>>
        %dma_start3A_72 = tpu.memref_slice %arg6[%multiple_of3A, %mul3A_67] : memref<10240x2048xf32, #tpu.memory_space<hbm>> -> memref<320x256xf32, #tpu.memory_space<hbm>>
        %dma_start3A_73 = arith.constant 0 : i32
        %dma_start3A_74 = arith.constant 0 : i32
        %dma_start3A_75 = tpu.memref_slice %arg7[%dma_start3A_73, %dma_start3A_74] : memref<328x256xf32, #tpu.memory_space<vmem>> -> memref<320x256xf32, #tpu.memory_space<vmem>>
        tpu.enqueue_dma source(%dma_start3A_75 : memref<320x256xf32, #tpu.memory_space<vmem>>) target(%dma_start3A_72 : memref<320x256xf32, #tpu.memory_space<hbm>>) target_semaphore(%run_scoped3A : memref<!tpu.dma_semaphore, #tpu.memory_space<semaphore_mem>>)
        %dma_wait3A = arith.constant 0 : i32
        %dma_wait3A_76 = arith.constant 0 : i32
        %dma_wait3A_77 = tpu.memref_slice %arg7[%dma_wait3A, %dma_wait3A_76] : memref<328x256xf32, #tpu.memory_space<vmem>> -> memref<320x256xf32, #tpu.memory_space<vmem>>
        %dma_wait3A_78 = tpu.memref_slice %arg6[%multiple_of3A, %mul3A_67] : memref<10240x2048xf32, #tpu.memory_space<hbm>> -> memref<320x256xf32, #tpu.memory_space<hbm>>
        %dma_wait3A_79 = tpu.memref_slice %arg6[%multiple_of3A, %mul3A_67] : memref<10240x2048xf32, #tpu.memory_space<hbm>> -> memref<320x256xf32, #tpu.memory_space<hbm>>
        %dma_wait3A_80 = arith.constant 0 : i32
        %dma_wait3A_81 = arith.constant 0 : i32
        %dma_wait3A_82 = tpu.memref_slice %arg7[%dma_wait3A_80, %dma_wait3A_81] : memref<328x256xf32, #tpu.memory_space<vmem>> -> memref<320x256xf32, #tpu.memory_space<vmem>>
        tpu.wait_dma2 semaphore(%run_scoped3A : memref<!tpu.dma_semaphore, #tpu.memory_space<semaphore_mem>>) src(%dma_wait3A_82 : memref<320x256xf32, #tpu.memory_space<vmem>>) dst(%dma_wait3A_79 : memref<320x256xf32, #tpu.memory_space<hbm>>)
        tpu.yield
      }) : () -> ()
      %scan3A_68 = arith.constant 0 : i32
      scf.yield %scan3A_68 : i32
    }
    %scan3A_39 = arith.constant 8 : i32
    return
  }
}

#map = affine_map<(d0, d1) -> (0, 0, 0)>
#map1 = affine_map<(d0, d1) -> (0)>
module attributes {stable_mosaic.version = 14 : i64} {
  func.func @edge_softmax(%arg0: i32, %arg1: i32, %arg2: memref<16x1x10112xf32, #tpu.memory_space<hbm>>, %arg3: memref<163840xi32, #tpu.memory_space<hbm>>, %arg4: memref<163840xi32, #tpu.memory_space<hbm>>, %arg5: memref<16xf32, #tpu.memory_space<hbm>>, %arg6: memref<8x1x163840xf32, #tpu.memory_space<hbm>>, %arg7: memref<32x1x10112xf32, #tpu.memory_space<hbm>>, %arg8: memref<10112xf32, #tpu.memory_space<vmem>>, %arg9: memref<10112xf32, #tpu.memory_space<vmem>>, %arg10: memref<10112xf32, #tpu.memory_space<vmem>>, %arg11: memref<16xf32, #tpu.memory_space<vmem>>, %arg12: memref<5120xi32, #tpu.memory_space<vmem>>, %arg13: memref<5120xi32, #tpu.memory_space<vmem>>, %arg14: memref<5120xf32, #tpu.memory_space<vmem>>) attributes {dimension_semantics = [#tpu.dimension_semantics<core_parallel>, #tpu.dimension_semantics<subcore_parallel>], iteration_bounds = array<i64: 2, 16>, scalar_prefetch = 0 : i64, scratch_operands = 7 : i64, tpu.core_type = #tpu.core_type<sc_vector_subcore>, window_params = [{transform_indices = #map}, {transform_indices = #map1}, {transform_indices = #map1}, {transform_indices = #map1}, {transform_indices = #map}, {transform_indices = #map}]} {
    %mul3A = arith.constant 2 : i32
    %mul3A_0 = arith.muli %arg1, %mul3A : i32
    %add3A = arith.addi %mul3A_0, %arg0 : i32
    %jit3A = arith.constant 8 : i32
    %eq3A = arith.constant 0 : i32
    %eq3A_1 = arith.cmpi eq, %jit3A, %eq3A : i32
    %jit3A_2 = arith.constant 1 : i32
    %select_n3A = arith.select %eq3A_1, %jit3A_2, %jit3A : i32
    %rem3A = arith.remsi %add3A, %select_n3A : i32
    %ne3A = arith.constant 0 : i32
    %ne3A_3 = arith.cmpi ne, %rem3A, %ne3A : i32
    %lt3A = arith.constant 0 : i32
    %lt3A_4 = arith.cmpi slt, %rem3A, %lt3A : i32
    %lt3A_5 = arith.constant 0 : i32
    %lt3A_6 = arith.cmpi slt, %select_n3A, %lt3A_5 : i32
    %ne3A_7 = arith.xori %lt3A_4, %lt3A_6 : i1
    %and3A = arith.andi %ne3A_7, %ne3A_3 : i1
    %add3A_8 = arith.addi %rem3A, %select_n3A : i32
    %select_n3A_9 = arith.select %and3A, %add3A_8, %rem3A : i32
    %jit3A_10 = arith.constant 8 : i32
    %div3A = arith.divsi %add3A, %jit3A_10 : i32
    %sign3A = arith.constant 0 : i32
    %sign3A_11 = arith.cmpi sgt, %add3A, %sign3A : i32
    %sign3A_12 = arith.extui %sign3A_11 : i1 to i32
    %sign3A_13 = arith.constant 0 : i32
    %sign3A_14 = arith.cmpi slt, %add3A, %sign3A_13 : i32
    %sign3A_15 = arith.extui %sign3A_14 : i1 to i32
    %sign3A_16 = arith.subi %sign3A_12, %sign3A_15 : i32
    %sign3A_17 = arith.constant 0 : i32
    %sign3A_18 = arith.cmpi sgt, %jit3A_10, %sign3A_17 : i32
    %sign3A_19 = arith.extui %sign3A_18 : i1 to i32
    %sign3A_20 = arith.constant 0 : i32
    %sign3A_21 = arith.cmpi slt, %jit3A_10, %sign3A_20 : i32
    %sign3A_22 = arith.extui %sign3A_21 : i1 to i32
    %sign3A_23 = arith.subi %sign3A_19, %sign3A_22 : i32
    %ne3A_24 = arith.cmpi ne, %sign3A_16, %sign3A_23 : i32
    %rem3A_25 = arith.remsi %add3A, %jit3A_10 : i32
    %ne3A_26 = arith.constant 0 : i32
    %ne3A_27 = arith.cmpi ne, %rem3A_25, %ne3A_26 : i32
    %and3A_28 = arith.andi %ne3A_24, %ne3A_27 : i1
    %sub3A = arith.constant 1 : i32
    %sub3A_29 = arith.subi %div3A, %sub3A : i32
    %select_n3A_30 = arith.select %and3A_28, %sub3A_29, %div3A : i32
    %run_scoped3A = arith.constant 0 : i32
    "tpu.region"() ({
      %run_scoped3A_153 = tpu.sem_alloc : memref<!tpu.dma_semaphore, #tpu.memory_space<semaphore_mem>>
      %dma_start3A = arith.constant 0 : i32
      %dma_start3A_154 = tpu.memref_slice %arg2[%select_n3A_9, %run_scoped3A, %dma_start3A] : memref<16x1x10112xf32, #tpu.memory_space<hbm>> -> memref<1x1x10112xf32, #tpu.memory_space<hbm>>
      %dma_start3A_155 = tpu.memref_squeeze %dma_start3A_154 : memref<1x1x10112xf32, #tpu.memory_space<hbm>> -> memref<10112xf32, #tpu.memory_space<hbm>>
      %dma_start3A_156 = arith.constant 0 : i32
      %dma_start3A_157 = tpu.memref_slice %arg2[%select_n3A_9, %run_scoped3A, %dma_start3A_156] : memref<16x1x10112xf32, #tpu.memory_space<hbm>> -> memref<1x1x10112xf32, #tpu.memory_space<hbm>>
      %dma_start3A_158 = tpu.memref_squeeze %dma_start3A_157 : memref<1x1x10112xf32, #tpu.memory_space<hbm>> -> memref<10112xf32, #tpu.memory_space<hbm>>
      tpu.enqueue_dma source(%dma_start3A_158 : memref<10112xf32, #tpu.memory_space<hbm>>) target(%arg8 : memref<10112xf32, #tpu.memory_space<vmem>>) target_semaphore(%run_scoped3A_153 : memref<!tpu.dma_semaphore, #tpu.memory_space<semaphore_mem>>)
      %dma_wait3A = arith.constant 0 : i32
      %dma_wait3A_159 = tpu.memref_slice %arg2[%select_n3A_9, %run_scoped3A, %dma_wait3A] : memref<16x1x10112xf32, #tpu.memory_space<hbm>> -> memref<1x1x10112xf32, #tpu.memory_space<hbm>>
      %dma_wait3A_160 = tpu.memref_squeeze %dma_wait3A_159 : memref<1x1x10112xf32, #tpu.memory_space<hbm>> -> memref<10112xf32, #tpu.memory_space<hbm>>
      %dma_wait3A_161 = arith.constant 0 : i32
      %dma_wait3A_162 = tpu.memref_slice %arg2[%select_n3A_9, %run_scoped3A, %dma_wait3A_161] : memref<16x1x10112xf32, #tpu.memory_space<hbm>> -> memref<1x1x10112xf32, #tpu.memory_space<hbm>>
      %dma_wait3A_163 = tpu.memref_squeeze %dma_wait3A_162 : memref<1x1x10112xf32, #tpu.memory_space<hbm>> -> memref<10112xf32, #tpu.memory_space<hbm>>
      tpu.wait_dma2 semaphore(%run_scoped3A_153 : memref<!tpu.dma_semaphore, #tpu.memory_space<semaphore_mem>>) src(%dma_wait3A_163 : memref<10112xf32, #tpu.memory_space<hbm>>) dst(%arg8 : memref<10112xf32, #tpu.memory_space<vmem>>)
      tpu.yield
    }) : () -> ()
    %add3A_31 = arith.constant 8 : i32
    %add3A_32 = arith.addi %add3A_31, %select_n3A_9 : i32
    %run_scoped3A_33 = arith.constant 0 : i32
    "tpu.region"() ({
      %run_scoped3A_153 = tpu.sem_alloc : memref<!tpu.dma_semaphore, #tpu.memory_space<semaphore_mem>>
      %dma_start3A = arith.constant 0 : i32
      %dma_start3A_154 = tpu.memref_slice %arg2[%add3A_32, %run_scoped3A_33, %dma_start3A] : memref<16x1x10112xf32, #tpu.memory_space<hbm>> -> memref<1x1x10112xf32, #tpu.memory_space<hbm>>
      %dma_start3A_155 = tpu.memref_squeeze %dma_start3A_154 : memref<1x1x10112xf32, #tpu.memory_space<hbm>> -> memref<10112xf32, #tpu.memory_space<hbm>>
      %dma_start3A_156 = arith.constant 0 : i32
      %dma_start3A_157 = tpu.memref_slice %arg2[%add3A_32, %run_scoped3A_33, %dma_start3A_156] : memref<16x1x10112xf32, #tpu.memory_space<hbm>> -> memref<1x1x10112xf32, #tpu.memory_space<hbm>>
      %dma_start3A_158 = tpu.memref_squeeze %dma_start3A_157 : memref<1x1x10112xf32, #tpu.memory_space<hbm>> -> memref<10112xf32, #tpu.memory_space<hbm>>
      tpu.enqueue_dma source(%dma_start3A_158 : memref<10112xf32, #tpu.memory_space<hbm>>) target(%arg9 : memref<10112xf32, #tpu.memory_space<vmem>>) target_semaphore(%run_scoped3A_153 : memref<!tpu.dma_semaphore, #tpu.memory_space<semaphore_mem>>)
      %dma_wait3A = arith.constant 0 : i32
      %dma_wait3A_159 = tpu.memref_slice %arg2[%add3A_32, %run_scoped3A_33, %dma_wait3A] : memref<16x1x10112xf32, #tpu.memory_space<hbm>> -> memref<1x1x10112xf32, #tpu.memory_space<hbm>>
      %dma_wait3A_160 = tpu.memref_squeeze %dma_wait3A_159 : memref<1x1x10112xf32, #tpu.memory_space<hbm>> -> memref<10112xf32, #tpu.memory_space<hbm>>
      %dma_wait3A_161 = arith.constant 0 : i32
      %dma_wait3A_162 = tpu.memref_slice %arg2[%add3A_32, %run_scoped3A_33, %dma_wait3A_161] : memref<16x1x10112xf32, #tpu.memory_space<hbm>> -> memref<1x1x10112xf32, #tpu.memory_space<hbm>>
      %dma_wait3A_163 = tpu.memref_squeeze %dma_wait3A_162 : memref<1x1x10112xf32, #tpu.memory_space<hbm>> -> memref<10112xf32, #tpu.memory_space<hbm>>
      tpu.wait_dma2 semaphore(%run_scoped3A_153 : memref<!tpu.dma_semaphore, #tpu.memory_space<semaphore_mem>>) src(%dma_wait3A_163 : memref<10112xf32, #tpu.memory_space<hbm>>) dst(%arg9 : memref<10112xf32, #tpu.memory_space<vmem>>)
      tpu.yield
    }) : () -> ()
    "tpu.region"() ({
      %run_scoped3A_153 = tpu.sem_alloc : memref<!tpu.dma_semaphore, #tpu.memory_space<semaphore_mem>>
      tpu.enqueue_dma source(%arg5 : memref<16xf32, #tpu.memory_space<hbm>>) target(%arg11 : memref<16xf32, #tpu.memory_space<vmem>>) target_semaphore(%run_scoped3A_153 : memref<!tpu.dma_semaphore, #tpu.memory_space<semaphore_mem>>)
      tpu.wait_dma2 semaphore(%run_scoped3A_153 : memref<!tpu.dma_semaphore, #tpu.memory_space<semaphore_mem>>) src(%arg5 : memref<16xf32, #tpu.memory_space<hbm>>) dst(%arg11 : memref<16xf32, #tpu.memory_space<vmem>>)
      tpu.yield
    }) : () -> ()
    %iota3A = tpu.iota {dimensions = array<i32: 0>} : vector<16xi32>
    %get3A = arith.constant 0 : index
    %get3A_34 = tpu.vector_load %arg11[%get3A] {strides = array<i32>} : memref<16xf32, #tpu.memory_space<vmem>>, vector<16xf32>,
    %eq3A_35 = vector.broadcast %select_n3A_9 : i32 to vector<16xi32>
    %eq3A_36 = arith.cmpi eq, %iota3A, %eq3A_35 : vector<16xi32>
    %jit3A_37 = arith.constant -3.400000e+38 : f32
    %broadcast_in_dim3A = vector.broadcast %jit3A_37 : f32 to vector<16xf32>
    %select_n3A_38 = arith.select %eq3A_36, %get3A_34, %broadcast_in_dim3A : vector<16xi1>, vector<16xf32>
    %reduce_max3A = arith.constant true
    %reduce_max3A_39 = vector.broadcast %reduce_max3A : i1 to vector<16xi1>
    %reduce_max3A_40 = tpu.scan <max>, %select_n3A_38 masked %reduce_max3A_39 : vector<16xf32>, vector<16xi1> -> vector<16xf32>
    %reduce_max3A_41 = vector.extract %reduce_max3A_40[15] : f32 from vector<16xf32>
    %broadcast_in_dim3A_42 = vector.broadcast %reduce_max3A_41 : f32 to vector<16xf32>
    %scan3A = arith.constant 0 : i32
    %scan3A_43 = arith.constant 0 : i32
    %scan3A_44 = arith.constant 632 : i32
    %scan3A_45 = arith.addi %scan3A_43, %scan3A_44 : i32
    %scan3A_46 = arith.constant 1 : i32
    %scan3A_47 = scf.for %scan3A_153 = %scan3A_43 to %scan3A_45 step %scan3A_46 iter_args(%scan3A_154 = %scan3A) -> (i32)  : i32 {
      %broadcast_in_dim3A_155 = arith.constant 0.000000e+00 : f32
      %broadcast_in_dim3A_156 = vector.broadcast %broadcast_in_dim3A_155 : f32 to vector<16xf32>
      %mul3A_157 = arith.constant 16 : i32
      %mul3A_158 = arith.muli %scan3A_153, %mul3A_157 : i32
      %swap3A = arith.index_cast %mul3A_158 : i32 to index
      %swap3A_159 = tpu.vector_load %arg10[%swap3A] {strides = array<i32>} : memref<10112xf32, #tpu.memory_space<vmem>>, vector<16xf32>,
      tpu.vector_store %arg10[%swap3A], %broadcast_in_dim3A_156 {strides = array<i32>} : memref<10112xf32, #tpu.memory_space<vmem>>, vector<16xf32>,
      %scan3A_160 = arith.constant 0 : i32
      scf.yield %scan3A_160 : i32
    }
    %scan3A_48 = arith.constant 632 : i32
    %mul3A_49 = arith.constant 40960 : i32
    %mul3A_50 = arith.muli %select_n3A_30, %mul3A_49 : i32
    %add3A_51 = arith.constant 0 : i32
    %add3A_52 = arith.addi %mul3A_50, %add3A_51 : i32
    %multiple_of3A = tpu.assume_multiple %add3A_52, 5120 : i32
    "tpu.region"() ({
      %run_scoped3A_153 = tpu.sem_alloc : memref<!tpu.dma_semaphore, #tpu.memory_space<semaphore_mem>>
      %dma_start3A = tpu.memref_slice %arg3[%multiple_of3A] : memref<163840xi32, #tpu.memory_space<hbm>> -> memref<5120xi32, #tpu.memory_space<hbm>>
      %dma_start3A_154 = tpu.memref_slice %arg3[%multiple_of3A] : memref<163840xi32, #tpu.memory_space<hbm>> -> memref<5120xi32, #tpu.memory_space<hbm>>
      tpu.enqueue_dma source(%dma_start3A_154 : memref<5120xi32, #tpu.memory_space<hbm>>) target(%arg12 : memref<5120xi32, #tpu.memory_space<vmem>>) target_semaphore(%run_scoped3A_153 : memref<!tpu.dma_semaphore, #tpu.memory_space<semaphore_mem>>)
      %dma_wait3A = tpu.memref_slice %arg3[%multiple_of3A] : memref<163840xi32, #tpu.memory_space<hbm>> -> memref<5120xi32, #tpu.memory_space<hbm>>
      %dma_wait3A_155 = tpu.memref_slice %arg3[%multiple_of3A] : memref<163840xi32, #tpu.memory_space<hbm>> -> memref<5120xi32, #tpu.memory_space<hbm>>
      tpu.wait_dma2 semaphore(%run_scoped3A_153 : memref<!tpu.dma_semaphore, #tpu.memory_space<semaphore_mem>>) src(%dma_wait3A_155 : memref<5120xi32, #tpu.memory_space<hbm>>) dst(%arg12 : memref<5120xi32, #tpu.memory_space<vmem>>)
      tpu.yield
    }) : () -> ()
    "tpu.region"() ({
      %run_scoped3A_153 = tpu.sem_alloc : memref<!tpu.dma_semaphore, #tpu.memory_space<semaphore_mem>>
      %dma_start3A = tpu.memref_slice %arg4[%multiple_of3A] : memref<163840xi32, #tpu.memory_space<hbm>> -> memref<5120xi32, #tpu.memory_space<hbm>>
      %dma_start3A_154 = tpu.memref_slice %arg4[%multiple_of3A] : memref<163840xi32, #tpu.memory_space<hbm>> -> memref<5120xi32, #tpu.memory_space<hbm>>
      tpu.enqueue_dma source(%dma_start3A_154 : memref<5120xi32, #tpu.memory_space<hbm>>) target(%arg13 : memref<5120xi32, #tpu.memory_space<vmem>>) target_semaphore(%run_scoped3A_153 : memref<!tpu.dma_semaphore, #tpu.memory_space<semaphore_mem>>)
      %dma_wait3A = tpu.memref_slice %arg4[%multiple_of3A] : memref<163840xi32, #tpu.memory_space<hbm>> -> memref<5120xi32, #tpu.memory_space<hbm>>
      %dma_wait3A_155 = tpu.memref_slice %arg4[%multiple_of3A] : memref<163840xi32, #tpu.memory_space<hbm>> -> memref<5120xi32, #tpu.memory_space<hbm>>
      tpu.wait_dma2 semaphore(%run_scoped3A_153 : memref<!tpu.dma_semaphore, #tpu.memory_space<semaphore_mem>>) src(%dma_wait3A_155 : memref<5120xi32, #tpu.memory_space<hbm>>) dst(%arg13 : memref<5120xi32, #tpu.memory_space<vmem>>)
      tpu.yield
    }) : () -> ()
    %scan3A_53 = arith.constant 0 : i32
    %scan3A_54 = arith.constant 0 : i32
    %scan3A_55 = arith.constant 320 : i32
    %scan3A_56 = arith.addi %scan3A_54, %scan3A_55 : i32
    %scan3A_57 = arith.constant 1 : i32
    %scan3A_58 = scf.for %scan3A_153 = %scan3A_54 to %scan3A_56 step %scan3A_57 iter_args(%scan3A_154 = %scan3A_53) -> (i32)  : i32 {
      %mul3A_155 = arith.constant 16 : i32
      %mul3A_156 = arith.muli %scan3A_153, %mul3A_155 : i32
      %get3A_157 = arith.index_cast %mul3A_156 : i32 to index
      %get3A_158 = tpu.vector_load %arg12[%get3A_157] {strides = array<i32>} : memref<5120xi32, #tpu.memory_space<vmem>>, vector<16xi32>,
      %mul3A_159 = arith.constant 16 : i32
      %mul3A_160 = arith.muli %scan3A_153, %mul3A_159 : i32
      %get3A_161 = arith.index_cast %mul3A_160 : i32 to index
      %get3A_162 = tpu.vector_load %arg13[%get3A_161] {strides = array<i32>} : memref<5120xi32, #tpu.memory_space<vmem>>, vector<16xi32>,
      %gather3A = tpu.vector_load_idx %arg8[%get3A_158] : memref<10112xf32, #tpu.memory_space<vmem>>[vector<16xi32>], vector<16xf32>,
      %gather3A_163 = tpu.vector_load_idx %arg9[%get3A_162] : memref<10112xf32, #tpu.memory_space<vmem>>[vector<16xi32>], vector<16xf32>,
      %add3A_164 = arith.addf %gather3A, %gather3A_163 : vector<16xf32>
      %ge3A = arith.constant 0.000000e+00 : f32
      %ge3A_165 = vector.broadcast %ge3A : f32 to vector<16xf32>
      %ge3A_166 = arith.cmpf oge, %add3A_164, %ge3A_165 : vector<16xf32>
      %mul3A_167 = arith.constant 2.000000e-01 : f32
      %mul3A_168 = vector.broadcast %mul3A_167 : f32 to vector<16xf32>
      %mul3A_169 = arith.mulf %mul3A_168, %add3A_164 : vector<16xf32>
      %select_n3A_170 = arith.select %ge3A_166, %add3A_164, %mul3A_169 : vector<16xi1>, vector<16xf32>
      %sub3A_171 = arith.subf %select_n3A_170, %broadcast_in_dim3A_42 : vector<16xf32>
      %exp3A = math.exp %sub3A_171 : vector<16xf32>
      %mul3A_172 = arith.constant 16 : i32
      %mul3A_173 = arith.muli %scan3A_153, %mul3A_172 : i32
      %add3A_174 = arith.addi %multiple_of3A, %mul3A_173 : i32
      %add3A_175 = vector.broadcast %add3A_174 : i32 to vector<16xi32>
      %add3A_176 = arith.addi %add3A_175, %iota3A : vector<16xi32>
      %lt3A_177 = arith.constant 160000 : i32
      %lt3A_178 = vector.broadcast %lt3A_177 : i32 to vector<16xi32>
      %lt3A_179 = arith.cmpi slt, %add3A_176, %lt3A_178 : vector<16xi32>
      %jit3A_180 = arith.constant 0.000000e+00 : f32
      %broadcast_in_dim3A_181 = vector.broadcast %jit3A_180 : f32 to vector<16xf32>
      %select_n3A_182 = arith.select %lt3A_179, %exp3A, %broadcast_in_dim3A_181 : vector<16xi1>, vector<16xf32>
      %mul3A_183 = arith.constant 16 : i32
      %mul3A_184 = arith.muli %scan3A_153, %mul3A_183 : i32
      %swap3A = arith.index_cast %mul3A_184 : i32 to index
      %swap3A_185 = tpu.vector_load %arg14[%swap3A] {strides = array<i32>} : memref<5120xf32, #tpu.memory_space<vmem>>, vector<16xf32>,
      tpu.vector_store %arg14[%swap3A], %select_n3A_182 {strides = array<i32>} : memref<5120xf32, #tpu.memory_space<vmem>>, vector<16xf32>,
      tpu.vector_store_idx %arg10[%get3A_162], %select_n3A_182 {add = true} : memref<10112xf32, #tpu.memory_space<vmem>>[vector<16xi32>], vector<16xf32>,
      %scan3A_186 = arith.constant 0 : i32
      scf.yield %scan3A_186 : i32
    }
    %scan3A_59 = arith.constant 320 : i32
    %run_scoped3A_60 = arith.constant 0 : i32
    "tpu.region"() ({
      %run_scoped3A_153 = tpu.sem_alloc : memref<!tpu.dma_semaphore, #tpu.memory_space<semaphore_mem>>
      %dma_start3A = tpu.memref_slice %arg6[%select_n3A_9, %run_scoped3A_60, %multiple_of3A] : memref<8x1x163840xf32, #tpu.memory_space<hbm>> -> memref<1x1x5120xf32, #tpu.memory_space<hbm>>
      %dma_start3A_154 = tpu.memref_squeeze %dma_start3A : memref<1x1x5120xf32, #tpu.memory_space<hbm>> -> memref<5120xf32, #tpu.memory_space<hbm>>
      %dma_start3A_155 = tpu.memref_slice %arg6[%select_n3A_9, %run_scoped3A_60, %multiple_of3A] : memref<8x1x163840xf32, #tpu.memory_space<hbm>> -> memref<1x1x5120xf32, #tpu.memory_space<hbm>>
      %dma_start3A_156 = tpu.memref_squeeze %dma_start3A_155 : memref<1x1x5120xf32, #tpu.memory_space<hbm>> -> memref<5120xf32, #tpu.memory_space<hbm>>
      tpu.enqueue_dma source(%arg14 : memref<5120xf32, #tpu.memory_space<vmem>>) target(%dma_start3A_156 : memref<5120xf32, #tpu.memory_space<hbm>>) target_semaphore(%run_scoped3A_153 : memref<!tpu.dma_semaphore, #tpu.memory_space<semaphore_mem>>)
      %dma_wait3A = tpu.memref_slice %arg6[%select_n3A_9, %run_scoped3A_60, %multiple_of3A] : memref<8x1x163840xf32, #tpu.memory_space<hbm>> -> memref<1x1x5120xf32, #tpu.memory_space<hbm>>
      %dma_wait3A_157 = tpu.memref_squeeze %dma_wait3A : memref<1x1x5120xf32, #tpu.memory_space<hbm>> -> memref<5120xf32, #tpu.memory_space<hbm>>
      %dma_wait3A_158 = tpu.memref_slice %arg6[%select_n3A_9, %run_scoped3A_60, %multiple_of3A] : memref<8x1x163840xf32, #tpu.memory_space<hbm>> -> memref<1x1x5120xf32, #tpu.memory_space<hbm>>
      %dma_wait3A_159 = tpu.memref_squeeze %dma_wait3A_158 : memref<1x1x5120xf32, #tpu.memory_space<hbm>> -> memref<5120xf32, #tpu.memory_space<hbm>>
      tpu.wait_dma2 semaphore(%run_scoped3A_153 : memref<!tpu.dma_semaphore, #tpu.memory_space<semaphore_mem>>) src(%arg14 : memref<5120xf32, #tpu.memory_space<vmem>>) dst(%dma_wait3A_159 : memref<5120xf32, #tpu.memory_space<hbm>>)
      tpu.yield
    }) : () -> ()
    %mul3A_61 = arith.constant 40960 : i32
    %mul3A_62 = arith.muli %select_n3A_30, %mul3A_61 : i32
    %add3A_63 = arith.constant 5120 : i32
    %add3A_64 = arith.addi %mul3A_62, %add3A_63 : i32
    %multiple_of3A_65 = tpu.assume_multiple %add3A_64, 5120 : i32
    "tpu.region"() ({
      %run_scoped3A_153 = tpu.sem_alloc : memref<!tpu.dma_semaphore, #tpu.memory_space<semaphore_mem>>
      %dma_start3A = tpu.memref_slice %arg3[%multiple_of3A_65] : memref<163840xi32, #tpu.memory_space<hbm>> -> memref<5120xi32, #tpu.memory_space<hbm>>
      %dma_start3A_154 = tpu.memref_slice %arg3[%multiple_of3A_65] : memref<163840xi32, #tpu.memory_space<hbm>> -> memref<5120xi32, #tpu.memory_space<hbm>>
      tpu.enqueue_dma source(%dma_start3A_154 : memref<5120xi32, #tpu.memory_space<hbm>>) target(%arg12 : memref<5120xi32, #tpu.memory_space<vmem>>) target_semaphore(%run_scoped3A_153 : memref<!tpu.dma_semaphore, #tpu.memory_space<semaphore_mem>>)
      %dma_wait3A = tpu.memref_slice %arg3[%multiple_of3A_65] : memref<163840xi32, #tpu.memory_space<hbm>> -> memref<5120xi32, #tpu.memory_space<hbm>>
      %dma_wait3A_155 = tpu.memref_slice %arg3[%multiple_of3A_65] : memref<163840xi32, #tpu.memory_space<hbm>> -> memref<5120xi32, #tpu.memory_space<hbm>>
      tpu.wait_dma2 semaphore(%run_scoped3A_153 : memref<!tpu.dma_semaphore, #tpu.memory_space<semaphore_mem>>) src(%dma_wait3A_155 : memref<5120xi32, #tpu.memory_space<hbm>>) dst(%arg12 : memref<5120xi32, #tpu.memory_space<vmem>>)
      tpu.yield
    }) : () -> ()
    "tpu.region"() ({
      %run_scoped3A_153 = tpu.sem_alloc : memref<!tpu.dma_semaphore, #tpu.memory_space<semaphore_mem>>
      %dma_start3A = tpu.memref_slice %arg4[%multiple_of3A_65] : memref<163840xi32, #tpu.memory_space<hbm>> -> memref<5120xi32, #tpu.memory_space<hbm>>
      %dma_start3A_154 = tpu.memref_slice %arg4[%multiple_of3A_65] : memref<163840xi32, #tpu.memory_space<hbm>> -> memref<5120xi32, #tpu.memory_space<hbm>>
      tpu.enqueue_dma source(%dma_start3A_154 : memref<5120xi32, #tpu.memory_space<hbm>>) target(%arg13 : memref<5120xi32, #tpu.memory_space<vmem>>) target_semaphore(%run_scoped3A_153 : memref<!tpu.dma_semaphore, #tpu.memory_space<semaphore_mem>>)
      %dma_wait3A = tpu.memref_slice %arg4[%multiple_of3A_65] : memref<163840xi32, #tpu.memory_space<hbm>> -> memref<5120xi32, #tpu.memory_space<hbm>>
      %dma_wait3A_155 = tpu.memref_slice %arg4[%multiple_of3A_65] : memref<163840xi32, #tpu.memory_space<hbm>> -> memref<5120xi32, #tpu.memory_space<hbm>>
      tpu.wait_dma2 semaphore(%run_scoped3A_153 : memref<!tpu.dma_semaphore, #tpu.memory_space<semaphore_mem>>) src(%dma_wait3A_155 : memref<5120xi32, #tpu.memory_space<hbm>>) dst(%arg13 : memref<5120xi32, #tpu.memory_space<vmem>>)
      tpu.yield
    }) : () -> ()
    %scan3A_66 = arith.constant 0 : i32
    %scan3A_67 = arith.constant 0 : i32
    %scan3A_68 = arith.constant 320 : i32
    %scan3A_69 = arith.addi %scan3A_67, %scan3A_68 : i32
    %scan3A_70 = arith.constant 1 : i32
    %scan3A_71 = scf.for %scan3A_153 = %scan3A_67 to %scan3A_69 step %scan3A_70 iter_args(%scan3A_154 = %scan3A_66) -> (i32)  : i32 {
      %mul3A_155 = arith.constant 16 : i32
      %mul3A_156 = arith.muli %scan3A_153, %mul3A_155 : i32
      %get3A_157 = arith.index_cast %mul3A_156 : i32 to index
      %get3A_158 = tpu.vector_load %arg12[%get3A_157] {strides = array<i32>} : memref<5120xi32, #tpu.memory_space<vmem>>, vector<16xi32>,
      %mul3A_159 = arith.constant 16 : i32
      %mul3A_160 = arith.muli %scan3A_153, %mul3A_159 : i32
      %get3A_161 = arith.index_cast %mul3A_160 : i32 to index
      %get3A_162 = tpu.vector_load %arg13[%get3A_161] {strides = array<i32>} : memref<5120xi32, #tpu.memory_space<vmem>>, vector<16xi32>,
      %gather3A = tpu.vector_load_idx %arg8[%get3A_158] : memref<10112xf32, #tpu.memory_space<vmem>>[vector<16xi32>], vector<16xf32>,
      %gather3A_163 = tpu.vector_load_idx %arg9[%get3A_162] : memref<10112xf32, #tpu.memory_space<vmem>>[vector<16xi32>], vector<16xf32>,
      %add3A_164 = arith.addf %gather3A, %gather3A_163 : vector<16xf32>
      %ge3A = arith.constant 0.000000e+00 : f32
      %ge3A_165 = vector.broadcast %ge3A : f32 to vector<16xf32>
      %ge3A_166 = arith.cmpf oge, %add3A_164, %ge3A_165 : vector<16xf32>
      %mul3A_167 = arith.constant 2.000000e-01 : f32
      %mul3A_168 = vector.broadcast %mul3A_167 : f32 to vector<16xf32>
      %mul3A_169 = arith.mulf %mul3A_168, %add3A_164 : vector<16xf32>
      %select_n3A_170 = arith.select %ge3A_166, %add3A_164, %mul3A_169 : vector<16xi1>, vector<16xf32>
      %sub3A_171 = arith.subf %select_n3A_170, %broadcast_in_dim3A_42 : vector<16xf32>
      %exp3A = math.exp %sub3A_171 : vector<16xf32>
      %mul3A_172 = arith.constant 16 : i32
      %mul3A_173 = arith.muli %scan3A_153, %mul3A_172 : i32
      %add3A_174 = arith.addi %multiple_of3A_65, %mul3A_173 : i32
      %add3A_175 = vector.broadcast %add3A_174 : i32 to vector<16xi32>
      %add3A_176 = arith.addi %add3A_175, %iota3A : vector<16xi32>
      %lt3A_177 = arith.constant 160000 : i32
      %lt3A_178 = vector.broadcast %lt3A_177 : i32 to vector<16xi32>
      %lt3A_179 = arith.cmpi slt, %add3A_176, %lt3A_178 : vector<16xi32>
      %jit3A_180 = arith.constant 0.000000e+00 : f32
      %broadcast_in_dim3A_181 = vector.broadcast %jit3A_180 : f32 to vector<16xf32>
      %select_n3A_182 = arith.select %lt3A_179, %exp3A, %broadcast_in_dim3A_181 : vector<16xi1>, vector<16xf32>
      %mul3A_183 = arith.constant 16 : i32
      %mul3A_184 = arith.muli %scan3A_153, %mul3A_183 : i32
      %swap3A = arith.index_cast %mul3A_184 : i32 to index
      %swap3A_185 = tpu.vector_load %arg14[%swap3A] {strides = array<i32>} : memref<5120xf32, #tpu.memory_space<vmem>>, vector<16xf32>,
      tpu.vector_store %arg14[%swap3A], %select_n3A_182 {strides = array<i32>} : memref<5120xf32, #tpu.memory_space<vmem>>, vector<16xf32>,
      tpu.vector_store_idx %arg10[%get3A_162], %select_n3A_182 {add = true} : memref<10112xf32, #tpu.memory_space<vmem>>[vector<16xi32>], vector<16xf32>,
      %scan3A_186 = arith.constant 0 : i32
      scf.yield %scan3A_186 : i32
    }
    %scan3A_72 = arith.constant 320 : i32
    %run_scoped3A_73 = arith.constant 0 : i32
    "tpu.region"() ({
      %run_scoped3A_153 = tpu.sem_alloc : memref<!tpu.dma_semaphore, #tpu.memory_space<semaphore_mem>>
      %dma_start3A = tpu.memref_slice %arg6[%select_n3A_9, %run_scoped3A_73, %multiple_of3A_65] : memref<8x1x163840xf32, #tpu.memory_space<hbm>> -> memref<1x1x5120xf32, #tpu.memory_space<hbm>>
      %dma_start3A_154 = tpu.memref_squeeze %dma_start3A : memref<1x1x5120xf32, #tpu.memory_space<hbm>> -> memref<5120xf32, #tpu.memory_space<hbm>>
      %dma_start3A_155 = tpu.memref_slice %arg6[%select_n3A_9, %run_scoped3A_73, %multiple_of3A_65] : memref<8x1x163840xf32, #tpu.memory_space<hbm>> -> memref<1x1x5120xf32, #tpu.memory_space<hbm>>
      %dma_start3A_156 = tpu.memref_squeeze %dma_start3A_155 : memref<1x1x5120xf32, #tpu.memory_space<hbm>> -> memref<5120xf32, #tpu.memory_space<hbm>>
      tpu.enqueue_dma source(%arg14 : memref<5120xf32, #tpu.memory_space<vmem>>) target(%dma_start3A_156 : memref<5120xf32, #tpu.memory_space<hbm>>) target_semaphore(%run_scoped3A_153 : memref<!tpu.dma_semaphore, #tpu.memory_space<semaphore_mem>>)
      %dma_wait3A = tpu.memref_slice %arg6[%select_n3A_9, %run_scoped3A_73, %multiple_of3A_65] : memref<8x1x163840xf32, #tpu.memory_space<hbm>> -> memref<1x1x5120xf32, #tpu.memory_space<hbm>>
      %dma_wait3A_157 = tpu.memref_squeeze %dma_wait3A : memref<1x1x5120xf32, #tpu.memory_space<hbm>> -> memref<5120xf32, #tpu.memory_space<hbm>>
      %dma_wait3A_158 = tpu.memref_slice %arg6[%select_n3A_9, %run_scoped3A_73, %multiple_of3A_65] : memref<8x1x163840xf32, #tpu.memory_space<hbm>> -> memref<1x1x5120xf32, #tpu.memory_space<hbm>>
      %dma_wait3A_159 = tpu.memref_squeeze %dma_wait3A_158 : memref<1x1x5120xf32, #tpu.memory_space<hbm>> -> memref<5120xf32, #tpu.memory_space<hbm>>
      tpu.wait_dma2 semaphore(%run_scoped3A_153 : memref<!tpu.dma_semaphore, #tpu.memory_space<semaphore_mem>>) src(%arg14 : memref<5120xf32, #tpu.memory_space<vmem>>) dst(%dma_wait3A_159 : memref<5120xf32, #tpu.memory_space<hbm>>)
      tpu.yield
    }) : () -> ()
    %mul3A_74 = arith.constant 40960 : i32
    %mul3A_75 = arith.muli %select_n3A_30, %mul3A_74 : i32
    %add3A_76 = arith.constant 10240 : i32
    %add3A_77 = arith.addi %mul3A_75, %add3A_76 : i32
    %multiple_of3A_78 = tpu.assume_multiple %add3A_77, 5120 : i32
    "tpu.region"() ({
      %run_scoped3A_153 = tpu.sem_alloc : memref<!tpu.dma_semaphore, #tpu.memory_space<semaphore_mem>>
      %dma_start3A = tpu.memref_slice %arg3[%multiple_of3A_78] : memref<163840xi32, #tpu.memory_space<hbm>> -> memref<5120xi32, #tpu.memory_space<hbm>>
      %dma_start3A_154 = tpu.memref_slice %arg3[%multiple_of3A_78] : memref<163840xi32, #tpu.memory_space<hbm>> -> memref<5120xi32, #tpu.memory_space<hbm>>
      tpu.enqueue_dma source(%dma_start3A_154 : memref<5120xi32, #tpu.memory_space<hbm>>) target(%arg12 : memref<5120xi32, #tpu.memory_space<vmem>>) target_semaphore(%run_scoped3A_153 : memref<!tpu.dma_semaphore, #tpu.memory_space<semaphore_mem>>)
      %dma_wait3A = tpu.memref_slice %arg3[%multiple_of3A_78] : memref<163840xi32, #tpu.memory_space<hbm>> -> memref<5120xi32, #tpu.memory_space<hbm>>
      %dma_wait3A_155 = tpu.memref_slice %arg3[%multiple_of3A_78] : memref<163840xi32, #tpu.memory_space<hbm>> -> memref<5120xi32, #tpu.memory_space<hbm>>
      tpu.wait_dma2 semaphore(%run_scoped3A_153 : memref<!tpu.dma_semaphore, #tpu.memory_space<semaphore_mem>>) src(%dma_wait3A_155 : memref<5120xi32, #tpu.memory_space<hbm>>) dst(%arg12 : memref<5120xi32, #tpu.memory_space<vmem>>)
      tpu.yield
    }) : () -> ()
    "tpu.region"() ({
      %run_scoped3A_153 = tpu.sem_alloc : memref<!tpu.dma_semaphore, #tpu.memory_space<semaphore_mem>>
      %dma_start3A = tpu.memref_slice %arg4[%multiple_of3A_78] : memref<163840xi32, #tpu.memory_space<hbm>> -> memref<5120xi32, #tpu.memory_space<hbm>>
      %dma_start3A_154 = tpu.memref_slice %arg4[%multiple_of3A_78] : memref<163840xi32, #tpu.memory_space<hbm>> -> memref<5120xi32, #tpu.memory_space<hbm>>
      tpu.enqueue_dma source(%dma_start3A_154 : memref<5120xi32, #tpu.memory_space<hbm>>) target(%arg13 : memref<5120xi32, #tpu.memory_space<vmem>>) target_semaphore(%run_scoped3A_153 : memref<!tpu.dma_semaphore, #tpu.memory_space<semaphore_mem>>)
      %dma_wait3A = tpu.memref_slice %arg4[%multiple_of3A_78] : memref<163840xi32, #tpu.memory_space<hbm>> -> memref<5120xi32, #tpu.memory_space<hbm>>
      %dma_wait3A_155 = tpu.memref_slice %arg4[%multiple_of3A_78] : memref<163840xi32, #tpu.memory_space<hbm>> -> memref<5120xi32, #tpu.memory_space<hbm>>
      tpu.wait_dma2 semaphore(%run_scoped3A_153 : memref<!tpu.dma_semaphore, #tpu.memory_space<semaphore_mem>>) src(%dma_wait3A_155 : memref<5120xi32, #tpu.memory_space<hbm>>) dst(%arg13 : memref<5120xi32, #tpu.memory_space<vmem>>)
      tpu.yield
    }) : () -> ()
    %scan3A_79 = arith.constant 0 : i32
    %scan3A_80 = arith.constant 0 : i32
    %scan3A_81 = arith.constant 320 : i32
    %scan3A_82 = arith.addi %scan3A_80, %scan3A_81 : i32
    %scan3A_83 = arith.constant 1 : i32
    %scan3A_84 = scf.for %scan3A_153 = %scan3A_80 to %scan3A_82 step %scan3A_83 iter_args(%scan3A_154 = %scan3A_79) -> (i32)  : i32 {
      %mul3A_155 = arith.constant 16 : i32
      %mul3A_156 = arith.muli %scan3A_153, %mul3A_155 : i32
      %get3A_157 = arith.index_cast %mul3A_156 : i32 to index
      %get3A_158 = tpu.vector_load %arg12[%get3A_157] {strides = array<i32>} : memref<5120xi32, #tpu.memory_space<vmem>>, vector<16xi32>,
      %mul3A_159 = arith.constant 16 : i32
      %mul3A_160 = arith.muli %scan3A_153, %mul3A_159 : i32
      %get3A_161 = arith.index_cast %mul3A_160 : i32 to index
      %get3A_162 = tpu.vector_load %arg13[%get3A_161] {strides = array<i32>} : memref<5120xi32, #tpu.memory_space<vmem>>, vector<16xi32>,
      %gather3A = tpu.vector_load_idx %arg8[%get3A_158] : memref<10112xf32, #tpu.memory_space<vmem>>[vector<16xi32>], vector<16xf32>,
      %gather3A_163 = tpu.vector_load_idx %arg9[%get3A_162] : memref<10112xf32, #tpu.memory_space<vmem>>[vector<16xi32>], vector<16xf32>,
      %add3A_164 = arith.addf %gather3A, %gather3A_163 : vector<16xf32>
      %ge3A = arith.constant 0.000000e+00 : f32
      %ge3A_165 = vector.broadcast %ge3A : f32 to vector<16xf32>
      %ge3A_166 = arith.cmpf oge, %add3A_164, %ge3A_165 : vector<16xf32>
      %mul3A_167 = arith.constant 2.000000e-01 : f32
      %mul3A_168 = vector.broadcast %mul3A_167 : f32 to vector<16xf32>
      %mul3A_169 = arith.mulf %mul3A_168, %add3A_164 : vector<16xf32>
      %select_n3A_170 = arith.select %ge3A_166, %add3A_164, %mul3A_169 : vector<16xi1>, vector<16xf32>
      %sub3A_171 = arith.subf %select_n3A_170, %broadcast_in_dim3A_42 : vector<16xf32>
      %exp3A = math.exp %sub3A_171 : vector<16xf32>
      %mul3A_172 = arith.constant 16 : i32
      %mul3A_173 = arith.muli %scan3A_153, %mul3A_172 : i32
      %add3A_174 = arith.addi %multiple_of3A_78, %mul3A_173 : i32
      %add3A_175 = vector.broadcast %add3A_174 : i32 to vector<16xi32>
      %add3A_176 = arith.addi %add3A_175, %iota3A : vector<16xi32>
      %lt3A_177 = arith.constant 160000 : i32
      %lt3A_178 = vector.broadcast %lt3A_177 : i32 to vector<16xi32>
      %lt3A_179 = arith.cmpi slt, %add3A_176, %lt3A_178 : vector<16xi32>
      %jit3A_180 = arith.constant 0.000000e+00 : f32
      %broadcast_in_dim3A_181 = vector.broadcast %jit3A_180 : f32 to vector<16xf32>
      %select_n3A_182 = arith.select %lt3A_179, %exp3A, %broadcast_in_dim3A_181 : vector<16xi1>, vector<16xf32>
      %mul3A_183 = arith.constant 16 : i32
      %mul3A_184 = arith.muli %scan3A_153, %mul3A_183 : i32
      %swap3A = arith.index_cast %mul3A_184 : i32 to index
      %swap3A_185 = tpu.vector_load %arg14[%swap3A] {strides = array<i32>} : memref<5120xf32, #tpu.memory_space<vmem>>, vector<16xf32>,
      tpu.vector_store %arg14[%swap3A], %select_n3A_182 {strides = array<i32>} : memref<5120xf32, #tpu.memory_space<vmem>>, vector<16xf32>,
      tpu.vector_store_idx %arg10[%get3A_162], %select_n3A_182 {add = true} : memref<10112xf32, #tpu.memory_space<vmem>>[vector<16xi32>], vector<16xf32>,
      %scan3A_186 = arith.constant 0 : i32
      scf.yield %scan3A_186 : i32
    }
    %scan3A_85 = arith.constant 320 : i32
    %run_scoped3A_86 = arith.constant 0 : i32
    "tpu.region"() ({
      %run_scoped3A_153 = tpu.sem_alloc : memref<!tpu.dma_semaphore, #tpu.memory_space<semaphore_mem>>
      %dma_start3A = tpu.memref_slice %arg6[%select_n3A_9, %run_scoped3A_86, %multiple_of3A_78] : memref<8x1x163840xf32, #tpu.memory_space<hbm>> -> memref<1x1x5120xf32, #tpu.memory_space<hbm>>
      %dma_start3A_154 = tpu.memref_squeeze %dma_start3A : memref<1x1x5120xf32, #tpu.memory_space<hbm>> -> memref<5120xf32, #tpu.memory_space<hbm>>
      %dma_start3A_155 = tpu.memref_slice %arg6[%select_n3A_9, %run_scoped3A_86, %multiple_of3A_78] : memref<8x1x163840xf32, #tpu.memory_space<hbm>> -> memref<1x1x5120xf32, #tpu.memory_space<hbm>>
      %dma_start3A_156 = tpu.memref_squeeze %dma_start3A_155 : memref<1x1x5120xf32, #tpu.memory_space<hbm>> -> memref<5120xf32, #tpu.memory_space<hbm>>
      tpu.enqueue_dma source(%arg14 : memref<5120xf32, #tpu.memory_space<vmem>>) target(%dma_start3A_156 : memref<5120xf32, #tpu.memory_space<hbm>>) target_semaphore(%run_scoped3A_153 : memref<!tpu.dma_semaphore, #tpu.memory_space<semaphore_mem>>)
      %dma_wait3A = tpu.memref_slice %arg6[%select_n3A_9, %run_scoped3A_86, %multiple_of3A_78] : memref<8x1x163840xf32, #tpu.memory_space<hbm>> -> memref<1x1x5120xf32, #tpu.memory_space<hbm>>
      %dma_wait3A_157 = tpu.memref_squeeze %dma_wait3A : memref<1x1x5120xf32, #tpu.memory_space<hbm>> -> memref<5120xf32, #tpu.memory_space<hbm>>
      %dma_wait3A_158 = tpu.memref_slice %arg6[%select_n3A_9, %run_scoped3A_86, %multiple_of3A_78] : memref<8x1x163840xf32, #tpu.memory_space<hbm>> -> memref<1x1x5120xf32, #tpu.memory_space<hbm>>
      %dma_wait3A_159 = tpu.memref_squeeze %dma_wait3A_158 : memref<1x1x5120xf32, #tpu.memory_space<hbm>> -> memref<5120xf32, #tpu.memory_space<hbm>>
      tpu.wait_dma2 semaphore(%run_scoped3A_153 : memref<!tpu.dma_semaphore, #tpu.memory_space<semaphore_mem>>) src(%arg14 : memref<5120xf32, #tpu.memory_space<vmem>>) dst(%dma_wait3A_159 : memref<5120xf32, #tpu.memory_space<hbm>>)
      tpu.yield
    }) : () -> ()
    %mul3A_87 = arith.constant 40960 : i32
    %mul3A_88 = arith.muli %select_n3A_30, %mul3A_87 : i32
    %add3A_89 = arith.constant 15360 : i32
    %add3A_90 = arith.addi %mul3A_88, %add3A_89 : i32
    %multiple_of3A_91 = tpu.assume_multiple %add3A_90, 5120 : i32
    "tpu.region"() ({
      %run_scoped3A_153 = tpu.sem_alloc : memref<!tpu.dma_semaphore, #tpu.memory_space<semaphore_mem>>
      %dma_start3A = tpu.memref_slice %arg3[%multiple_of3A_91] : memref<163840xi32, #tpu.memory_space<hbm>> -> memref<5120xi32, #tpu.memory_space<hbm>>
      %dma_start3A_154 = tpu.memref_slice %arg3[%multiple_of3A_91] : memref<163840xi32, #tpu.memory_space<hbm>> -> memref<5120xi32, #tpu.memory_space<hbm>>
      tpu.enqueue_dma source(%dma_start3A_154 : memref<5120xi32, #tpu.memory_space<hbm>>) target(%arg12 : memref<5120xi32, #tpu.memory_space<vmem>>) target_semaphore(%run_scoped3A_153 : memref<!tpu.dma_semaphore, #tpu.memory_space<semaphore_mem>>)
      %dma_wait3A = tpu.memref_slice %arg3[%multiple_of3A_91] : memref<163840xi32, #tpu.memory_space<hbm>> -> memref<5120xi32, #tpu.memory_space<hbm>>
      %dma_wait3A_155 = tpu.memref_slice %arg3[%multiple_of3A_91] : memref<163840xi32, #tpu.memory_space<hbm>> -> memref<5120xi32, #tpu.memory_space<hbm>>
      tpu.wait_dma2 semaphore(%run_scoped3A_153 : memref<!tpu.dma_semaphore, #tpu.memory_space<semaphore_mem>>) src(%dma_wait3A_155 : memref<5120xi32, #tpu.memory_space<hbm>>) dst(%arg12 : memref<5120xi32, #tpu.memory_space<vmem>>)
      tpu.yield
    }) : () -> ()
    "tpu.region"() ({
      %run_scoped3A_153 = tpu.sem_alloc : memref<!tpu.dma_semaphore, #tpu.memory_space<semaphore_mem>>
      %dma_start3A = tpu.memref_slice %arg4[%multiple_of3A_91] : memref<163840xi32, #tpu.memory_space<hbm>> -> memref<5120xi32, #tpu.memory_space<hbm>>
      %dma_start3A_154 = tpu.memref_slice %arg4[%multiple_of3A_91] : memref<163840xi32, #tpu.memory_space<hbm>> -> memref<5120xi32, #tpu.memory_space<hbm>>
      tpu.enqueue_dma source(%dma_start3A_154 : memref<5120xi32, #tpu.memory_space<hbm>>) target(%arg13 : memref<5120xi32, #tpu.memory_space<vmem>>) target_semaphore(%run_scoped3A_153 : memref<!tpu.dma_semaphore, #tpu.memory_space<semaphore_mem>>)
      %dma_wait3A = tpu.memref_slice %arg4[%multiple_of3A_91] : memref<163840xi32, #tpu.memory_space<hbm>> -> memref<5120xi32, #tpu.memory_space<hbm>>
      %dma_wait3A_155 = tpu.memref_slice %arg4[%multiple_of3A_91] : memref<163840xi32, #tpu.memory_space<hbm>> -> memref<5120xi32, #tpu.memory_space<hbm>>
      tpu.wait_dma2 semaphore(%run_scoped3A_153 : memref<!tpu.dma_semaphore, #tpu.memory_space<semaphore_mem>>) src(%dma_wait3A_155 : memref<5120xi32, #tpu.memory_space<hbm>>) dst(%arg13 : memref<5120xi32, #tpu.memory_space<vmem>>)
      tpu.yield
    }) : () -> ()
    %scan3A_92 = arith.constant 0 : i32
    %scan3A_93 = arith.constant 0 : i32
    %scan3A_94 = arith.constant 320 : i32
    %scan3A_95 = arith.addi %scan3A_93, %scan3A_94 : i32
    %scan3A_96 = arith.constant 1 : i32
    %scan3A_97 = scf.for %scan3A_153 = %scan3A_93 to %scan3A_95 step %scan3A_96 iter_args(%scan3A_154 = %scan3A_92) -> (i32)  : i32 {
      %mul3A_155 = arith.constant 16 : i32
      %mul3A_156 = arith.muli %scan3A_153, %mul3A_155 : i32
      %get3A_157 = arith.index_cast %mul3A_156 : i32 to index
      %get3A_158 = tpu.vector_load %arg12[%get3A_157] {strides = array<i32>} : memref<5120xi32, #tpu.memory_space<vmem>>, vector<16xi32>,
      %mul3A_159 = arith.constant 16 : i32
      %mul3A_160 = arith.muli %scan3A_153, %mul3A_159 : i32
      %get3A_161 = arith.index_cast %mul3A_160 : i32 to index
      %get3A_162 = tpu.vector_load %arg13[%get3A_161] {strides = array<i32>} : memref<5120xi32, #tpu.memory_space<vmem>>, vector<16xi32>,
      %gather3A = tpu.vector_load_idx %arg8[%get3A_158] : memref<10112xf32, #tpu.memory_space<vmem>>[vector<16xi32>], vector<16xf32>,
      %gather3A_163 = tpu.vector_load_idx %arg9[%get3A_162] : memref<10112xf32, #tpu.memory_space<vmem>>[vector<16xi32>], vector<16xf32>,
      %add3A_164 = arith.addf %gather3A, %gather3A_163 : vector<16xf32>
      %ge3A = arith.constant 0.000000e+00 : f32
      %ge3A_165 = vector.broadcast %ge3A : f32 to vector<16xf32>
      %ge3A_166 = arith.cmpf oge, %add3A_164, %ge3A_165 : vector<16xf32>
      %mul3A_167 = arith.constant 2.000000e-01 : f32
      %mul3A_168 = vector.broadcast %mul3A_167 : f32 to vector<16xf32>
      %mul3A_169 = arith.mulf %mul3A_168, %add3A_164 : vector<16xf32>
      %select_n3A_170 = arith.select %ge3A_166, %add3A_164, %mul3A_169 : vector<16xi1>, vector<16xf32>
      %sub3A_171 = arith.subf %select_n3A_170, %broadcast_in_dim3A_42 : vector<16xf32>
      %exp3A = math.exp %sub3A_171 : vector<16xf32>
      %mul3A_172 = arith.constant 16 : i32
      %mul3A_173 = arith.muli %scan3A_153, %mul3A_172 : i32
      %add3A_174 = arith.addi %multiple_of3A_91, %mul3A_173 : i32
      %add3A_175 = vector.broadcast %add3A_174 : i32 to vector<16xi32>
      %add3A_176 = arith.addi %add3A_175, %iota3A : vector<16xi32>
      %lt3A_177 = arith.constant 160000 : i32
      %lt3A_178 = vector.broadcast %lt3A_177 : i32 to vector<16xi32>
      %lt3A_179 = arith.cmpi slt, %add3A_176, %lt3A_178 : vector<16xi32>
      %jit3A_180 = arith.constant 0.000000e+00 : f32
      %broadcast_in_dim3A_181 = vector.broadcast %jit3A_180 : f32 to vector<16xf32>
      %select_n3A_182 = arith.select %lt3A_179, %exp3A, %broadcast_in_dim3A_181 : vector<16xi1>, vector<16xf32>
      %mul3A_183 = arith.constant 16 : i32
      %mul3A_184 = arith.muli %scan3A_153, %mul3A_183 : i32
      %swap3A = arith.index_cast %mul3A_184 : i32 to index
      %swap3A_185 = tpu.vector_load %arg14[%swap3A] {strides = array<i32>} : memref<5120xf32, #tpu.memory_space<vmem>>, vector<16xf32>,
      tpu.vector_store %arg14[%swap3A], %select_n3A_182 {strides = array<i32>} : memref<5120xf32, #tpu.memory_space<vmem>>, vector<16xf32>,
      tpu.vector_store_idx %arg10[%get3A_162], %select_n3A_182 {add = true} : memref<10112xf32, #tpu.memory_space<vmem>>[vector<16xi32>], vector<16xf32>,
      %scan3A_186 = arith.constant 0 : i32
      scf.yield %scan3A_186 : i32
    }
    %scan3A_98 = arith.constant 320 : i32
    %run_scoped3A_99 = arith.constant 0 : i32
    "tpu.region"() ({
      %run_scoped3A_153 = tpu.sem_alloc : memref<!tpu.dma_semaphore, #tpu.memory_space<semaphore_mem>>
      %dma_start3A = tpu.memref_slice %arg6[%select_n3A_9, %run_scoped3A_99, %multiple_of3A_91] : memref<8x1x163840xf32, #tpu.memory_space<hbm>> -> memref<1x1x5120xf32, #tpu.memory_space<hbm>>
      %dma_start3A_154 = tpu.memref_squeeze %dma_start3A : memref<1x1x5120xf32, #tpu.memory_space<hbm>> -> memref<5120xf32, #tpu.memory_space<hbm>>
      %dma_start3A_155 = tpu.memref_slice %arg6[%select_n3A_9, %run_scoped3A_99, %multiple_of3A_91] : memref<8x1x163840xf32, #tpu.memory_space<hbm>> -> memref<1x1x5120xf32, #tpu.memory_space<hbm>>
      %dma_start3A_156 = tpu.memref_squeeze %dma_start3A_155 : memref<1x1x5120xf32, #tpu.memory_space<hbm>> -> memref<5120xf32, #tpu.memory_space<hbm>>
      tpu.enqueue_dma source(%arg14 : memref<5120xf32, #tpu.memory_space<vmem>>) target(%dma_start3A_156 : memref<5120xf32, #tpu.memory_space<hbm>>) target_semaphore(%run_scoped3A_153 : memref<!tpu.dma_semaphore, #tpu.memory_space<semaphore_mem>>)
      %dma_wait3A = tpu.memref_slice %arg6[%select_n3A_9, %run_scoped3A_99, %multiple_of3A_91] : memref<8x1x163840xf32, #tpu.memory_space<hbm>> -> memref<1x1x5120xf32, #tpu.memory_space<hbm>>
      %dma_wait3A_157 = tpu.memref_squeeze %dma_wait3A : memref<1x1x5120xf32, #tpu.memory_space<hbm>> -> memref<5120xf32, #tpu.memory_space<hbm>>
      %dma_wait3A_158 = tpu.memref_slice %arg6[%select_n3A_9, %run_scoped3A_99, %multiple_of3A_91] : memref<8x1x163840xf32, #tpu.memory_space<hbm>> -> memref<1x1x5120xf32, #tpu.memory_space<hbm>>
      %dma_wait3A_159 = tpu.memref_squeeze %dma_wait3A_158 : memref<1x1x5120xf32, #tpu.memory_space<hbm>> -> memref<5120xf32, #tpu.memory_space<hbm>>
      tpu.wait_dma2 semaphore(%run_scoped3A_153 : memref<!tpu.dma_semaphore, #tpu.memory_space<semaphore_mem>>) src(%arg14 : memref<5120xf32, #tpu.memory_space<vmem>>) dst(%dma_wait3A_159 : memref<5120xf32, #tpu.memory_space<hbm>>)
      tpu.yield
    }) : () -> ()
    %mul3A_100 = arith.constant 40960 : i32
    %mul3A_101 = arith.muli %select_n3A_30, %mul3A_100 : i32
    %add3A_102 = arith.constant 20480 : i32
    %add3A_103 = arith.addi %mul3A_101, %add3A_102 : i32
    %multiple_of3A_104 = tpu.assume_multiple %add3A_103, 5120 : i32
    "tpu.region"() ({
      %run_scoped3A_153 = tpu.sem_alloc : memref<!tpu.dma_semaphore, #tpu.memory_space<semaphore_mem>>
      %dma_start3A = tpu.memref_slice %arg3[%multiple_of3A_104] : memref<163840xi32, #tpu.memory_space<hbm>> -> memref<5120xi32, #tpu.memory_space<hbm>>
      %dma_start3A_154 = tpu.memref_slice %arg3[%multiple_of3A_104] : memref<163840xi32, #tpu.memory_space<hbm>> -> memref<5120xi32, #tpu.memory_space<hbm>>
      tpu.enqueue_dma source(%dma_start3A_154 : memref<5120xi32, #tpu.memory_space<hbm>>) target(%arg12 : memref<5120xi32, #tpu.memory_space<vmem>>) target_semaphore(%run_scoped3A_153 : memref<!tpu.dma_semaphore, #tpu.memory_space<semaphore_mem>>)
      %dma_wait3A = tpu.memref_slice %arg3[%multiple_of3A_104] : memref<163840xi32, #tpu.memory_space<hbm>> -> memref<5120xi32, #tpu.memory_space<hbm>>
      %dma_wait3A_155 = tpu.memref_slice %arg3[%multiple_of3A_104] : memref<163840xi32, #tpu.memory_space<hbm>> -> memref<5120xi32, #tpu.memory_space<hbm>>
      tpu.wait_dma2 semaphore(%run_scoped3A_153 : memref<!tpu.dma_semaphore, #tpu.memory_space<semaphore_mem>>) src(%dma_wait3A_155 : memref<5120xi32, #tpu.memory_space<hbm>>) dst(%arg12 : memref<5120xi32, #tpu.memory_space<vmem>>)
      tpu.yield
    }) : () -> ()
    "tpu.region"() ({
      %run_scoped3A_153 = tpu.sem_alloc : memref<!tpu.dma_semaphore, #tpu.memory_space<semaphore_mem>>
      %dma_start3A = tpu.memref_slice %arg4[%multiple_of3A_104] : memref<163840xi32, #tpu.memory_space<hbm>> -> memref<5120xi32, #tpu.memory_space<hbm>>
      %dma_start3A_154 = tpu.memref_slice %arg4[%multiple_of3A_104] : memref<163840xi32, #tpu.memory_space<hbm>> -> memref<5120xi32, #tpu.memory_space<hbm>>
      tpu.enqueue_dma source(%dma_start3A_154 : memref<5120xi32, #tpu.memory_space<hbm>>) target(%arg13 : memref<5120xi32, #tpu.memory_space<vmem>>) target_semaphore(%run_scoped3A_153 : memref<!tpu.dma_semaphore, #tpu.memory_space<semaphore_mem>>)
      %dma_wait3A = tpu.memref_slice %arg4[%multiple_of3A_104] : memref<163840xi32, #tpu.memory_space<hbm>> -> memref<5120xi32, #tpu.memory_space<hbm>>
      %dma_wait3A_155 = tpu.memref_slice %arg4[%multiple_of3A_104] : memref<163840xi32, #tpu.memory_space<hbm>> -> memref<5120xi32, #tpu.memory_space<hbm>>
      tpu.wait_dma2 semaphore(%run_scoped3A_153 : memref<!tpu.dma_semaphore, #tpu.memory_space<semaphore_mem>>) src(%dma_wait3A_155 : memref<5120xi32, #tpu.memory_space<hbm>>) dst(%arg13 : memref<5120xi32, #tpu.memory_space<vmem>>)
      tpu.yield
    }) : () -> ()
    %scan3A_105 = arith.constant 0 : i32
    %scan3A_106 = arith.constant 0 : i32
    %scan3A_107 = arith.constant 320 : i32
    %scan3A_108 = arith.addi %scan3A_106, %scan3A_107 : i32
    %scan3A_109 = arith.constant 1 : i32
    %scan3A_110 = scf.for %scan3A_153 = %scan3A_106 to %scan3A_108 step %scan3A_109 iter_args(%scan3A_154 = %scan3A_105) -> (i32)  : i32 {
      %mul3A_155 = arith.constant 16 : i32
      %mul3A_156 = arith.muli %scan3A_153, %mul3A_155 : i32
      %get3A_157 = arith.index_cast %mul3A_156 : i32 to index
      %get3A_158 = tpu.vector_load %arg12[%get3A_157] {strides = array<i32>} : memref<5120xi32, #tpu.memory_space<vmem>>, vector<16xi32>,
      %mul3A_159 = arith.constant 16 : i32
      %mul3A_160 = arith.muli %scan3A_153, %mul3A_159 : i32
      %get3A_161 = arith.index_cast %mul3A_160 : i32 to index
      %get3A_162 = tpu.vector_load %arg13[%get3A_161] {strides = array<i32>} : memref<5120xi32, #tpu.memory_space<vmem>>, vector<16xi32>,
      %gather3A = tpu.vector_load_idx %arg8[%get3A_158] : memref<10112xf32, #tpu.memory_space<vmem>>[vector<16xi32>], vector<16xf32>,
      %gather3A_163 = tpu.vector_load_idx %arg9[%get3A_162] : memref<10112xf32, #tpu.memory_space<vmem>>[vector<16xi32>], vector<16xf32>,
      %add3A_164 = arith.addf %gather3A, %gather3A_163 : vector<16xf32>
      %ge3A = arith.constant 0.000000e+00 : f32
      %ge3A_165 = vector.broadcast %ge3A : f32 to vector<16xf32>
      %ge3A_166 = arith.cmpf oge, %add3A_164, %ge3A_165 : vector<16xf32>
      %mul3A_167 = arith.constant 2.000000e-01 : f32
      %mul3A_168 = vector.broadcast %mul3A_167 : f32 to vector<16xf32>
      %mul3A_169 = arith.mulf %mul3A_168, %add3A_164 : vector<16xf32>
      %select_n3A_170 = arith.select %ge3A_166, %add3A_164, %mul3A_169 : vector<16xi1>, vector<16xf32>
      %sub3A_171 = arith.subf %select_n3A_170, %broadcast_in_dim3A_42 : vector<16xf32>
      %exp3A = math.exp %sub3A_171 : vector<16xf32>
      %mul3A_172 = arith.constant 16 : i32
      %mul3A_173 = arith.muli %scan3A_153, %mul3A_172 : i32
      %add3A_174 = arith.addi %multiple_of3A_104, %mul3A_173 : i32
      %add3A_175 = vector.broadcast %add3A_174 : i32 to vector<16xi32>
      %add3A_176 = arith.addi %add3A_175, %iota3A : vector<16xi32>
      %lt3A_177 = arith.constant 160000 : i32
      %lt3A_178 = vector.broadcast %lt3A_177 : i32 to vector<16xi32>
      %lt3A_179 = arith.cmpi slt, %add3A_176, %lt3A_178 : vector<16xi32>
      %jit3A_180 = arith.constant 0.000000e+00 : f32
      %broadcast_in_dim3A_181 = vector.broadcast %jit3A_180 : f32 to vector<16xf32>
      %select_n3A_182 = arith.select %lt3A_179, %exp3A, %broadcast_in_dim3A_181 : vector<16xi1>, vector<16xf32>
      %mul3A_183 = arith.constant 16 : i32
      %mul3A_184 = arith.muli %scan3A_153, %mul3A_183 : i32
      %swap3A = arith.index_cast %mul3A_184 : i32 to index
      %swap3A_185 = tpu.vector_load %arg14[%swap3A] {strides = array<i32>} : memref<5120xf32, #tpu.memory_space<vmem>>, vector<16xf32>,
      tpu.vector_store %arg14[%swap3A], %select_n3A_182 {strides = array<i32>} : memref<5120xf32, #tpu.memory_space<vmem>>, vector<16xf32>,
      tpu.vector_store_idx %arg10[%get3A_162], %select_n3A_182 {add = true} : memref<10112xf32, #tpu.memory_space<vmem>>[vector<16xi32>], vector<16xf32>,
      %scan3A_186 = arith.constant 0 : i32
      scf.yield %scan3A_186 : i32
    }
    %scan3A_111 = arith.constant 320 : i32
    %run_scoped3A_112 = arith.constant 0 : i32
    "tpu.region"() ({
      %run_scoped3A_153 = tpu.sem_alloc : memref<!tpu.dma_semaphore, #tpu.memory_space<semaphore_mem>>
      %dma_start3A = tpu.memref_slice %arg6[%select_n3A_9, %run_scoped3A_112, %multiple_of3A_104] : memref<8x1x163840xf32, #tpu.memory_space<hbm>> -> memref<1x1x5120xf32, #tpu.memory_space<hbm>>
      %dma_start3A_154 = tpu.memref_squeeze %dma_start3A : memref<1x1x5120xf32, #tpu.memory_space<hbm>> -> memref<5120xf32, #tpu.memory_space<hbm>>
      %dma_start3A_155 = tpu.memref_slice %arg6[%select_n3A_9, %run_scoped3A_112, %multiple_of3A_104] : memref<8x1x163840xf32, #tpu.memory_space<hbm>> -> memref<1x1x5120xf32, #tpu.memory_space<hbm>>
      %dma_start3A_156 = tpu.memref_squeeze %dma_start3A_155 : memref<1x1x5120xf32, #tpu.memory_space<hbm>> -> memref<5120xf32, #tpu.memory_space<hbm>>
      tpu.enqueue_dma source(%arg14 : memref<5120xf32, #tpu.memory_space<vmem>>) target(%dma_start3A_156 : memref<5120xf32, #tpu.memory_space<hbm>>) target_semaphore(%run_scoped3A_153 : memref<!tpu.dma_semaphore, #tpu.memory_space<semaphore_mem>>)
      %dma_wait3A = tpu.memref_slice %arg6[%select_n3A_9, %run_scoped3A_112, %multiple_of3A_104] : memref<8x1x163840xf32, #tpu.memory_space<hbm>> -> memref<1x1x5120xf32, #tpu.memory_space<hbm>>
      %dma_wait3A_157 = tpu.memref_squeeze %dma_wait3A : memref<1x1x5120xf32, #tpu.memory_space<hbm>> -> memref<5120xf32, #tpu.memory_space<hbm>>
      %dma_wait3A_158 = tpu.memref_slice %arg6[%select_n3A_9, %run_scoped3A_112, %multiple_of3A_104] : memref<8x1x163840xf32, #tpu.memory_space<hbm>> -> memref<1x1x5120xf32, #tpu.memory_space<hbm>>
      %dma_wait3A_159 = tpu.memref_squeeze %dma_wait3A_158 : memref<1x1x5120xf32, #tpu.memory_space<hbm>> -> memref<5120xf32, #tpu.memory_space<hbm>>
      tpu.wait_dma2 semaphore(%run_scoped3A_153 : memref<!tpu.dma_semaphore, #tpu.memory_space<semaphore_mem>>) src(%arg14 : memref<5120xf32, #tpu.memory_space<vmem>>) dst(%dma_wait3A_159 : memref<5120xf32, #tpu.memory_space<hbm>>)
      tpu.yield
    }) : () -> ()
    %mul3A_113 = arith.constant 40960 : i32
    %mul3A_114 = arith.muli %select_n3A_30, %mul3A_113 : i32
    %add3A_115 = arith.constant 25600 : i32
    %add3A_116 = arith.addi %mul3A_114, %add3A_115 : i32
    %multiple_of3A_117 = tpu.assume_multiple %add3A_116, 5120 : i32
    "tpu.region"() ({
      %run_scoped3A_153 = tpu.sem_alloc : memref<!tpu.dma_semaphore, #tpu.memory_space<semaphore_mem>>
      %dma_start3A = tpu.memref_slice %arg3[%multiple_of3A_117] : memref<163840xi32, #tpu.memory_space<hbm>> -> memref<5120xi32, #tpu.memory_space<hbm>>
      %dma_start3A_154 = tpu.memref_slice %arg3[%multiple_of3A_117] : memref<163840xi32, #tpu.memory_space<hbm>> -> memref<5120xi32, #tpu.memory_space<hbm>>
      tpu.enqueue_dma source(%dma_start3A_154 : memref<5120xi32, #tpu.memory_space<hbm>>) target(%arg12 : memref<5120xi32, #tpu.memory_space<vmem>>) target_semaphore(%run_scoped3A_153 : memref<!tpu.dma_semaphore, #tpu.memory_space<semaphore_mem>>)
      %dma_wait3A = tpu.memref_slice %arg3[%multiple_of3A_117] : memref<163840xi32, #tpu.memory_space<hbm>> -> memref<5120xi32, #tpu.memory_space<hbm>>
      %dma_wait3A_155 = tpu.memref_slice %arg3[%multiple_of3A_117] : memref<163840xi32, #tpu.memory_space<hbm>> -> memref<5120xi32, #tpu.memory_space<hbm>>
      tpu.wait_dma2 semaphore(%run_scoped3A_153 : memref<!tpu.dma_semaphore, #tpu.memory_space<semaphore_mem>>) src(%dma_wait3A_155 : memref<5120xi32, #tpu.memory_space<hbm>>) dst(%arg12 : memref<5120xi32, #tpu.memory_space<vmem>>)
      tpu.yield
    }) : () -> ()
    "tpu.region"() ({
      %run_scoped3A_153 = tpu.sem_alloc : memref<!tpu.dma_semaphore, #tpu.memory_space<semaphore_mem>>
      %dma_start3A = tpu.memref_slice %arg4[%multiple_of3A_117] : memref<163840xi32, #tpu.memory_space<hbm>> -> memref<5120xi32, #tpu.memory_space<hbm>>
      %dma_start3A_154 = tpu.memref_slice %arg4[%multiple_of3A_117] : memref<163840xi32, #tpu.memory_space<hbm>> -> memref<5120xi32, #tpu.memory_space<hbm>>
      tpu.enqueue_dma source(%dma_start3A_154 : memref<5120xi32, #tpu.memory_space<hbm>>) target(%arg13 : memref<5120xi32, #tpu.memory_space<vmem>>) target_semaphore(%run_scoped3A_153 : memref<!tpu.dma_semaphore, #tpu.memory_space<semaphore_mem>>)
      %dma_wait3A = tpu.memref_slice %arg4[%multiple_of3A_117] : memref<163840xi32, #tpu.memory_space<hbm>> -> memref<5120xi32, #tpu.memory_space<hbm>>
      %dma_wait3A_155 = tpu.memref_slice %arg4[%multiple_of3A_117] : memref<163840xi32, #tpu.memory_space<hbm>> -> memref<5120xi32, #tpu.memory_space<hbm>>
      tpu.wait_dma2 semaphore(%run_scoped3A_153 : memref<!tpu.dma_semaphore, #tpu.memory_space<semaphore_mem>>) src(%dma_wait3A_155 : memref<5120xi32, #tpu.memory_space<hbm>>) dst(%arg13 : memref<5120xi32, #tpu.memory_space<vmem>>)
      tpu.yield
    }) : () -> ()
    %scan3A_118 = arith.constant 0 : i32
    %scan3A_119 = arith.constant 0 : i32
    %scan3A_120 = arith.constant 320 : i32
    %scan3A_121 = arith.addi %scan3A_119, %scan3A_120 : i32
    %scan3A_122 = arith.constant 1 : i32
    %scan3A_123 = scf.for %scan3A_153 = %scan3A_119 to %scan3A_121 step %scan3A_122 iter_args(%scan3A_154 = %scan3A_118) -> (i32)  : i32 {
      %mul3A_155 = arith.constant 16 : i32
      %mul3A_156 = arith.muli %scan3A_153, %mul3A_155 : i32
      %get3A_157 = arith.index_cast %mul3A_156 : i32 to index
      %get3A_158 = tpu.vector_load %arg12[%get3A_157] {strides = array<i32>} : memref<5120xi32, #tpu.memory_space<vmem>>, vector<16xi32>,
      %mul3A_159 = arith.constant 16 : i32
      %mul3A_160 = arith.muli %scan3A_153, %mul3A_159 : i32
      %get3A_161 = arith.index_cast %mul3A_160 : i32 to index
      %get3A_162 = tpu.vector_load %arg13[%get3A_161] {strides = array<i32>} : memref<5120xi32, #tpu.memory_space<vmem>>, vector<16xi32>,
      %gather3A = tpu.vector_load_idx %arg8[%get3A_158] : memref<10112xf32, #tpu.memory_space<vmem>>[vector<16xi32>], vector<16xf32>,
      %gather3A_163 = tpu.vector_load_idx %arg9[%get3A_162] : memref<10112xf32, #tpu.memory_space<vmem>>[vector<16xi32>], vector<16xf32>,
      %add3A_164 = arith.addf %gather3A, %gather3A_163 : vector<16xf32>
      %ge3A = arith.constant 0.000000e+00 : f32
      %ge3A_165 = vector.broadcast %ge3A : f32 to vector<16xf32>
      %ge3A_166 = arith.cmpf oge, %add3A_164, %ge3A_165 : vector<16xf32>
      %mul3A_167 = arith.constant 2.000000e-01 : f32
      %mul3A_168 = vector.broadcast %mul3A_167 : f32 to vector<16xf32>
      %mul3A_169 = arith.mulf %mul3A_168, %add3A_164 : vector<16xf32>
      %select_n3A_170 = arith.select %ge3A_166, %add3A_164, %mul3A_169 : vector<16xi1>, vector<16xf32>
      %sub3A_171 = arith.subf %select_n3A_170, %broadcast_in_dim3A_42 : vector<16xf32>
      %exp3A = math.exp %sub3A_171 : vector<16xf32>
      %mul3A_172 = arith.constant 16 : i32
      %mul3A_173 = arith.muli %scan3A_153, %mul3A_172 : i32
      %add3A_174 = arith.addi %multiple_of3A_117, %mul3A_173 : i32
      %add3A_175 = vector.broadcast %add3A_174 : i32 to vector<16xi32>
      %add3A_176 = arith.addi %add3A_175, %iota3A : vector<16xi32>
      %lt3A_177 = arith.constant 160000 : i32
      %lt3A_178 = vector.broadcast %lt3A_177 : i32 to vector<16xi32>
      %lt3A_179 = arith.cmpi slt, %add3A_176, %lt3A_178 : vector<16xi32>
      %jit3A_180 = arith.constant 0.000000e+00 : f32
      %broadcast_in_dim3A_181 = vector.broadcast %jit3A_180 : f32 to vector<16xf32>
      %select_n3A_182 = arith.select %lt3A_179, %exp3A, %broadcast_in_dim3A_181 : vector<16xi1>, vector<16xf32>
      %mul3A_183 = arith.constant 16 : i32
      %mul3A_184 = arith.muli %scan3A_153, %mul3A_183 : i32
      %swap3A = arith.index_cast %mul3A_184 : i32 to index
      %swap3A_185 = tpu.vector_load %arg14[%swap3A] {strides = array<i32>} : memref<5120xf32, #tpu.memory_space<vmem>>, vector<16xf32>,
      tpu.vector_store %arg14[%swap3A], %select_n3A_182 {strides = array<i32>} : memref<5120xf32, #tpu.memory_space<vmem>>, vector<16xf32>,
      tpu.vector_store_idx %arg10[%get3A_162], %select_n3A_182 {add = true} : memref<10112xf32, #tpu.memory_space<vmem>>[vector<16xi32>], vector<16xf32>,
      %scan3A_186 = arith.constant 0 : i32
      scf.yield %scan3A_186 : i32
    }
    %scan3A_124 = arith.constant 320 : i32
    %run_scoped3A_125 = arith.constant 0 : i32
    "tpu.region"() ({
      %run_scoped3A_153 = tpu.sem_alloc : memref<!tpu.dma_semaphore, #tpu.memory_space<semaphore_mem>>
      %dma_start3A = tpu.memref_slice %arg6[%select_n3A_9, %run_scoped3A_125, %multiple_of3A_117] : memref<8x1x163840xf32, #tpu.memory_space<hbm>> -> memref<1x1x5120xf32, #tpu.memory_space<hbm>>
      %dma_start3A_154 = tpu.memref_squeeze %dma_start3A : memref<1x1x5120xf32, #tpu.memory_space<hbm>> -> memref<5120xf32, #tpu.memory_space<hbm>>
      %dma_start3A_155 = tpu.memref_slice %arg6[%select_n3A_9, %run_scoped3A_125, %multiple_of3A_117] : memref<8x1x163840xf32, #tpu.memory_space<hbm>> -> memref<1x1x5120xf32, #tpu.memory_space<hbm>>
      %dma_start3A_156 = tpu.memref_squeeze %dma_start3A_155 : memref<1x1x5120xf32, #tpu.memory_space<hbm>> -> memref<5120xf32, #tpu.memory_space<hbm>>
      tpu.enqueue_dma source(%arg14 : memref<5120xf32, #tpu.memory_space<vmem>>) target(%dma_start3A_156 : memref<5120xf32, #tpu.memory_space<hbm>>) target_semaphore(%run_scoped3A_153 : memref<!tpu.dma_semaphore, #tpu.memory_space<semaphore_mem>>)
      %dma_wait3A = tpu.memref_slice %arg6[%select_n3A_9, %run_scoped3A_125, %multiple_of3A_117] : memref<8x1x163840xf32, #tpu.memory_space<hbm>> -> memref<1x1x5120xf32, #tpu.memory_space<hbm>>
      %dma_wait3A_157 = tpu.memref_squeeze %dma_wait3A : memref<1x1x5120xf32, #tpu.memory_space<hbm>> -> memref<5120xf32, #tpu.memory_space<hbm>>
      %dma_wait3A_158 = tpu.memref_slice %arg6[%select_n3A_9, %run_scoped3A_125, %multiple_of3A_117] : memref<8x1x163840xf32, #tpu.memory_space<hbm>> -> memref<1x1x5120xf32, #tpu.memory_space<hbm>>
      %dma_wait3A_159 = tpu.memref_squeeze %dma_wait3A_158 : memref<1x1x5120xf32, #tpu.memory_space<hbm>> -> memref<5120xf32, #tpu.memory_space<hbm>>
      tpu.wait_dma2 semaphore(%run_scoped3A_153 : memref<!tpu.dma_semaphore, #tpu.memory_space<semaphore_mem>>) src(%arg14 : memref<5120xf32, #tpu.memory_space<vmem>>) dst(%dma_wait3A_159 : memref<5120xf32, #tpu.memory_space<hbm>>)
      tpu.yield
    }) : () -> ()
    %mul3A_126 = arith.constant 40960 : i32
    %mul3A_127 = arith.muli %select_n3A_30, %mul3A_126 : i32
    %add3A_128 = arith.constant 30720 : i32
    %add3A_129 = arith.addi %mul3A_127, %add3A_128 : i32
    %multiple_of3A_130 = tpu.assume_multiple %add3A_129, 5120 : i32
    "tpu.region"() ({
      %run_scoped3A_153 = tpu.sem_alloc : memref<!tpu.dma_semaphore, #tpu.memory_space<semaphore_mem>>
      %dma_start3A = tpu.memref_slice %arg3[%multiple_of3A_130] : memref<163840xi32, #tpu.memory_space<hbm>> -> memref<5120xi32, #tpu.memory_space<hbm>>
      %dma_start3A_154 = tpu.memref_slice %arg3[%multiple_of3A_130] : memref<163840xi32, #tpu.memory_space<hbm>> -> memref<5120xi32, #tpu.memory_space<hbm>>
      tpu.enqueue_dma source(%dma_start3A_154 : memref<5120xi32, #tpu.memory_space<hbm>>) target(%arg12 : memref<5120xi32, #tpu.memory_space<vmem>>) target_semaphore(%run_scoped3A_153 : memref<!tpu.dma_semaphore, #tpu.memory_space<semaphore_mem>>)
      %dma_wait3A = tpu.memref_slice %arg3[%multiple_of3A_130] : memref<163840xi32, #tpu.memory_space<hbm>> -> memref<5120xi32, #tpu.memory_space<hbm>>
      %dma_wait3A_155 = tpu.memref_slice %arg3[%multiple_of3A_130] : memref<163840xi32, #tpu.memory_space<hbm>> -> memref<5120xi32, #tpu.memory_space<hbm>>
      tpu.wait_dma2 semaphore(%run_scoped3A_153 : memref<!tpu.dma_semaphore, #tpu.memory_space<semaphore_mem>>) src(%dma_wait3A_155 : memref<5120xi32, #tpu.memory_space<hbm>>) dst(%arg12 : memref<5120xi32, #tpu.memory_space<vmem>>)
      tpu.yield
    }) : () -> ()
    "tpu.region"() ({
      %run_scoped3A_153 = tpu.sem_alloc : memref<!tpu.dma_semaphore, #tpu.memory_space<semaphore_mem>>
      %dma_start3A = tpu.memref_slice %arg4[%multiple_of3A_130] : memref<163840xi32, #tpu.memory_space<hbm>> -> memref<5120xi32, #tpu.memory_space<hbm>>
      %dma_start3A_154 = tpu.memref_slice %arg4[%multiple_of3A_130] : memref<163840xi32, #tpu.memory_space<hbm>> -> memref<5120xi32, #tpu.memory_space<hbm>>
      tpu.enqueue_dma source(%dma_start3A_154 : memref<5120xi32, #tpu.memory_space<hbm>>) target(%arg13 : memref<5120xi32, #tpu.memory_space<vmem>>) target_semaphore(%run_scoped3A_153 : memref<!tpu.dma_semaphore, #tpu.memory_space<semaphore_mem>>)
      %dma_wait3A = tpu.memref_slice %arg4[%multiple_of3A_130] : memref<163840xi32, #tpu.memory_space<hbm>> -> memref<5120xi32, #tpu.memory_space<hbm>>
      %dma_wait3A_155 = tpu.memref_slice %arg4[%multiple_of3A_130] : memref<163840xi32, #tpu.memory_space<hbm>> -> memref<5120xi32, #tpu.memory_space<hbm>>
      tpu.wait_dma2 semaphore(%run_scoped3A_153 : memref<!tpu.dma_semaphore, #tpu.memory_space<semaphore_mem>>) src(%dma_wait3A_155 : memref<5120xi32, #tpu.memory_space<hbm>>) dst(%arg13 : memref<5120xi32, #tpu.memory_space<vmem>>)
      tpu.yield
    }) : () -> ()
    %scan3A_131 = arith.constant 0 : i32
    %scan3A_132 = arith.constant 0 : i32
    %scan3A_133 = arith.constant 320 : i32
    %scan3A_134 = arith.addi %scan3A_132, %scan3A_133 : i32
    %scan3A_135 = arith.constant 1 : i32
    %scan3A_136 = scf.for %scan3A_153 = %scan3A_132 to %scan3A_134 step %scan3A_135 iter_args(%scan3A_154 = %scan3A_131) -> (i32)  : i32 {
      %mul3A_155 = arith.constant 16 : i32
      %mul3A_156 = arith.muli %scan3A_153, %mul3A_155 : i32
      %get3A_157 = arith.index_cast %mul3A_156 : i32 to index
      %get3A_158 = tpu.vector_load %arg12[%get3A_157] {strides = array<i32>} : memref<5120xi32, #tpu.memory_space<vmem>>, vector<16xi32>,
      %mul3A_159 = arith.constant 16 : i32
      %mul3A_160 = arith.muli %scan3A_153, %mul3A_159 : i32
      %get3A_161 = arith.index_cast %mul3A_160 : i32 to index
      %get3A_162 = tpu.vector_load %arg13[%get3A_161] {strides = array<i32>} : memref<5120xi32, #tpu.memory_space<vmem>>, vector<16xi32>,
      %gather3A = tpu.vector_load_idx %arg8[%get3A_158] : memref<10112xf32, #tpu.memory_space<vmem>>[vector<16xi32>], vector<16xf32>,
      %gather3A_163 = tpu.vector_load_idx %arg9[%get3A_162] : memref<10112xf32, #tpu.memory_space<vmem>>[vector<16xi32>], vector<16xf32>,
      %add3A_164 = arith.addf %gather3A, %gather3A_163 : vector<16xf32>
      %ge3A = arith.constant 0.000000e+00 : f32
      %ge3A_165 = vector.broadcast %ge3A : f32 to vector<16xf32>
      %ge3A_166 = arith.cmpf oge, %add3A_164, %ge3A_165 : vector<16xf32>
      %mul3A_167 = arith.constant 2.000000e-01 : f32
      %mul3A_168 = vector.broadcast %mul3A_167 : f32 to vector<16xf32>
      %mul3A_169 = arith.mulf %mul3A_168, %add3A_164 : vector<16xf32>
      %select_n3A_170 = arith.select %ge3A_166, %add3A_164, %mul3A_169 : vector<16xi1>, vector<16xf32>
      %sub3A_171 = arith.subf %select_n3A_170, %broadcast_in_dim3A_42 : vector<16xf32>
      %exp3A = math.exp %sub3A_171 : vector<16xf32>
      %mul3A_172 = arith.constant 16 : i32
      %mul3A_173 = arith.muli %scan3A_153, %mul3A_172 : i32
      %add3A_174 = arith.addi %multiple_of3A_130, %mul3A_173 : i32
      %add3A_175 = vector.broadcast %add3A_174 : i32 to vector<16xi32>
      %add3A_176 = arith.addi %add3A_175, %iota3A : vector<16xi32>
      %lt3A_177 = arith.constant 160000 : i32
      %lt3A_178 = vector.broadcast %lt3A_177 : i32 to vector<16xi32>
      %lt3A_179 = arith.cmpi slt, %add3A_176, %lt3A_178 : vector<16xi32>
      %jit3A_180 = arith.constant 0.000000e+00 : f32
      %broadcast_in_dim3A_181 = vector.broadcast %jit3A_180 : f32 to vector<16xf32>
      %select_n3A_182 = arith.select %lt3A_179, %exp3A, %broadcast_in_dim3A_181 : vector<16xi1>, vector<16xf32>
      %mul3A_183 = arith.constant 16 : i32
      %mul3A_184 = arith.muli %scan3A_153, %mul3A_183 : i32
      %swap3A = arith.index_cast %mul3A_184 : i32 to index
      %swap3A_185 = tpu.vector_load %arg14[%swap3A] {strides = array<i32>} : memref<5120xf32, #tpu.memory_space<vmem>>, vector<16xf32>,
      tpu.vector_store %arg14[%swap3A], %select_n3A_182 {strides = array<i32>} : memref<5120xf32, #tpu.memory_space<vmem>>, vector<16xf32>,
      tpu.vector_store_idx %arg10[%get3A_162], %select_n3A_182 {add = true} : memref<10112xf32, #tpu.memory_space<vmem>>[vector<16xi32>], vector<16xf32>,
      %scan3A_186 = arith.constant 0 : i32
      scf.yield %scan3A_186 : i32
    }
    %scan3A_137 = arith.constant 320 : i32
    %run_scoped3A_138 = arith.constant 0 : i32
    "tpu.region"() ({
      %run_scoped3A_153 = tpu.sem_alloc : memref<!tpu.dma_semaphore, #tpu.memory_space<semaphore_mem>>
      %dma_start3A = tpu.memref_slice %arg6[%select_n3A_9, %run_scoped3A_138, %multiple_of3A_130] : memref<8x1x163840xf32, #tpu.memory_space<hbm>> -> memref<1x1x5120xf32, #tpu.memory_space<hbm>>
      %dma_start3A_154 = tpu.memref_squeeze %dma_start3A : memref<1x1x5120xf32, #tpu.memory_space<hbm>> -> memref<5120xf32, #tpu.memory_space<hbm>>
      %dma_start3A_155 = tpu.memref_slice %arg6[%select_n3A_9, %run_scoped3A_138, %multiple_of3A_130] : memref<8x1x163840xf32, #tpu.memory_space<hbm>> -> memref<1x1x5120xf32, #tpu.memory_space<hbm>>
      %dma_start3A_156 = tpu.memref_squeeze %dma_start3A_155 : memref<1x1x5120xf32, #tpu.memory_space<hbm>> -> memref<5120xf32, #tpu.memory_space<hbm>>
      tpu.enqueue_dma source(%arg14 : memref<5120xf32, #tpu.memory_space<vmem>>) target(%dma_start3A_156 : memref<5120xf32, #tpu.memory_space<hbm>>) target_semaphore(%run_scoped3A_153 : memref<!tpu.dma_semaphore, #tpu.memory_space<semaphore_mem>>)
      %dma_wait3A = tpu.memref_slice %arg6[%select_n3A_9, %run_scoped3A_138, %multiple_of3A_130] : memref<8x1x163840xf32, #tpu.memory_space<hbm>> -> memref<1x1x5120xf32, #tpu.memory_space<hbm>>
      %dma_wait3A_157 = tpu.memref_squeeze %dma_wait3A : memref<1x1x5120xf32, #tpu.memory_space<hbm>> -> memref<5120xf32, #tpu.memory_space<hbm>>
      %dma_wait3A_158 = tpu.memref_slice %arg6[%select_n3A_9, %run_scoped3A_138, %multiple_of3A_130] : memref<8x1x163840xf32, #tpu.memory_space<hbm>> -> memref<1x1x5120xf32, #tpu.memory_space<hbm>>
      %dma_wait3A_159 = tpu.memref_squeeze %dma_wait3A_158 : memref<1x1x5120xf32, #tpu.memory_space<hbm>> -> memref<5120xf32, #tpu.memory_space<hbm>>
      tpu.wait_dma2 semaphore(%run_scoped3A_153 : memref<!tpu.dma_semaphore, #tpu.memory_space<semaphore_mem>>) src(%arg14 : memref<5120xf32, #tpu.memory_space<vmem>>) dst(%dma_wait3A_159 : memref<5120xf32, #tpu.memory_space<hbm>>)
      tpu.yield
    }) : () -> ()
    %mul3A_139 = arith.constant 40960 : i32
    %mul3A_140 = arith.muli %select_n3A_30, %mul3A_139 : i32
    %add3A_141 = arith.constant 35840 : i32
    %add3A_142 = arith.addi %mul3A_140, %add3A_141 : i32
    %multiple_of3A_143 = tpu.assume_multiple %add3A_142, 5120 : i32
    "tpu.region"() ({
      %run_scoped3A_153 = tpu.sem_alloc : memref<!tpu.dma_semaphore, #tpu.memory_space<semaphore_mem>>
      %dma_start3A = tpu.memref_slice %arg3[%multiple_of3A_143] : memref<163840xi32, #tpu.memory_space<hbm>> -> memref<5120xi32, #tpu.memory_space<hbm>>
      %dma_start3A_154 = tpu.memref_slice %arg3[%multiple_of3A_143] : memref<163840xi32, #tpu.memory_space<hbm>> -> memref<5120xi32, #tpu.memory_space<hbm>>
      tpu.enqueue_dma source(%dma_start3A_154 : memref<5120xi32, #tpu.memory_space<hbm>>) target(%arg12 : memref<5120xi32, #tpu.memory_space<vmem>>) target_semaphore(%run_scoped3A_153 : memref<!tpu.dma_semaphore, #tpu.memory_space<semaphore_mem>>)
      %dma_wait3A = tpu.memref_slice %arg3[%multiple_of3A_143] : memref<163840xi32, #tpu.memory_space<hbm>> -> memref<5120xi32, #tpu.memory_space<hbm>>
      %dma_wait3A_155 = tpu.memref_slice %arg3[%multiple_of3A_143] : memref<163840xi32, #tpu.memory_space<hbm>> -> memref<5120xi32, #tpu.memory_space<hbm>>
      tpu.wait_dma2 semaphore(%run_scoped3A_153 : memref<!tpu.dma_semaphore, #tpu.memory_space<semaphore_mem>>) src(%dma_wait3A_155 : memref<5120xi32, #tpu.memory_space<hbm>>) dst(%arg12 : memref<5120xi32, #tpu.memory_space<vmem>>)
      tpu.yield
    }) : () -> ()
    "tpu.region"() ({
      %run_scoped3A_153 = tpu.sem_alloc : memref<!tpu.dma_semaphore, #tpu.memory_space<semaphore_mem>>
      %dma_start3A = tpu.memref_slice %arg4[%multiple_of3A_143] : memref<163840xi32, #tpu.memory_space<hbm>> -> memref<5120xi32, #tpu.memory_space<hbm>>
      %dma_start3A_154 = tpu.memref_slice %arg4[%multiple_of3A_143] : memref<163840xi32, #tpu.memory_space<hbm>> -> memref<5120xi32, #tpu.memory_space<hbm>>
      tpu.enqueue_dma source(%dma_start3A_154 : memref<5120xi32, #tpu.memory_space<hbm>>) target(%arg13 : memref<5120xi32, #tpu.memory_space<vmem>>) target_semaphore(%run_scoped3A_153 : memref<!tpu.dma_semaphore, #tpu.memory_space<semaphore_mem>>)
      %dma_wait3A = tpu.memref_slice %arg4[%multiple_of3A_143] : memref<163840xi32, #tpu.memory_space<hbm>> -> memref<5120xi32, #tpu.memory_space<hbm>>
      %dma_wait3A_155 = tpu.memref_slice %arg4[%multiple_of3A_143] : memref<163840xi32, #tpu.memory_space<hbm>> -> memref<5120xi32, #tpu.memory_space<hbm>>
      tpu.wait_dma2 semaphore(%run_scoped3A_153 : memref<!tpu.dma_semaphore, #tpu.memory_space<semaphore_mem>>) src(%dma_wait3A_155 : memref<5120xi32, #tpu.memory_space<hbm>>) dst(%arg13 : memref<5120xi32, #tpu.memory_space<vmem>>)
      tpu.yield
    }) : () -> ()
    %scan3A_144 = arith.constant 0 : i32
    %scan3A_145 = arith.constant 0 : i32
    %scan3A_146 = arith.constant 320 : i32
    %scan3A_147 = arith.addi %scan3A_145, %scan3A_146 : i32
    %scan3A_148 = arith.constant 1 : i32
    %scan3A_149 = scf.for %scan3A_153 = %scan3A_145 to %scan3A_147 step %scan3A_148 iter_args(%scan3A_154 = %scan3A_144) -> (i32)  : i32 {
      %mul3A_155 = arith.constant 16 : i32
      %mul3A_156 = arith.muli %scan3A_153, %mul3A_155 : i32
      %get3A_157 = arith.index_cast %mul3A_156 : i32 to index
      %get3A_158 = tpu.vector_load %arg12[%get3A_157] {strides = array<i32>} : memref<5120xi32, #tpu.memory_space<vmem>>, vector<16xi32>,
      %mul3A_159 = arith.constant 16 : i32
      %mul3A_160 = arith.muli %scan3A_153, %mul3A_159 : i32
      %get3A_161 = arith.index_cast %mul3A_160 : i32 to index
      %get3A_162 = tpu.vector_load %arg13[%get3A_161] {strides = array<i32>} : memref<5120xi32, #tpu.memory_space<vmem>>, vector<16xi32>,
      %gather3A = tpu.vector_load_idx %arg8[%get3A_158] : memref<10112xf32, #tpu.memory_space<vmem>>[vector<16xi32>], vector<16xf32>,
      %gather3A_163 = tpu.vector_load_idx %arg9[%get3A_162] : memref<10112xf32, #tpu.memory_space<vmem>>[vector<16xi32>], vector<16xf32>,
      %add3A_164 = arith.addf %gather3A, %gather3A_163 : vector<16xf32>
      %ge3A = arith.constant 0.000000e+00 : f32
      %ge3A_165 = vector.broadcast %ge3A : f32 to vector<16xf32>
      %ge3A_166 = arith.cmpf oge, %add3A_164, %ge3A_165 : vector<16xf32>
      %mul3A_167 = arith.constant 2.000000e-01 : f32
      %mul3A_168 = vector.broadcast %mul3A_167 : f32 to vector<16xf32>
      %mul3A_169 = arith.mulf %mul3A_168, %add3A_164 : vector<16xf32>
      %select_n3A_170 = arith.select %ge3A_166, %add3A_164, %mul3A_169 : vector<16xi1>, vector<16xf32>
      %sub3A_171 = arith.subf %select_n3A_170, %broadcast_in_dim3A_42 : vector<16xf32>
      %exp3A = math.exp %sub3A_171 : vector<16xf32>
      %mul3A_172 = arith.constant 16 : i32
      %mul3A_173 = arith.muli %scan3A_153, %mul3A_172 : i32
      %add3A_174 = arith.addi %multiple_of3A_143, %mul3A_173 : i32
      %add3A_175 = vector.broadcast %add3A_174 : i32 to vector<16xi32>
      %add3A_176 = arith.addi %add3A_175, %iota3A : vector<16xi32>
      %lt3A_177 = arith.constant 160000 : i32
      %lt3A_178 = vector.broadcast %lt3A_177 : i32 to vector<16xi32>
      %lt3A_179 = arith.cmpi slt, %add3A_176, %lt3A_178 : vector<16xi32>
      %jit3A_180 = arith.constant 0.000000e+00 : f32
      %broadcast_in_dim3A_181 = vector.broadcast %jit3A_180 : f32 to vector<16xf32>
      %select_n3A_182 = arith.select %lt3A_179, %exp3A, %broadcast_in_dim3A_181 : vector<16xi1>, vector<16xf32>
      %mul3A_183 = arith.constant 16 : i32
      %mul3A_184 = arith.muli %scan3A_153, %mul3A_183 : i32
      %swap3A = arith.index_cast %mul3A_184 : i32 to index
      %swap3A_185 = tpu.vector_load %arg14[%swap3A] {strides = array<i32>} : memref<5120xf32, #tpu.memory_space<vmem>>, vector<16xf32>,
      tpu.vector_store %arg14[%swap3A], %select_n3A_182 {strides = array<i32>} : memref<5120xf32, #tpu.memory_space<vmem>>, vector<16xf32>,
      tpu.vector_store_idx %arg10[%get3A_162], %select_n3A_182 {add = true} : memref<10112xf32, #tpu.memory_space<vmem>>[vector<16xi32>], vector<16xf32>,
      %scan3A_186 = arith.constant 0 : i32
      scf.yield %scan3A_186 : i32
    }
    %scan3A_150 = arith.constant 320 : i32
    %run_scoped3A_151 = arith.constant 0 : i32
    "tpu.region"() ({
      %run_scoped3A_153 = tpu.sem_alloc : memref<!tpu.dma_semaphore, #tpu.memory_space<semaphore_mem>>
      %dma_start3A = tpu.memref_slice %arg6[%select_n3A_9, %run_scoped3A_151, %multiple_of3A_143] : memref<8x1x163840xf32, #tpu.memory_space<hbm>> -> memref<1x1x5120xf32, #tpu.memory_space<hbm>>
      %dma_start3A_154 = tpu.memref_squeeze %dma_start3A : memref<1x1x5120xf32, #tpu.memory_space<hbm>> -> memref<5120xf32, #tpu.memory_space<hbm>>
      %dma_start3A_155 = tpu.memref_slice %arg6[%select_n3A_9, %run_scoped3A_151, %multiple_of3A_143] : memref<8x1x163840xf32, #tpu.memory_space<hbm>> -> memref<1x1x5120xf32, #tpu.memory_space<hbm>>
      %dma_start3A_156 = tpu.memref_squeeze %dma_start3A_155 : memref<1x1x5120xf32, #tpu.memory_space<hbm>> -> memref<5120xf32, #tpu.memory_space<hbm>>
      tpu.enqueue_dma source(%arg14 : memref<5120xf32, #tpu.memory_space<vmem>>) target(%dma_start3A_156 : memref<5120xf32, #tpu.memory_space<hbm>>) target_semaphore(%run_scoped3A_153 : memref<!tpu.dma_semaphore, #tpu.memory_space<semaphore_mem>>)
      %dma_wait3A = tpu.memref_slice %arg6[%select_n3A_9, %run_scoped3A_151, %multiple_of3A_143] : memref<8x1x163840xf32, #tpu.memory_space<hbm>> -> memref<1x1x5120xf32, #tpu.memory_space<hbm>>
      %dma_wait3A_157 = tpu.memref_squeeze %dma_wait3A : memref<1x1x5120xf32, #tpu.memory_space<hbm>> -> memref<5120xf32, #tpu.memory_space<hbm>>
      %dma_wait3A_158 = tpu.memref_slice %arg6[%select_n3A_9, %run_scoped3A_151, %multiple_of3A_143] : memref<8x1x163840xf32, #tpu.memory_space<hbm>> -> memref<1x1x5120xf32, #tpu.memory_space<hbm>>
      %dma_wait3A_159 = tpu.memref_squeeze %dma_wait3A_158 : memref<1x1x5120xf32, #tpu.memory_space<hbm>> -> memref<5120xf32, #tpu.memory_space<hbm>>
      tpu.wait_dma2 semaphore(%run_scoped3A_153 : memref<!tpu.dma_semaphore, #tpu.memory_space<semaphore_mem>>) src(%arg14 : memref<5120xf32, #tpu.memory_space<vmem>>) dst(%dma_wait3A_159 : memref<5120xf32, #tpu.memory_space<hbm>>)
      tpu.yield
    }) : () -> ()
    %run_scoped3A_152 = arith.constant 0 : i32
    "tpu.region"() ({
      %run_scoped3A_153 = tpu.sem_alloc : memref<!tpu.dma_semaphore, #tpu.memory_space<semaphore_mem>>
      %dma_start3A = arith.constant 0 : i32
      %dma_start3A_154 = tpu.memref_slice %arg7[%add3A, %run_scoped3A_152, %dma_start3A] : memref<32x1x10112xf32, #tpu.memory_space<hbm>> -> memref<1x1x10112xf32, #tpu.memory_space<hbm>>
      %dma_start3A_155 = tpu.memref_squeeze %dma_start3A_154 : memref<1x1x10112xf32, #tpu.memory_space<hbm>> -> memref<10112xf32, #tpu.memory_space<hbm>>
      %dma_start3A_156 = arith.constant 0 : i32
      %dma_start3A_157 = tpu.memref_slice %arg7[%add3A, %run_scoped3A_152, %dma_start3A_156] : memref<32x1x10112xf32, #tpu.memory_space<hbm>> -> memref<1x1x10112xf32, #tpu.memory_space<hbm>>
      %dma_start3A_158 = tpu.memref_squeeze %dma_start3A_157 : memref<1x1x10112xf32, #tpu.memory_space<hbm>> -> memref<10112xf32, #tpu.memory_space<hbm>>
      tpu.enqueue_dma source(%arg10 : memref<10112xf32, #tpu.memory_space<vmem>>) target(%dma_start3A_158 : memref<10112xf32, #tpu.memory_space<hbm>>) target_semaphore(%run_scoped3A_153 : memref<!tpu.dma_semaphore, #tpu.memory_space<semaphore_mem>>)
      %dma_wait3A = arith.constant 0 : i32
      %dma_wait3A_159 = tpu.memref_slice %arg7[%add3A, %run_scoped3A_152, %dma_wait3A] : memref<32x1x10112xf32, #tpu.memory_space<hbm>> -> memref<1x1x10112xf32, #tpu.memory_space<hbm>>
      %dma_wait3A_160 = tpu.memref_squeeze %dma_wait3A_159 : memref<1x1x10112xf32, #tpu.memory_space<hbm>> -> memref<10112xf32, #tpu.memory_space<hbm>>
      %dma_wait3A_161 = arith.constant 0 : i32
      %dma_wait3A_162 = tpu.memref_slice %arg7[%add3A, %run_scoped3A_152, %dma_wait3A_161] : memref<32x1x10112xf32, #tpu.memory_space<hbm>> -> memref<1x1x10112xf32, #tpu.memory_space<hbm>>
      %dma_wait3A_163 = tpu.memref_squeeze %dma_wait3A_162 : memref<1x1x10112xf32, #tpu.memory_space<hbm>> -> memref<10112xf32, #tpu.memory_space<hbm>>
      tpu.wait_dma2 semaphore(%run_scoped3A_153 : memref<!tpu.dma_semaphore, #tpu.memory_space<semaphore_mem>>) src(%arg10 : memref<10112xf32, #tpu.memory_space<vmem>>) dst(%dma_wait3A_163 : memref<10112xf32, #tpu.memory_space<hbm>>)
      tpu.yield
    }) : () -> ()
    return
  }
}

#map = affine_map<(d0, d1) -> (0, 0)>
#map1 = affine_map<(d0, d1) -> (0)>
#map2 = affine_map<(d0, d1) -> (0, 0, 0)>
module attributes {stable_mosaic.version = 14 : i64} {
  func.func @agg_kernel(%arg0: i32, %arg1: i32, %arg2: memref<10000x256xf32, #tpu.memory_space<hbm>>, %arg3: memref<163840xi32, #tpu.memory_space<hbm>>, %arg4: memref<163840xi32, #tpu.memory_space<hbm>>, %arg5: memref<1x1x163840xf32, #tpu.memory_space<hbm>>, %arg6: memref<10240x256xf32, #tpu.memory_space<hbm>>, %arg7: memref<328x256xf32, #tpu.memory_space<vmem>>, %arg8: memref<2560xi32, #tpu.memory_space<vmem>>, %arg9: memref<2560xi32, #tpu.memory_space<vmem>>, %arg10: memref<2560xf32, #tpu.memory_space<vmem>>, %arg11: memref<2592xi32, #tpu.memory_space<vmem>>, %arg12: memref<2592xi32, #tpu.memory_space<vmem>>, %arg13: memref<2592xf32, #tpu.memory_space<vmem>>, %arg14: memref<32xi32, #tpu.memory_space<vmem>>, %arg15: memref<32x256xf32, #tpu.memory_space<vmem>>) attributes {dimension_semantics = [#tpu.dimension_semantics<core_parallel>, #tpu.dimension_semantics<subcore_parallel>], iteration_bounds = array<i64: 2, 16>, scalar_prefetch = 0 : i64, scratch_operands = 9 : i64, tpu.core_type = #tpu.core_type<sc_vector_subcore>, window_params = [{transform_indices = #map}, {transform_indices = #map1}, {transform_indices = #map1}, {transform_indices = #map2}, {transform_indices = #map}]} {
    %mul3A = arith.constant 16 : i32
    %mul3A_0 = arith.muli %arg0, %mul3A : i32
    %add3A = arith.addi %mul3A_0, %arg1 : i32
    %iota3A = tpu.iota {dimensions = array<i32: 0>} : vector<16xi32>
    %ge3A = arith.constant 0 : i32
    %ge3A_1 = vector.broadcast %ge3A : i32 to vector<16xi32>
    %ge3A_2 = arith.cmpi sge, %iota3A, %ge3A_1 : vector<16xi32>
    %broadcast_in_dim3A = arith.constant 0.000000e+00 : f32
    %broadcast_in_dim3A_3 = vector.broadcast %broadcast_in_dim3A : f32 to vector<16xf32>
    %scan3A = arith.constant 0 : i32
    %scan3A_4 = arith.constant 0 : i32
    %mul3A_5 = arith.constant 32 : i32
    %mul3A_6 = arith.muli %scan3A_4, %mul3A_5 : i32
    %add3A_7 = arith.addi %mul3A_6, %add3A : i32
    %mul3A_8 = arith.constant 320 : i32
    %mul3A_9 = arith.muli %add3A_7, %mul3A_8 : i32
    %scan3A_10 = arith.constant 0 : i32
    %scan3A_11 = arith.constant 0 : i32
    %scan3A_12 = arith.constant 328 : i32
    %scan3A_13 = arith.addi %scan3A_11, %scan3A_12 : i32
    %scan3A_14 = arith.constant 1 : i32
    %scan3A_15 = scf.for %scan3A_31 = %scan3A_11 to %scan3A_13 step %scan3A_14 iter_args(%scan3A_32 = %scan3A_10) -> (i32)  : i32 {
      %swap3A = arith.index_cast %scan3A_31 : i32 to index
      %swap3A_33 = arith.constant 0 : index
      %swap3A_34 = tpu.vector_load %arg7[%swap3A, %swap3A_33] {strides = array<i32>} : memref<328x256xf32, #tpu.memory_space<vmem>>, vector<16xf32>,
      tpu.vector_store %arg7[%swap3A, %swap3A_33], %broadcast_in_dim3A_3 {strides = array<i32>} : memref<328x256xf32, #tpu.memory_space<vmem>>, vector<16xf32>,
      %swap3A_35 = arith.index_cast %scan3A_31 : i32 to index
      %swap3A_36 = arith.constant 16 : index
      %swap3A_37 = tpu.vector_load %arg7[%swap3A_35, %swap3A_36] {strides = array<i32>} : memref<328x256xf32, #tpu.memory_space<vmem>>, vector<16xf32>,
      tpu.vector_store %arg7[%swap3A_35, %swap3A_36], %broadcast_in_dim3A_3 {strides = array<i32>} : memref<328x256xf32, #tpu.memory_space<vmem>>, vector<16xf32>,
      %swap3A_38 = arith.index_cast %scan3A_31 : i32 to index
      %swap3A_39 = arith.constant 32 : index
      %swap3A_40 = tpu.vector_load %arg7[%swap3A_38, %swap3A_39] {strides = array<i32>} : memref<328x256xf32, #tpu.memory_space<vmem>>, vector<16xf32>,
      tpu.vector_store %arg7[%swap3A_38, %swap3A_39], %broadcast_in_dim3A_3 {strides = array<i32>} : memref<328x256xf32, #tpu.memory_space<vmem>>, vector<16xf32>,
      %swap3A_41 = arith.index_cast %scan3A_31 : i32 to index
      %swap3A_42 = arith.constant 48 : index
      %swap3A_43 = tpu.vector_load %arg7[%swap3A_41, %swap3A_42] {strides = array<i32>} : memref<328x256xf32, #tpu.memory_space<vmem>>, vector<16xf32>,
      tpu.vector_store %arg7[%swap3A_41, %swap3A_42], %broadcast_in_dim3A_3 {strides = array<i32>} : memref<328x256xf32, #tpu.memory_space<vmem>>, vector<16xf32>,
      %swap3A_44 = arith.index_cast %scan3A_31 : i32 to index
      %swap3A_45 = arith.constant 64 : index
      %swap3A_46 = tpu.vector_load %arg7[%swap3A_44, %swap3A_45] {strides = array<i32>} : memref<328x256xf32, #tpu.memory_space<vmem>>, vector<16xf32>,
      tpu.vector_store %arg7[%swap3A_44, %swap3A_45], %broadcast_in_dim3A_3 {strides = array<i32>} : memref<328x256xf32, #tpu.memory_space<vmem>>, vector<16xf32>,
      %swap3A_47 = arith.index_cast %scan3A_31 : i32 to index
      %swap3A_48 = arith.constant 80 : index
      %swap3A_49 = tpu.vector_load %arg7[%swap3A_47, %swap3A_48] {strides = array<i32>} : memref<328x256xf32, #tpu.memory_space<vmem>>, vector<16xf32>,
      tpu.vector_store %arg7[%swap3A_47, %swap3A_48], %broadcast_in_dim3A_3 {strides = array<i32>} : memref<328x256xf32, #tpu.memory_space<vmem>>, vector<16xf32>,
      %swap3A_50 = arith.index_cast %scan3A_31 : i32 to index
      %swap3A_51 = arith.constant 96 : index
      %swap3A_52 = tpu.vector_load %arg7[%swap3A_50, %swap3A_51] {strides = array<i32>} : memref<328x256xf32, #tpu.memory_space<vmem>>, vector<16xf32>,
      tpu.vector_store %arg7[%swap3A_50, %swap3A_51], %broadcast_in_dim3A_3 {strides = array<i32>} : memref<328x256xf32, #tpu.memory_space<vmem>>, vector<16xf32>,
      %swap3A_53 = arith.index_cast %scan3A_31 : i32 to index
      %swap3A_54 = arith.constant 112 : index
      %swap3A_55 = tpu.vector_load %arg7[%swap3A_53, %swap3A_54] {strides = array<i32>} : memref<328x256xf32, #tpu.memory_space<vmem>>, vector<16xf32>,
      tpu.vector_store %arg7[%swap3A_53, %swap3A_54], %broadcast_in_dim3A_3 {strides = array<i32>} : memref<328x256xf32, #tpu.memory_space<vmem>>, vector<16xf32>,
      %swap3A_56 = arith.index_cast %scan3A_31 : i32 to index
      %swap3A_57 = arith.constant 128 : index
      %swap3A_58 = tpu.vector_load %arg7[%swap3A_56, %swap3A_57] {strides = array<i32>} : memref<328x256xf32, #tpu.memory_space<vmem>>, vector<16xf32>,
      tpu.vector_store %arg7[%swap3A_56, %swap3A_57], %broadcast_in_dim3A_3 {strides = array<i32>} : memref<328x256xf32, #tpu.memory_space<vmem>>, vector<16xf32>,
      %swap3A_59 = arith.index_cast %scan3A_31 : i32 to index
      %swap3A_60 = arith.constant 144 : index
      %swap3A_61 = tpu.vector_load %arg7[%swap3A_59, %swap3A_60] {strides = array<i32>} : memref<328x256xf32, #tpu.memory_space<vmem>>, vector<16xf32>,
      tpu.vector_store %arg7[%swap3A_59, %swap3A_60], %broadcast_in_dim3A_3 {strides = array<i32>} : memref<328x256xf32, #tpu.memory_space<vmem>>, vector<16xf32>,
      %swap3A_62 = arith.index_cast %scan3A_31 : i32 to index
      %swap3A_63 = arith.constant 160 : index
      %swap3A_64 = tpu.vector_load %arg7[%swap3A_62, %swap3A_63] {strides = array<i32>} : memref<328x256xf32, #tpu.memory_space<vmem>>, vector<16xf32>,
      tpu.vector_store %arg7[%swap3A_62, %swap3A_63], %broadcast_in_dim3A_3 {strides = array<i32>} : memref<328x256xf32, #tpu.memory_space<vmem>>, vector<16xf32>,
      %swap3A_65 = arith.index_cast %scan3A_31 : i32 to index
      %swap3A_66 = arith.constant 176 : index
      %swap3A_67 = tpu.vector_load %arg7[%swap3A_65, %swap3A_66] {strides = array<i32>} : memref<328x256xf32, #tpu.memory_space<vmem>>, vector<16xf32>,
      tpu.vector_store %arg7[%swap3A_65, %swap3A_66], %broadcast_in_dim3A_3 {strides = array<i32>} : memref<328x256xf32, #tpu.memory_space<vmem>>, vector<16xf32>,
      %swap3A_68 = arith.index_cast %scan3A_31 : i32 to index
      %swap3A_69 = arith.constant 192 : index
      %swap3A_70 = tpu.vector_load %arg7[%swap3A_68, %swap3A_69] {strides = array<i32>} : memref<328x256xf32, #tpu.memory_space<vmem>>, vector<16xf32>,
      tpu.vector_store %arg7[%swap3A_68, %swap3A_69], %broadcast_in_dim3A_3 {strides = array<i32>} : memref<328x256xf32, #tpu.memory_space<vmem>>, vector<16xf32>,
      %swap3A_71 = arith.index_cast %scan3A_31 : i32 to index
      %swap3A_72 = arith.constant 208 : index
      %swap3A_73 = tpu.vector_load %arg7[%swap3A_71, %swap3A_72] {strides = array<i32>} : memref<328x256xf32, #tpu.memory_space<vmem>>, vector<16xf32>,
      tpu.vector_store %arg7[%swap3A_71, %swap3A_72], %broadcast_in_dim3A_3 {strides = array<i32>} : memref<328x256xf32, #tpu.memory_space<vmem>>, vector<16xf32>,
      %swap3A_74 = arith.index_cast %scan3A_31 : i32 to index
      %swap3A_75 = arith.constant 224 : index
      %swap3A_76 = tpu.vector_load %arg7[%swap3A_74, %swap3A_75] {strides = array<i32>} : memref<328x256xf32, #tpu.memory_space<vmem>>, vector<16xf32>,
      tpu.vector_store %arg7[%swap3A_74, %swap3A_75], %broadcast_in_dim3A_3 {strides = array<i32>} : memref<328x256xf32, #tpu.memory_space<vmem>>, vector<16xf32>,
      %swap3A_77 = arith.index_cast %scan3A_31 : i32 to index
      %swap3A_78 = arith.constant 240 : index
      %swap3A_79 = tpu.vector_load %arg7[%swap3A_77, %swap3A_78] {strides = array<i32>} : memref<328x256xf32, #tpu.memory_space<vmem>>, vector<16xf32>,
      tpu.vector_store %arg7[%swap3A_77, %swap3A_78], %broadcast_in_dim3A_3 {strides = array<i32>} : memref<328x256xf32, #tpu.memory_space<vmem>>, vector<16xf32>,
      %scan3A_80 = arith.constant 0 : i32
      scf.yield %scan3A_80 : i32
    }
    %scan3A_16 = arith.constant 328 : i32
    %scan3A_17 = arith.constant 0 : i32
    %scan3A_18 = arith.constant 0 : i32
    %scan3A_19 = arith.constant 64 : i32
    %scan3A_20 = arith.addi %scan3A_18, %scan3A_19 : i32
    %scan3A_21 = arith.constant 1 : i32
    %scan3A_22 = scf.for %scan3A_31 = %scan3A_18 to %scan3A_20 step %scan3A_21 iter_args(%scan3A_32 = %scan3A_17) -> (i32)  : i32 {
      %mul3A_33 = arith.constant 2560 : i32
      %mul3A_34 = arith.muli %scan3A_31, %mul3A_33 : i32
      %multiple_of3A_35 = tpu.assume_multiple %mul3A_34, 128 : i32
      "tpu.region"() ({
        %run_scoped3A_99 = tpu.sem_alloc : memref<!tpu.dma_semaphore, #tpu.memory_space<semaphore_mem>>
        %dma_start3A = tpu.memref_slice %arg3[%multiple_of3A_35] : memref<163840xi32, #tpu.memory_space<hbm>> -> memref<2560xi32, #tpu.memory_space<hbm>>
        %dma_start3A_100 = tpu.memref_slice %arg3[%multiple_of3A_35] : memref<163840xi32, #tpu.memory_space<hbm>> -> memref<2560xi32, #tpu.memory_space<hbm>>
        tpu.enqueue_dma source(%dma_start3A_100 : memref<2560xi32, #tpu.memory_space<hbm>>) target(%arg8 : memref<2560xi32, #tpu.memory_space<vmem>>) target_semaphore(%run_scoped3A_99 : memref<!tpu.dma_semaphore, #tpu.memory_space<semaphore_mem>>)
        %dma_wait3A = tpu.memref_slice %arg3[%multiple_of3A_35] : memref<163840xi32, #tpu.memory_space<hbm>> -> memref<2560xi32, #tpu.memory_space<hbm>>
        %dma_wait3A_101 = tpu.memref_slice %arg3[%multiple_of3A_35] : memref<163840xi32, #tpu.memory_space<hbm>> -> memref<2560xi32, #tpu.memory_space<hbm>>
        tpu.wait_dma2 semaphore(%run_scoped3A_99 : memref<!tpu.dma_semaphore, #tpu.memory_space<semaphore_mem>>) src(%dma_wait3A_101 : memref<2560xi32, #tpu.memory_space<hbm>>) dst(%arg8 : memref<2560xi32, #tpu.memory_space<vmem>>)
        tpu.yield
      }) : () -> ()
      "tpu.region"() ({
        %run_scoped3A_99 = tpu.sem_alloc : memref<!tpu.dma_semaphore, #tpu.memory_space<semaphore_mem>>
        %dma_start3A = tpu.memref_slice %arg4[%multiple_of3A_35] : memref<163840xi32, #tpu.memory_space<hbm>> -> memref<2560xi32, #tpu.memory_space<hbm>>
        %dma_start3A_100 = tpu.memref_slice %arg4[%multiple_of3A_35] : memref<163840xi32, #tpu.memory_space<hbm>> -> memref<2560xi32, #tpu.memory_space<hbm>>
        tpu.enqueue_dma source(%dma_start3A_100 : memref<2560xi32, #tpu.memory_space<hbm>>) target(%arg9 : memref<2560xi32, #tpu.memory_space<vmem>>) target_semaphore(%run_scoped3A_99 : memref<!tpu.dma_semaphore, #tpu.memory_space<semaphore_mem>>)
        %dma_wait3A = tpu.memref_slice %arg4[%multiple_of3A_35] : memref<163840xi32, #tpu.memory_space<hbm>> -> memref<2560xi32, #tpu.memory_space<hbm>>
        %dma_wait3A_101 = tpu.memref_slice %arg4[%multiple_of3A_35] : memref<163840xi32, #tpu.memory_space<hbm>> -> memref<2560xi32, #tpu.memory_space<hbm>>
        tpu.wait_dma2 semaphore(%run_scoped3A_99 : memref<!tpu.dma_semaphore, #tpu.memory_space<semaphore_mem>>) src(%dma_wait3A_101 : memref<2560xi32, #tpu.memory_space<hbm>>) dst(%arg9 : memref<2560xi32, #tpu.memory_space<vmem>>)
        tpu.yield
      }) : () -> ()
      %run_scoped3A = arith.constant 0 : i32
      %run_scoped3A_36 = arith.constant 0 : i32
      "tpu.region"() ({
        %run_scoped3A_99 = tpu.sem_alloc : memref<!tpu.dma_semaphore, #tpu.memory_space<semaphore_mem>>
        %dma_start3A = tpu.memref_slice %arg5[%run_scoped3A, %run_scoped3A_36, %multiple_of3A_35] : memref<1x1x163840xf32, #tpu.memory_space<hbm>> -> memref<1x1x2560xf32, #tpu.memory_space<hbm>>
        %dma_start3A_100 = tpu.memref_squeeze %dma_start3A : memref<1x1x2560xf32, #tpu.memory_space<hbm>> -> memref<2560xf32, #tpu.memory_space<hbm>>
        %dma_start3A_101 = tpu.memref_slice %arg5[%run_scoped3A, %run_scoped3A_36, %multiple_of3A_35] : memref<1x1x163840xf32, #tpu.memory_space<hbm>> -> memref<1x1x2560xf32, #tpu.memory_space<hbm>>
        %dma_start3A_102 = tpu.memref_squeeze %dma_start3A_101 : memref<1x1x2560xf32, #tpu.memory_space<hbm>> -> memref<2560xf32, #tpu.memory_space<hbm>>
        tpu.enqueue_dma source(%dma_start3A_102 : memref<2560xf32, #tpu.memory_space<hbm>>) target(%arg10 : memref<2560xf32, #tpu.memory_space<vmem>>) target_semaphore(%run_scoped3A_99 : memref<!tpu.dma_semaphore, #tpu.memory_space<semaphore_mem>>)
        %dma_wait3A = tpu.memref_slice %arg5[%run_scoped3A, %run_scoped3A_36, %multiple_of3A_35] : memref<1x1x163840xf32, #tpu.memory_space<hbm>> -> memref<1x1x2560xf32, #tpu.memory_space<hbm>>
        %dma_wait3A_103 = tpu.memref_squeeze %dma_wait3A : memref<1x1x2560xf32, #tpu.memory_space<hbm>> -> memref<2560xf32, #tpu.memory_space<hbm>>
        %dma_wait3A_104 = tpu.memref_slice %arg5[%run_scoped3A, %run_scoped3A_36, %multiple_of3A_35] : memref<1x1x163840xf32, #tpu.memory_space<hbm>> -> memref<1x1x2560xf32, #tpu.memory_space<hbm>>
        %dma_wait3A_105 = tpu.memref_squeeze %dma_wait3A_104 : memref<1x1x2560xf32, #tpu.memory_space<hbm>> -> memref<2560xf32, #tpu.memory_space<hbm>>
        tpu.wait_dma2 semaphore(%run_scoped3A_99 : memref<!tpu.dma_semaphore, #tpu.memory_space<semaphore_mem>>) src(%dma_wait3A_105 : memref<2560xf32, #tpu.memory_space<hbm>>) dst(%arg10 : memref<2560xf32, #tpu.memory_space<vmem>>)
        tpu.yield
      }) : () -> ()
      %scan3A_37 = arith.constant 0 : i32
      %scan3A_38 = arith.constant 0 : i32
      %scan3A_39 = arith.constant 160 : i32
      %scan3A_40 = arith.addi %scan3A_38, %scan3A_39 : i32
      %scan3A_41 = arith.constant 1 : i32
      %scan3A_42 = scf.for %scan3A_99 = %scan3A_38 to %scan3A_40 step %scan3A_41 iter_args(%scan3A_100 = %scan3A_37) -> (i32)  : i32 {
        %mul3A_101 = arith.constant 16 : i32
        %mul3A_102 = arith.muli %scan3A_99, %mul3A_101 : i32
        %get3A = arith.index_cast %mul3A_102 : i32 to index
        %get3A_103 = tpu.vector_load %arg8[%get3A] {strides = array<i32>} : memref<2560xi32, #tpu.memory_space<vmem>>, vector<16xi32>,
        %mul3A_104 = arith.constant 16 : i32
        %mul3A_105 = arith.muli %scan3A_99, %mul3A_104 : i32
        %get3A_106 = arith.index_cast %mul3A_105 : i32 to index
        %get3A_107 = tpu.vector_load %arg9[%get3A_106] {strides = array<i32>} : memref<2560xi32, #tpu.memory_space<vmem>>, vector<16xi32>,
        %mul3A_108 = arith.constant 16 : i32
        %mul3A_109 = arith.muli %scan3A_99, %mul3A_108 : i32
        %get3A_110 = arith.index_cast %mul3A_109 : i32 to index
        %get3A_111 = tpu.vector_load %arg10[%get3A_110] {strides = array<i32>} : memref<2560xf32, #tpu.memory_space<vmem>>, vector<16xf32>,
        %sub3A_112 = vector.broadcast %mul3A_9 : i32 to vector<16xi32>
        %sub3A_113 = arith.subi %get3A_107, %sub3A_112 : vector<16xi32>
        %ge3A_114 = arith.constant 0 : i32
        %ge3A_115 = vector.broadcast %ge3A_114 : i32 to vector<16xi32>
        %ge3A_116 = arith.cmpi sge, %sub3A_113, %ge3A_115 : vector<16xi32>
        %lt3A = arith.constant 320 : i32
        %lt3A_117 = vector.broadcast %lt3A : i32 to vector<16xi32>
        %lt3A_118 = arith.cmpi slt, %sub3A_113, %lt3A_117 : vector<16xi32>
        %and3A_119 = arith.andi %ge3A_116, %lt3A_118 : vector<16xi1>
        %swap3A_120 = arith.index_cast %scan3A_100 : i32 to index
        %swap3A_121 = tpu.vector_load %arg11[%swap3A_120] masked %and3A_119 {strides = array<i32>} : memref<2592xi32, #tpu.memory_space<vmem>>, vector<16xi32>, vector<16xi1>
        tpu.vector_store %arg11[%swap3A_120], %get3A_103 masked %and3A_119 {strides = array<i32>} : memref<2592xi32, #tpu.memory_space<vmem>>, vector<16xi32>, vector<16xi1>
        %swap3A_122 = arith.index_cast %scan3A_100 : i32 to index
        %swap3A_123 = tpu.vector_load %arg12[%swap3A_122] masked %and3A_119 {strides = array<i32>} : memref<2592xi32, #tpu.memory_space<vmem>>, vector<16xi32>, vector<16xi1>
        tpu.vector_store %arg12[%swap3A_122], %sub3A_113 masked %and3A_119 {strides = array<i32>} : memref<2592xi32, #tpu.memory_space<vmem>>, vector<16xi32>, vector<16xi1>
        %swap3A_124 = arith.index_cast %scan3A_100 : i32 to index
        %swap3A_125 = tpu.vector_load %arg13[%swap3A_124] masked %and3A_119 {strides = array<i32>} : memref<2592xf32, #tpu.memory_space<vmem>>, vector<16xf32>, vector<16xi1>
        tpu.vector_store %arg13[%swap3A_124], %get3A_111 masked %and3A_119 {strides = array<i32>} : memref<2592xf32, #tpu.memory_space<vmem>>, vector<16xf32>, vector<16xi1>
        %all_reduce_population_count3A = tpu.all_reduce %and3A_119 {dim = 0 : i64, kind = #tpu.reduction_kind<sum>} : vector<16xi1> -> vector<16xi32>
        %slice3A = vector.extract_strided_slice %all_reduce_population_count3A {offsets = [0], sizes = [1], strides = [1]} : vector<16xi32> to vector<1xi32>
        %squeeze3A = vector.extract %slice3A[0] : i32 from vector<1xi32>
        %add3A_126 = arith.addi %scan3A_100, %squeeze3A : i32
        scf.yield %add3A_126 : i32
      }
      %scan3A_43 = arith.constant 160 : i32
      %add3A_44 = arith.constant 0 : i32
      %add3A_45 = arith.addi %scan3A_42, %add3A_44 : i32
      %broadcast_in_dim3A_46 = arith.constant 0 : i32
      %broadcast_in_dim3A_47 = vector.broadcast %broadcast_in_dim3A_46 : i32 to vector<16xi32>
      %swap3A = arith.index_cast %add3A_45 : i32 to index
      %swap3A_48 = tpu.vector_load %arg11[%swap3A] masked %ge3A_2 {strides = array<i32>} : memref<2592xi32, #tpu.memory_space<vmem>>, vector<16xi32>, vector<16xi1>
      tpu.vector_store %arg11[%swap3A], %broadcast_in_dim3A_47 masked %ge3A_2 {strides = array<i32>} : memref<2592xi32, #tpu.memory_space<vmem>>, vector<16xi32>, vector<16xi1>
      %broadcast_in_dim3A_49 = arith.constant 320 : i32
      %broadcast_in_dim3A_50 = vector.broadcast %broadcast_in_dim3A_49 : i32 to vector<16xi32>
      %swap3A_51 = arith.index_cast %add3A_45 : i32 to index
      %swap3A_52 = tpu.vector_load %arg12[%swap3A_51] masked %ge3A_2 {strides = array<i32>} : memref<2592xi32, #tpu.memory_space<vmem>>, vector<16xi32>, vector<16xi1>
      tpu.vector_store %arg12[%swap3A_51], %broadcast_in_dim3A_50 masked %ge3A_2 {strides = array<i32>} : memref<2592xi32, #tpu.memory_space<vmem>>, vector<16xi32>, vector<16xi1>
      %swap3A_53 = arith.index_cast %add3A_45 : i32 to index
      %swap3A_54 = tpu.vector_load %arg13[%swap3A_53] masked %ge3A_2 {strides = array<i32>} : memref<2592xf32, #tpu.memory_space<vmem>>, vector<16xf32>, vector<16xi1>
      tpu.vector_store %arg13[%swap3A_53], %broadcast_in_dim3A_3 masked %ge3A_2 {strides = array<i32>} : memref<2592xf32, #tpu.memory_space<vmem>>, vector<16xf32>, vector<16xi1>
      %add3A_55 = arith.constant 16 : i32
      %add3A_56 = arith.addi %scan3A_42, %add3A_55 : i32
      %broadcast_in_dim3A_57 = arith.constant 0 : i32
      %broadcast_in_dim3A_58 = vector.broadcast %broadcast_in_dim3A_57 : i32 to vector<16xi32>
      %swap3A_59 = arith.index_cast %add3A_56 : i32 to index
      %swap3A_60 = tpu.vector_load %arg11[%swap3A_59] masked %ge3A_2 {strides = array<i32>} : memref<2592xi32, #tpu.memory_space<vmem>>, vector<16xi32>, vector<16xi1>
      tpu.vector_store %arg11[%swap3A_59], %broadcast_in_dim3A_58 masked %ge3A_2 {strides = array<i32>} : memref<2592xi32, #tpu.memory_space<vmem>>, vector<16xi32>, vector<16xi1>
      %broadcast_in_dim3A_61 = arith.constant 320 : i32
      %broadcast_in_dim3A_62 = vector.broadcast %broadcast_in_dim3A_61 : i32 to vector<16xi32>
      %swap3A_63 = arith.index_cast %add3A_56 : i32 to index
      %swap3A_64 = tpu.vector_load %arg12[%swap3A_63] masked %ge3A_2 {strides = array<i32>} : memref<2592xi32, #tpu.memory_space<vmem>>, vector<16xi32>, vector<16xi1>
      tpu.vector_store %arg12[%swap3A_63], %broadcast_in_dim3A_62 masked %ge3A_2 {strides = array<i32>} : memref<2592xi32, #tpu.memory_space<vmem>>, vector<16xi32>, vector<16xi1>
      %swap3A_65 = arith.index_cast %add3A_56 : i32 to index
      %swap3A_66 = tpu.vector_load %arg13[%swap3A_65] masked %ge3A_2 {strides = array<i32>} : memref<2592xf32, #tpu.memory_space<vmem>>, vector<16xf32>, vector<16xi1>
      tpu.vector_store %arg13[%swap3A_65], %broadcast_in_dim3A_3 masked %ge3A_2 {strides = array<i32>} : memref<2592xf32, #tpu.memory_space<vmem>>, vector<16xf32>, vector<16xi1>
      %add3A_67 = arith.constant 32 : i32
      %add3A_68 = arith.addi %scan3A_42, %add3A_67 : i32
      %sub3A = arith.constant 1 : i32
      %sub3A_69 = arith.subi %add3A_68, %sub3A : i32
      %jit3A = arith.constant 32 : i32
      %div3A = arith.divsi %sub3A_69, %jit3A : i32
      %sign3A = arith.constant 0 : i32
      %sign3A_70 = arith.cmpi sgt, %sub3A_69, %sign3A : i32
      %sign3A_71 = arith.extui %sign3A_70 : i1 to i32
      %sign3A_72 = arith.constant 0 : i32
      %sign3A_73 = arith.cmpi slt, %sub3A_69, %sign3A_72 : i32
      %sign3A_74 = arith.extui %sign3A_73 : i1 to i32
      %sign3A_75 = arith.subi %sign3A_71, %sign3A_74 : i32
      %sign3A_76 = arith.constant 0 : i32
      %sign3A_77 = arith.cmpi sgt, %jit3A, %sign3A_76 : i32
      %sign3A_78 = arith.extui %sign3A_77 : i1 to i32
      %sign3A_79 = arith.constant 0 : i32
      %sign3A_80 = arith.cmpi slt, %jit3A, %sign3A_79 : i32
      %sign3A_81 = arith.extui %sign3A_80 : i1 to i32
      %sign3A_82 = arith.subi %sign3A_78, %sign3A_81 : i32
      %ne3A = arith.cmpi ne, %sign3A_75, %sign3A_82 : i32
      %rem3A = arith.remsi %sub3A_69, %jit3A : i32
      %ne3A_83 = arith.constant 0 : i32
      %ne3A_84 = arith.cmpi ne, %rem3A, %ne3A_83 : i32
      %and3A = arith.andi %ne3A, %ne3A_84 : i1
      %sub3A_85 = arith.constant 1 : i32
      %sub3A_86 = arith.subi %div3A, %sub3A_85 : i32
      %select_n3A = arith.select %and3A, %sub3A_86, %div3A : i32
      %while3A = arith.constant 0 : i32
      %while3A_87 = arith.constant 0 : i32
      %while3A_88 = arith.subi %select_n3A, %while3A : i32
      %while3A_89 = arith.addi %while3A, %while3A_88 : i32
      %while3A_90 = arith.constant 1 : i32
      %while3A_91 = arith.divsi %while3A_88, %while3A_90 : i32
      %while3A_92 = arith.muli %while3A_91, %while3A_90 : i32
      %while3A_93 = arith.addi %while3A, %while3A_92 : i32
      %while3A_94 = arith.constant 1 : i32
      %while3A_95 = scf.for %while3A_99 = %while3A to %while3A_93 step %while3A_94 iter_args(%while3A_100 = %while3A_87) -> (i32)  : i32 {
        %mul3A_101 = arith.constant 2 : i32
        %mul3A_102 = arith.muli %while3A_99, %mul3A_101 : i32
        %mul3A_103 = arith.constant 16 : i32
        %mul3A_104 = arith.muli %mul3A_102, %mul3A_103 : i32
        %add3A_105 = arith.constant 0 : i32
        %add3A_106 = arith.addi %mul3A_104, %add3A_105 : i32
        %add3A_107 = vector.broadcast %add3A_106 : i32 to vector<16xi32>
        %add3A_108 = arith.addi %add3A_107, %iota3A : vector<16xi32>
        %gather3A = tpu.vector_load_idx %arg11[%add3A_108] : memref<2592xi32, #tpu.memory_space<vmem>>[vector<16xi32>], vector<16xi32>,
        %swap3A_109 = arith.constant 0 : index
        %swap3A_110 = tpu.vector_load %arg14[%swap3A_109] {strides = array<i32>} : memref<32xi32, #tpu.memory_space<vmem>>, vector<16xi32>,
        tpu.vector_store %arg14[%swap3A_109], %gather3A {strides = array<i32>} : memref<32xi32, #tpu.memory_space<vmem>>, vector<16xi32>,
        %mul3A_111 = arith.constant 2 : i32
        %mul3A_112 = arith.muli %while3A_99, %mul3A_111 : i32
        %mul3A_113 = arith.constant 16 : i32
        %mul3A_114 = arith.muli %mul3A_112, %mul3A_113 : i32
        %add3A_115 = arith.constant 16 : i32
        %add3A_116 = arith.addi %mul3A_114, %add3A_115 : i32
        %add3A_117 = vector.broadcast %add3A_116 : i32 to vector<16xi32>
        %add3A_118 = arith.addi %add3A_117, %iota3A : vector<16xi32>
        %gather3A_119 = tpu.vector_load_idx %arg11[%add3A_118] : memref<2592xi32, #tpu.memory_space<vmem>>[vector<16xi32>], vector<16xi32>,
        %swap3A_120 = arith.constant 16 : index
        %swap3A_121 = tpu.vector_load %arg14[%swap3A_120] {strides = array<i32>} : memref<32xi32, #tpu.memory_space<vmem>>, vector<16xi32>,
        tpu.vector_store %arg14[%swap3A_120], %gather3A_119 {strides = array<i32>} : memref<32xi32, #tpu.memory_space<vmem>>, vector<16xi32>,
        "tpu.region"() ({
          %run_scoped3A_157 = tpu.sem_alloc : memref<!tpu.dma_semaphore, #tpu.memory_space<semaphore_mem>>
          %dma_start3A = arith.constant 0 : i32
          %dma_start3A_158 = arith.constant 0 : i32
          %dma_start3A_159 = tpu.memref_slice %arg2[%dma_start3A, %dma_start3A_158] : memref<10000x256xf32, #tpu.memory_space<hbm>> -> memref<10000x256xf32, #tpu.memory_space<hbm>>
          tpu.enqueue_indirect_dma source(%dma_start3A_159 : memref<10000x256xf32, #tpu.memory_space<hbm>>) target(%arg15 : memref<32x256xf32, #tpu.memory_space<vmem>>) offsets(%arg14 : memref<32xi32, #tpu.memory_space<vmem>>) semaphore(%run_scoped3A_157 : memref<!tpu.dma_semaphore, #tpu.memory_space<semaphore_mem>>)
          %dma_wait3A = arith.constant 0 : i32
          %dma_wait3A_160 = arith.constant 0 : i32
          %dma_wait3A_161 = tpu.memref_slice %arg2[%dma_wait3A, %dma_wait3A_160] : memref<10000x256xf32, #tpu.memory_space<hbm>> -> memref<10000x256xf32, #tpu.memory_space<hbm>>
          tpu.wait_indirect_dma semaphore(%run_scoped3A_157 : memref<!tpu.dma_semaphore, #tpu.memory_space<semaphore_mem>>) src(%dma_wait3A_161 : memref<10000x256xf32, #tpu.memory_space<hbm>>) dst(%arg15 : memref<32x256xf32, #tpu.memory_space<vmem>>)
          tpu.yield
        }) : () -> ()
        %mul3A_122 = arith.constant 2 : i32
        %mul3A_123 = arith.muli %while3A_99, %mul3A_122 : i32
        %mul3A_124 = arith.constant 16 : i32
        %mul3A_125 = arith.muli %mul3A_123, %mul3A_124 : i32
        %add3A_126 = arith.constant 0 : i32
        %add3A_127 = arith.addi %mul3A_125, %add3A_126 : i32
        %add3A_128 = vector.broadcast %add3A_127 : i32 to vector<16xi32>
        %add3A_129 = arith.addi %add3A_128, %iota3A : vector<16xi32>
        %gather3A_130 = tpu.vector_load_idx %arg12[%add3A_129] : memref<2592xi32, #tpu.memory_space<vmem>>[vector<16xi32>], vector<16xi32>,
        %gather3A_131 = tpu.vector_load_idx %arg13[%add3A_129] : memref<2592xf32, #tpu.memory_space<vmem>>[vector<16xi32>], vector<16xf32>,
        %scan3A_132 = arith.constant 0 : i32
        %scan3A_133 = arith.constant 0 : i32
        %scan3A_134 = arith.constant 16 : i32
        %scan3A_135 = arith.addi %scan3A_133, %scan3A_134 : i32
        %scan3A_136 = arith.constant 1 : i32
        %scan3A_137 = scf.for %scan3A_157 = %scan3A_133 to %scan3A_135 step %scan3A_136 iter_args(%scan3A_158 = %scan3A_132) -> (i32)  : i32 {
          %eq3A = vector.broadcast %scan3A_157 : i32 to vector<16xi32>
          %eq3A_159 = arith.cmpi eq, %iota3A, %eq3A : vector<16xi32>
          %jit3A_160 = arith.constant 0 : i32
          %broadcast_in_dim3A_161 = vector.broadcast %jit3A_160 : i32 to vector<16xi32>
          %select_n3A_162 = arith.select %eq3A_159, %gather3A_130, %broadcast_in_dim3A_161 : vector<16xi1>, vector<16xi32>
          %reduce_max3A = arith.constant true
          %reduce_max3A_163 = vector.broadcast %reduce_max3A : i1 to vector<16xi1>
          %reduce_max3A_164 = arith.constant -2147483648 : i32
          %reduce_max3A_165 = vector.broadcast %reduce_max3A_164 : i32 to vector<16xi32>
          %reduce_max3A_166 = arith.xori %select_n3A_162, %reduce_max3A_165 : vector<16xi32>
          %reduce_max3A_167 = tpu.scan <max>, %reduce_max3A_166 masked %reduce_max3A_163 : vector<16xi32>, vector<16xi1> -> vector<16xi32>
          %reduce_max3A_168 = arith.xori %reduce_max3A_167, %reduce_max3A_165 : vector<16xi32>
          %reduce_max3A_169 = vector.extract %reduce_max3A_168[15] : i32 from vector<16xi32>
          %jit3A_170 = arith.constant 0.000000e+00 : f32
          %broadcast_in_dim3A_171 = vector.broadcast %jit3A_170 : f32 to vector<16xf32>
          %select_n3A_172 = arith.select %eq3A_159, %gather3A_131, %broadcast_in_dim3A_171 : vector<16xi1>, vector<16xf32>
          %reduce_max3A_173 = arith.constant true
          %reduce_max3A_174 = vector.broadcast %reduce_max3A_173 : i1 to vector<16xi1>
          %reduce_max3A_175 = tpu.scan <max>, %select_n3A_172 masked %reduce_max3A_174 : vector<16xf32>, vector<16xi1> -> vector<16xf32>
          %reduce_max3A_176 = vector.extract %reduce_max3A_175[15] : f32 from vector<16xf32>
          %broadcast_in_dim3A_177 = vector.broadcast %reduce_max3A_176 : f32 to vector<16xf32>
          %add3A_178 = arith.constant 0 : i32
          %add3A_179 = arith.addi %scan3A_157, %add3A_178 : i32
          %get3A = arith.index_cast %add3A_179 : i32 to index
          %get3A_180 = arith.constant 0 : index
          %get3A_181 = tpu.vector_load %arg15[%get3A, %get3A_180] {strides = array<i32>} : memref<32x256xf32, #tpu.memory_space<vmem>>, vector<16xf32>,
          %mul3A_182 = arith.mulf %get3A_181, %broadcast_in_dim3A_177 : vector<16xf32>
          %swap3A_183 = arith.index_cast %reduce_max3A_169 : i32 to index
          %swap3A_184 = arith.constant 0 : index
          %swap3A_185 = tpu.vector_load %arg7[%swap3A_183, %swap3A_184] {strides = array<i32>} : memref<328x256xf32, #tpu.memory_space<vmem>>, vector<16xf32>,
          tpu.vector_store %arg7[%swap3A_183, %swap3A_184], %mul3A_182 {add = true, strides = array<i32>} : memref<328x256xf32, #tpu.memory_space<vmem>>, vector<16xf32>,
          %add3A_186 = arith.constant 0 : i32
          %add3A_187 = arith.addi %scan3A_157, %add3A_186 : i32
          %get3A_188 = arith.index_cast %add3A_187 : i32 to index
          %get3A_189 = arith.constant 16 : index
          %get3A_190 = tpu.vector_load %arg15[%get3A_188, %get3A_189] {strides = array<i32>} : memref<32x256xf32, #tpu.memory_space<vmem>>, vector<16xf32>,
          %mul3A_191 = arith.mulf %get3A_190, %broadcast_in_dim3A_177 : vector<16xf32>
          %swap3A_192 = arith.index_cast %reduce_max3A_169 : i32 to index
          %swap3A_193 = arith.constant 16 : index
          %swap3A_194 = tpu.vector_load %arg7[%swap3A_192, %swap3A_193] {strides = array<i32>} : memref<328x256xf32, #tpu.memory_space<vmem>>, vector<16xf32>,
          tpu.vector_store %arg7[%swap3A_192, %swap3A_193], %mul3A_191 {add = true, strides = array<i32>} : memref<328x256xf32, #tpu.memory_space<vmem>>, vector<16xf32>,
          %add3A_195 = arith.constant 0 : i32
          %add3A_196 = arith.addi %scan3A_157, %add3A_195 : i32
          %get3A_197 = arith.index_cast %add3A_196 : i32 to index
          %get3A_198 = arith.constant 32 : index
          %get3A_199 = tpu.vector_load %arg15[%get3A_197, %get3A_198] {strides = array<i32>} : memref<32x256xf32, #tpu.memory_space<vmem>>, vector<16xf32>,
          %mul3A_200 = arith.mulf %get3A_199, %broadcast_in_dim3A_177 : vector<16xf32>
          %swap3A_201 = arith.index_cast %reduce_max3A_169 : i32 to index
          %swap3A_202 = arith.constant 32 : index
          %swap3A_203 = tpu.vector_load %arg7[%swap3A_201, %swap3A_202] {strides = array<i32>} : memref<328x256xf32, #tpu.memory_space<vmem>>, vector<16xf32>,
          tpu.vector_store %arg7[%swap3A_201, %swap3A_202], %mul3A_200 {add = true, strides = array<i32>} : memref<328x256xf32, #tpu.memory_space<vmem>>, vector<16xf32>,
          %add3A_204 = arith.constant 0 : i32
          %add3A_205 = arith.addi %scan3A_157, %add3A_204 : i32
          %get3A_206 = arith.index_cast %add3A_205 : i32 to index
          %get3A_207 = arith.constant 48 : index
          %get3A_208 = tpu.vector_load %arg15[%get3A_206, %get3A_207] {strides = array<i32>} : memref<32x256xf32, #tpu.memory_space<vmem>>, vector<16xf32>,
          %mul3A_209 = arith.mulf %get3A_208, %broadcast_in_dim3A_177 : vector<16xf32>
          %swap3A_210 = arith.index_cast %reduce_max3A_169 : i32 to index
          %swap3A_211 = arith.constant 48 : index
          %swap3A_212 = tpu.vector_load %arg7[%swap3A_210, %swap3A_211] {strides = array<i32>} : memref<328x256xf32, #tpu.memory_space<vmem>>, vector<16xf32>,
          tpu.vector_store %arg7[%swap3A_210, %swap3A_211], %mul3A_209 {add = true, strides = array<i32>} : memref<328x256xf32, #tpu.memory_space<vmem>>, vector<16xf32>,
          %add3A_213 = arith.constant 0 : i32
          %add3A_214 = arith.addi %scan3A_157, %add3A_213 : i32
          %get3A_215 = arith.index_cast %add3A_214 : i32 to index
          %get3A_216 = arith.constant 64 : index
          %get3A_217 = tpu.vector_load %arg15[%get3A_215, %get3A_216] {strides = array<i32>} : memref<32x256xf32, #tpu.memory_space<vmem>>, vector<16xf32>,
          %mul3A_218 = arith.mulf %get3A_217, %broadcast_in_dim3A_177 : vector<16xf32>
          %swap3A_219 = arith.index_cast %reduce_max3A_169 : i32 to index
          %swap3A_220 = arith.constant 64 : index
          %swap3A_221 = tpu.vector_load %arg7[%swap3A_219, %swap3A_220] {strides = array<i32>} : memref<328x256xf32, #tpu.memory_space<vmem>>, vector<16xf32>,
          tpu.vector_store %arg7[%swap3A_219, %swap3A_220], %mul3A_218 {add = true, strides = array<i32>} : memref<328x256xf32, #tpu.memory_space<vmem>>, vector<16xf32>,
          %add3A_222 = arith.constant 0 : i32
          %add3A_223 = arith.addi %scan3A_157, %add3A_222 : i32
          %get3A_224 = arith.index_cast %add3A_223 : i32 to index
          %get3A_225 = arith.constant 80 : index
          %get3A_226 = tpu.vector_load %arg15[%get3A_224, %get3A_225] {strides = array<i32>} : memref<32x256xf32, #tpu.memory_space<vmem>>, vector<16xf32>,
          %mul3A_227 = arith.mulf %get3A_226, %broadcast_in_dim3A_177 : vector<16xf32>
          %swap3A_228 = arith.index_cast %reduce_max3A_169 : i32 to index
          %swap3A_229 = arith.constant 80 : index
          %swap3A_230 = tpu.vector_load %arg7[%swap3A_228, %swap3A_229] {strides = array<i32>} : memref<328x256xf32, #tpu.memory_space<vmem>>, vector<16xf32>,
          tpu.vector_store %arg7[%swap3A_228, %swap3A_229], %mul3A_227 {add = true, strides = array<i32>} : memref<328x256xf32, #tpu.memory_space<vmem>>, vector<16xf32>,
          %add3A_231 = arith.constant 0 : i32
          %add3A_232 = arith.addi %scan3A_157, %add3A_231 : i32
          %get3A_233 = arith.index_cast %add3A_232 : i32 to index
          %get3A_234 = arith.constant 96 : index
          %get3A_235 = tpu.vector_load %arg15[%get3A_233, %get3A_234] {strides = array<i32>} : memref<32x256xf32, #tpu.memory_space<vmem>>, vector<16xf32>,
          %mul3A_236 = arith.mulf %get3A_235, %broadcast_in_dim3A_177 : vector<16xf32>
          %swap3A_237 = arith.index_cast %reduce_max3A_169 : i32 to index
          %swap3A_238 = arith.constant 96 : index
          %swap3A_239 = tpu.vector_load %arg7[%swap3A_237, %swap3A_238] {strides = array<i32>} : memref<328x256xf32, #tpu.memory_space<vmem>>, vector<16xf32>,
          tpu.vector_store %arg7[%swap3A_237, %swap3A_238], %mul3A_236 {add = true, strides = array<i32>} : memref<328x256xf32, #tpu.memory_space<vmem>>, vector<16xf32>,
          %add3A_240 = arith.constant 0 : i32
          %add3A_241 = arith.addi %scan3A_157, %add3A_240 : i32
          %get3A_242 = arith.index_cast %add3A_241 : i32 to index
          %get3A_243 = arith.constant 112 : index
          %get3A_244 = tpu.vector_load %arg15[%get3A_242, %get3A_243] {strides = array<i32>} : memref<32x256xf32, #tpu.memory_space<vmem>>, vector<16xf32>,
          %mul3A_245 = arith.mulf %get3A_244, %broadcast_in_dim3A_177 : vector<16xf32>
          %swap3A_246 = arith.index_cast %reduce_max3A_169 : i32 to index
          %swap3A_247 = arith.constant 112 : index
          %swap3A_248 = tpu.vector_load %arg7[%swap3A_246, %swap3A_247] {strides = array<i32>} : memref<328x256xf32, #tpu.memory_space<vmem>>, vector<16xf32>,
          tpu.vector_store %arg7[%swap3A_246, %swap3A_247], %mul3A_245 {add = true, strides = array<i32>} : memref<328x256xf32, #tpu.memory_space<vmem>>, vector<16xf32>,
          %add3A_249 = arith.constant 0 : i32
          %add3A_250 = arith.addi %scan3A_157, %add3A_249 : i32
          %get3A_251 = arith.index_cast %add3A_250 : i32 to index
          %get3A_252 = arith.constant 128 : index
          %get3A_253 = tpu.vector_load %arg15[%get3A_251, %get3A_252] {strides = array<i32>} : memref<32x256xf32, #tpu.memory_space<vmem>>, vector<16xf32>,
          %mul3A_254 = arith.mulf %get3A_253, %broadcast_in_dim3A_177 : vector<16xf32>
          %swap3A_255 = arith.index_cast %reduce_max3A_169 : i32 to index
          %swap3A_256 = arith.constant 128 : index
          %swap3A_257 = tpu.vector_load %arg7[%swap3A_255, %swap3A_256] {strides = array<i32>} : memref<328x256xf32, #tpu.memory_space<vmem>>, vector<16xf32>,
          tpu.vector_store %arg7[%swap3A_255, %swap3A_256], %mul3A_254 {add = true, strides = array<i32>} : memref<328x256xf32, #tpu.memory_space<vmem>>, vector<16xf32>,
          %add3A_258 = arith.constant 0 : i32
          %add3A_259 = arith.addi %scan3A_157, %add3A_258 : i32
          %get3A_260 = arith.index_cast %add3A_259 : i32 to index
          %get3A_261 = arith.constant 144 : index
          %get3A_262 = tpu.vector_load %arg15[%get3A_260, %get3A_261] {strides = array<i32>} : memref<32x256xf32, #tpu.memory_space<vmem>>, vector<16xf32>,
          %mul3A_263 = arith.mulf %get3A_262, %broadcast_in_dim3A_177 : vector<16xf32>
          %swap3A_264 = arith.index_cast %reduce_max3A_169 : i32 to index
          %swap3A_265 = arith.constant 144 : index
          %swap3A_266 = tpu.vector_load %arg7[%swap3A_264, %swap3A_265] {strides = array<i32>} : memref<328x256xf32, #tpu.memory_space<vmem>>, vector<16xf32>,
          tpu.vector_store %arg7[%swap3A_264, %swap3A_265], %mul3A_263 {add = true, strides = array<i32>} : memref<328x256xf32, #tpu.memory_space<vmem>>, vector<16xf32>,
          %add3A_267 = arith.constant 0 : i32
          %add3A_268 = arith.addi %scan3A_157, %add3A_267 : i32
          %get3A_269 = arith.index_cast %add3A_268 : i32 to index
          %get3A_270 = arith.constant 160 : index
          %get3A_271 = tpu.vector_load %arg15[%get3A_269, %get3A_270] {strides = array<i32>} : memref<32x256xf32, #tpu.memory_space<vmem>>, vector<16xf32>,
          %mul3A_272 = arith.mulf %get3A_271, %broadcast_in_dim3A_177 : vector<16xf32>
          %swap3A_273 = arith.index_cast %reduce_max3A_169 : i32 to index
          %swap3A_274 = arith.constant 160 : index
          %swap3A_275 = tpu.vector_load %arg7[%swap3A_273, %swap3A_274] {strides = array<i32>} : memref<328x256xf32, #tpu.memory_space<vmem>>, vector<16xf32>,
          tpu.vector_store %arg7[%swap3A_273, %swap3A_274], %mul3A_272 {add = true, strides = array<i32>} : memref<328x256xf32, #tpu.memory_space<vmem>>, vector<16xf32>,
          %add3A_276 = arith.constant 0 : i32
          %add3A_277 = arith.addi %scan3A_157, %add3A_276 : i32
          %get3A_278 = arith.index_cast %add3A_277 : i32 to index
          %get3A_279 = arith.constant 176 : index
          %get3A_280 = tpu.vector_load %arg15[%get3A_278, %get3A_279] {strides = array<i32>} : memref<32x256xf32, #tpu.memory_space<vmem>>, vector<16xf32>,
          %mul3A_281 = arith.mulf %get3A_280, %broadcast_in_dim3A_177 : vector<16xf32>
          %swap3A_282 = arith.index_cast %reduce_max3A_169 : i32 to index
          %swap3A_283 = arith.constant 176 : index
          %swap3A_284 = tpu.vector_load %arg7[%swap3A_282, %swap3A_283] {strides = array<i32>} : memref<328x256xf32, #tpu.memory_space<vmem>>, vector<16xf32>,
          tpu.vector_store %arg7[%swap3A_282, %swap3A_283], %mul3A_281 {add = true, strides = array<i32>} : memref<328x256xf32, #tpu.memory_space<vmem>>, vector<16xf32>,
          %add3A_285 = arith.constant 0 : i32
          %add3A_286 = arith.addi %scan3A_157, %add3A_285 : i32
          %get3A_287 = arith.index_cast %add3A_286 : i32 to index
          %get3A_288 = arith.constant 192 : index
          %get3A_289 = tpu.vector_load %arg15[%get3A_287, %get3A_288] {strides = array<i32>} : memref<32x256xf32, #tpu.memory_space<vmem>>, vector<16xf32>,
          %mul3A_290 = arith.mulf %get3A_289, %broadcast_in_dim3A_177 : vector<16xf32>
          %swap3A_291 = arith.index_cast %reduce_max3A_169 : i32 to index
          %swap3A_292 = arith.constant 192 : index
          %swap3A_293 = tpu.vector_load %arg7[%swap3A_291, %swap3A_292] {strides = array<i32>} : memref<328x256xf32, #tpu.memory_space<vmem>>, vector<16xf32>,
          tpu.vector_store %arg7[%swap3A_291, %swap3A_292], %mul3A_290 {add = true, strides = array<i32>} : memref<328x256xf32, #tpu.memory_space<vmem>>, vector<16xf32>,
          %add3A_294 = arith.constant 0 : i32
          %add3A_295 = arith.addi %scan3A_157, %add3A_294 : i32
          %get3A_296 = arith.index_cast %add3A_295 : i32 to index
          %get3A_297 = arith.constant 208 : index
          %get3A_298 = tpu.vector_load %arg15[%get3A_296, %get3A_297] {strides = array<i32>} : memref<32x256xf32, #tpu.memory_space<vmem>>, vector<16xf32>,
          %mul3A_299 = arith.mulf %get3A_298, %broadcast_in_dim3A_177 : vector<16xf32>
          %swap3A_300 = arith.index_cast %reduce_max3A_169 : i32 to index
          %swap3A_301 = arith.constant 208 : index
          %swap3A_302 = tpu.vector_load %arg7[%swap3A_300, %swap3A_301] {strides = array<i32>} : memref<328x256xf32, #tpu.memory_space<vmem>>, vector<16xf32>,
          tpu.vector_store %arg7[%swap3A_300, %swap3A_301], %mul3A_299 {add = true, strides = array<i32>} : memref<328x256xf32, #tpu.memory_space<vmem>>, vector<16xf32>,
          %add3A_303 = arith.constant 0 : i32
          %add3A_304 = arith.addi %scan3A_157, %add3A_303 : i32
          %get3A_305 = arith.index_cast %add3A_304 : i32 to index
          %get3A_306 = arith.constant 224 : index
          %get3A_307 = tpu.vector_load %arg15[%get3A_305, %get3A_306] {strides = array<i32>} : memref<32x256xf32, #tpu.memory_space<vmem>>, vector<16xf32>,
          %mul3A_308 = arith.mulf %get3A_307, %broadcast_in_dim3A_177 : vector<16xf32>
          %swap3A_309 = arith.index_cast %reduce_max3A_169 : i32 to index
          %swap3A_310 = arith.constant 224 : index
          %swap3A_311 = tpu.vector_load %arg7[%swap3A_309, %swap3A_310] {strides = array<i32>} : memref<328x256xf32, #tpu.memory_space<vmem>>, vector<16xf32>,
          tpu.vector_store %arg7[%swap3A_309, %swap3A_310], %mul3A_308 {add = true, strides = array<i32>} : memref<328x256xf32, #tpu.memory_space<vmem>>, vector<16xf32>,
          %add3A_312 = arith.constant 0 : i32
          %add3A_313 = arith.addi %scan3A_157, %add3A_312 : i32
          %get3A_314 = arith.index_cast %add3A_313 : i32 to index
          %get3A_315 = arith.constant 240 : index
          %get3A_316 = tpu.vector_load %arg15[%get3A_314, %get3A_315] {strides = array<i32>} : memref<32x256xf32, #tpu.memory_space<vmem>>, vector<16xf32>,
          %mul3A_317 = arith.mulf %get3A_316, %broadcast_in_dim3A_177 : vector<16xf32>
          %swap3A_318 = arith.index_cast %reduce_max3A_169 : i32 to index
          %swap3A_319 = arith.constant 240 : index
          %swap3A_320 = tpu.vector_load %arg7[%swap3A_318, %swap3A_319] {strides = array<i32>} : memref<328x256xf32, #tpu.memory_space<vmem>>, vector<16xf32>,
          tpu.vector_store %arg7[%swap3A_318, %swap3A_319], %mul3A_317 {add = true, strides = array<i32>} : memref<328x256xf32, #tpu.memory_space<vmem>>, vector<16xf32>,
          %scan3A_321 = arith.constant 0 : i32
          scf.yield %scan3A_321 : i32
        }
        %scan3A_138 = arith.constant 16 : i32
        %mul3A_139 = arith.constant 2 : i32
        %mul3A_140 = arith.muli %while3A_99, %mul3A_139 : i32
        %mul3A_141 = arith.constant 16 : i32
        %mul3A_142 = arith.muli %mul3A_140, %mul3A_141 : i32
        %add3A_143 = arith.constant 16 : i32
        %add3A_144 = arith.addi %mul3A_142, %add3A_143 : i32
        %add3A_145 = vector.broadcast %add3A_144 : i32 to vector<16xi32>
        %add3A_146 = arith.addi %add3A_145, %iota3A : vector<16xi32>
        %gather3A_147 = tpu.vector_load_idx %arg12[%add3A_146] : memref<2592xi32, #tpu.memory_space<vmem>>[vector<16xi32>], vector<16xi32>,
        %gather3A_148 = tpu.vector_load_idx %arg13[%add3A_146] : memref<2592xf32, #tpu.memory_space<vmem>>[vector<16xi32>], vector<16xf32>,
        %scan3A_149 = arith.constant 0 : i32
        %scan3A_150 = arith.constant 0 : i32
        %scan3A_151 = arith.constant 16 : i32
        %scan3A_152 = arith.addi %scan3A_150, %scan3A_151 : i32
        %scan3A_153 = arith.constant 1 : i32
        %scan3A_154 = scf.for %scan3A_157 = %scan3A_150 to %scan3A_152 step %scan3A_153 iter_args(%scan3A_158 = %scan3A_149) -> (i32)  : i32 {
          %eq3A = vector.broadcast %scan3A_157 : i32 to vector<16xi32>
          %eq3A_159 = arith.cmpi eq, %iota3A, %eq3A : vector<16xi32>
          %jit3A_160 = arith.constant 0 : i32
          %broadcast_in_dim3A_161 = vector.broadcast %jit3A_160 : i32 to vector<16xi32>
          %select_n3A_162 = arith.select %eq3A_159, %gather3A_147, %broadcast_in_dim3A_161 : vector<16xi1>, vector<16xi32>
          %reduce_max3A = arith.constant true
          %reduce_max3A_163 = vector.broadcast %reduce_max3A : i1 to vector<16xi1>
          %reduce_max3A_164 = arith.constant -2147483648 : i32
          %reduce_max3A_165 = vector.broadcast %reduce_max3A_164 : i32 to vector<16xi32>
          %reduce_max3A_166 = arith.xori %select_n3A_162, %reduce_max3A_165 : vector<16xi32>
          %reduce_max3A_167 = tpu.scan <max>, %reduce_max3A_166 masked %reduce_max3A_163 : vector<16xi32>, vector<16xi1> -> vector<16xi32>
          %reduce_max3A_168 = arith.xori %reduce_max3A_167, %reduce_max3A_165 : vector<16xi32>
          %reduce_max3A_169 = vector.extract %reduce_max3A_168[15] : i32 from vector<16xi32>
          %jit3A_170 = arith.constant 0.000000e+00 : f32
          %broadcast_in_dim3A_171 = vector.broadcast %jit3A_170 : f32 to vector<16xf32>
          %select_n3A_172 = arith.select %eq3A_159, %gather3A_148, %broadcast_in_dim3A_171 : vector<16xi1>, vector<16xf32>
          %reduce_max3A_173 = arith.constant true
          %reduce_max3A_174 = vector.broadcast %reduce_max3A_173 : i1 to vector<16xi1>
          %reduce_max3A_175 = tpu.scan <max>, %select_n3A_172 masked %reduce_max3A_174 : vector<16xf32>, vector<16xi1> -> vector<16xf32>
          %reduce_max3A_176 = vector.extract %reduce_max3A_175[15] : f32 from vector<16xf32>
          %broadcast_in_dim3A_177 = vector.broadcast %reduce_max3A_176 : f32 to vector<16xf32>
          %add3A_178 = arith.constant 16 : i32
          %add3A_179 = arith.addi %scan3A_157, %add3A_178 : i32
          %get3A = arith.index_cast %add3A_179 : i32 to index
          %get3A_180 = arith.constant 0 : index
          %get3A_181 = tpu.vector_load %arg15[%get3A, %get3A_180] {strides = array<i32>} : memref<32x256xf32, #tpu.memory_space<vmem>>, vector<16xf32>,
          %mul3A_182 = arith.mulf %get3A_181, %broadcast_in_dim3A_177 : vector<16xf32>
          %swap3A_183 = arith.index_cast %reduce_max3A_169 : i32 to index
          %swap3A_184 = arith.constant 0 : index
          %swap3A_185 = tpu.vector_load %arg7[%swap3A_183, %swap3A_184] {strides = array<i32>} : memref<328x256xf32, #tpu.memory_space<vmem>>, vector<16xf32>,
          tpu.vector_store %arg7[%swap3A_183, %swap3A_184], %mul3A_182 {add = true, strides = array<i32>} : memref<328x256xf32, #tpu.memory_space<vmem>>, vector<16xf32>,
          %add3A_186 = arith.constant 16 : i32
          %add3A_187 = arith.addi %scan3A_157, %add3A_186 : i32
          %get3A_188 = arith.index_cast %add3A_187 : i32 to index
          %get3A_189 = arith.constant 16 : index
          %get3A_190 = tpu.vector_load %arg15[%get3A_188, %get3A_189] {strides = array<i32>} : memref<32x256xf32, #tpu.memory_space<vmem>>, vector<16xf32>,
          %mul3A_191 = arith.mulf %get3A_190, %broadcast_in_dim3A_177 : vector<16xf32>
          %swap3A_192 = arith.index_cast %reduce_max3A_169 : i32 to index
          %swap3A_193 = arith.constant 16 : index
          %swap3A_194 = tpu.vector_load %arg7[%swap3A_192, %swap3A_193] {strides = array<i32>} : memref<328x256xf32, #tpu.memory_space<vmem>>, vector<16xf32>,
          tpu.vector_store %arg7[%swap3A_192, %swap3A_193], %mul3A_191 {add = true, strides = array<i32>} : memref<328x256xf32, #tpu.memory_space<vmem>>, vector<16xf32>,
          %add3A_195 = arith.constant 16 : i32
          %add3A_196 = arith.addi %scan3A_157, %add3A_195 : i32
          %get3A_197 = arith.index_cast %add3A_196 : i32 to index
          %get3A_198 = arith.constant 32 : index
          %get3A_199 = tpu.vector_load %arg15[%get3A_197, %get3A_198] {strides = array<i32>} : memref<32x256xf32, #tpu.memory_space<vmem>>, vector<16xf32>,
          %mul3A_200 = arith.mulf %get3A_199, %broadcast_in_dim3A_177 : vector<16xf32>
          %swap3A_201 = arith.index_cast %reduce_max3A_169 : i32 to index
          %swap3A_202 = arith.constant 32 : index
          %swap3A_203 = tpu.vector_load %arg7[%swap3A_201, %swap3A_202] {strides = array<i32>} : memref<328x256xf32, #tpu.memory_space<vmem>>, vector<16xf32>,
          tpu.vector_store %arg7[%swap3A_201, %swap3A_202], %mul3A_200 {add = true, strides = array<i32>} : memref<328x256xf32, #tpu.memory_space<vmem>>, vector<16xf32>,
          %add3A_204 = arith.constant 16 : i32
          %add3A_205 = arith.addi %scan3A_157, %add3A_204 : i32
          %get3A_206 = arith.index_cast %add3A_205 : i32 to index
          %get3A_207 = arith.constant 48 : index
          %get3A_208 = tpu.vector_load %arg15[%get3A_206, %get3A_207] {strides = array<i32>} : memref<32x256xf32, #tpu.memory_space<vmem>>, vector<16xf32>,
          %mul3A_209 = arith.mulf %get3A_208, %broadcast_in_dim3A_177 : vector<16xf32>
          %swap3A_210 = arith.index_cast %reduce_max3A_169 : i32 to index
          %swap3A_211 = arith.constant 48 : index
          %swap3A_212 = tpu.vector_load %arg7[%swap3A_210, %swap3A_211] {strides = array<i32>} : memref<328x256xf32, #tpu.memory_space<vmem>>, vector<16xf32>,
          tpu.vector_store %arg7[%swap3A_210, %swap3A_211], %mul3A_209 {add = true, strides = array<i32>} : memref<328x256xf32, #tpu.memory_space<vmem>>, vector<16xf32>,
          %add3A_213 = arith.constant 16 : i32
          %add3A_214 = arith.addi %scan3A_157, %add3A_213 : i32
          %get3A_215 = arith.index_cast %add3A_214 : i32 to index
          %get3A_216 = arith.constant 64 : index
          %get3A_217 = tpu.vector_load %arg15[%get3A_215, %get3A_216] {strides = array<i32>} : memref<32x256xf32, #tpu.memory_space<vmem>>, vector<16xf32>,
          %mul3A_218 = arith.mulf %get3A_217, %broadcast_in_dim3A_177 : vector<16xf32>
          %swap3A_219 = arith.index_cast %reduce_max3A_169 : i32 to index
          %swap3A_220 = arith.constant 64 : index
          %swap3A_221 = tpu.vector_load %arg7[%swap3A_219, %swap3A_220] {strides = array<i32>} : memref<328x256xf32, #tpu.memory_space<vmem>>, vector<16xf32>,
          tpu.vector_store %arg7[%swap3A_219, %swap3A_220], %mul3A_218 {add = true, strides = array<i32>} : memref<328x256xf32, #tpu.memory_space<vmem>>, vector<16xf32>,
          %add3A_222 = arith.constant 16 : i32
          %add3A_223 = arith.addi %scan3A_157, %add3A_222 : i32
          %get3A_224 = arith.index_cast %add3A_223 : i32 to index
          %get3A_225 = arith.constant 80 : index
          %get3A_226 = tpu.vector_load %arg15[%get3A_224, %get3A_225] {strides = array<i32>} : memref<32x256xf32, #tpu.memory_space<vmem>>, vector<16xf32>,
          %mul3A_227 = arith.mulf %get3A_226, %broadcast_in_dim3A_177 : vector<16xf32>
          %swap3A_228 = arith.index_cast %reduce_max3A_169 : i32 to index
          %swap3A_229 = arith.constant 80 : index
          %swap3A_230 = tpu.vector_load %arg7[%swap3A_228, %swap3A_229] {strides = array<i32>} : memref<328x256xf32, #tpu.memory_space<vmem>>, vector<16xf32>,
          tpu.vector_store %arg7[%swap3A_228, %swap3A_229], %mul3A_227 {add = true, strides = array<i32>} : memref<328x256xf32, #tpu.memory_space<vmem>>, vector<16xf32>,
          %add3A_231 = arith.constant 16 : i32
          %add3A_232 = arith.addi %scan3A_157, %add3A_231 : i32
          %get3A_233 = arith.index_cast %add3A_232 : i32 to index
          %get3A_234 = arith.constant 96 : index
          %get3A_235 = tpu.vector_load %arg15[%get3A_233, %get3A_234] {strides = array<i32>} : memref<32x256xf32, #tpu.memory_space<vmem>>, vector<16xf32>,
          %mul3A_236 = arith.mulf %get3A_235, %broadcast_in_dim3A_177 : vector<16xf32>
          %swap3A_237 = arith.index_cast %reduce_max3A_169 : i32 to index
          %swap3A_238 = arith.constant 96 : index
          %swap3A_239 = tpu.vector_load %arg7[%swap3A_237, %swap3A_238] {strides = array<i32>} : memref<328x256xf32, #tpu.memory_space<vmem>>, vector<16xf32>,
          tpu.vector_store %arg7[%swap3A_237, %swap3A_238], %mul3A_236 {add = true, strides = array<i32>} : memref<328x256xf32, #tpu.memory_space<vmem>>, vector<16xf32>,
          %add3A_240 = arith.constant 16 : i32
          %add3A_241 = arith.addi %scan3A_157, %add3A_240 : i32
          %get3A_242 = arith.index_cast %add3A_241 : i32 to index
          %get3A_243 = arith.constant 112 : index
          %get3A_244 = tpu.vector_load %arg15[%get3A_242, %get3A_243] {strides = array<i32>} : memref<32x256xf32, #tpu.memory_space<vmem>>, vector<16xf32>,
          %mul3A_245 = arith.mulf %get3A_244, %broadcast_in_dim3A_177 : vector<16xf32>
          %swap3A_246 = arith.index_cast %reduce_max3A_169 : i32 to index
          %swap3A_247 = arith.constant 112 : index
          %swap3A_248 = tpu.vector_load %arg7[%swap3A_246, %swap3A_247] {strides = array<i32>} : memref<328x256xf32, #tpu.memory_space<vmem>>, vector<16xf32>,
          tpu.vector_store %arg7[%swap3A_246, %swap3A_247], %mul3A_245 {add = true, strides = array<i32>} : memref<328x256xf32, #tpu.memory_space<vmem>>, vector<16xf32>,
          %add3A_249 = arith.constant 16 : i32
          %add3A_250 = arith.addi %scan3A_157, %add3A_249 : i32
          %get3A_251 = arith.index_cast %add3A_250 : i32 to index
          %get3A_252 = arith.constant 128 : index
          %get3A_253 = tpu.vector_load %arg15[%get3A_251, %get3A_252] {strides = array<i32>} : memref<32x256xf32, #tpu.memory_space<vmem>>, vector<16xf32>,
          %mul3A_254 = arith.mulf %get3A_253, %broadcast_in_dim3A_177 : vector<16xf32>
          %swap3A_255 = arith.index_cast %reduce_max3A_169 : i32 to index
          %swap3A_256 = arith.constant 128 : index
          %swap3A_257 = tpu.vector_load %arg7[%swap3A_255, %swap3A_256] {strides = array<i32>} : memref<328x256xf32, #tpu.memory_space<vmem>>, vector<16xf32>,
          tpu.vector_store %arg7[%swap3A_255, %swap3A_256], %mul3A_254 {add = true, strides = array<i32>} : memref<328x256xf32, #tpu.memory_space<vmem>>, vector<16xf32>,
          %add3A_258 = arith.constant 16 : i32
          %add3A_259 = arith.addi %scan3A_157, %add3A_258 : i32
          %get3A_260 = arith.index_cast %add3A_259 : i32 to index
          %get3A_261 = arith.constant 144 : index
          %get3A_262 = tpu.vector_load %arg15[%get3A_260, %get3A_261] {strides = array<i32>} : memref<32x256xf32, #tpu.memory_space<vmem>>, vector<16xf32>,
          %mul3A_263 = arith.mulf %get3A_262, %broadcast_in_dim3A_177 : vector<16xf32>
          %swap3A_264 = arith.index_cast %reduce_max3A_169 : i32 to index
          %swap3A_265 = arith.constant 144 : index
          %swap3A_266 = tpu.vector_load %arg7[%swap3A_264, %swap3A_265] {strides = array<i32>} : memref<328x256xf32, #tpu.memory_space<vmem>>, vector<16xf32>,
          tpu.vector_store %arg7[%swap3A_264, %swap3A_265], %mul3A_263 {add = true, strides = array<i32>} : memref<328x256xf32, #tpu.memory_space<vmem>>, vector<16xf32>,
          %add3A_267 = arith.constant 16 : i32
          %add3A_268 = arith.addi %scan3A_157, %add3A_267 : i32
          %get3A_269 = arith.index_cast %add3A_268 : i32 to index
          %get3A_270 = arith.constant 160 : index
          %get3A_271 = tpu.vector_load %arg15[%get3A_269, %get3A_270] {strides = array<i32>} : memref<32x256xf32, #tpu.memory_space<vmem>>, vector<16xf32>,
          %mul3A_272 = arith.mulf %get3A_271, %broadcast_in_dim3A_177 : vector<16xf32>
          %swap3A_273 = arith.index_cast %reduce_max3A_169 : i32 to index
          %swap3A_274 = arith.constant 160 : index
          %swap3A_275 = tpu.vector_load %arg7[%swap3A_273, %swap3A_274] {strides = array<i32>} : memref<328x256xf32, #tpu.memory_space<vmem>>, vector<16xf32>,
          tpu.vector_store %arg7[%swap3A_273, %swap3A_274], %mul3A_272 {add = true, strides = array<i32>} : memref<328x256xf32, #tpu.memory_space<vmem>>, vector<16xf32>,
          %add3A_276 = arith.constant 16 : i32
          %add3A_277 = arith.addi %scan3A_157, %add3A_276 : i32
          %get3A_278 = arith.index_cast %add3A_277 : i32 to index
          %get3A_279 = arith.constant 176 : index
          %get3A_280 = tpu.vector_load %arg15[%get3A_278, %get3A_279] {strides = array<i32>} : memref<32x256xf32, #tpu.memory_space<vmem>>, vector<16xf32>,
          %mul3A_281 = arith.mulf %get3A_280, %broadcast_in_dim3A_177 : vector<16xf32>
          %swap3A_282 = arith.index_cast %reduce_max3A_169 : i32 to index
          %swap3A_283 = arith.constant 176 : index
          %swap3A_284 = tpu.vector_load %arg7[%swap3A_282, %swap3A_283] {strides = array<i32>} : memref<328x256xf32, #tpu.memory_space<vmem>>, vector<16xf32>,
          tpu.vector_store %arg7[%swap3A_282, %swap3A_283], %mul3A_281 {add = true, strides = array<i32>} : memref<328x256xf32, #tpu.memory_space<vmem>>, vector<16xf32>,
          %add3A_285 = arith.constant 16 : i32
          %add3A_286 = arith.addi %scan3A_157, %add3A_285 : i32
          %get3A_287 = arith.index_cast %add3A_286 : i32 to index
          %get3A_288 = arith.constant 192 : index
          %get3A_289 = tpu.vector_load %arg15[%get3A_287, %get3A_288] {strides = array<i32>} : memref<32x256xf32, #tpu.memory_space<vmem>>, vector<16xf32>,
          %mul3A_290 = arith.mulf %get3A_289, %broadcast_in_dim3A_177 : vector<16xf32>
          %swap3A_291 = arith.index_cast %reduce_max3A_169 : i32 to index
          %swap3A_292 = arith.constant 192 : index
          %swap3A_293 = tpu.vector_load %arg7[%swap3A_291, %swap3A_292] {strides = array<i32>} : memref<328x256xf32, #tpu.memory_space<vmem>>, vector<16xf32>,
          tpu.vector_store %arg7[%swap3A_291, %swap3A_292], %mul3A_290 {add = true, strides = array<i32>} : memref<328x256xf32, #tpu.memory_space<vmem>>, vector<16xf32>,
          %add3A_294 = arith.constant 16 : i32
          %add3A_295 = arith.addi %scan3A_157, %add3A_294 : i32
          %get3A_296 = arith.index_cast %add3A_295 : i32 to index
          %get3A_297 = arith.constant 208 : index
          %get3A_298 = tpu.vector_load %arg15[%get3A_296, %get3A_297] {strides = array<i32>} : memref<32x256xf32, #tpu.memory_space<vmem>>, vector<16xf32>,
          %mul3A_299 = arith.mulf %get3A_298, %broadcast_in_dim3A_177 : vector<16xf32>
          %swap3A_300 = arith.index_cast %reduce_max3A_169 : i32 to index
          %swap3A_301 = arith.constant 208 : index
          %swap3A_302 = tpu.vector_load %arg7[%swap3A_300, %swap3A_301] {strides = array<i32>} : memref<328x256xf32, #tpu.memory_space<vmem>>, vector<16xf32>,
          tpu.vector_store %arg7[%swap3A_300, %swap3A_301], %mul3A_299 {add = true, strides = array<i32>} : memref<328x256xf32, #tpu.memory_space<vmem>>, vector<16xf32>,
          %add3A_303 = arith.constant 16 : i32
          %add3A_304 = arith.addi %scan3A_157, %add3A_303 : i32
          %get3A_305 = arith.index_cast %add3A_304 : i32 to index
          %get3A_306 = arith.constant 224 : index
          %get3A_307 = tpu.vector_load %arg15[%get3A_305, %get3A_306] {strides = array<i32>} : memref<32x256xf32, #tpu.memory_space<vmem>>, vector<16xf32>,
          %mul3A_308 = arith.mulf %get3A_307, %broadcast_in_dim3A_177 : vector<16xf32>
          %swap3A_309 = arith.index_cast %reduce_max3A_169 : i32 to index
          %swap3A_310 = arith.constant 224 : index
          %swap3A_311 = tpu.vector_load %arg7[%swap3A_309, %swap3A_310] {strides = array<i32>} : memref<328x256xf32, #tpu.memory_space<vmem>>, vector<16xf32>,
          tpu.vector_store %arg7[%swap3A_309, %swap3A_310], %mul3A_308 {add = true, strides = array<i32>} : memref<328x256xf32, #tpu.memory_space<vmem>>, vector<16xf32>,
          %add3A_312 = arith.constant 16 : i32
          %add3A_313 = arith.addi %scan3A_157, %add3A_312 : i32
          %get3A_314 = arith.index_cast %add3A_313 : i32 to index
          %get3A_315 = arith.constant 240 : index
          %get3A_316 = tpu.vector_load %arg15[%get3A_314, %get3A_315] {strides = array<i32>} : memref<32x256xf32, #tpu.memory_space<vmem>>, vector<16xf32>,
          %mul3A_317 = arith.mulf %get3A_316, %broadcast_in_dim3A_177 : vector<16xf32>
          %swap3A_318 = arith.index_cast %reduce_max3A_169 : i32 to index
          %swap3A_319 = arith.constant 240 : index
          %swap3A_320 = tpu.vector_load %arg7[%swap3A_318, %swap3A_319] {strides = array<i32>} : memref<328x256xf32, #tpu.memory_space<vmem>>, vector<16xf32>,
          tpu.vector_store %arg7[%swap3A_318, %swap3A_319], %mul3A_317 {add = true, strides = array<i32>} : memref<328x256xf32, #tpu.memory_space<vmem>>, vector<16xf32>,
          %scan3A_321 = arith.constant 0 : i32
          scf.yield %scan3A_321 : i32
        }
        %scan3A_155 = arith.constant 16 : i32
        %while3A_156 = arith.constant 0 : i32
        scf.yield %while3A_156 : i32
      }
      %while3A_96 = arith.constant 1 : i32
      %while3A_97 = scf.for %while3A_99 = %while3A_93 to %while3A_89 step %while3A_96 iter_args(%while3A_100 = %while3A_95) -> (i32)  : i32 {
        %mul3A_101 = arith.constant 2 : i32
        %mul3A_102 = arith.muli %while3A_99, %mul3A_101 : i32
        %mul3A_103 = arith.constant 16 : i32
        %mul3A_104 = arith.muli %mul3A_102, %mul3A_103 : i32
        %add3A_105 = arith.constant 0 : i32
        %add3A_106 = arith.addi %mul3A_104, %add3A_105 : i32
        %add3A_107 = vector.broadcast %add3A_106 : i32 to vector<16xi32>
        %add3A_108 = arith.addi %add3A_107, %iota3A : vector<16xi32>
        %gather3A = tpu.vector_load_idx %arg11[%add3A_108] : memref<2592xi32, #tpu.memory_space<vmem>>[vector<16xi32>], vector<16xi32>,
        %swap3A_109 = arith.constant 0 : index
        %swap3A_110 = tpu.vector_load %arg14[%swap3A_109] {strides = array<i32>} : memref<32xi32, #tpu.memory_space<vmem>>, vector<16xi32>,
        tpu.vector_store %arg14[%swap3A_109], %gather3A {strides = array<i32>} : memref<32xi32, #tpu.memory_space<vmem>>, vector<16xi32>,
        %mul3A_111 = arith.constant 2 : i32
        %mul3A_112 = arith.muli %while3A_99, %mul3A_111 : i32
        %mul3A_113 = arith.constant 16 : i32
        %mul3A_114 = arith.muli %mul3A_112, %mul3A_113 : i32
        %add3A_115 = arith.constant 16 : i32
        %add3A_116 = arith.addi %mul3A_114, %add3A_115 : i32
        %add3A_117 = vector.broadcast %add3A_116 : i32 to vector<16xi32>
        %add3A_118 = arith.addi %add3A_117, %iota3A : vector<16xi32>
        %gather3A_119 = tpu.vector_load_idx %arg11[%add3A_118] : memref<2592xi32, #tpu.memory_space<vmem>>[vector<16xi32>], vector<16xi32>,
        %swap3A_120 = arith.constant 16 : index
        %swap3A_121 = tpu.vector_load %arg14[%swap3A_120] {strides = array<i32>} : memref<32xi32, #tpu.memory_space<vmem>>, vector<16xi32>,
        tpu.vector_store %arg14[%swap3A_120], %gather3A_119 {strides = array<i32>} : memref<32xi32, #tpu.memory_space<vmem>>, vector<16xi32>,
        "tpu.region"() ({
          %run_scoped3A_157 = tpu.sem_alloc : memref<!tpu.dma_semaphore, #tpu.memory_space<semaphore_mem>>
          %dma_start3A = arith.constant 0 : i32
          %dma_start3A_158 = arith.constant 0 : i32
          %dma_start3A_159 = tpu.memref_slice %arg2[%dma_start3A, %dma_start3A_158] : memref<10000x256xf32, #tpu.memory_space<hbm>> -> memref<10000x256xf32, #tpu.memory_space<hbm>>
          tpu.enqueue_indirect_dma source(%dma_start3A_159 : memref<10000x256xf32, #tpu.memory_space<hbm>>) target(%arg15 : memref<32x256xf32, #tpu.memory_space<vmem>>) offsets(%arg14 : memref<32xi32, #tpu.memory_space<vmem>>) semaphore(%run_scoped3A_157 : memref<!tpu.dma_semaphore, #tpu.memory_space<semaphore_mem>>)
          %dma_wait3A = arith.constant 0 : i32
          %dma_wait3A_160 = arith.constant 0 : i32
          %dma_wait3A_161 = tpu.memref_slice %arg2[%dma_wait3A, %dma_wait3A_160] : memref<10000x256xf32, #tpu.memory_space<hbm>> -> memref<10000x256xf32, #tpu.memory_space<hbm>>
          tpu.wait_indirect_dma semaphore(%run_scoped3A_157 : memref<!tpu.dma_semaphore, #tpu.memory_space<semaphore_mem>>) src(%dma_wait3A_161 : memref<10000x256xf32, #tpu.memory_space<hbm>>) dst(%arg15 : memref<32x256xf32, #tpu.memory_space<vmem>>)
          tpu.yield
        }) : () -> ()
        %mul3A_122 = arith.constant 2 : i32
        %mul3A_123 = arith.muli %while3A_99, %mul3A_122 : i32
        %mul3A_124 = arith.constant 16 : i32
        %mul3A_125 = arith.muli %mul3A_123, %mul3A_124 : i32
        %add3A_126 = arith.constant 0 : i32
        %add3A_127 = arith.addi %mul3A_125, %add3A_126 : i32
        %add3A_128 = vector.broadcast %add3A_127 : i32 to vector<16xi32>
        %add3A_129 = arith.addi %add3A_128, %iota3A : vector<16xi32>
        %gather3A_130 = tpu.vector_load_idx %arg12[%add3A_129] : memref<2592xi32, #tpu.memory_space<vmem>>[vector<16xi32>], vector<16xi32>,
        %gather3A_131 = tpu.vector_load_idx %arg13[%add3A_129] : memref<2592xf32, #tpu.memory_space<vmem>>[vector<16xi32>], vector<16xf32>,
        %scan3A_132 = arith.constant 0 : i32
        %scan3A_133 = arith.constant 0 : i32
        %scan3A_134 = arith.constant 16 : i32
        %scan3A_135 = arith.addi %scan3A_133, %scan3A_134 : i32
        %scan3A_136 = arith.constant 1 : i32
        %scan3A_137 = scf.for %scan3A_157 = %scan3A_133 to %scan3A_135 step %scan3A_136 iter_args(%scan3A_158 = %scan3A_132) -> (i32)  : i32 {
          %eq3A = vector.broadcast %scan3A_157 : i32 to vector<16xi32>
          %eq3A_159 = arith.cmpi eq, %iota3A, %eq3A : vector<16xi32>
          %jit3A_160 = arith.constant 0 : i32
          %broadcast_in_dim3A_161 = vector.broadcast %jit3A_160 : i32 to vector<16xi32>
          %select_n3A_162 = arith.select %eq3A_159, %gather3A_130, %broadcast_in_dim3A_161 : vector<16xi1>, vector<16xi32>
          %reduce_max3A = arith.constant true
          %reduce_max3A_163 = vector.broadcast %reduce_max3A : i1 to vector<16xi1>
          %reduce_max3A_164 = arith.constant -2147483648 : i32
          %reduce_max3A_165 = vector.broadcast %reduce_max3A_164 : i32 to vector<16xi32>
          %reduce_max3A_166 = arith.xori %select_n3A_162, %reduce_max3A_165 : vector<16xi32>
          %reduce_max3A_167 = tpu.scan <max>, %reduce_max3A_166 masked %reduce_max3A_163 : vector<16xi32>, vector<16xi1> -> vector<16xi32>
          %reduce_max3A_168 = arith.xori %reduce_max3A_167, %reduce_max3A_165 : vector<16xi32>
          %reduce_max3A_169 = vector.extract %reduce_max3A_168[15] : i32 from vector<16xi32>
          %jit3A_170 = arith.constant 0.000000e+00 : f32
          %broadcast_in_dim3A_171 = vector.broadcast %jit3A_170 : f32 to vector<16xf32>
          %select_n3A_172 = arith.select %eq3A_159, %gather3A_131, %broadcast_in_dim3A_171 : vector<16xi1>, vector<16xf32>
          %reduce_max3A_173 = arith.constant true
          %reduce_max3A_174 = vector.broadcast %reduce_max3A_173 : i1 to vector<16xi1>
          %reduce_max3A_175 = tpu.scan <max>, %select_n3A_172 masked %reduce_max3A_174 : vector<16xf32>, vector<16xi1> -> vector<16xf32>
          %reduce_max3A_176 = vector.extract %reduce_max3A_175[15] : f32 from vector<16xf32>
          %broadcast_in_dim3A_177 = vector.broadcast %reduce_max3A_176 : f32 to vector<16xf32>
          %add3A_178 = arith.constant 0 : i32
          %add3A_179 = arith.addi %scan3A_157, %add3A_178 : i32
          %get3A = arith.index_cast %add3A_179 : i32 to index
          %get3A_180 = arith.constant 0 : index
          %get3A_181 = tpu.vector_load %arg15[%get3A, %get3A_180] {strides = array<i32>} : memref<32x256xf32, #tpu.memory_space<vmem>>, vector<16xf32>,
          %mul3A_182 = arith.mulf %get3A_181, %broadcast_in_dim3A_177 : vector<16xf32>
          %swap3A_183 = arith.index_cast %reduce_max3A_169 : i32 to index
          %swap3A_184 = arith.constant 0 : index
          %swap3A_185 = tpu.vector_load %arg7[%swap3A_183, %swap3A_184] {strides = array<i32>} : memref<328x256xf32, #tpu.memory_space<vmem>>, vector<16xf32>,
          tpu.vector_store %arg7[%swap3A_183, %swap3A_184], %mul3A_182 {add = true, strides = array<i32>} : memref<328x256xf32, #tpu.memory_space<vmem>>, vector<16xf32>,
          %add3A_186 = arith.constant 0 : i32
          %add3A_187 = arith.addi %scan3A_157, %add3A_186 : i32
          %get3A_188 = arith.index_cast %add3A_187 : i32 to index
          %get3A_189 = arith.constant 16 : index
          %get3A_190 = tpu.vector_load %arg15[%get3A_188, %get3A_189] {strides = array<i32>} : memref<32x256xf32, #tpu.memory_space<vmem>>, vector<16xf32>,
          %mul3A_191 = arith.mulf %get3A_190, %broadcast_in_dim3A_177 : vector<16xf32>
          %swap3A_192 = arith.index_cast %reduce_max3A_169 : i32 to index
          %swap3A_193 = arith.constant 16 : index
          %swap3A_194 = tpu.vector_load %arg7[%swap3A_192, %swap3A_193] {strides = array<i32>} : memref<328x256xf32, #tpu.memory_space<vmem>>, vector<16xf32>,
          tpu.vector_store %arg7[%swap3A_192, %swap3A_193], %mul3A_191 {add = true, strides = array<i32>} : memref<328x256xf32, #tpu.memory_space<vmem>>, vector<16xf32>,
          %add3A_195 = arith.constant 0 : i32
          %add3A_196 = arith.addi %scan3A_157, %add3A_195 : i32
          %get3A_197 = arith.index_cast %add3A_196 : i32 to index
          %get3A_198 = arith.constant 32 : index
          %get3A_199 = tpu.vector_load %arg15[%get3A_197, %get3A_198] {strides = array<i32>} : memref<32x256xf32, #tpu.memory_space<vmem>>, vector<16xf32>,
          %mul3A_200 = arith.mulf %get3A_199, %broadcast_in_dim3A_177 : vector<16xf32>
          %swap3A_201 = arith.index_cast %reduce_max3A_169 : i32 to index
          %swap3A_202 = arith.constant 32 : index
          %swap3A_203 = tpu.vector_load %arg7[%swap3A_201, %swap3A_202] {strides = array<i32>} : memref<328x256xf32, #tpu.memory_space<vmem>>, vector<16xf32>,
          tpu.vector_store %arg7[%swap3A_201, %swap3A_202], %mul3A_200 {add = true, strides = array<i32>} : memref<328x256xf32, #tpu.memory_space<vmem>>, vector<16xf32>,
          %add3A_204 = arith.constant 0 : i32
          %add3A_205 = arith.addi %scan3A_157, %add3A_204 : i32
          %get3A_206 = arith.index_cast %add3A_205 : i32 to index
          %get3A_207 = arith.constant 48 : index
          %get3A_208 = tpu.vector_load %arg15[%get3A_206, %get3A_207] {strides = array<i32>} : memref<32x256xf32, #tpu.memory_space<vmem>>, vector<16xf32>,
          %mul3A_209 = arith.mulf %get3A_208, %broadcast_in_dim3A_177 : vector<16xf32>
          %swap3A_210 = arith.index_cast %reduce_max3A_169 : i32 to index
          %swap3A_211 = arith.constant 48 : index
          %swap3A_212 = tpu.vector_load %arg7[%swap3A_210, %swap3A_211] {strides = array<i32>} : memref<328x256xf32, #tpu.memory_space<vmem>>, vector<16xf32>,
          tpu.vector_store %arg7[%swap3A_210, %swap3A_211], %mul3A_209 {add = true, strides = array<i32>} : memref<328x256xf32, #tpu.memory_space<vmem>>, vector<16xf32>,
          %add3A_213 = arith.constant 0 : i32
          %add3A_214 = arith.addi %scan3A_157, %add3A_213 : i32
          %get3A_215 = arith.index_cast %add3A_214 : i32 to index
          %get3A_216 = arith.constant 64 : index
          %get3A_217 = tpu.vector_load %arg15[%get3A_215, %get3A_216] {strides = array<i32>} : memref<32x256xf32, #tpu.memory_space<vmem>>, vector<16xf32>,
          %mul3A_218 = arith.mulf %get3A_217, %broadcast_in_dim3A_177 : vector<16xf32>
          %swap3A_219 = arith.index_cast %reduce_max3A_169 : i32 to index
          %swap3A_220 = arith.constant 64 : index
          %swap3A_221 = tpu.vector_load %arg7[%swap3A_219, %swap3A_220] {strides = array<i32>} : memref<328x256xf32, #tpu.memory_space<vmem>>, vector<16xf32>,
          tpu.vector_store %arg7[%swap3A_219, %swap3A_220], %mul3A_218 {add = true, strides = array<i32>} : memref<328x256xf32, #tpu.memory_space<vmem>>, vector<16xf32>,
          %add3A_222 = arith.constant 0 : i32
          %add3A_223 = arith.addi %scan3A_157, %add3A_222 : i32
          %get3A_224 = arith.index_cast %add3A_223 : i32 to index
          %get3A_225 = arith.constant 80 : index
          %get3A_226 = tpu.vector_load %arg15[%get3A_224, %get3A_225] {strides = array<i32>} : memref<32x256xf32, #tpu.memory_space<vmem>>, vector<16xf32>,
          %mul3A_227 = arith.mulf %get3A_226, %broadcast_in_dim3A_177 : vector<16xf32>
          %swap3A_228 = arith.index_cast %reduce_max3A_169 : i32 to index
          %swap3A_229 = arith.constant 80 : index
          %swap3A_230 = tpu.vector_load %arg7[%swap3A_228, %swap3A_229] {strides = array<i32>} : memref<328x256xf32, #tpu.memory_space<vmem>>, vector<16xf32>,
          tpu.vector_store %arg7[%swap3A_228, %swap3A_229], %mul3A_227 {add = true, strides = array<i32>} : memref<328x256xf32, #tpu.memory_space<vmem>>, vector<16xf32>,
          %add3A_231 = arith.constant 0 : i32
          %add3A_232 = arith.addi %scan3A_157, %add3A_231 : i32
          %get3A_233 = arith.index_cast %add3A_232 : i32 to index
          %get3A_234 = arith.constant 96 : index
          %get3A_235 = tpu.vector_load %arg15[%get3A_233, %get3A_234] {strides = array<i32>} : memref<32x256xf32, #tpu.memory_space<vmem>>, vector<16xf32>,
          %mul3A_236 = arith.mulf %get3A_235, %broadcast_in_dim3A_177 : vector<16xf32>
          %swap3A_237 = arith.index_cast %reduce_max3A_169 : i32 to index
          %swap3A_238 = arith.constant 96 : index
          %swap3A_239 = tpu.vector_load %arg7[%swap3A_237, %swap3A_238] {strides = array<i32>} : memref<328x256xf32, #tpu.memory_space<vmem>>, vector<16xf32>,
          tpu.vector_store %arg7[%swap3A_237, %swap3A_238], %mul3A_236 {add = true, strides = array<i32>} : memref<328x256xf32, #tpu.memory_space<vmem>>, vector<16xf32>,
          %add3A_240 = arith.constant 0 : i32
          %add3A_241 = arith.addi %scan3A_157, %add3A_240 : i32
          %get3A_242 = arith.index_cast %add3A_241 : i32 to index
          %get3A_243 = arith.constant 112 : index
          %get3A_244 = tpu.vector_load %arg15[%get3A_242, %get3A_243] {strides = array<i32>} : memref<32x256xf32, #tpu.memory_space<vmem>>, vector<16xf32>,
          %mul3A_245 = arith.mulf %get3A_244, %broadcast_in_dim3A_177 : vector<16xf32>
          %swap3A_246 = arith.index_cast %reduce_max3A_169 : i32 to index
          %swap3A_247 = arith.constant 112 : index
          %swap3A_248 = tpu.vector_load %arg7[%swap3A_246, %swap3A_247] {strides = array<i32>} : memref<328x256xf32, #tpu.memory_space<vmem>>, vector<16xf32>,
          tpu.vector_store %arg7[%swap3A_246, %swap3A_247], %mul3A_245 {add = true, strides = array<i32>} : memref<328x256xf32, #tpu.memory_space<vmem>>, vector<16xf32>,
          %add3A_249 = arith.constant 0 : i32
          %add3A_250 = arith.addi %scan3A_157, %add3A_249 : i32
          %get3A_251 = arith.index_cast %add3A_250 : i32 to index
          %get3A_252 = arith.constant 128 : index
          %get3A_253 = tpu.vector_load %arg15[%get3A_251, %get3A_252] {strides = array<i32>} : memref<32x256xf32, #tpu.memory_space<vmem>>, vector<16xf32>,
          %mul3A_254 = arith.mulf %get3A_253, %broadcast_in_dim3A_177 : vector<16xf32>
          %swap3A_255 = arith.index_cast %reduce_max3A_169 : i32 to index
          %swap3A_256 = arith.constant 128 : index
          %swap3A_257 = tpu.vector_load %arg7[%swap3A_255, %swap3A_256] {strides = array<i32>} : memref<328x256xf32, #tpu.memory_space<vmem>>, vector<16xf32>,
          tpu.vector_store %arg7[%swap3A_255, %swap3A_256], %mul3A_254 {add = true, strides = array<i32>} : memref<328x256xf32, #tpu.memory_space<vmem>>, vector<16xf32>,
          %add3A_258 = arith.constant 0 : i32
          %add3A_259 = arith.addi %scan3A_157, %add3A_258 : i32
          %get3A_260 = arith.index_cast %add3A_259 : i32 to index
          %get3A_261 = arith.constant 144 : index
          %get3A_262 = tpu.vector_load %arg15[%get3A_260, %get3A_261] {strides = array<i32>} : memref<32x256xf32, #tpu.memory_space<vmem>>, vector<16xf32>,
          %mul3A_263 = arith.mulf %get3A_262, %broadcast_in_dim3A_177 : vector<16xf32>
          %swap3A_264 = arith.index_cast %reduce_max3A_169 : i32 to index
          %swap3A_265 = arith.constant 144 : index
          %swap3A_266 = tpu.vector_load %arg7[%swap3A_264, %swap3A_265] {strides = array<i32>} : memref<328x256xf32, #tpu.memory_space<vmem>>, vector<16xf32>,
          tpu.vector_store %arg7[%swap3A_264, %swap3A_265], %mul3A_263 {add = true, strides = array<i32>} : memref<328x256xf32, #tpu.memory_space<vmem>>, vector<16xf32>,
          %add3A_267 = arith.constant 0 : i32
          %add3A_268 = arith.addi %scan3A_157, %add3A_267 : i32
          %get3A_269 = arith.index_cast %add3A_268 : i32 to index
          %get3A_270 = arith.constant 160 : index
          %get3A_271 = tpu.vector_load %arg15[%get3A_269, %get3A_270] {strides = array<i32>} : memref<32x256xf32, #tpu.memory_space<vmem>>, vector<16xf32>,
          %mul3A_272 = arith.mulf %get3A_271, %broadcast_in_dim3A_177 : vector<16xf32>
          %swap3A_273 = arith.index_cast %reduce_max3A_169 : i32 to index
          %swap3A_274 = arith.constant 160 : index
          %swap3A_275 = tpu.vector_load %arg7[%swap3A_273, %swap3A_274] {strides = array<i32>} : memref<328x256xf32, #tpu.memory_space<vmem>>, vector<16xf32>,
          tpu.vector_store %arg7[%swap3A_273, %swap3A_274], %mul3A_272 {add = true, strides = array<i32>} : memref<328x256xf32, #tpu.memory_space<vmem>>, vector<16xf32>,
          %add3A_276 = arith.constant 0 : i32
          %add3A_277 = arith.addi %scan3A_157, %add3A_276 : i32
          %get3A_278 = arith.index_cast %add3A_277 : i32 to index
          %get3A_279 = arith.constant 176 : index
          %get3A_280 = tpu.vector_load %arg15[%get3A_278, %get3A_279] {strides = array<i32>} : memref<32x256xf32, #tpu.memory_space<vmem>>, vector<16xf32>,
          %mul3A_281 = arith.mulf %get3A_280, %broadcast_in_dim3A_177 : vector<16xf32>
          %swap3A_282 = arith.index_cast %reduce_max3A_169 : i32 to index
          %swap3A_283 = arith.constant 176 : index
          %swap3A_284 = tpu.vector_load %arg7[%swap3A_282, %swap3A_283] {strides = array<i32>} : memref<328x256xf32, #tpu.memory_space<vmem>>, vector<16xf32>,
          tpu.vector_store %arg7[%swap3A_282, %swap3A_283], %mul3A_281 {add = true, strides = array<i32>} : memref<328x256xf32, #tpu.memory_space<vmem>>, vector<16xf32>,
          %add3A_285 = arith.constant 0 : i32
          %add3A_286 = arith.addi %scan3A_157, %add3A_285 : i32
          %get3A_287 = arith.index_cast %add3A_286 : i32 to index
          %get3A_288 = arith.constant 192 : index
          %get3A_289 = tpu.vector_load %arg15[%get3A_287, %get3A_288] {strides = array<i32>} : memref<32x256xf32, #tpu.memory_space<vmem>>, vector<16xf32>,
          %mul3A_290 = arith.mulf %get3A_289, %broadcast_in_dim3A_177 : vector<16xf32>
          %swap3A_291 = arith.index_cast %reduce_max3A_169 : i32 to index
          %swap3A_292 = arith.constant 192 : index
          %swap3A_293 = tpu.vector_load %arg7[%swap3A_291, %swap3A_292] {strides = array<i32>} : memref<328x256xf32, #tpu.memory_space<vmem>>, vector<16xf32>,
          tpu.vector_store %arg7[%swap3A_291, %swap3A_292], %mul3A_290 {add = true, strides = array<i32>} : memref<328x256xf32, #tpu.memory_space<vmem>>, vector<16xf32>,
          %add3A_294 = arith.constant 0 : i32
          %add3A_295 = arith.addi %scan3A_157, %add3A_294 : i32
          %get3A_296 = arith.index_cast %add3A_295 : i32 to index
          %get3A_297 = arith.constant 208 : index
          %get3A_298 = tpu.vector_load %arg15[%get3A_296, %get3A_297] {strides = array<i32>} : memref<32x256xf32, #tpu.memory_space<vmem>>, vector<16xf32>,
          %mul3A_299 = arith.mulf %get3A_298, %broadcast_in_dim3A_177 : vector<16xf32>
          %swap3A_300 = arith.index_cast %reduce_max3A_169 : i32 to index
          %swap3A_301 = arith.constant 208 : index
          %swap3A_302 = tpu.vector_load %arg7[%swap3A_300, %swap3A_301] {strides = array<i32>} : memref<328x256xf32, #tpu.memory_space<vmem>>, vector<16xf32>,
          tpu.vector_store %arg7[%swap3A_300, %swap3A_301], %mul3A_299 {add = true, strides = array<i32>} : memref<328x256xf32, #tpu.memory_space<vmem>>, vector<16xf32>,
          %add3A_303 = arith.constant 0 : i32
          %add3A_304 = arith.addi %scan3A_157, %add3A_303 : i32
          %get3A_305 = arith.index_cast %add3A_304 : i32 to index
          %get3A_306 = arith.constant 224 : index
          %get3A_307 = tpu.vector_load %arg15[%get3A_305, %get3A_306] {strides = array<i32>} : memref<32x256xf32, #tpu.memory_space<vmem>>, vector<16xf32>,
          %mul3A_308 = arith.mulf %get3A_307, %broadcast_in_dim3A_177 : vector<16xf32>
          %swap3A_309 = arith.index_cast %reduce_max3A_169 : i32 to index
          %swap3A_310 = arith.constant 224 : index
          %swap3A_311 = tpu.vector_load %arg7[%swap3A_309, %swap3A_310] {strides = array<i32>} : memref<328x256xf32, #tpu.memory_space<vmem>>, vector<16xf32>,
          tpu.vector_store %arg7[%swap3A_309, %swap3A_310], %mul3A_308 {add = true, strides = array<i32>} : memref<328x256xf32, #tpu.memory_space<vmem>>, vector<16xf32>,
          %add3A_312 = arith.constant 0 : i32
          %add3A_313 = arith.addi %scan3A_157, %add3A_312 : i32
          %get3A_314 = arith.index_cast %add3A_313 : i32 to index
          %get3A_315 = arith.constant 240 : index
          %get3A_316 = tpu.vector_load %arg15[%get3A_314, %get3A_315] {strides = array<i32>} : memref<32x256xf32, #tpu.memory_space<vmem>>, vector<16xf32>,
          %mul3A_317 = arith.mulf %get3A_316, %broadcast_in_dim3A_177 : vector<16xf32>
          %swap3A_318 = arith.index_cast %reduce_max3A_169 : i32 to index
          %swap3A_319 = arith.constant 240 : index
          %swap3A_320 = tpu.vector_load %arg7[%swap3A_318, %swap3A_319] {strides = array<i32>} : memref<328x256xf32, #tpu.memory_space<vmem>>, vector<16xf32>,
          tpu.vector_store %arg7[%swap3A_318, %swap3A_319], %mul3A_317 {add = true, strides = array<i32>} : memref<328x256xf32, #tpu.memory_space<vmem>>, vector<16xf32>,
          %scan3A_321 = arith.constant 0 : i32
          scf.yield %scan3A_321 : i32
        }
        %scan3A_138 = arith.constant 16 : i32
        %mul3A_139 = arith.constant 2 : i32
        %mul3A_140 = arith.muli %while3A_99, %mul3A_139 : i32
        %mul3A_141 = arith.constant 16 : i32
        %mul3A_142 = arith.muli %mul3A_140, %mul3A_141 : i32
        %add3A_143 = arith.constant 16 : i32
        %add3A_144 = arith.addi %mul3A_142, %add3A_143 : i32
        %add3A_145 = vector.broadcast %add3A_144 : i32 to vector<16xi32>
        %add3A_146 = arith.addi %add3A_145, %iota3A : vector<16xi32>
        %gather3A_147 = tpu.vector_load_idx %arg12[%add3A_146] : memref<2592xi32, #tpu.memory_space<vmem>>[vector<16xi32>], vector<16xi32>,
        %gather3A_148 = tpu.vector_load_idx %arg13[%add3A_146] : memref<2592xf32, #tpu.memory_space<vmem>>[vector<16xi32>], vector<16xf32>,
        %scan3A_149 = arith.constant 0 : i32
        %scan3A_150 = arith.constant 0 : i32
        %scan3A_151 = arith.constant 16 : i32
        %scan3A_152 = arith.addi %scan3A_150, %scan3A_151 : i32
        %scan3A_153 = arith.constant 1 : i32
        %scan3A_154 = scf.for %scan3A_157 = %scan3A_150 to %scan3A_152 step %scan3A_153 iter_args(%scan3A_158 = %scan3A_149) -> (i32)  : i32 {
          %eq3A = vector.broadcast %scan3A_157 : i32 to vector<16xi32>
          %eq3A_159 = arith.cmpi eq, %iota3A, %eq3A : vector<16xi32>
          %jit3A_160 = arith.constant 0 : i32
          %broadcast_in_dim3A_161 = vector.broadcast %jit3A_160 : i32 to vector<16xi32>
          %select_n3A_162 = arith.select %eq3A_159, %gather3A_147, %broadcast_in_dim3A_161 : vector<16xi1>, vector<16xi32>
          %reduce_max3A = arith.constant true
          %reduce_max3A_163 = vector.broadcast %reduce_max3A : i1 to vector<16xi1>
          %reduce_max3A_164 = arith.constant -2147483648 : i32
          %reduce_max3A_165 = vector.broadcast %reduce_max3A_164 : i32 to vector<16xi32>
          %reduce_max3A_166 = arith.xori %select_n3A_162, %reduce_max3A_165 : vector<16xi32>
          %reduce_max3A_167 = tpu.scan <max>, %reduce_max3A_166 masked %reduce_max3A_163 : vector<16xi32>, vector<16xi1> -> vector<16xi32>
          %reduce_max3A_168 = arith.xori %reduce_max3A_167, %reduce_max3A_165 : vector<16xi32>
          %reduce_max3A_169 = vector.extract %reduce_max3A_168[15] : i32 from vector<16xi32>
          %jit3A_170 = arith.constant 0.000000e+00 : f32
          %broadcast_in_dim3A_171 = vector.broadcast %jit3A_170 : f32 to vector<16xf32>
          %select_n3A_172 = arith.select %eq3A_159, %gather3A_148, %broadcast_in_dim3A_171 : vector<16xi1>, vector<16xf32>
          %reduce_max3A_173 = arith.constant true
          %reduce_max3A_174 = vector.broadcast %reduce_max3A_173 : i1 to vector<16xi1>
          %reduce_max3A_175 = tpu.scan <max>, %select_n3A_172 masked %reduce_max3A_174 : vector<16xf32>, vector<16xi1> -> vector<16xf32>
          %reduce_max3A_176 = vector.extract %reduce_max3A_175[15] : f32 from vector<16xf32>
          %broadcast_in_dim3A_177 = vector.broadcast %reduce_max3A_176 : f32 to vector<16xf32>
          %add3A_178 = arith.constant 16 : i32
          %add3A_179 = arith.addi %scan3A_157, %add3A_178 : i32
          %get3A = arith.index_cast %add3A_179 : i32 to index
          %get3A_180 = arith.constant 0 : index
          %get3A_181 = tpu.vector_load %arg15[%get3A, %get3A_180] {strides = array<i32>} : memref<32x256xf32, #tpu.memory_space<vmem>>, vector<16xf32>,
          %mul3A_182 = arith.mulf %get3A_181, %broadcast_in_dim3A_177 : vector<16xf32>
          %swap3A_183 = arith.index_cast %reduce_max3A_169 : i32 to index
          %swap3A_184 = arith.constant 0 : index
          %swap3A_185 = tpu.vector_load %arg7[%swap3A_183, %swap3A_184] {strides = array<i32>} : memref<328x256xf32, #tpu.memory_space<vmem>>, vector<16xf32>,
          tpu.vector_store %arg7[%swap3A_183, %swap3A_184], %mul3A_182 {add = true, strides = array<i32>} : memref<328x256xf32, #tpu.memory_space<vmem>>, vector<16xf32>,
          %add3A_186 = arith.constant 16 : i32
          %add3A_187 = arith.addi %scan3A_157, %add3A_186 : i32
          %get3A_188 = arith.index_cast %add3A_187 : i32 to index
          %get3A_189 = arith.constant 16 : index
          %get3A_190 = tpu.vector_load %arg15[%get3A_188, %get3A_189] {strides = array<i32>} : memref<32x256xf32, #tpu.memory_space<vmem>>, vector<16xf32>,
          %mul3A_191 = arith.mulf %get3A_190, %broadcast_in_dim3A_177 : vector<16xf32>
          %swap3A_192 = arith.index_cast %reduce_max3A_169 : i32 to index
          %swap3A_193 = arith.constant 16 : index
          %swap3A_194 = tpu.vector_load %arg7[%swap3A_192, %swap3A_193] {strides = array<i32>} : memref<328x256xf32, #tpu.memory_space<vmem>>, vector<16xf32>,
          tpu.vector_store %arg7[%swap3A_192, %swap3A_193], %mul3A_191 {add = true, strides = array<i32>} : memref<328x256xf32, #tpu.memory_space<vmem>>, vector<16xf32>,
          %add3A_195 = arith.constant 16 : i32
          %add3A_196 = arith.addi %scan3A_157, %add3A_195 : i32
          %get3A_197 = arith.index_cast %add3A_196 : i32 to index
          %get3A_198 = arith.constant 32 : index
          %get3A_199 = tpu.vector_load %arg15[%get3A_197, %get3A_198] {strides = array<i32>} : memref<32x256xf32, #tpu.memory_space<vmem>>, vector<16xf32>,
          %mul3A_200 = arith.mulf %get3A_199, %broadcast_in_dim3A_177 : vector<16xf32>
          %swap3A_201 = arith.index_cast %reduce_max3A_169 : i32 to index
          %swap3A_202 = arith.constant 32 : index
          %swap3A_203 = tpu.vector_load %arg7[%swap3A_201, %swap3A_202] {strides = array<i32>} : memref<328x256xf32, #tpu.memory_space<vmem>>, vector<16xf32>,
          tpu.vector_store %arg7[%swap3A_201, %swap3A_202], %mul3A_200 {add = true, strides = array<i32>} : memref<328x256xf32, #tpu.memory_space<vmem>>, vector<16xf32>,
          %add3A_204 = arith.constant 16 : i32
          %add3A_205 = arith.addi %scan3A_157, %add3A_204 : i32
          %get3A_206 = arith.index_cast %add3A_205 : i32 to index
          %get3A_207 = arith.constant 48 : index
          %get3A_208 = tpu.vector_load %arg15[%get3A_206, %get3A_207] {strides = array<i32>} : memref<32x256xf32, #tpu.memory_space<vmem>>, vector<16xf32>,
          %mul3A_209 = arith.mulf %get3A_208, %broadcast_in_dim3A_177 : vector<16xf32>
          %swap3A_210 = arith.index_cast %reduce_max3A_169 : i32 to index
          %swap3A_211 = arith.constant 48 : index
          %swap3A_212 = tpu.vector_load %arg7[%swap3A_210, %swap3A_211] {strides = array<i32>} : memref<328x256xf32, #tpu.memory_space<vmem>>, vector<16xf32>,
          tpu.vector_store %arg7[%swap3A_210, %swap3A_211], %mul3A_209 {add = true, strides = array<i32>} : memref<328x256xf32, #tpu.memory_space<vmem>>, vector<16xf32>,
          %add3A_213 = arith.constant 16 : i32
          %add3A_214 = arith.addi %scan3A_157, %add3A_213 : i32
          %get3A_215 = arith.index_cast %add3A_214 : i32 to index
          %get3A_216 = arith.constant 64 : index
          %get3A_217 = tpu.vector_load %arg15[%get3A_215, %get3A_216] {strides = array<i32>} : memref<32x256xf32, #tpu.memory_space<vmem>>, vector<16xf32>,
          %mul3A_218 = arith.mulf %get3A_217, %broadcast_in_dim3A_177 : vector<16xf32>
          %swap3A_219 = arith.index_cast %reduce_max3A_169 : i32 to index
          %swap3A_220 = arith.constant 64 : index
          %swap3A_221 = tpu.vector_load %arg7[%swap3A_219, %swap3A_220] {strides = array<i32>} : memref<328x256xf32, #tpu.memory_space<vmem>>, vector<16xf32>,
          tpu.vector_store %arg7[%swap3A_219, %swap3A_220], %mul3A_218 {add = true, strides = array<i32>} : memref<328x256xf32, #tpu.memory_space<vmem>>, vector<16xf32>,
          %add3A_222 = arith.constant 16 : i32
          %add3A_223 = arith.addi %scan3A_157, %add3A_222 : i32
          %get3A_224 = arith.index_cast %add3A_223 : i32 to index
          %get3A_225 = arith.constant 80 : index
          %get3A_226 = tpu.vector_load %arg15[%get3A_224, %get3A_225] {strides = array<i32>} : memref<32x256xf32, #tpu.memory_space<vmem>>, vector<16xf32>,
          %mul3A_227 = arith.mulf %get3A_226, %broadcast_in_dim3A_177 : vector<16xf32>
          %swap3A_228 = arith.index_cast %reduce_max3A_169 : i32 to index
          %swap3A_229 = arith.constant 80 : index
          %swap3A_230 = tpu.vector_load %arg7[%swap3A_228, %swap3A_229] {strides = array<i32>} : memref<328x256xf32, #tpu.memory_space<vmem>>, vector<16xf32>,
          tpu.vector_store %arg7[%swap3A_228, %swap3A_229], %mul3A_227 {add = true, strides = array<i32>} : memref<328x256xf32, #tpu.memory_space<vmem>>, vector<16xf32>,
          %add3A_231 = arith.constant 16 : i32
          %add3A_232 = arith.addi %scan3A_157, %add3A_231 : i32
          %get3A_233 = arith.index_cast %add3A_232 : i32 to index
          %get3A_234 = arith.constant 96 : index
          %get3A_235 = tpu.vector_load %arg15[%get3A_233, %get3A_234] {strides = array<i32>} : memref<32x256xf32, #tpu.memory_space<vmem>>, vector<16xf32>,
          %mul3A_236 = arith.mulf %get3A_235, %broadcast_in_dim3A_177 : vector<16xf32>
          %swap3A_237 = arith.index_cast %reduce_max3A_169 : i32 to index
          %swap3A_238 = arith.constant 96 : index
          %swap3A_239 = tpu.vector_load %arg7[%swap3A_237, %swap3A_238] {strides = array<i32>} : memref<328x256xf32, #tpu.memory_space<vmem>>, vector<16xf32>,
          tpu.vector_store %arg7[%swap3A_237, %swap3A_238], %mul3A_236 {add = true, strides = array<i32>} : memref<328x256xf32, #tpu.memory_space<vmem>>, vector<16xf32>,
          %add3A_240 = arith.constant 16 : i32
          %add3A_241 = arith.addi %scan3A_157, %add3A_240 : i32
          %get3A_242 = arith.index_cast %add3A_241 : i32 to index
          %get3A_243 = arith.constant 112 : index
          %get3A_244 = tpu.vector_load %arg15[%get3A_242, %get3A_243] {strides = array<i32>} : memref<32x256xf32, #tpu.memory_space<vmem>>, vector<16xf32>,
          %mul3A_245 = arith.mulf %get3A_244, %broadcast_in_dim3A_177 : vector<16xf32>
          %swap3A_246 = arith.index_cast %reduce_max3A_169 : i32 to index
          %swap3A_247 = arith.constant 112 : index
          %swap3A_248 = tpu.vector_load %arg7[%swap3A_246, %swap3A_247] {strides = array<i32>} : memref<328x256xf32, #tpu.memory_space<vmem>>, vector<16xf32>,
          tpu.vector_store %arg7[%swap3A_246, %swap3A_247], %mul3A_245 {add = true, strides = array<i32>} : memref<328x256xf32, #tpu.memory_space<vmem>>, vector<16xf32>,
          %add3A_249 = arith.constant 16 : i32
          %add3A_250 = arith.addi %scan3A_157, %add3A_249 : i32
          %get3A_251 = arith.index_cast %add3A_250 : i32 to index
          %get3A_252 = arith.constant 128 : index
          %get3A_253 = tpu.vector_load %arg15[%get3A_251, %get3A_252] {strides = array<i32>} : memref<32x256xf32, #tpu.memory_space<vmem>>, vector<16xf32>,
          %mul3A_254 = arith.mulf %get3A_253, %broadcast_in_dim3A_177 : vector<16xf32>
          %swap3A_255 = arith.index_cast %reduce_max3A_169 : i32 to index
          %swap3A_256 = arith.constant 128 : index
          %swap3A_257 = tpu.vector_load %arg7[%swap3A_255, %swap3A_256] {strides = array<i32>} : memref<328x256xf32, #tpu.memory_space<vmem>>, vector<16xf32>,
          tpu.vector_store %arg7[%swap3A_255, %swap3A_256], %mul3A_254 {add = true, strides = array<i32>} : memref<328x256xf32, #tpu.memory_space<vmem>>, vector<16xf32>,
          %add3A_258 = arith.constant 16 : i32
          %add3A_259 = arith.addi %scan3A_157, %add3A_258 : i32
          %get3A_260 = arith.index_cast %add3A_259 : i32 to index
          %get3A_261 = arith.constant 144 : index
          %get3A_262 = tpu.vector_load %arg15[%get3A_260, %get3A_261] {strides = array<i32>} : memref<32x256xf32, #tpu.memory_space<vmem>>, vector<16xf32>,
          %mul3A_263 = arith.mulf %get3A_262, %broadcast_in_dim3A_177 : vector<16xf32>
          %swap3A_264 = arith.index_cast %reduce_max3A_169 : i32 to index
          %swap3A_265 = arith.constant 144 : index
          %swap3A_266 = tpu.vector_load %arg7[%swap3A_264, %swap3A_265] {strides = array<i32>} : memref<328x256xf32, #tpu.memory_space<vmem>>, vector<16xf32>,
          tpu.vector_store %arg7[%swap3A_264, %swap3A_265], %mul3A_263 {add = true, strides = array<i32>} : memref<328x256xf32, #tpu.memory_space<vmem>>, vector<16xf32>,
          %add3A_267 = arith.constant 16 : i32
          %add3A_268 = arith.addi %scan3A_157, %add3A_267 : i32
          %get3A_269 = arith.index_cast %add3A_268 : i32 to index
          %get3A_270 = arith.constant 160 : index
          %get3A_271 = tpu.vector_load %arg15[%get3A_269, %get3A_270] {strides = array<i32>} : memref<32x256xf32, #tpu.memory_space<vmem>>, vector<16xf32>,
          %mul3A_272 = arith.mulf %get3A_271, %broadcast_in_dim3A_177 : vector<16xf32>
          %swap3A_273 = arith.index_cast %reduce_max3A_169 : i32 to index
          %swap3A_274 = arith.constant 160 : index
          %swap3A_275 = tpu.vector_load %arg7[%swap3A_273, %swap3A_274] {strides = array<i32>} : memref<328x256xf32, #tpu.memory_space<vmem>>, vector<16xf32>,
          tpu.vector_store %arg7[%swap3A_273, %swap3A_274], %mul3A_272 {add = true, strides = array<i32>} : memref<328x256xf32, #tpu.memory_space<vmem>>, vector<16xf32>,
          %add3A_276 = arith.constant 16 : i32
          %add3A_277 = arith.addi %scan3A_157, %add3A_276 : i32
          %get3A_278 = arith.index_cast %add3A_277 : i32 to index
          %get3A_279 = arith.constant 176 : index
          %get3A_280 = tpu.vector_load %arg15[%get3A_278, %get3A_279] {strides = array<i32>} : memref<32x256xf32, #tpu.memory_space<vmem>>, vector<16xf32>,
          %mul3A_281 = arith.mulf %get3A_280, %broadcast_in_dim3A_177 : vector<16xf32>
          %swap3A_282 = arith.index_cast %reduce_max3A_169 : i32 to index
          %swap3A_283 = arith.constant 176 : index
          %swap3A_284 = tpu.vector_load %arg7[%swap3A_282, %swap3A_283] {strides = array<i32>} : memref<328x256xf32, #tpu.memory_space<vmem>>, vector<16xf32>,
          tpu.vector_store %arg7[%swap3A_282, %swap3A_283], %mul3A_281 {add = true, strides = array<i32>} : memref<328x256xf32, #tpu.memory_space<vmem>>, vector<16xf32>,
          %add3A_285 = arith.constant 16 : i32
          %add3A_286 = arith.addi %scan3A_157, %add3A_285 : i32
          %get3A_287 = arith.index_cast %add3A_286 : i32 to index
          %get3A_288 = arith.constant 192 : index
          %get3A_289 = tpu.vector_load %arg15[%get3A_287, %get3A_288] {strides = array<i32>} : memref<32x256xf32, #tpu.memory_space<vmem>>, vector<16xf32>,
          %mul3A_290 = arith.mulf %get3A_289, %broadcast_in_dim3A_177 : vector<16xf32>
          %swap3A_291 = arith.index_cast %reduce_max3A_169 : i32 to index
          %swap3A_292 = arith.constant 192 : index
          %swap3A_293 = tpu.vector_load %arg7[%swap3A_291, %swap3A_292] {strides = array<i32>} : memref<328x256xf32, #tpu.memory_space<vmem>>, vector<16xf32>,
          tpu.vector_store %arg7[%swap3A_291, %swap3A_292], %mul3A_290 {add = true, strides = array<i32>} : memref<328x256xf32, #tpu.memory_space<vmem>>, vector<16xf32>,
          %add3A_294 = arith.constant 16 : i32
          %add3A_295 = arith.addi %scan3A_157, %add3A_294 : i32
          %get3A_296 = arith.index_cast %add3A_295 : i32 to index
          %get3A_297 = arith.constant 208 : index
          %get3A_298 = tpu.vector_load %arg15[%get3A_296, %get3A_297] {strides = array<i32>} : memref<32x256xf32, #tpu.memory_space<vmem>>, vector<16xf32>,
          %mul3A_299 = arith.mulf %get3A_298, %broadcast_in_dim3A_177 : vector<16xf32>
          %swap3A_300 = arith.index_cast %reduce_max3A_169 : i32 to index
          %swap3A_301 = arith.constant 208 : index
          %swap3A_302 = tpu.vector_load %arg7[%swap3A_300, %swap3A_301] {strides = array<i32>} : memref<328x256xf32, #tpu.memory_space<vmem>>, vector<16xf32>,
          tpu.vector_store %arg7[%swap3A_300, %swap3A_301], %mul3A_299 {add = true, strides = array<i32>} : memref<328x256xf32, #tpu.memory_space<vmem>>, vector<16xf32>,
          %add3A_303 = arith.constant 16 : i32
          %add3A_304 = arith.addi %scan3A_157, %add3A_303 : i32
          %get3A_305 = arith.index_cast %add3A_304 : i32 to index
          %get3A_306 = arith.constant 224 : index
          %get3A_307 = tpu.vector_load %arg15[%get3A_305, %get3A_306] {strides = array<i32>} : memref<32x256xf32, #tpu.memory_space<vmem>>, vector<16xf32>,
          %mul3A_308 = arith.mulf %get3A_307, %broadcast_in_dim3A_177 : vector<16xf32>
          %swap3A_309 = arith.index_cast %reduce_max3A_169 : i32 to index
          %swap3A_310 = arith.constant 224 : index
          %swap3A_311 = tpu.vector_load %arg7[%swap3A_309, %swap3A_310] {strides = array<i32>} : memref<328x256xf32, #tpu.memory_space<vmem>>, vector<16xf32>,
          tpu.vector_store %arg7[%swap3A_309, %swap3A_310], %mul3A_308 {add = true, strides = array<i32>} : memref<328x256xf32, #tpu.memory_space<vmem>>, vector<16xf32>,
          %add3A_312 = arith.constant 16 : i32
          %add3A_313 = arith.addi %scan3A_157, %add3A_312 : i32
          %get3A_314 = arith.index_cast %add3A_313 : i32 to index
          %get3A_315 = arith.constant 240 : index
          %get3A_316 = tpu.vector_load %arg15[%get3A_314, %get3A_315] {strides = array<i32>} : memref<32x256xf32, #tpu.memory_space<vmem>>, vector<16xf32>,
          %mul3A_317 = arith.mulf %get3A_316, %broadcast_in_dim3A_177 : vector<16xf32>
          %swap3A_318 = arith.index_cast %reduce_max3A_169 : i32 to index
          %swap3A_319 = arith.constant 240 : index
          %swap3A_320 = tpu.vector_load %arg7[%swap3A_318, %swap3A_319] {strides = array<i32>} : memref<328x256xf32, #tpu.memory_space<vmem>>, vector<16xf32>,
          tpu.vector_store %arg7[%swap3A_318, %swap3A_319], %mul3A_317 {add = true, strides = array<i32>} : memref<328x256xf32, #tpu.memory_space<vmem>>, vector<16xf32>,
          %scan3A_321 = arith.constant 0 : i32
          scf.yield %scan3A_321 : i32
        }
        %scan3A_155 = arith.constant 16 : i32
        %while3A_156 = arith.constant 0 : i32
        scf.yield %while3A_156 : i32
      }
      %scan3A_98 = arith.constant 0 : i32
      scf.yield %scan3A_98 : i32
    }
    %scan3A_23 = arith.constant 64 : i32
    %mul3A_24 = arith.constant 32 : i32
    %mul3A_25 = arith.muli %scan3A_4, %mul3A_24 : i32
    %add3A_26 = arith.addi %mul3A_25, %add3A : i32
    %mul3A_27 = arith.constant 320 : i32
    %mul3A_28 = arith.muli %add3A_26, %mul3A_27 : i32
    %multiple_of3A = tpu.assume_multiple %mul3A_28, 8 : i32
    "tpu.region"() ({
      %run_scoped3A = tpu.sem_alloc : memref<!tpu.dma_semaphore, #tpu.memory_space<semaphore_mem>>
      %dma_start3A = arith.constant 0 : i32
      %dma_start3A_31 = arith.constant 0 : i32
      %dma_start3A_32 = tpu.memref_slice %arg7[%dma_start3A, %dma_start3A_31] : memref<328x256xf32, #tpu.memory_space<vmem>> -> memref<320x256xf32, #tpu.memory_space<vmem>>
      %dma_start3A_33 = arith.constant 0 : i32
      %dma_start3A_34 = tpu.memref_slice %arg6[%multiple_of3A, %dma_start3A_33] : memref<10240x256xf32, #tpu.memory_space<hbm>> -> memref<320x256xf32, #tpu.memory_space<hbm>>
      %dma_start3A_35 = arith.constant 0 : i32
      %dma_start3A_36 = tpu.memref_slice %arg6[%multiple_of3A, %dma_start3A_35] : memref<10240x256xf32, #tpu.memory_space<hbm>> -> memref<320x256xf32, #tpu.memory_space<hbm>>
      %dma_start3A_37 = arith.constant 0 : i32
      %dma_start3A_38 = arith.constant 0 : i32
      %dma_start3A_39 = tpu.memref_slice %arg7[%dma_start3A_37, %dma_start3A_38] : memref<328x256xf32, #tpu.memory_space<vmem>> -> memref<320x256xf32, #tpu.memory_space<vmem>>
      tpu.enqueue_dma source(%dma_start3A_39 : memref<320x256xf32, #tpu.memory_space<vmem>>) target(%dma_start3A_36 : memref<320x256xf32, #tpu.memory_space<hbm>>) target_semaphore(%run_scoped3A : memref<!tpu.dma_semaphore, #tpu.memory_space<semaphore_mem>>)
      %dma_wait3A = arith.constant 0 : i32
      %dma_wait3A_40 = arith.constant 0 : i32
      %dma_wait3A_41 = tpu.memref_slice %arg7[%dma_wait3A, %dma_wait3A_40] : memref<328x256xf32, #tpu.memory_space<vmem>> -> memref<320x256xf32, #tpu.memory_space<vmem>>
      %dma_wait3A_42 = arith.constant 0 : i32
      %dma_wait3A_43 = tpu.memref_slice %arg6[%multiple_of3A, %dma_wait3A_42] : memref<10240x256xf32, #tpu.memory_space<hbm>> -> memref<320x256xf32, #tpu.memory_space<hbm>>
      %dma_wait3A_44 = arith.constant 0 : i32
      %dma_wait3A_45 = tpu.memref_slice %arg6[%multiple_of3A, %dma_wait3A_44] : memref<10240x256xf32, #tpu.memory_space<hbm>> -> memref<320x256xf32, #tpu.memory_space<hbm>>
      %dma_wait3A_46 = arith.constant 0 : i32
      %dma_wait3A_47 = arith.constant 0 : i32
      %dma_wait3A_48 = tpu.memref_slice %arg7[%dma_wait3A_46, %dma_wait3A_47] : memref<328x256xf32, #tpu.memory_space<vmem>> -> memref<320x256xf32, #tpu.memory_space<vmem>>
      tpu.wait_dma2 semaphore(%run_scoped3A : memref<!tpu.dma_semaphore, #tpu.memory_space<semaphore_mem>>) src(%dma_wait3A_48 : memref<320x256xf32, #tpu.memory_space<vmem>>) dst(%dma_wait3A_45 : memref<320x256xf32, #tpu.memory_space<hbm>>)
      tpu.yield
    }) : () -> ()
    %scan3A_29 = arith.constant 0 : i32
    %scan3A_30 = arith.constant 1 : i32
    return
  }
}

module attributes {stable_mosaic.version = 14 : i64} {
  func.func @_tc1_body(%arg0: i32, %arg1: memref<400x256xf32, #tpu.memory_space<vmem>>, %arg2: memref<256x2048xf32, #tpu.memory_space<vmem>>, %arg3: memref<2048x16xf32, #tpu.memory_space<vmem>>, %arg4: memref<400x2048xf32, #tpu.memory_space<vmem>>, %arg5: memref<400x16xf32, #tpu.memory_space<vmem>>, %arg6: memref<1x16xf32, #tpu.memory_space<vmem>>) attributes {dimension_semantics = [#tpu.dimension_semantics<arbitrary>], iteration_bounds = array<i64: 25>, scalar_prefetch = 0 : i64, scratch_operands = 0 : i64, tpu.core_type = #tpu.core_type<tc>, window_params = [{transform_indices = @transform_0, window_bounds = array<i64: 400, 256>}, {pipeline_mode = #tpu.pipeline_mode<synchronous>, transform_indices = @transform_1, window_bounds = array<i64: 256, 2048>}, {pipeline_mode = #tpu.pipeline_mode<synchronous>, transform_indices = @transform_2, window_bounds = array<i64: 2048, 16>}, {transform_indices = @transform_3, window_bounds = array<i64: 400, 2048>}, {transform_indices = @transform_4, window_bounds = array<i64: 400, 16>}, {pipeline_mode = #tpu.pipeline_mode<synchronous>, transform_indices = @transform_5, window_bounds = array<i64: 1, 16>}]} {
    %get3A = arith.constant 0 : index
    %get3A_0 = arith.constant 0 : index
    %get3A_1 = vector.load %arg1[%get3A, %get3A_0] : memref<400x256xf32, #tpu.memory_space<vmem>>, vector<400x256xf32>
    %get3A_2 = arith.constant 0 : index
    %get3A_3 = arith.constant 0 : index
    %get3A_4 = vector.load %arg2[%get3A_2, %get3A_3] : memref<256x2048xf32, #tpu.memory_space<vmem>>, vector<256x2048xf32>
    %dot_general3A = arith.constant dense<0.000000e+00> : vector<400x2048xf32>
    %dot_general3A_5 = tpu.matmul %get3A_1, %get3A_4, %dot_general3A {dimension_numbers = #tpu.dot_dimension_numbers<[1], [0], [0], [1], [0, 0, 1, 1], [], []>, transpose_lhs_hint = false} : vector<400x256xf32>, vector<256x2048xf32>, vector<400x2048xf32> -> vector<400x2048xf32>
    %swap3A = arith.constant 0 : index
    %swap3A_6 = arith.constant 0 : index
    %swap3A_7 = vector.load %arg4[%swap3A, %swap3A_6] : memref<400x2048xf32, #tpu.memory_space<vmem>>, vector<400x2048xf32>
    tpu.vector_store %arg4[%swap3A, %swap3A_6], %dot_general3A_5 {strides = array<i32>} : memref<400x2048xf32, #tpu.memory_space<vmem>>, vector<400x2048xf32>,
    %get3A_8 = arith.constant 0 : index
    %get3A_9 = arith.constant 0 : index
    %get3A_10 = vector.load %arg3[%get3A_8, %get3A_9] : memref<2048x16xf32, #tpu.memory_space<vmem>>, vector<2048x16xf32>
    %dot_general3A_11 = arith.constant dense<0.000000e+00> : vector<400x16xf32>
    %dot_general3A_12 = tpu.matmul %dot_general3A_5, %get3A_10, %dot_general3A_11 {dimension_numbers = #tpu.dot_dimension_numbers<[1], [0], [0], [1], [0, 0, 1, 1], [], []>, transpose_lhs_hint = false} : vector<400x2048xf32>, vector<2048x16xf32>, vector<400x16xf32> -> vector<400x16xf32>
    %swap3A_13 = arith.constant 0 : index
    %swap3A_14 = arith.constant 0 : index
    %swap3A_15 = vector.load %arg5[%swap3A_13, %swap3A_14] : memref<400x16xf32, #tpu.memory_space<vmem>>, vector<400x16xf32>
    tpu.vector_store %arg5[%swap3A_13, %swap3A_14], %dot_general3A_12 {strides = array<i32>} : memref<400x16xf32, #tpu.memory_space<vmem>>, vector<400x16xf32>,
    %reduce_max3A = arith.constant dense<0xFF800000> : vector<16xf32>
    %reduce_max3A_16 = vector.multi_reduction <maximumf>, %dot_general3A_12, %reduce_max3A [0] : vector<400x16xf32> to vector<16xf32>
    %broadcast_in_dim3A = vector.shape_cast %reduce_max3A_16 : vector<16xf32> to vector<1x16xf32>
    %eq3A = arith.constant 0 : i32
    %eq3A_17 = arith.cmpi eq, %arg0, %eq3A : i32
    %convert_element_type3A = arith.extui %eq3A_17 : i1 to i32
    %cond3A = arith.constant 0 : i32
    %cond3A_18 = arith.cmpi ne, %convert_element_type3A, %cond3A : i32
    scf.if %cond3A_18 {
      %swap3A_23 = arith.constant 0 : index
      %swap3A_24 = arith.constant 0 : index
      %swap3A_25 = vector.load %arg6[%swap3A_23, %swap3A_24] : memref<1x16xf32, #tpu.memory_space<vmem>>, vector<1x16xf32>
      tpu.vector_store %arg6[%swap3A_23, %swap3A_24], %broadcast_in_dim3A {strides = array<i32>} : memref<1x16xf32, #tpu.memory_space<vmem>>, vector<1x16xf32>,
    } else {
    }
    %ne3A = arith.constant 0 : i32
    %ne3A_19 = arith.cmpi ne, %arg0, %ne3A : i32
    %convert_element_type3A_20 = arith.extui %ne3A_19 : i1 to i32
    %cond3A_21 = arith.constant 0 : i32
    %cond3A_22 = arith.cmpi ne, %convert_element_type3A_20, %cond3A_21 : i32
    scf.if %cond3A_22 {
      %get3A_23 = arith.constant 0 : index
      %get3A_24 = arith.constant 0 : index
      %get3A_25 = vector.load %arg6[%get3A_23, %get3A_24] : memref<1x16xf32, #tpu.memory_space<vmem>>, vector<1x16xf32>
      %max3A = arith.maximumf %get3A_25, %broadcast_in_dim3A : vector<1x16xf32>
      %swap3A_26 = arith.constant 0 : index
      %swap3A_27 = arith.constant 0 : index
      %swap3A_28 = vector.load %arg6[%swap3A_26, %swap3A_27] : memref<1x16xf32, #tpu.memory_space<vmem>>, vector<1x16xf32>
      tpu.vector_store %arg6[%swap3A_26, %swap3A_27], %max3A {strides = array<i32>} : memref<1x16xf32, #tpu.memory_space<vmem>>, vector<1x16xf32>,
    } else {
    }
    return
  }
  func.func @transform_0(%arg0: i32) -> (i32, i32) {
    %c0_i32 = arith.constant 0 : i32
    %c0_i32_0 = arith.constant 0 : i32
    return %arg0, %c0_i32 : i32, i32
  }
  func.func @transform_1(%arg0: i32) -> (i32, i32) {
    %c0_i32 = arith.constant 0 : i32
    %c0_i32_0 = arith.constant 0 : i32
    %c0_i32_1 = arith.constant 0 : i32
    return %c0_i32, %c0_i32_0 : i32, i32
  }
  func.func @transform_2(%arg0: i32) -> (i32, i32) {
    %c0_i32 = arith.constant 0 : i32
    %c0_i32_0 = arith.constant 0 : i32
    %c0_i32_1 = arith.constant 0 : i32
    return %c0_i32, %c0_i32_0 : i32, i32
  }
  func.func @transform_3(%arg0: i32) -> (i32, i32) {
    %c0_i32 = arith.constant 0 : i32
    %c0_i32_0 = arith.constant 0 : i32
    return %arg0, %c0_i32 : i32, i32
  }
  func.func @transform_4(%arg0: i32) -> (i32, i32) {
    %c0_i32 = arith.constant 0 : i32
    %c0_i32_0 = arith.constant 0 : i32
    return %arg0, %c0_i32 : i32, i32
  }
  func.func @transform_5(%arg0: i32) -> (i32, i32) {
    %c0_i32 = arith.constant 0 : i32
    %c0_i32_0 = arith.constant 0 : i32
    %c0_i32_1 = arith.constant 0 : i32
    return %c0_i32, %c0_i32_0 : i32, i32
  }
}

module attributes {stable_mosaic.version = 14 : i64} {
  func.func @_tc2_body(%arg0: i32, %arg1: memref<400x2048xf32, #tpu.memory_space<vmem>>, %arg2: memref<400x32xf32, #tpu.memory_space<vmem>>, %arg3: memref<32x8xf32, #tpu.memory_space<vmem>>, %arg4: memref<8x2048xf32, #tpu.memory_space<vmem>>, %arg5: memref<1x2048xf32, #tpu.memory_space<vmem>>, %arg6: memref<2048x256xf32, #tpu.memory_space<vmem>>, %arg7: memref<256x16xf32, #tpu.memory_space<vmem>>, %arg8: memref<400x256xf32, #tpu.memory_space<vmem>>, %arg9: memref<400x16xf32, #tpu.memory_space<vmem>>, %arg10: memref<1x16xf32, #tpu.memory_space<vmem>>) attributes {dimension_semantics = [#tpu.dimension_semantics<arbitrary>], iteration_bounds = array<i64: 25>, scalar_prefetch = 0 : i64, scratch_operands = 0 : i64, tpu.core_type = #tpu.core_type<tc>, window_params = [{transform_indices = @transform_0, window_bounds = array<i64: 400, 2048>}, {transform_indices = @transform_1, window_bounds = array<i64: 400, 32>}, {pipeline_mode = #tpu.pipeline_mode<synchronous>, transform_indices = @transform_2, window_bounds = array<i64: 32, 8>}, {pipeline_mode = #tpu.pipeline_mode<synchronous>, transform_indices = @transform_3, window_bounds = array<i64: 8, 2048>}, {pipeline_mode = #tpu.pipeline_mode<synchronous>, transform_indices = @transform_4, window_bounds = array<i64: 1, 2048>}, {pipeline_mode = #tpu.pipeline_mode<synchronous>, transform_indices = @transform_5, window_bounds = array<i64: 2048, 256>}, {pipeline_mode = #tpu.pipeline_mode<synchronous>, transform_indices = @transform_6, window_bounds = array<i64: 256, 16>}, {transform_indices = @transform_7, window_bounds = array<i64: 400, 256>}, {transform_indices = @transform_8, window_bounds = array<i64: 400, 16>}, {pipeline_mode = #tpu.pipeline_mode<synchronous>, transform_indices = @transform_9, window_bounds = array<i64: 1, 16>}]} {
    %get3A = arith.constant 0 : index
    %get3A_0 = arith.constant 0 : index
    %get3A_1 = vector.load %arg2[%get3A, %get3A_0] : memref<400x32xf32, #tpu.memory_space<vmem>>, vector<400x32xf32>
    %get3A_2 = arith.constant 0 : index
    %get3A_3 = arith.constant 0 : index
    %get3A_4 = vector.load %arg3[%get3A_2, %get3A_3] : memref<32x8xf32, #tpu.memory_space<vmem>>, vector<32x8xf32>
    %dot_general3A = arith.constant dense<0.000000e+00> : vector<400x8xf32>
    %dot_general3A_5 = tpu.matmul %get3A_1, %get3A_4, %dot_general3A {dimension_numbers = #tpu.dot_dimension_numbers<[1], [0], [0], [1], [0, 0, 1, 1], [], []>, transpose_lhs_hint = false} : vector<400x32xf32>, vector<32x8xf32>, vector<400x8xf32> -> vector<400x8xf32>
    %add3A = arith.constant 1.000000e-16 : f32
    %add3A_6 = vector.broadcast %add3A : f32 to vector<400x8xf32>
    %add3A_7 = arith.addf %dot_general3A_5, %add3A_6 : vector<400x8xf32>
    %div3A = arith.constant 1.000000e+00 : f32
    %div3A_8 = vector.broadcast %div3A : f32 to vector<400x8xf32>
    %div3A_9 = arith.divf %div3A_8, %add3A_7 : vector<400x8xf32>
    %get3A_10 = arith.constant 0 : index
    %get3A_11 = arith.constant 0 : index
    %get3A_12 = vector.load %arg4[%get3A_10, %get3A_11] : memref<8x2048xf32, #tpu.memory_space<vmem>>, vector<8x2048xf32>
    %dot_general3A_13 = arith.constant dense<0.000000e+00> : vector<400x2048xf32>
    %dot_general3A_14 = tpu.matmul %div3A_9, %get3A_12, %dot_general3A_13 {dimension_numbers = #tpu.dot_dimension_numbers<[1], [0], [0], [1], [0, 0, 1, 1], [], []>, transpose_lhs_hint = false} : vector<400x8xf32>, vector<8x2048xf32>, vector<400x2048xf32> -> vector<400x2048xf32>
    %get3A_15 = arith.constant 0 : index
    %get3A_16 = arith.constant 0 : index
    %get3A_17 = vector.load %arg1[%get3A_15, %get3A_16] : memref<400x2048xf32, #tpu.memory_space<vmem>>, vector<400x2048xf32>
    %mul3A = arith.mulf %get3A_17, %dot_general3A_14 : vector<400x2048xf32>
    %get3A_18 = arith.constant 0 : index
    %get3A_19 = arith.constant 0 : index
    %get3A_20 = vector.load %arg5[%get3A_18, %get3A_19] : memref<1x2048xf32, #tpu.memory_space<vmem>>, vector<1x2048xf32>
    %add3A_21 = vector.broadcast %get3A_20 : vector<1x2048xf32> to vector<400x2048xf32>
    %add3A_22 = arith.addf %mul3A, %add3A_21 : vector<400x2048xf32>
    %max3A = arith.constant 0.000000e+00 : f32
    %max3A_23 = vector.broadcast %max3A : f32 to vector<400x2048xf32>
    %max3A_24 = arith.maximumf %add3A_22, %max3A_23 : vector<400x2048xf32>
    %get3A_25 = arith.constant 0 : index
    %get3A_26 = arith.constant 0 : index
    %get3A_27 = vector.load %arg6[%get3A_25, %get3A_26] : memref<2048x256xf32, #tpu.memory_space<vmem>>, vector<2048x256xf32>
    %dot_general3A_28 = arith.constant dense<0.000000e+00> : vector<400x256xf32>
    %dot_general3A_29 = tpu.matmul %max3A_24, %get3A_27, %dot_general3A_28 {dimension_numbers = #tpu.dot_dimension_numbers<[1], [0], [0], [1], [0, 0, 1, 1], [], []>, transpose_lhs_hint = false} : vector<400x2048xf32>, vector<2048x256xf32>, vector<400x256xf32> -> vector<400x256xf32>
    %swap3A = arith.constant 0 : index
    %swap3A_30 = arith.constant 0 : index
    %swap3A_31 = vector.load %arg8[%swap3A, %swap3A_30] : memref<400x256xf32, #tpu.memory_space<vmem>>, vector<400x256xf32>
    tpu.vector_store %arg8[%swap3A, %swap3A_30], %dot_general3A_29 {strides = array<i32>} : memref<400x256xf32, #tpu.memory_space<vmem>>, vector<400x256xf32>,
    %get3A_32 = arith.constant 0 : index
    %get3A_33 = arith.constant 0 : index
    %get3A_34 = vector.load %arg7[%get3A_32, %get3A_33] : memref<256x16xf32, #tpu.memory_space<vmem>>, vector<256x16xf32>
    %dot_general3A_35 = arith.constant dense<0.000000e+00> : vector<400x16xf32>
    %dot_general3A_36 = tpu.matmul %dot_general3A_29, %get3A_34, %dot_general3A_35 {dimension_numbers = #tpu.dot_dimension_numbers<[1], [0], [0], [1], [0, 0, 1, 1], [], []>, transpose_lhs_hint = false} : vector<400x256xf32>, vector<256x16xf32>, vector<400x16xf32> -> vector<400x16xf32>
    %swap3A_37 = arith.constant 0 : index
    %swap3A_38 = arith.constant 0 : index
    %swap3A_39 = vector.load %arg9[%swap3A_37, %swap3A_38] : memref<400x16xf32, #tpu.memory_space<vmem>>, vector<400x16xf32>
    tpu.vector_store %arg9[%swap3A_37, %swap3A_38], %dot_general3A_36 {strides = array<i32>} : memref<400x16xf32, #tpu.memory_space<vmem>>, vector<400x16xf32>,
    %reduce_max3A = arith.constant dense<0xFF800000> : vector<16xf32>
    %reduce_max3A_40 = vector.multi_reduction <maximumf>, %dot_general3A_36, %reduce_max3A [0] : vector<400x16xf32> to vector<16xf32>
    %broadcast_in_dim3A = vector.shape_cast %reduce_max3A_40 : vector<16xf32> to vector<1x16xf32>
    %eq3A = arith.constant 0 : i32
    %eq3A_41 = arith.cmpi eq, %arg0, %eq3A : i32
    %convert_element_type3A = arith.extui %eq3A_41 : i1 to i32
    %cond3A = arith.constant 0 : i32
    %cond3A_42 = arith.cmpi ne, %convert_element_type3A, %cond3A : i32
    scf.if %cond3A_42 {
      %swap3A_47 = arith.constant 0 : index
      %swap3A_48 = arith.constant 0 : index
      %swap3A_49 = vector.load %arg10[%swap3A_47, %swap3A_48] : memref<1x16xf32, #tpu.memory_space<vmem>>, vector<1x16xf32>
      tpu.vector_store %arg10[%swap3A_47, %swap3A_48], %broadcast_in_dim3A {strides = array<i32>} : memref<1x16xf32, #tpu.memory_space<vmem>>, vector<1x16xf32>,
    } else {
    }
    %ne3A = arith.constant 0 : i32
    %ne3A_43 = arith.cmpi ne, %arg0, %ne3A : i32
    %convert_element_type3A_44 = arith.extui %ne3A_43 : i1 to i32
    %cond3A_45 = arith.constant 0 : i32
    %cond3A_46 = arith.cmpi ne, %convert_element_type3A_44, %cond3A_45 : i32
    scf.if %cond3A_46 {
      %get3A_47 = arith.constant 0 : index
      %get3A_48 = arith.constant 0 : index
      %get3A_49 = vector.load %arg10[%get3A_47, %get3A_48] : memref<1x16xf32, #tpu.memory_space<vmem>>, vector<1x16xf32>
      %max3A_50 = arith.maximumf %get3A_49, %broadcast_in_dim3A : vector<1x16xf32>
      %swap3A_51 = arith.constant 0 : index
      %swap3A_52 = arith.constant 0 : index
      %swap3A_53 = vector.load %arg10[%swap3A_51, %swap3A_52] : memref<1x16xf32, #tpu.memory_space<vmem>>, vector<1x16xf32>
      tpu.vector_store %arg10[%swap3A_51, %swap3A_52], %max3A_50 {strides = array<i32>} : memref<1x16xf32, #tpu.memory_space<vmem>>, vector<1x16xf32>,
    } else {
    }
    return
  }
  func.func @transform_0(%arg0: i32) -> (i32, i32) {
    %c0_i32 = arith.constant 0 : i32
    %c0_i32_0 = arith.constant 0 : i32
    return %arg0, %c0_i32 : i32, i32
  }
  func.func @transform_1(%arg0: i32) -> (i32, i32) {
    %c0_i32 = arith.constant 0 : i32
    %c0_i32_0 = arith.constant 0 : i32
    return %arg0, %c0_i32 : i32, i32
  }
  func.func @transform_2(%arg0: i32) -> (i32, i32) {
    %c0_i32 = arith.constant 0 : i32
    %c0_i32_0 = arith.constant 0 : i32
    %c0_i32_1 = arith.constant 0 : i32
    return %c0_i32, %c0_i32_0 : i32, i32
  }
  func.func @transform_3(%arg0: i32) -> (i32, i32) {
    %c0_i32 = arith.constant 0 : i32
    %c0_i32_0 = arith.constant 0 : i32
    %c0_i32_1 = arith.constant 0 : i32
    return %c0_i32, %c0_i32_0 : i32, i32
  }
  func.func @transform_4(%arg0: i32) -> (i32, i32) {
    %c0_i32 = arith.constant 0 : i32
    %c0_i32_0 = arith.constant 0 : i32
    %c0_i32_1 = arith.constant 0 : i32
    return %c0_i32, %c0_i32_0 : i32, i32
  }
  func.func @transform_5(%arg0: i32) -> (i32, i32) {
    %c0_i32 = arith.constant 0 : i32
    %c0_i32_0 = arith.constant 0 : i32
    %c0_i32_1 = arith.constant 0 : i32
    return %c0_i32, %c0_i32_0 : i32, i32
  }
  func.func @transform_6(%arg0: i32) -> (i32, i32) {
    %c0_i32 = arith.constant 0 : i32
    %c0_i32_0 = arith.constant 0 : i32
    %c0_i32_1 = arith.constant 0 : i32
    return %c0_i32, %c0_i32_0 : i32, i32
  }
  func.func @transform_7(%arg0: i32) -> (i32, i32) {
    %c0_i32 = arith.constant 0 : i32
    %c0_i32_0 = arith.constant 0 : i32
    return %arg0, %c0_i32 : i32, i32
  }
  func.func @transform_8(%arg0: i32) -> (i32, i32) {
    %c0_i32 = arith.constant 0 : i32
    %c0_i32_0 = arith.constant 0 : i32
    return %arg0, %c0_i32 : i32, i32
  }
  func.func @transform_9(%arg0: i32) -> (i32, i32) {
    %c0_i32 = arith.constant 0 : i32
    %c0_i32_0 = arith.constant 0 : i32
    %c0_i32_1 = arith.constant 0 : i32
    return %c0_i32, %c0_i32_0 : i32, i32
  }
}

module attributes {stable_mosaic.version = 14 : i64} {
  func.func @_tc3_body(%arg0: i32, %arg1: memref<400x256xf32, #tpu.memory_space<vmem>>, %arg2: memref<400x32xf32, #tpu.memory_space<vmem>>, %arg3: memref<32x8xf32, #tpu.memory_space<vmem>>, %arg4: memref<8x256xf32, #tpu.memory_space<vmem>>, %arg5: memref<1x256xf32, #tpu.memory_space<vmem>>, %arg6: memref<256x128xf32, #tpu.memory_space<vmem>>, %arg7: memref<1x128xf32, #tpu.memory_space<vmem>>, %arg8: memref<400x128xf32, #tpu.memory_space<vmem>>) attributes {dimension_semantics = [#tpu.dimension_semantics<arbitrary>], iteration_bounds = array<i64: 25>, scalar_prefetch = 0 : i64, scratch_operands = 0 : i64, tpu.core_type = #tpu.core_type<tc>, window_params = [{transform_indices = @transform_0, window_bounds = array<i64: 400, 256>}, {transform_indices = @transform_1, window_bounds = array<i64: 400, 32>}, {pipeline_mode = #tpu.pipeline_mode<synchronous>, transform_indices = @transform_2, window_bounds = array<i64: 32, 8>}, {pipeline_mode = #tpu.pipeline_mode<synchronous>, transform_indices = @transform_3, window_bounds = array<i64: 8, 256>}, {pipeline_mode = #tpu.pipeline_mode<synchronous>, transform_indices = @transform_4, window_bounds = array<i64: 1, 256>}, {pipeline_mode = #tpu.pipeline_mode<synchronous>, transform_indices = @transform_5, window_bounds = array<i64: 256, 128>}, {pipeline_mode = #tpu.pipeline_mode<synchronous>, transform_indices = @transform_6, window_bounds = array<i64: 1, 128>}, {transform_indices = @transform_7, window_bounds = array<i64: 400, 128>}]} {
    %get3A = arith.constant 0 : index
    %get3A_0 = arith.constant 0 : index
    %get3A_1 = vector.load %arg2[%get3A, %get3A_0] : memref<400x32xf32, #tpu.memory_space<vmem>>, vector<400x32xf32>
    %get3A_2 = arith.constant 0 : index
    %get3A_3 = arith.constant 0 : index
    %get3A_4 = vector.load %arg3[%get3A_2, %get3A_3] : memref<32x8xf32, #tpu.memory_space<vmem>>, vector<32x8xf32>
    %dot_general3A = arith.constant dense<0.000000e+00> : vector<400x8xf32>
    %dot_general3A_5 = tpu.matmul %get3A_1, %get3A_4, %dot_general3A {dimension_numbers = #tpu.dot_dimension_numbers<[1], [0], [0], [1], [0, 0, 1, 1], [], []>, transpose_lhs_hint = false} : vector<400x32xf32>, vector<32x8xf32>, vector<400x8xf32> -> vector<400x8xf32>
    %add3A = arith.constant 1.000000e-16 : f32
    %add3A_6 = vector.broadcast %add3A : f32 to vector<400x8xf32>
    %add3A_7 = arith.addf %dot_general3A_5, %add3A_6 : vector<400x8xf32>
    %div3A = arith.constant 1.000000e+00 : f32
    %div3A_8 = vector.broadcast %div3A : f32 to vector<400x8xf32>
    %div3A_9 = arith.divf %div3A_8, %add3A_7 : vector<400x8xf32>
    %get3A_10 = arith.constant 0 : index
    %get3A_11 = arith.constant 0 : index
    %get3A_12 = vector.load %arg4[%get3A_10, %get3A_11] : memref<8x256xf32, #tpu.memory_space<vmem>>, vector<8x256xf32>
    %dot_general3A_13 = arith.constant dense<0.000000e+00> : vector<400x256xf32>
    %dot_general3A_14 = tpu.matmul %div3A_9, %get3A_12, %dot_general3A_13 {dimension_numbers = #tpu.dot_dimension_numbers<[1], [0], [0], [1], [0, 0, 1, 1], [], []>, transpose_lhs_hint = false} : vector<400x8xf32>, vector<8x256xf32>, vector<400x256xf32> -> vector<400x256xf32>
    %get3A_15 = arith.constant 0 : index
    %get3A_16 = arith.constant 0 : index
    %get3A_17 = vector.load %arg1[%get3A_15, %get3A_16] : memref<400x256xf32, #tpu.memory_space<vmem>>, vector<400x256xf32>
    %mul3A = arith.mulf %get3A_17, %dot_general3A_14 : vector<400x256xf32>
    %get3A_18 = arith.constant 0 : index
    %get3A_19 = arith.constant 0 : index
    %get3A_20 = vector.load %arg5[%get3A_18, %get3A_19] : memref<1x256xf32, #tpu.memory_space<vmem>>, vector<1x256xf32>
    %add3A_21 = vector.broadcast %get3A_20 : vector<1x256xf32> to vector<400x256xf32>
    %add3A_22 = arith.addf %mul3A, %add3A_21 : vector<400x256xf32>
    %max3A = arith.constant 0.000000e+00 : f32
    %max3A_23 = vector.broadcast %max3A : f32 to vector<400x256xf32>
    %max3A_24 = arith.maximumf %add3A_22, %max3A_23 : vector<400x256xf32>
    %get3A_25 = arith.constant 0 : index
    %get3A_26 = arith.constant 0 : index
    %get3A_27 = vector.load %arg6[%get3A_25, %get3A_26] : memref<256x128xf32, #tpu.memory_space<vmem>>, vector<256x128xf32>
    %dot_general3A_28 = arith.constant dense<0.000000e+00> : vector<400x128xf32>
    %dot_general3A_29 = tpu.matmul %max3A_24, %get3A_27, %dot_general3A_28 {dimension_numbers = #tpu.dot_dimension_numbers<[1], [0], [0], [1], [0, 0, 1, 1], [], []>, transpose_lhs_hint = false} : vector<400x256xf32>, vector<256x128xf32>, vector<400x128xf32> -> vector<400x128xf32>
    %get3A_30 = arith.constant 0 : index
    %get3A_31 = arith.constant 0 : index
    %get3A_32 = vector.load %arg7[%get3A_30, %get3A_31] : memref<1x128xf32, #tpu.memory_space<vmem>>, vector<1x128xf32>
    %add3A_33 = vector.broadcast %get3A_32 : vector<1x128xf32> to vector<400x128xf32>
    %add3A_34 = arith.addf %dot_general3A_29, %add3A_33 : vector<400x128xf32>
    %swap3A = arith.constant 0 : index
    %swap3A_35 = arith.constant 0 : index
    %swap3A_36 = vector.load %arg8[%swap3A, %swap3A_35] : memref<400x128xf32, #tpu.memory_space<vmem>>, vector<400x128xf32>
    tpu.vector_store %arg8[%swap3A, %swap3A_35], %add3A_34 {strides = array<i32>} : memref<400x128xf32, #tpu.memory_space<vmem>>, vector<400x128xf32>,
    return
  }
  func.func @transform_0(%arg0: i32) -> (i32, i32) {
    %c0_i32 = arith.constant 0 : i32
    %c0_i32_0 = arith.constant 0 : i32
    return %arg0, %c0_i32 : i32, i32
  }
  func.func @transform_1(%arg0: i32) -> (i32, i32) {
    %c0_i32 = arith.constant 0 : i32
    %c0_i32_0 = arith.constant 0 : i32
    return %arg0, %c0_i32 : i32, i32
  }
  func.func @transform_2(%arg0: i32) -> (i32, i32) {
    %c0_i32 = arith.constant 0 : i32
    %c0_i32_0 = arith.constant 0 : i32
    %c0_i32_1 = arith.constant 0 : i32
    return %c0_i32, %c0_i32_0 : i32, i32
  }
  func.func @transform_3(%arg0: i32) -> (i32, i32) {
    %c0_i32 = arith.constant 0 : i32
    %c0_i32_0 = arith.constant 0 : i32
    %c0_i32_1 = arith.constant 0 : i32
    return %c0_i32, %c0_i32_0 : i32, i32
  }
  func.func @transform_4(%arg0: i32) -> (i32, i32) {
    %c0_i32 = arith.constant 0 : i32
    %c0_i32_0 = arith.constant 0 : i32
    %c0_i32_1 = arith.constant 0 : i32
    return %c0_i32, %c0_i32_0 : i32, i32
  }
  func.func @transform_5(%arg0: i32) -> (i32, i32) {
    %c0_i32 = arith.constant 0 : i32
    %c0_i32_0 = arith.constant 0 : i32
    %c0_i32_1 = arith.constant 0 : i32
    return %c0_i32, %c0_i32_0 : i32, i32
  }
  func.func @transform_6(%arg0: i32) -> (i32, i32) {
    %c0_i32 = arith.constant 0 : i32
    %c0_i32_0 = arith.constant 0 : i32
    %c0_i32_1 = arith.constant 0 : i32
    return %c0_i32, %c0_i32_0 : i32, i32
  }
  func.func @transform_7(%arg0: i32) -> (i32, i32) {
    %c0_i32 = arith.constant 0 : i32
    %c0_i32_0 = arith.constant 0 : i32
    return %arg0, %c0_i32 : i32, i32
  }
}

</mosaic_0001>

<sc_bundles>
// kernel: kernel.12.cloned.1.call-start
scs
__scs_entry_jumppad:
0x0: {  	(pc) =	sbr.rel $0x88, $3  }
0x1: {  	(tag) =	ssettag $0x0;
	lr =	simm.s32 $0x1  }
0x2: {  	[smem:$0x3F95] =	sst lr;
	_ =	strace $0xD0000000  }
0x3: {  	_ = 	snop  }
0x4: {  	_ = 	snop  }
0x5: {  	_ = 	snop  }
0x6: {  	_ = 	snop  }
0x7: {  	_ = 	snop  }
__scs_overlays_trampoline_lowered:
0x8: {  	[smem:$0x3FA4] =	sst s0  }
0x9: {  	[smem:$0x3FA5] =	sst s1  }
0xa: {  	[smem:$0x3FA6] =	sst s2  }
0xb: {  	[smem:$0x3FA7] =	sst s3  }
0xc: {  	[smem:$0x3FA8] =	sst s4  }
0xd: {  	[smem:$0x3FA9] =	sst s5  }
0xe: {  	[smem:$0x3FAA] =	sst s6  }
0xf: {  	[smem:$0x3FAB] =	sst s7  }
0x10: {  	[smem:$0x3FAC] =	sst s8  }
0x11: {  	[smem:$0x3FAD] =	sst s9;
	s0 =	simm.s32 @!p0 $0x0  }
0x12: {  	s1 =	sld [smem:$0x3F93];
	s0 =	simm.s32 @p0 $0x1  }
0x13: {  	[smem:$0x3FAE] =	sst s0;
	s0 =	simm.s32 @!p1 $0x0  }
0x14: {  	s2 =	sld [smem:$0x3F92];
	s0 =	simm.s32 @p1 $0x1  }
0x15: {  	[smem:$0x3FAF] =	sst s0;
	s0 =	simm.s32 @!p2 $0x0  }
0x16: {  	s3 =	sld [smem:$0x3FDB];
	s0 =	simm.s32 @p2 $0x1  }
0x17: {  	s4 =	simm.s32 $0x1BF5;
	[smem:$0x3FB1] =	sst s0  }
0x18: {  	s0 =	sld [smem:$0x3F94];
	_ =	swait.ge [sflag:s4], $0x0  }
0x19: {  	s7 =	sld [smem:$0x3F95]  }
0x1a: {  	s8 =	sadd.s32 $0xFFFFE003, lr  }
0x1b: {  	s9 =	sadd.s32 $0xFFFFFEF7, lr;
	s5 =	simm.s32 $0xFFFFFFFF;
	p2 =	slt.u32 s8, $0xFFFFF086  }
0x1c: {  	p1 =	slt.u32 s9, $0xF7A;
	s5 =	simm.s32 @!p2 $0x0  }
0x1d: {  	s5 =	simm.s32 @p1 $0x1;
	p0 =	seq.s32 s7, s2  }
0x1e: {  	s7 =	smul.u32 @!p0 $0xF7A, s2;
	p2 =	seq.s32 @!p0 s5, $0x0  }
0x1f: {  	s9 =	smul.u32 $0xF7A, s1;
	s8 =	simm.s32 @!p0 $0x1BF5;
	p2 =	por !p2, p0  }
0x20: {  	[sflag:s8] =	ssyncset.s32 @!p0 $0xFFFFF086;
	s6 =	sadd.s32 @!p0 s3, s7;
	s7 =	simm.s32 @!p0 $0x108  }
0x21: {  	s3 =	sadd.s32 s3, s9;
	s6 =	sadd.s32 @!p0 $0x88, s6;
	s7 =	simm.s32 @p2 $0x1082  }
0x22: {  	[simem:s7], [sflag:s8] =	dma.local @!p0 [hbm:s6], $0xF7A  }
0x23: {  	s9 =	sor.u32 $0xD0000000, s2;
	s6 =	simm.s32 $0x108;
	_ =	swait.ge @!p0 [sflag:s8], $0x0  }
0x24: {  	s3 =	sadd.s32 $0x88, s3;
	s6 =	simm.s32 @!p1 $0x1082;
	[sflag:s4] =	ssyncset.s32 $0xFFFFF086  }
0x25: {  	[simem:s6], [sflag:s4] =	dma.local [hbm:s3], $0xF7A  }
0x26: {  	[smem:$0x3F95] =	sst s1;
	(tag) =	ssettag s2;
	_ =	strace s9  }
0x27: {  	s1 =	sld [smem:$0x3FA5]  }
0x28: {  	s2 =	sld [smem:$0x3FA6]  }
0x29: {  	s4 =	sld [smem:$0x3FA8]  }
0x2a: {  	p0 =	seq.s32 s5, $0x0;
	s5 =	sld [smem:$0x3FA9]  }
0x2b: {  	s6 =	sld [smem:$0x3FAA]  }
0x2c: {  	s7 =	sld [smem:$0x3FAB]  }
0x2d: {  	s3 =	simm.s32 $0x108;
	s8 =	sld [smem:$0x3FAC]  }
0x2e: {  	s3 =	simm.s32 @!p0 $0x1082;
	s9 =	sld [smem:$0x3FAD]  }
0x2f: {  	lr =	sadd.s32 s0, s3;
	s0 =	sld [smem:$0x3FA4]  }
0x30: {  	s3 =	sld [smem:$0x3FA7]  }
0x31: {  	[smem:$0x3FB0] =	sst s10  }
0x32: {  	s10 =	sld [smem:$0x3FAE];
	_ =	sdelay $0x3  }
0x33: {  	p0 =	seq.s32 s10, $0x1;
	s10 =	sld [smem:$0x3FB0];
	_ =	sdelay $0x3  }
0x34: {  	[smem:$0x3FB0] =	sst s10  }
0x35: {  	s10 =	sld [smem:$0x3FAF];
	_ =	sdelay $0x3  }
0x36: {  	p1 =	seq.s32 s10, $0x1;
	s10 =	sld [smem:$0x3FB0];
	_ =	sdelay $0x3  }
0x37: {  	[smem:$0x3FB0] =	sst s10  }
0x38: {  	s10 =	sld [smem:$0x3FB1]  }
0x39: {  	_ = 	snop;
	(pc) =	sbr.ind lr, $3  }
0x3a: {  	_ = 	snop  }
0x3b: {  	_ = 	snop  }
0x3c: {  	p2 =	seq.s32 s10, $0x1;
	s10 =	sld [smem:$0x3FB0]  }
0x3d: {  	_ =	shalt  }
0x3e: {  	_ =	shalt  }
0x3f: {  	_ =	shalt  }
0x40: {  	_ =	shalt  }
0x41: {  	_ =	shalt  }
0x42: {  	_ =	shalt  }
0x43: {  	_ =	shalt  }
0x44: {  	_ =	shalt  }
0x45: {  	_ =	shalt  }
0x46: {  	_ =	shalt  }
0x47: {  	_ =	shalt  }
0x48: {  	_ =	shalt  }
0x49: {  	_ =	shalt  }
0x4a: {  	_ =	shalt  }
0x4b: {  	_ =	shalt  }
0x4c: {  	_ =	shalt  }
0x4d: {  	_ =	shalt  }
0x4e: {  	_ =	shalt  }
0x4f: {  	_ =	shalt  }
0x50: {  	_ =	shalt  }
0x51: {  	_ =	shalt  }
0x52: {  	_ =	shalt  }
0x53: {  	_ =	shalt  }
0x54: {  	_ =	shalt  }
0x55: {  	_ =	shalt  }
0x56: {  	_ =	shalt  }
0x57: {  	_ =	shalt  }
0x58: {  	_ =	shalt  }
0x59: {  	_ =	shalt  }
0x5a: {  	_ =	shalt  }
0x5b: {  	_ =	shalt  }
0x5c: {  	_ =	shalt  }
0x5d: {  	_ =	shalt  }
0x5e: {  	_ =	shalt  }
0x5f: {  	_ =	shalt  }
0x60: {  	_ =	shalt  }
0x61: {  	_ =	shalt  }
0x62: {  	_ =	shalt  }
0x63: {  	_ =	shalt  }
0x64: {  	_ =	shalt  }
0x65: {  	_ =	shalt  }
0x66: {  	_ =	shalt  }
0x67: {  	_ =	shalt  }
0x68: {  	_ =	shalt  }
0x69: {  	_ =	shalt  }
0x6a: {  	_ =	shalt  }
0x6b: {  	_ =	shalt  }
0x6c: {  	_ =	shalt  }
0x6d: {  	_ =	shalt  }
0x6e: {  	_ =	shalt  }
0x6f: {  	_ =	shalt  }
0x70: {  	_ =	shalt  }
0x71: {  	_ =	shalt  }
0x72: {  	_ =	shalt  }
0x73: {  	_ =	shalt  }
0x74: {  	_ =	shalt  }
0x75: {  	_ =	shalt  }
0x76: {  	_ =	shalt  }
0x77: {  	_ =	shalt  }
0x78: {  	_ =	shalt  }
0x79: {  	_ =	shalt  }
0x7a: {  	_ =	shalt  }
0x7b: {  	_ =	shalt  }
0x7c: {  	_ =	shalt  }
0x7d: {  	_ =	shalt  }
0x7e: {  	_ =	shalt  }
0x7f: {  	_ =	shalt  }
0x80: {  	_ =	shalt  }
0x81: {  	_ =	shalt  }
0x82: {  	_ =	shalt  }
0x83: {  	_ =	shalt  }
0x84: {  	_ =	shalt  }
0x85: {  	_ =	shalt  }
0x86: {  	_ =	shalt  }
0x87: {  	_ =	shalt  }
.Lfunc_end0:
.L_simem_size_0:
called_computation.1_lowered:
.L_overlay_start_0:
0x88: {  	s2 =	sld [smem:$0x3FD9]  }
0x89: {  	s3 =	sld [smem:$0x3FFE];
	_ =	sdelay $0x1  }
0x8a: {  	s1 =	srdreg.scid  }
0x8b: {  	s0 =	sand.u32 $0x1, s1  }
0x8c: {  	s16 =	sshll.u32 s0, $0xA;
	s2 =	sadd.s32 s3, s2  }
0x8d: {  	s2 =	sadd.s32 s2, s16  }
0x8e: {  	[smem:$0x3FBC] =	sst s2  }
0x8f: {  	_ = 	snop  }
0x90: {  	(tm) =	ssettm $0x1  }
0x91: {  	s17 =	sld [smem:$0x3FFB];
	_ =	sdelay $0x3  }
0x92: {  	_ =	strace s17  }
0x93: {  	s2 =	sld [smem:$0x3FFC];
	_ =	sdelay $0x3  }
0x94: {  	_ =	strace s2  }
0x95: {  	s2 =	sld [smem:$0x3FFD];
	_ =	sdelay $0x3  }
0x96: {  	_ =	strace s2  }
0x97: {  	_ =	strace $0x8FFFFFFF  }
0x98: {  	s18 =	sld [smem:$0x3FDB];
	_ =	sdelay $0x1  }
0x99: {  	s19 =	simm.s32 $_scs_section_size  }
0x9a: {  	s4 =	simm.s32 $_size__tile_overlayer_lowered;
	s5 =	simm.s32 $_tile_overlayer_lowered  }
0x9b: {  	s22 =	simm.s32 $0x1BFF;
	s21 =	sshll.u32 s5, $0x1;
	s2 =	sadd.s32 s19, s18  }
0x9c: {  	s6 =	simm.s32 $0x0;
	s20 =	sshll.u32 s4, $0x1;
	s4 =	sadd.s32 s21, s2  }
0x9d: {  	[timem:s6], [sflag:s22] =	dma.local [hbm:s4], s20  }
0x9e: {  	_ =	swait.ge [sflag:s22], s20  }
0x9f: {  	s3 =	ssub.s32 $0x0, s20;
	[sflag:s22] =	ssyncset.done $0x0  }
0xa0: {  	[sflag:s22] =	ssyncadd.s32 s3;
	_ =	sdelay $0x1  }
0xa1: {  	s23 =	simm.s32 $0x1B8B  }
0xa2: {  	_ =	swait.ge [sflag:s23], $0x1  }
0xa3: {  	[sflag:s23] =	ssyncset.done $0x0  }
0xa4: {  	s25 =	simm.s32 $0x1B8E;
	s24 =	sld [smem:$0x3FFE];
	[sflag:s23] =	ssyncadd.s32 $0xFFFFFFFF  }
0xa5: {  	s26 =	simm.s32 $execute0_lowered;
	[smem:$0x3FD2] =	sst s25  }
0xa6: {  	s4 =	sshll.u32 s26, $0x1;
	_ =	strace $0x80000049;
	[dreg:$0x1] =	wrdreg $0xFFFFFFFF  }
0xa7: {  	s28 =	simm.s32 $_size_execute0_lowered;
	s2 =	sadd.s32 s2, s4;
	[dreg:$0x0] =	wrdreg $0x0  }
0xa8: {  	s4 =	sshll.u32 s28, $0x1;
	[dreg:$0x2] =	wrdreg s2  }
0xa9: {  	[dreg:$0x3] =	wrdreg s4  }
0xaa: {  	[dreg:$0x4] =	wrdreg $0xC0  }
0xab: {  	_ =	task [dreg:s6], $0x5FFFF  }
0xac: {  	[dreg:$0x1] =	wrdreg $0xFFFFFFFF  }
0xad: {  	[dreg:$0x0] =	wrdreg $0x60  }
0xae: {  	[dreg:$0x2] =	wrdreg s24  }
0xaf: {  	[dreg:$0x3] =	wrdreg $0x9  }
0xb0: {  	_ =	task.clear_ibuf [dreg:s6], $0x4FFFF;
	_ =	strace $0x90000049  }
0xb1: {  	s29 =	simm.s32 $0x9;
	_ =	strace $0x8000004B  }
0xb2: {  	_ =	swait.ge [sflag:s29], $0x1  }
0xb3: {  	[sflag:s29] =	ssyncadd.s32 $0xFFFFFFFF  }
0xb4: {  	_ =	strace $0x9000004B  }
0xb5: {  	_ =	sfence  }
0xb6: {  	s30 =	sld [smem:$0x0];
	_ =	sdelay $0x2  }
0xb7: {  	s31 =	sshll.u32 s1, $0xD;
	s1 =	sshrl.u32 s1, $0x2  }
0xb8: {  	s3 =	sand.u32 $0x4000, s31;
	s1 =	sadd.s32 s1, s30  }
0xb9: {  	s0 =	sor.u32 s3, s0;
	s1 =	sshll.u32 s1, $0x11  }
0xba: {  	s0 =	sor.u32 s1, s0  }
0xbb: {  	s0 =	sadd.s32 $0x8F2B, s0  }
0xbc: {  	[sflag:s0] =	ssyncadd.remote.s32 $0x1  }
0xbd: {  	_ =	sfence.sel $0xFFFF  }
0xbe: {  	[dreg:$0x0] =	wrdreg $0xFFFFFFFF;
	(pc) =	sbr.abs _section_cstart, $3  }
0xbf: {  	[dreg:$0x1] =	wrdreg $0xFFFFFFFF  }
0xc0: {  	_ =	task.clear_ibuf [dreg:s6], $0x2FFFF;
	_ =	strace $0x9FFFFFFF  }
0xc1: {  	(tm) =	ssettm $0x7FFFFFFF  }
tec
execute0_lowered:
.L_overlay_start_1:
0x0: {  	(tag) =	ssettag $0x1  }
0x1: {  	s0 =	rddreg [dreg:$0x0];
	s1 =	simm.s32 $0x0;
	s9 =	stileid.u32  }
0x2: {  	s4 =	srdreg.scid;
	s12 =	simm.s32 $0x14800;
	s13 =	simm.s32 $0x1  }
0x3: {  	s14 =	simm.s32 $0x15200;
	s15 =	simm.s32 $0x15C00;
	s16 =	simm.s32 $0x16600  }
0x4: {  	s17 =	simm.s32 $0x18600;
	s18 =	simm.s32 $0x18E00;
	s19 =	simm.s32 $0x19600  }
0x5: {  	s20 =	simm.s32 $0x19E00;
	s21 =	simm.s32 $0x17080;
	s22 =	simm.s32 $0x17B00  }
0x6: {  	s29 =	simm.s32 $0x0;
	[smem:$0x7FF] =	sst s1;
	s30 =	sand.u32 $0x7, s9  }
0x7: {  	s3 =	sadd.s32 $0x279000, s0;
	s6 =	sand.u32 $0x1, s4;
	s4 =	sadd.s32 $0x27E000, s0  }
0x8: {  	s5 =	sadd.s32 $0x283000, s0;
	s9 =	sshrl.u32 s9, $0x3;
	_ =	strace $0x8000004A  }
0x9: {  	s2 =	sshll.u32 s30, $0x8;
	s7 =	ssub.s32 $0x2, s6;
	s6 =	sshll.u32 s6, $0x1  }
.Ltmp0:
0xa: {  	s1 =	sshll.u32 s30, $0xB;
	s2 =	sadd.s32 s2, s0;
	(pc) =	sbr.rel .LBB2_1-.Ltmp0, $4  }
0xb: {  	s8 =	sshrl.u32 s7, $0x1;
	s0 =	sadd.s32 $0x2AB000, s0;
	[dreg:$0x4] =	wrdreg s1  }
0xc: {  	v0 =	vimm.f32 $0.0e+00;
	v1 =	vimm.s32 $0x0;
	v2 =	vlaneseq.u32;
	s6 =	sor.u32 s9, s6;
	[dreg:$0x2] =	wrdreg s0;
	s31 =	ssub.s32 s7, s8  }
0xd: {  	v3 =	vimm.s32 $0x140;
	vm0 =	vmmov $0xffff;
	v5 =	vshrl.u32 v2, $0x3;
	s1 =	simm.s32 $0x0;
	[dreg:$0x3] =	wrdreg s6;
	s0 =	smax.u32 s31, $0x1  }
0xe: {  	v4 =	vand.u32 $0x7, v2;
	v6 =	vor.u32 $0x8, v2;
	v5 =	vmul.u32 $0x8, v5;
	s8 =	smul.u32 $0x28000, s30;
	s9 =	sadd.s32 $0x2E00, s2;
	[dreg:$0x5] =	wrdreg s0  }
.LBB2_15:
0xf: {  	s1 =	rddreg [dreg:$0x6]  }
0x10: {  	s0 =	rddreg [dreg:$0x5];
	s1 =	sadd.s32 $0x1, s1  }
0x11: {  	p0 =	sne.s32 s1, s0  }
.Ltmp1:
0x12: {  	_ = 	snop;
	(pc) =	sbr.rel @!p0 .LBB2_16-.Ltmp1, $1  }
0x13: {  	_ =	sdelay $0x3  }
.LBB2_1:
.Ltmp2:
0x14: {  	(pc) =	sbr.rel .LBB2_2-.Ltmp2, $2  }
0x15: {  	_ =	sdelay $0x2  }
0x16: {  	[dreg:$0x6] =	wrdreg s1;
	s26 =	simm.s32 $0x0  }
.LBB2_14:
0x17: {  	s0 =	smul.u32 $0xA0000, s28;
	s1 =	rddreg [dreg:$0x4]  }
0x18: {  	s30 =	rddreg [dreg:$0x2]  }
0x19: {  	s31 =	simm.s32 $0x0;
	s26 =	sadd.s32 $0x1, s26;
	s0 =	sor.u32 s1, s0  }
0x1a: {  	s2 =	simm.s32 $0x800;
	p0 =	sne.s32 s26, $0x8;
	s0 =	sshrl.u32 s0, $0x3  }
.Ltmp3:
0x1b: {  	s6 =	simm.s32 $0x4000;
	s0 =	sadd.s32 s30, s0;
	(pc) =	sbr.rel @!p0 .LBB2_15-.Ltmp3, $4  }
0x1c: {  	[hbm4b:s0+s2] =	stream.strided.scatter [tilespmem:s31], [sflag:$0x1], $0x14000, s6, s2, $0x38;
	[tilespmem:$0x1A600] =	vst v63  }
0x1d: {  	_ =	swait.ge [sflag:s13], $0x14000  }
0x1e: {  	[sflag:s13] =	ssyncset.done $0x0  }
0x1f: {  	[sflag:s13] =	ssyncadd.s32 $0xFFFEC000  }
.LBB2_2:
0x20: {  	s0 =	simm.s32 $0x0  }
0x21: {  	s1 =	sand.u32 $0x1F800, s0;
	s0 =	sand.u32 $0x380, s0  }
0x22: {  	s0 =	sor.u32 s0, s1  }
0x23: {  	[tilespmem:s0+$0x470] =	vst v0  }
0x24: {  	[tilespmem:s0+$0x0] =	vst v0  }
0x25: {  	[tilespmem:s0+$0x10] =	vst v0  }
0x26: {  	[tilespmem:s0+$0x20] =	vst v0  }
0x27: {  	[tilespmem:s0+$0x30] =	vst v0  }
0x28: {  	[tilespmem:s0+$0x40] =	vst v0  }
0x29: {  	[tilespmem:s0+$0x50] =	vst v0  }
0x2a: {  	[tilespmem:s0+$0x60] =	vst v0  }
0x2b: {  	[tilespmem:s0+$0x70] =	vst v0  }
0x2c: {  	[tilespmem:s0+$0x400] =	vst v0  }
0x2d: {  	[tilespmem:s0+$0x410] =	vst v0  }
0x2e: {  	[tilespmem:s0+$0x420] =	vst v0  }
0x2f: {  	[tilespmem:s0+$0x430] =	vst v0  }
0x30: {  	s2 =	simm.s32 $0x100;
	s1 =	simm.s32 $0x80;
	[tilespmem:s0+$0x440] =	vst v0  }
0x31: {  	s6 =	sand.u32 $0x1F800, s2;
	s2 =	simm.s32 $0x200;
	s7 =	sand.u32 $0x380, s1;
	[tilespmem:s0+$0x450] =	vst v0  }
.LBB2_3:
0x32: {  	p0 =	seq.s32 s2, $0x14700;
	[tilespmem:s0+$0x460] =	vst v0;
	s0 =	sor.u32 s7, s6  }
0x33: {  	[tilespmem:s0+$0x470] =	vst v0  }
0x34: {  	[tilespmem:s0+$0x0] =	vst v0  }
0x35: {  	[tilespmem:s0+$0x10] =	vst v0  }
0x36: {  	[tilespmem:s0+$0x20] =	vst v0  }
0x37: {  	[tilespmem:s0+$0x30] =	vst v0  }
0x38: {  	[tilespmem:s0+$0x40] =	vst v0  }
0x39: {  	[tilespmem:s0+$0x50] =	vst v0  }
0x3a: {  	[tilespmem:s0+$0x60] =	vst v0  }
0x3b: {  	[tilespmem:s0+$0x70] =	vst v0  }
0x3c: {  	[tilespmem:s0+$0x400] =	vst v0  }
.Ltmp4:
0x3d: {  	[tilespmem:s0+$0x410] =	vst v0;
	(pc) =	sbr.rel @!p0 .LBB2_3-.Ltmp4, $4  }
0x3e: {  	[tilespmem:s0+$0x420] =	vst v0  }
0x3f: {  	[tilespmem:s0+$0x430] =	vst v0  }
0x40: {  	s1 =	sadd.s32 $0x80, s1;
	[tilespmem:s0+$0x440] =	vst v0  }
0x41: {  	s6 =	sand.u32 $0x1F800, s2;
	s2 =	sadd.s32 $0x100, s2;
	s7 =	sand.u32 $0x380, s1;
	[tilespmem:s0+$0x450] =	vst v0  }
0x42: {  	s1 =	sor.u32 s7, s6;
	[tilespmem:s0+$0x460] =	vst v0  }
0x43: {  	[tilespmem:s1+$0x470] =	vst v0  }
0x44: {  	[tilespmem:s1+$0x0] =	vst v0  }
0x45: {  	[tilespmem:s1+$0x10] =	vst v0  }
0x46: {  	[tilespmem:s1+$0x20] =	vst v0  }
0x47: {  	[tilespmem:s1+$0x30] =	vst v0  }
0x48: {  	[tilespmem:s1+$0x40] =	vst v0  }
0x49: {  	[tilespmem:s1+$0x50] =	vst v0  }
0x4a: {  	[tilespmem:s1+$0x60] =	vst v0  }
0x4b: {  	[tilespmem:s1+$0x70] =	vst v0  }
0x4c: {  	[tilespmem:s1+$0x400] =	vst v0  }
0x4d: {  	[tilespmem:s1+$0x410] =	vst v0  }
.Ltmp5:
0x4e: {  	s25 =	sshll.u32 s26, $0x2;
	s31 =	rddreg [dreg:$0x3];
	[tilespmem:s1+$0x420] =	vst v0;
	(pc) =	sbr.rel .LBB2_5-.Ltmp5, $4  }
0x4f: {  	[tilespmem:s1+$0x430] =	vst v0;
	s28 =	sor.u32 s31, s25  }
0x50: {  	[tilespmem:s1+$0x440] =	vst v0;
	s0 =	smul.u32 $0xFFFFFEC0, s28  }
0x51: {  	[tilespmem:s1+$0x450] =	vst v0  }
0x52: {  	s30 =	simm.s32 $0x0;
	[tilespmem:s1+$0x460] =	vst v0;
	v7 =	vmov s0  }
.LBB2_13:
0x53: {  	s30 =	sadd.s32 $0x1, s30  }
0x54: {  	p0 =	sne.s32 s30, $0x40  }
.Ltmp6:
0x55: {  	_ = 	snop;
	(pc) =	sbr.rel @!p0 .LBB2_14-.Ltmp6, $1  }
0x56: {  	_ =	sdelay $0x3  }
.LBB2_5:
0x57: {  	s0 =	smul.u32 $0xA00, s30;
	_ =	sdelay $0x1  }
0x58: {  	s1 =	sshrl.u32 s0, $0x3  }
0x59: {  	s2 =	sadd.s32 s3, s1  }
0x5a: {  	[tilespmem:s12], [sflag:$0x1] =	stream.linear.gather [hbm4b:s2+s29], $0xA00, $0x38;
	[tilespmem:$0x1A600] =	vst v63  }
0x5b: {  	_ =	swait.ge [sflag:s13], $0xA00  }
0x5c: {  	[sflag:s13] =	ssyncset.done $0x0  }
0x5d: {  	s1 =	sadd.s32 s4, s1;
	[sflag:s13] =	ssyncadd.s32 $0xFFFFF600  }
0x5e: {  	[tilespmem:s14], [sflag:$0x1] =	stream.linear.gather [hbm4b:s1+s29], $0xA00, $0x38;
	[tilespmem:$0x1A600] =	vst v63  }
0x5f: {  	s0 =	sadd.s32 s8, s0;
	_ =	swait.ge [sflag:s13], $0xA00  }
0x60: {  	s0 =	sshrl.u32 s0, $0x3;
	[sflag:s13] =	ssyncset.done $0x0  }
0x61: {  	s0 =	sadd.s32 s5, s0;
	[sflag:s13] =	ssyncadd.s32 $0xFFFFF600  }
0x62: {  	[tilespmem:s15], [sflag:$0x1] =	stream.linear.gather [hbm4b:s0+s29], $0xA00, $0x38;
	[tilespmem:$0x1A600] =	vst v63  }
0x63: {  	_ =	swait.ge [sflag:s13], $0xA00  }
0x64: {  	[sflag:s13] =	ssyncset.done $0x0  }
0x65: {  	s31 =	simm.s32 $0x0;
	[sflag:s13] =	ssyncadd.s32 $0xFFFFF600  }
0x66: {  	v8 =	vld [tilespmem:s31+$0x15200];
	_ =	sdelay $0x1  }
0x67: {  	v9 =	vld [tilespmem:s31+$0x14800];
	_ =	sdelay $0x2  }
0x68: {  	v8 =	vadd.s32 v7, v8  }
0x69: {  	vm1 =	vlt.u32 v8, $0x140  }
0x6a: {  	v10 =	vld [tilespmem:s31+$0x15C00];
	[tilespmem:s29+$0x16600] =	vst.msk vm1, v9  }
0x6b: {  	[tilespmem:s29+$0x17080] =	vst.msk vm1, v8;
	v8 =	vmpcnt.ones.xlane vm1;
	_ =	sdelay $0x1  }
0x6c: {  	(v2sf) =	vpush v8, $0x0;
	_ =	sdelay $0x3  }
0x6d: {  	s2 =	simm.s32 $0x10;
	[tilespmem:s29+$0x17B00] =	vst.msk vm1, v10  }
0x6e: {  	v9 =	vld [tilespmem:s2+$0x14800]  }
0x6f: {  	s1 =	simm.s32 $0x80;
	s0 =	simm.s32 $0x0;
	v8 =	vld [tilespmem:s2+$0x15C00]  }
.LBB2_6:
0x70: {  	p0 =	sne.s32 s1, $0x27C0;
	v10 =	vld [tilespmem:s2+$0x15200];
	_ =	sdelay $0x4  }
0x71: {  	v10 =	vadd.s32 v7, v10  }
0x72: {  	vm1 =	vlt.u32 v10, $0x140  }
0x73: {  	v11 =	vmpcnt.ones.xlane vm1  }
0x74: {  	s2 =	spop (v2sf)  }
0x75: {  	(v2sf) =	vpush v11, $0x0;
	s0 =	sadd.s32 s0, s2  }
0x76: {  	[tilespmem:s0+$0x16600] =	vst.msk vm1, v9  }
.Ltmp7:
0x77: {  	[tilespmem:s0+$0x17080] =	vst.msk vm1, v10;
	(pc) =	sbr.rel @p0 .LBB2_6-.Ltmp7, $4  }
0x78: {  	s2 =	sshra.s32 s1, $0x2;
	[tilespmem:s0+$0x17B00] =	vst.msk vm1, v8  }
0x79: {  	v9 =	vld [tilespmem:s2+$0x14800]  }
0x7a: {  	v8 =	vld [tilespmem:s2+$0x15C00]  }
0x7b: {  	s1 =	sadd.s32 $0x40, s1  }
0x7c: {  	v10 =	vld [tilespmem:s2+$0x15200];
	_ =	sdelay $0x4  }
0x7d: {  	v10 =	vadd.s32 v7, v10  }
0x7e: {  	vm1 =	vlt.u32 v10, $0x140  }
0x7f: {  	v11 =	vmpcnt.ones.xlane vm1;
	_ =	sdelay $0x1  }
0x80: {  	(v2sf) =	vpush v11, $0x0;
	_ =	sdelay $0xd  }
0x81: {  	s1 =	spop (v2sf)  }
0x82: {  	s0 =	sadd.s32 s0, s1;
	s23 =	spop (v2sf)  }
0x83: {  	s1 =	sadd.s32 s0, s23  }
0x84: {  	s24 =	sadd.s32 $0x1F, s1  }
0x85: {  	[tilespmem:s0+$0x16600] =	vst.msk vm1, v9;
	s6 =	sand.u32 $0x1F, s24  }
0x86: {  	[tilespmem:s0+$0x17080] =	vst.msk vm1, v10;
	s25 =	sshra.s32 s24, $0x1F;
	p1 =	slt.s32 s24, $0x1;
	p0 =	sne.s32 s6, $0x0  }
0x87: {  	[tilespmem:s0+$0x17B00] =	vst.msk vm1, v8;
	s0 =	sshrl.u32 s25, $0x1B;
	p0 =	por !p1, !p0  }
0x88: {  	s2 =	simm.s32 $0x1;
	s0 =	sadd.s32 s0, s24;
	p0 =	por !p0, !p0  }
0x89: {  	s0 =	sshra.s32 s0, $0x5;
	s2 =	simm.s32 @!p0 $0x0  }
0x8a: {  	s31 =	ssub.s32 s0, s2  }
0x8b: {  	[tilespmem:s1+$0x16600] =	vst v1;
	p0 =	slt.s32 s31, $0x1  }
.Ltmp8:
0x8c: {  	[tilespmem:s1+$0x17080] =	vst v3;
	(pc) =	sbr.rel @p0 .LBB2_13-.Ltmp8, $4  }
0x8d: {  	[tilespmem:s1+$0x17B00] =	vst v0  }
0x8e: {  	[tilespmem:s1+$0x16610] =	vst v1  }
0x8f: {  	[tilespmem:s1+$0x17090] =	vst v3  }
0x90: {  	[tilespmem:s1+$0x17B10] =	vst v0;
	s1 =	simm.s32 $0x0;
	s0 =	simm.s32 $0x0  }
.LBB2_8:
0x91: {  	s2 =	sshll.u32 s1, $0x5  }
0x92: {  	v10 =	vor.u32 s2, v2;
	_ =	sdelay $0x4  }
0x93: {  	v9 =	vld.idx.msk [tilespmem:v10+s16+$0x0], $0xffff;
	_ =	sdelay $0x2  }
0x94: {  	s2 =	sor.u32 $0x10, s2  }
0x95: {  	v8 =	vor.u32 s2, v2  }
0x96: {  	v11 =	vshll.u32 v9, $0x4  }
0x97: {  	v12 =	vand.u32 $0x7, v9;
	v11 =	vand.u32 $0xFFFFFF80, v11  }
0x98: {  	v11 =	vor.u32 v12, v11  }
0x99: {  	[tilespmem:$0x18580] =	vst v9;
	v9 =	vperm.xlane v11, v4  }
0x9a: {  	v12 =	vld.idx.msk [tilespmem:v8+s16+$0x0], $0xffff  }
0x9b: {  	v11 =	vperm.xlane v11, v6;
	v9 =	vadd.s32 v5, v9;
	_ =	sdelay $0x1  }
0x9c: {  	v11 =	vadd.s32 v5, v11;
	_ =	sdelay $0x1  }
0x9d: {  	[tilespmem:$0x18590] =	vst v12  }
0x9e: {  	[tilespmem:s17], [sflag:$0x1] =	stream.indirect_vreg.gather [hbm4b:s9+s0], $0x80, v9, vm0, $0xb8;
	[tilespmem:$0x1A600] =	vst v63  }
0x9f: {  	_ = 	snop  }
0xa0: {  	[tilespmem:s18], [sflag:$0x1] =	stream.indirect_vreg.gather [hbm4b:s9+s0], $0x80, v11, vm0, $0xb8;
	[tilespmem:$0x1A600] =	vst v63  }
0xa1: {  	v9 =	vld [tilespmem:$0x18590];
	_ =	sdelay $0x4  }
0xa2: {  	v11 =	vshll.u32 v9, $0x4  }
0xa3: {  	v9 =	vand.u32 $0x7, v9;
	v11 =	vand.u32 $0xFFFFFF80, v11  }
0xa4: {  	v9 =	vor.u32 v9, v11  }
0xa5: {  	v11 =	vperm.xlane v9, v4;
	_ =	sdelay $0x1  }
0xa6: {  	v9 =	vperm.xlane v9, v6;
	v11 =	vadd.s32 v5, v11;
	_ =	sdelay $0x1  }
0xa7: {  	v9 =	vadd.s32 v5, v9;
	_ =	sdelay $0x2  }
0xa8: {  	[tilespmem:s19], [sflag:$0x1] =	stream.indirect_vreg.gather [hbm4b:s9+s0], $0x80, v11, vm0, $0xb8;
	[tilespmem:$0x1A600] =	vst v63  }
0xa9: {  	_ = 	snop  }
0xaa: {  	[tilespmem:s20], [sflag:$0x1] =	stream.indirect_vreg.gather [hbm4b:s9+s0], $0x80, v9, vm0, $0xb8;
	[tilespmem:$0x1A600] =	vst v63  }
0xab: {  	_ =	swait.ge [sflag:s13], $0x2000  }
0xac: {  	[sflag:s13] =	ssyncset.done $0x0  }
0xad: {  	[sflag:s13] =	ssyncadd.s32 $0xFFFFE000  }
0xae: {  	v9 =	vld.idx.msk [tilespmem:v10+s21+$0x0], $0xffff;
	_ =	sdelay $0x3  }
0xaf: {  	v11 =	vmov s0  }
0xb0: {  	vm1 =	veq.s32 v11, v2;
	v9 =	vxor.u32 $0x80000000, v9  }
0xb1: {  	v11 =	vnsel vm1, $0x80000000, v9  }
0xb2: {  	(xrf0) =	vmax.scan.msk.u32 $0xffff, v11;
	_ =	sdelay $0x5  }
0xb3: {  	v11, _, _ =	vpop (xrf0)  }
0xb4: {  	(v2sf) =	vpush v11, $0xF;
	_ =	sdelay $0x1  }
0xb5: {  	v10 =	vld.idx.msk [tilespmem:v10+s22+$0x0], $0xffff;
	_ =	sdelay $0x4  }
0xb6: {  	v11 =	vnsel vm1, $0x0, v10  }
0xb7: {  	(xrf0) =	vmax.scan.msk.f32 $0xffff, v11;
	_ =	sdelay $0x1  }
0xb8: {  	s7 =	sand.u32 $0x800, s0;
	s6 =	sand.u32 $0x380, s0  }
0xb9: {  	s2 =	sor.u32 s6, s7  }
0xba: {  	v11 =	vld [tilespmem:s2+$0x18600];
	_ =	sdelay $0x1  }
0xbb: {  	v12, _, _ =	vpop (xrf0)  }
0xbc: {  	v13 =	vbroadcast v12, $0xF;
	s10 =	spop (v2sf)  }
0xbd: {  	s7 =	sshll.u32 s10, $0x8;
	s6 =	sshll.u32 s10, $0x7  }
0xbe: {  	v11 =	vmul.f32 v11, v13;
	s7 =	sand.u32 $0xFFFFF800, s7;
	s6 =	sand.u32 $0x380, s6  }
0xbf: {  	s6 =	sor.u32 s6, s7  }
0xc0: {  	s2 =	sadd.s32 $0x18600, s2;
	[tilespmem:s6+$0x0] =	vst.add.f32.msk $0xffff, v11  }
0xc1: {  	v11 =	vld [tilespmem:s2+$0x10];
	_ =	sdelay $0x4  }
0xc2: {  	v11 =	vmul.f32 v11, v13  }
0xc3: {  	s7 =	sor.u32 $0x10, s6  }
0xc4: {  	[tilespmem:s7+$0x0] =	vst.add.f32.msk $0xffff, v11  }
0xc5: {  	v11 =	vld [tilespmem:s2+$0x20];
	_ =	sdelay $0x4  }
0xc6: {  	v11 =	vmul.f32 v11, v13  }
0xc7: {  	s11 =	sor.u32 $0x20, s6  }
0xc8: {  	[tilespmem:s11+$0x0] =	vst.add.f32.msk $0xffff, v11  }
0xc9: {  	v11 =	vld [tilespmem:s2+$0x30];
	_ =	sdelay $0x4  }
0xca: {  	v11 =	vmul.f32 v11, v13  }
0xcb: {  	s23 =	sor.u32 $0x30, s6  }
0xcc: {  	[tilespmem:s23+$0x0] =	vst.add.f32.msk $0xffff, v11  }
0xcd: {  	v11 =	vld [tilespmem:s2+$0x40];
	_ =	sdelay $0x4  }
0xce: {  	v11 =	vmul.f32 v11, v13  }
0xcf: {  	s24 =	sor.u32 $0x40, s6  }
0xd0: {  	[tilespmem:s24+$0x0] =	vst.add.f32.msk $0xffff, v11  }
0xd1: {  	v11 =	vld [tilespmem:s2+$0x50];
	_ =	sdelay $0x4  }
0xd2: {  	v11 =	vmul.f32 v11, v13  }
0xd3: {  	s25 =	sor.u32 $0x50, s6  }
0xd4: {  	[tilespmem:s25+$0x0] =	vst.add.f32.msk $0xffff, v11  }
0xd5: {  	v11 =	vld [tilespmem:s2+$0x60];
	_ =	sdelay $0x4  }
0xd6: {  	v11 =	vmul.f32 v11, v13  }
0xd7: {  	s10 =	sor.u32 $0x60, s6  }
0xd8: {  	[tilespmem:s10+$0x0] =	vst.add.f32.msk $0xffff, v11  }
0xd9: {  	v11 =	vld [tilespmem:s2+$0x70];
	_ =	sdelay $0x4  }
0xda: {  	v11 =	vmul.f32 v11, v13  }
0xdb: {  	s11 =	sor.u32 $0x70, s6  }
0xdc: {  	[tilespmem:s11+$0x0] =	vst.add.f32.msk $0xffff, v11  }
0xdd: {  	v11 =	vld [tilespmem:s2+$0x400];
	_ =	sdelay $0x4  }
0xde: {  	v11 =	vmul.f32 v11, v13  }
0xdf: {  	s23 =	sor.u32 $0x400, s6  }
0xe0: {  	[tilespmem:s23+$0x0] =	vst.add.f32.msk $0xffff, v11  }
0xe1: {  	v11 =	vld [tilespmem:s2+$0x410];
	_ =	sdelay $0x4  }
0xe2: {  	v11 =	vmul.f32 v11, v13  }
0xe3: {  	s24 =	sor.u32 $0x410, s6  }
0xe4: {  	[tilespmem:s24+$0x0] =	vst.add.f32.msk $0xffff, v11  }
0xe5: {  	v11 =	vld [tilespmem:s2+$0x420];
	_ =	sdelay $0x4  }
0xe6: {  	v11 =	vmul.f32 v11, v13  }
0xe7: {  	s25 =	sor.u32 $0x420, s6  }
0xe8: {  	[tilespmem:s25+$0x0] =	vst.add.f32.msk $0xffff, v11  }
0xe9: {  	v11 =	vld [tilespmem:s2+$0x430];
	_ =	sdelay $0x4  }
0xea: {  	v11 =	vmul.f32 v11, v13  }
0xeb: {  	s10 =	sor.u32 $0x430, s6  }
0xec: {  	[tilespmem:s10+$0x0] =	vst.add.f32.msk $0xffff, v11  }
0xed: {  	v11 =	vld [tilespmem:s2+$0x440];
	_ =	sdelay $0x4  }
0xee: {  	v11 =	vmul.f32 v11, v13  }
0xef: {  	s11 =	sor.u32 $0x440, s6  }
0xf0: {  	[tilespmem:s11+$0x0] =	vst.add.f32.msk $0xffff, v11  }
0xf1: {  	v11 =	vld [tilespmem:s2+$0x450]  }
0xf2: {  	s24 =	simm.s32 $0x1  }
0xf3: {  	v12 =	vmov s24  }
0xf4: {  	vm1 =	veq.s32 v12, v2  }
0xf5: {  	v12 =	vnsel vm1, $0x80000000, v9  }
0xf6: {  	(xrf0) =	vmax.scan.msk.u32 $0xffff, v12;
	v11 =	vmul.f32 v11, v13  }
0xf7: {  	s23 =	sor.u32 $0x450, s6  }
0xf8: {  	[tilespmem:s23+$0x0] =	vst.add.f32.msk $0xffff, v11  }
0xf9: {  	v11 =	vld [tilespmem:s2+$0x460];
	_ =	sdelay $0x2  }
0xfa: {  	v12, _, _ =	vpop (xrf0)  }
0xfb: {  	(v2sf) =	vpush v12, $0xF  }
0xfc: {  	v11 =	vmul.f32 v11, v13  }
0xfd: {  	v14 =	vnsel vm1, $0x0, v10;
	s25 =	sor.u32 $0x460, s6  }
0xfe: {  	(xrf0) =	vmax.scan.msk.f32 $0xffff, v14;
	[tilespmem:s25+$0x0] =	vst.add.f32.msk $0xffff, v11  }
0xff: {  	v11 =	vld [tilespmem:s2+$0x470];
	_ =	sdelay $0x3  }
0x100: {  	s6 =	sor.u32 $0x470, s6;
	s11 =	simm.s32 $0x80;
	s25 =	simm.s32 $0x100  }
0x101: {  	v12, _, _ =	vpop (xrf0);
	s24 =	sand.u32 $0x380, s11;
	s2 =	simm.s32 $0x2;
	s7 =	sand.u32 $0x800, s25;
	v11 =	vmul.f32 v11, v13  }
.LBB2_9:
0x102: {  	p0 =	sne.s32 s2, $0xF  }
0x103: {  	s7 =	sor.u32 s24, s7;
	[tilespmem:s6+$0x0] =	vst.add.f32.msk $0xffff, v11;
	s6 =	smov.u32 s2;
	s2 =	sadd.s32 $0x1, s2  }
0x104: {  	v13 =	vld [tilespmem:s7+$0x18600];
	_ =	sdelay $0x2  }
0x105: {  	v11 =	vbroadcast v12, $0xF;
	s23 =	spop (v2sf)  }
0x106: {  	s24 =	sshll.u32 s23, $0x8;
	s23 =	sshll.u32 s23, $0x7  }
0x107: {  	v12 =	vmul.f32 v13, v11;
	s24 =	sand.u32 $0xFFFFF800, s24;
	s23 =	sand.u32 $0x380, s23  }
0x108: {  	s23 =	sor.u32 s23, s24  }
0x109: {  	s24 =	sadd.s32 $0x18600, s7;
	[tilespmem:s23+$0x0] =	vst.add.f32.msk $0xffff, v12  }
0x10a: {  	v12 =	vld [tilespmem:s24+$0x10];
	_ =	sdelay $0x4  }
0x10b: {  	v12 =	vmul.f32 v12, v11  }
0x10c: {  	s7 =	sor.u32 $0x10, s23  }
0x10d: {  	[tilespmem:s7+$0x0] =	vst.add.f32.msk $0xffff, v12  }
0x10e: {  	v12 =	vld [tilespmem:s24+$0x20];
	_ =	sdelay $0x4  }
0x10f: {  	v12 =	vmul.f32 v12, v11  }
0x110: {  	s7 =	sor.u32 $0x20, s23  }
0x111: {  	[tilespmem:s7+$0x0] =	vst.add.f32.msk $0xffff, v12  }
0x112: {  	v12 =	vld [tilespmem:s24+$0x30];
	_ =	sdelay $0x4  }
0x113: {  	v12 =	vmul.f32 v12, v11  }
0x114: {  	s7 =	sor.u32 $0x30, s23  }
0x115: {  	[tilespmem:s7+$0x0] =	vst.add.f32.msk $0xffff, v12  }
0x116: {  	v12 =	vld [tilespmem:s24+$0x40];
	_ =	sdelay $0x4  }
0x117: {  	v12 =	vmul.f32 v12, v11  }
0x118: {  	s7 =	sor.u32 $0x40, s23  }
0x119: {  	[tilespmem:s7+$0x0] =	vst.add.f32.msk $0xffff, v12  }
0x11a: {  	v12 =	vld [tilespmem:s24+$0x50];
	_ =	sdelay $0x4  }
0x11b: {  	v12 =	vmul.f32 v12, v11  }
0x11c: {  	s7 =	sor.u32 $0x50, s23  }
0x11d: {  	[tilespmem:s7+$0x0] =	vst.add.f32.msk $0xffff, v12  }
0x11e: {  	v12 =	vld [tilespmem:s24+$0x60];
	_ =	sdelay $0x4  }
0x11f: {  	v12 =	vmul.f32 v12, v11  }
0x120: {  	s7 =	sor.u32 $0x60, s23  }
0x121: {  	[tilespmem:s7+$0x0] =	vst.add.f32.msk $0xffff, v12  }
0x122: {  	v12 =	vld [tilespmem:s24+$0x70];
	_ =	sdelay $0x4  }
0x123: {  	v12 =	vmul.f32 v12, v11  }
0x124: {  	s7 =	sor.u32 $0x70, s23  }
0x125: {  	[tilespmem:s7+$0x0] =	vst.add.f32.msk $0xffff, v12  }
0x126: {  	v12 =	vld [tilespmem:s24+$0x400];
	_ =	sdelay $0x4  }
0x127: {  	v12 =	vmul.f32 v12, v11  }
0x128: {  	s7 =	sor.u32 $0x400, s23  }
0x129: {  	[tilespmem:s7+$0x0] =	vst.add.f32.msk $0xffff, v12  }
0x12a: {  	v12 =	vld [tilespmem:s24+$0x410];
	_ =	sdelay $0x4  }
0x12b: {  	v12 =	vmul.f32 v12, v11  }
0x12c: {  	s7 =	sor.u32 $0x410, s23  }
0x12d: {  	[tilespmem:s7+$0x0] =	vst.add.f32.msk $0xffff, v12  }
0x12e: {  	v12 =	vld [tilespmem:s24+$0x420];
	_ =	sdelay $0x4  }
0x12f: {  	v12 =	vmul.f32 v12, v11  }
0x130: {  	s7 =	sor.u32 $0x420, s23  }
0x131: {  	[tilespmem:s7+$0x0] =	vst.add.f32.msk $0xffff, v12  }
0x132: {  	v12 =	vld [tilespmem:s24+$0x430];
	_ =	sdelay $0x4  }
0x133: {  	v12 =	vmul.f32 v12, v11  }
0x134: {  	s7 =	sor.u32 $0x430, s23  }
0x135: {  	[tilespmem:s7+$0x0] =	vst.add.f32.msk $0xffff, v12  }
0x136: {  	v12 =	vld [tilespmem:s24+$0x440];
	_ =	sdelay $0x4  }
0x137: {  	v12 =	vmul.f32 v12, v11  }
0x138: {  	s7 =	sor.u32 $0x440, s23  }
0x139: {  	[tilespmem:s7+$0x0] =	vst.add.f32.msk $0xffff, v12  }
0x13a: {  	v12 =	vld [tilespmem:s24+$0x450];
	_ =	sdelay $0x1  }
0x13b: {  	v13 =	vmov s6  }
0x13c: {  	vm1 =	veq.s32 v13, v2  }
0x13d: {  	v13 =	vnsel vm1, $0x80000000, v9;
	v14 =	vnsel vm1, $0x0, v10  }
0x13e: {  	(xrf0) =	vmax.scan.msk.u32 $0xffff, v13;
	v12 =	vmul.f32 v12, v11  }
0x13f: {  	s6 =	sor.u32 $0x450, s23;
	(xrf0) =	vmax.scan.msk.f32 $0xffff, v14  }
0x140: {  	[tilespmem:s6+$0x0] =	vst.add.f32.msk $0xffff, v12  }
0x141: {  	v13 =	vld [tilespmem:s24+$0x460];
	_ =	sdelay $0x2  }
0x142: {  	v12, _, _ =	vpop (xrf0)  }
0x143: {  	(v2sf) =	vpush v12, $0xF;
	v12, _, _ =	vpop (xrf0)  }
0x144: {  	v13 =	vmul.f32 v13, v11  }
0x145: {  	s6 =	sor.u32 $0x460, s23  }
0x146: {  	[tilespmem:s6+$0x0] =	vst.add.f32.msk $0xffff, v13  }
0x147: {  	v13 =	vld [tilespmem:s24+$0x470];
	_ =	sdelay $0x1  }
.Ltmp9:
0x148: {  	(pc) =	sbr.rel @p0 .LBB2_9-.Ltmp9, $3  }
0x149: {  	_ =	sdelay $0x1  }
0x14a: {  	s11 =	sadd.s32 $0x80, s11;
	s25 =	sadd.s32 $0x100, s25;
	v11 =	vmul.f32 v13, v11  }
0x14b: {  	s7 =	sand.u32 $0x800, s25;
	s6 =	sor.u32 $0x470, s23;
	s24 =	sand.u32 $0x380, s11  }
0x14c: {  	s2 =	sor.u32 s24, s7;
	[tilespmem:s6+$0x0] =	vst.add.f32.msk $0xffff, v11  }
0x14d: {  	v9 =	vld [tilespmem:s2+$0x18600];
	_ =	sdelay $0x2  }
0x14e: {  	v10 =	vbroadcast v12, $0xF;
	s11 =	spop (v2sf)  }
0x14f: {  	s23 =	sshll.u32 s11, $0x8;
	s6 =	sshll.u32 s11, $0x7  }
0x150: {  	v9 =	vmul.f32 v9, v10;
	s7 =	sand.u32 $0xFFFFF800, s23;
	s6 =	sand.u32 $0x380, s6  }
0x151: {  	s6 =	sor.u32 s6, s7  }
0x152: {  	s2 =	sadd.s32 $0x18600, s2;
	[tilespmem:s6+$0x0] =	vst.add.f32.msk $0xffff, v9  }
0x153: {  	v9 =	vld [tilespmem:s2+$0x10];
	_ =	sdelay $0x4  }
0x154: {  	v9 =	vmul.f32 v9, v10  }
0x155: {  	s7 =	sor.u32 $0x10, s6  }
0x156: {  	[tilespmem:s7+$0x0] =	vst.add.f32.msk $0xffff, v9  }
0x157: {  	v9 =	vld [tilespmem:s2+$0x20];
	_ =	sdelay $0x4  }
0x158: {  	v9 =	vmul.f32 v9, v10  }
0x159: {  	s24 =	sor.u32 $0x20, s6  }
0x15a: {  	[tilespmem:s24+$0x0] =	vst.add.f32.msk $0xffff, v9  }
0x15b: {  	v9 =	vld [tilespmem:s2+$0x30];
	_ =	sdelay $0x4  }
0x15c: {  	v9 =	vmul.f32 v9, v10  }
0x15d: {  	s25 =	sor.u32 $0x30, s6  }
0x15e: {  	[tilespmem:s25+$0x0] =	vst.add.f32.msk $0xffff, v9  }
0x15f: {  	v9 =	vld [tilespmem:s2+$0x40];
	_ =	sdelay $0x4  }
0x160: {  	v9 =	vmul.f32 v9, v10  }
0x161: {  	s10 =	sor.u32 $0x40, s6  }
0x162: {  	[tilespmem:s10+$0x0] =	vst.add.f32.msk $0xffff, v9  }
0x163: {  	v9 =	vld [tilespmem:s2+$0x50];
	_ =	sdelay $0x4  }
0x164: {  	v9 =	vmul.f32 v9, v10  }
0x165: {  	s11 =	sor.u32 $0x50, s6  }
0x166: {  	[tilespmem:s11+$0x0] =	vst.add.f32.msk $0xffff, v9  }
0x167: {  	v9 =	vld [tilespmem:s2+$0x60];
	_ =	sdelay $0x4  }
0x168: {  	v9 =	vmul.f32 v9, v10  }
0x169: {  	s23 =	sor.u32 $0x60, s6  }
0x16a: {  	[tilespmem:s23+$0x0] =	vst.add.f32.msk $0xffff, v9  }
0x16b: {  	v9 =	vld [tilespmem:s2+$0x70];
	_ =	sdelay $0x4  }
0x16c: {  	v9 =	vmul.f32 v9, v10  }
0x16d: {  	s24 =	sor.u32 $0x70, s6  }
0x16e: {  	[tilespmem:s24+$0x0] =	vst.add.f32.msk $0xffff, v9  }
0x16f: {  	v9 =	vld [tilespmem:s2+$0x400];
	_ =	sdelay $0x4  }
0x170: {  	v9 =	vmul.f32 v9, v10  }
0x171: {  	s25 =	sor.u32 $0x400, s6  }
0x172: {  	[tilespmem:s25+$0x0] =	vst.add.f32.msk $0xffff, v9  }
0x173: {  	v9 =	vld [tilespmem:s2+$0x410];
	_ =	sdelay $0x4  }
0x174: {  	v9 =	vmul.f32 v9, v10  }
0x175: {  	s10 =	sor.u32 $0x410, s6  }
0x176: {  	[tilespmem:s10+$0x0] =	vst.add.f32.msk $0xffff, v9  }
0x177: {  	v9 =	vld [tilespmem:s2+$0x420];
	_ =	sdelay $0x4  }
0x178: {  	v9 =	vmul.f32 v9, v10  }
0x179: {  	s11 =	sor.u32 $0x420, s6  }
0x17a: {  	[tilespmem:s11+$0x0] =	vst.add.f32.msk $0xffff, v9  }
0x17b: {  	v9 =	vld [tilespmem:s2+$0x430];
	_ =	sdelay $0x4  }
0x17c: {  	v9 =	vmul.f32 v9, v10  }
0x17d: {  	s23 =	sor.u32 $0x430, s6  }
0x17e: {  	[tilespmem:s23+$0x0] =	vst.add.f32.msk $0xffff, v9  }
0x17f: {  	v9 =	vld [tilespmem:s2+$0x440];
	_ =	sdelay $0x4  }
0x180: {  	v9 =	vmul.f32 v9, v10  }
0x181: {  	s24 =	sor.u32 $0x440, s6  }
0x182: {  	[tilespmem:s24+$0x0] =	vst.add.f32.msk $0xffff, v9  }
0x183: {  	v9 =	vld [tilespmem:s2+$0x450];
	_ =	sdelay $0x4  }
0x184: {  	v9 =	vmul.f32 v9, v10  }
0x185: {  	s25 =	sor.u32 $0x450, s6  }
0x186: {  	[tilespmem:s25+$0x0] =	vst.add.f32.msk $0xffff, v9  }
0x187: {  	v9 =	vld [tilespmem:s2+$0x460];
	_ =	sdelay $0x4  }
0x188: {  	v9 =	vmul.f32 v9, v10  }
0x189: {  	s10 =	sor.u32 $0x460, s6  }
0x18a: {  	[tilespmem:s10+$0x0] =	vst.add.f32.msk $0xffff, v9  }
0x18b: {  	v9 =	vld [tilespmem:s2+$0x470];
	_ =	sdelay $0x4  }
0x18c: {  	v9 =	vmul.f32 v9, v10  }
0x18d: {  	s11 =	sor.u32 $0x470, s6  }
0x18e: {  	[tilespmem:s11+$0x0] =	vst.add.f32.msk $0xffff, v9  }
0x18f: {  	v9 =	vld.idx.msk [tilespmem:v8+s21+$0x0], $0xffff;
	_ =	sdelay $0x2  }
0x190: {  	s2 =	simm.s32 $0x0  }
0x191: {  	v10 =	vmov s2  }
0x192: {  	vm1 =	veq.s32 v10, v2;
	v9 =	vxor.u32 $0x80000000, v9  }
0x193: {  	v10 =	vnsel vm1, $0x80000000, v9  }
0x194: {  	(xrf0) =	vmax.scan.msk.u32 $0xffff, v10;
	_ =	sdelay $0x5  }
0x195: {  	v10, _, _ =	vpop (xrf0)  }
0x196: {  	(v2sf) =	vpush v10, $0xF;
	_ =	sdelay $0x1  }
0x197: {  	v8 =	vld.idx.msk [tilespmem:v8+s22+$0x0], $0xffff;
	_ =	sdelay $0x4  }
0x198: {  	v10 =	vnsel vm1, $0x0, v8  }
0x199: {  	(xrf0) =	vmax.scan.msk.f32 $0xffff, v10  }
0x19a: {  	s7 =	sand.u32 $0x800, s2;
	s23 =	sand.u32 $0x380, s2  }
0x19b: {  	s6 =	sor.u32 s23, s7  }
0x19c: {  	s11 =	sadd.s32 $0x18600, s6  }
0x19d: {  	v10 =	vld [tilespmem:s11+$0x1000];
	_ =	sdelay $0x1  }
0x19e: {  	v11, _, _ =	vpop (xrf0)  }
0x19f: {  	v63 =	vbroadcast v11, $0xF;
	s24 =	spop (v2sf)  }
0x1a0: {  	s23 =	sshll.u32 s24, $0x8;
	s6 =	sshll.u32 s24, $0x7  }
0x1a1: {  	v10 =	vmul.f32 v10, v63;
	s23 =	sand.u32 $0xFFFFF800, s23;
	s6 =	sand.u32 $0x380, s6  }
0x1a2: {  	s6 =	sor.u32 s6, s23  }
0x1a3: {  	[tilespmem:s6+$0x0] =	vst.add.f32.msk $0xffff, v10  }
0x1a4: {  	v10 =	vld [tilespmem:s11+$0x1010];
	_ =	sdelay $0x4  }
0x1a5: {  	v10 =	vmul.f32 v10, v63  }
0x1a6: {  	s23 =	sor.u32 $0x10, s6  }
0x1a7: {  	[tilespmem:s23+$0x0] =	vst.add.f32.msk $0xffff, v10  }
0x1a8: {  	v10 =	vld [tilespmem:s11+$0x1020];
	_ =	sdelay $0x4  }
0x1a9: {  	v10 =	vmul.f32 v10, v63  }
0x1aa: {  	s25 =	sor.u32 $0x20, s6  }
0x1ab: {  	[tilespmem:s25+$0x0] =	vst.add.f32.msk $0xffff, v10  }
0x1ac: {  	v10 =	vld [tilespmem:s11+$0x1030];
	_ =	sdelay $0x4  }
0x1ad: {  	v10 =	vmul.f32 v10, v63  }
0x1ae: {  	s10 =	sor.u32 $0x30, s6  }
0x1af: {  	[tilespmem:s10+$0x0] =	vst.add.f32.msk $0xffff, v10  }
0x1b0: {  	v10 =	vld [tilespmem:s11+$0x1040];
	_ =	sdelay $0x4  }
0x1b1: {  	v10 =	vmul.f32 v10, v63  }
0x1b2: {  	s24 =	sor.u32 $0x40, s6  }
0x1b3: {  	[tilespmem:s24+$0x0] =	vst.add.f32.msk $0xffff, v10  }
0x1b4: {  	v10 =	vld [tilespmem:s11+$0x1050];
	_ =	sdelay $0x4  }
0x1b5: {  	v10 =	vmul.f32 v10, v63  }
0x1b6: {  	s25 =	sor.u32 $0x50, s6  }
0x1b7: {  	[tilespmem:s25+$0x0] =	vst.add.f32.msk $0xffff, v10  }
0x1b8: {  	v10 =	vld [tilespmem:s11+$0x1060];
	_ =	sdelay $0x4  }
0x1b9: {  	v10 =	vmul.f32 v10, v63  }
0x1ba: {  	s10 =	sor.u32 $0x60, s6  }
0x1bb: {  	[tilespmem:s10+$0x0] =	vst.add.f32.msk $0xffff, v10  }
0x1bc: {  	v10 =	vld [tilespmem:s11+$0x1070];
	_ =	sdelay $0x4  }
0x1bd: {  	v10 =	vmul.f32 v10, v63  }
0x1be: {  	s2 =	sor.u32 s7, s2;
	s11 =	sor.u32 $0x70, s6  }
0x1bf: {  	s2 =	sor.u32 $0x1400, s2;
	[tilespmem:s11+$0x0] =	vst.add.f32.msk $0xffff, v10  }
0x1c0: {  	v10 =	vld [tilespmem:s2+$0x18600];
	_ =	sdelay $0x4  }
0x1c1: {  	v10 =	vmul.f32 v10, v63  }
0x1c2: {  	s23 =	sor.u32 $0x400, s6  }
0x1c3: {  	[tilespmem:s23+$0x0] =	vst.add.f32.msk $0xffff, v10  }
0x1c4: {  	v10 =	vld [tilespmem:s2+$0x18610];
	_ =	sdelay $0x4  }
0x1c5: {  	v10 =	vmul.f32 v10, v63  }
0x1c6: {  	s24 =	sor.u32 $0x410, s6  }
0x1c7: {  	[tilespmem:s24+$0x0] =	vst.add.f32.msk $0xffff, v10  }
0x1c8: {  	v10 =	vld [tilespmem:s2+$0x18620];
	_ =	sdelay $0x4  }
0x1c9: {  	v10 =	vmul.f32 v10, v63  }
0x1ca: {  	s25 =	sor.u32 $0x420, s6  }
0x1cb: {  	[tilespmem:s25+$0x0] =	vst.add.f32.msk $0xffff, v10  }
0x1cc: {  	v10 =	vld [tilespmem:s2+$0x18630];
	_ =	sdelay $0x4  }
0x1cd: {  	v10 =	vmul.f32 v10, v63  }
0x1ce: {  	s10 =	sor.u32 $0x430, s6  }
0x1cf: {  	[tilespmem:s10+$0x0] =	vst.add.f32.msk $0xffff, v10  }
0x1d0: {  	v10 =	vld [tilespmem:s2+$0x18640];
	_ =	sdelay $0x4  }
0x1d1: {  	v10 =	vmul.f32 v10, v63  }
0x1d2: {  	s11 =	sor.u32 $0x440, s6  }
0x1d3: {  	[tilespmem:s11+$0x0] =	vst.add.f32.msk $0xffff, v10  }
0x1d4: {  	v10 =	vld [tilespmem:s2+$0x18650]  }
0x1d5: {  	s24 =	simm.s32 $0x1  }
0x1d6: {  	v11 =	vmov s24  }
0x1d7: {  	vm1 =	veq.s32 v11, v2  }
0x1d8: {  	v11 =	vnsel vm1, $0x80000000, v9  }
0x1d9: {  	(xrf0) =	vmax.scan.msk.u32 $0xffff, v11;
	v10 =	vmul.f32 v10, v63  }
0x1da: {  	s23 =	sor.u32 $0x450, s6  }
0x1db: {  	[tilespmem:s23+$0x0] =	vst.add.f32.msk $0xffff, v10  }
0x1dc: {  	v10 =	vld [tilespmem:s2+$0x18660];
	_ =	sdelay $0x2  }
0x1dd: {  	v11, _, _ =	vpop (xrf0)  }
0x1de: {  	(v2sf) =	vpush v11, $0xF  }
0x1df: {  	v10 =	vmul.f32 v10, v63  }
0x1e0: {  	v13 =	vnsel vm1, $0x0, v8;
	s25 =	sor.u32 $0x460, s6  }
0x1e1: {  	(xrf0) =	vmax.scan.msk.f32 $0xffff, v13;
	[tilespmem:s25+$0x0] =	vst.add.f32.msk $0xffff, v10  }
0x1e2: {  	v10 =	vld [tilespmem:s2+$0x18670];
	_ =	sdelay $0x2  }
0x1e3: {  	s11 =	simm.s32 $0x80;
	s25 =	simm.s32 $0x100  }
0x1e4: {  	s6 =	sor.u32 $0x470, s6;
	s24 =	sand.u32 $0x380, s11;
	s10 =	sand.u32 $0x800, s25  }
0x1e5: {  	v11, _, _ =	vpop (xrf0);
	s2 =	simm.s32 $0x2;
	s7 =	sor.u32 s24, s10;
	s24 =	sor.u32 s10, s11;
	v10 =	vmul.f32 v10, v63  }
.LBB2_11:
0x1e6: {  	p0 =	sne.s32 s2, $0xF  }
0x1e7: {  	s7 =	sadd.s32 $0x18600, s7;
	[tilespmem:s6+$0x0] =	vst.add.f32.msk $0xffff, v10;
	s6 =	smov.u32 s2;
	s2 =	sadd.s32 $0x1, s2  }
0x1e8: {  	v12 =	vld [tilespmem:s7+$0x1000];
	_ =	sdelay $0x2  }
0x1e9: {  	v10 =	vbroadcast v11, $0xF;
	s23 =	spop (v2sf)  }
0x1ea: {  	s10 =	sshll.u32 s23, $0x8;
	s23 =	sshll.u32 s23, $0x7  }
0x1eb: {  	v11 =	vmul.f32 v12, v10;
	s10 =	sand.u32 $0xFFFFF800, s10;
	s23 =	sand.u32 $0x380, s23  }
0x1ec: {  	s23 =	sor.u32 s23, s10  }
0x1ed: {  	[tilespmem:s23+$0x0] =	vst.add.f32.msk $0xffff, v11  }
0x1ee: {  	v11 =	vld [tilespmem:s7+$0x1010];
	_ =	sdelay $0x4  }
0x1ef: {  	v11 =	vmul.f32 v11, v10  }
0x1f0: {  	s10 =	sor.u32 $0x10, s23  }
0x1f1: {  	[tilespmem:s10+$0x0] =	vst.add.f32.msk $0xffff, v11  }
0x1f2: {  	v11 =	vld [tilespmem:s7+$0x1020];
	_ =	sdelay $0x4  }
0x1f3: {  	v11 =	vmul.f32 v11, v10  }
0x1f4: {  	s10 =	sor.u32 $0x20, s23  }
0x1f5: {  	[tilespmem:s10+$0x0] =	vst.add.f32.msk $0xffff, v11  }
0x1f6: {  	v11 =	vld [tilespmem:s7+$0x1030];
	_ =	sdelay $0x4  }
0x1f7: {  	v11 =	vmul.f32 v11, v10  }
0x1f8: {  	s10 =	sor.u32 $0x30, s23  }
0x1f9: {  	[tilespmem:s10+$0x0] =	vst.add.f32.msk $0xffff, v11  }
0x1fa: {  	v11 =	vld [tilespmem:s7+$0x1040];
	_ =	sdelay $0x4  }
0x1fb: {  	v11 =	vmul.f32 v11, v10  }
0x1fc: {  	s10 =	sor.u32 $0x40, s23  }
0x1fd: {  	[tilespmem:s10+$0x0] =	vst.add.f32.msk $0xffff, v11  }
0x1fe: {  	v11 =	vld [tilespmem:s7+$0x1050];
	_ =	sdelay $0x4  }
0x1ff: {  	v11 =	vmul.f32 v11, v10  }
0x200: {  	s10 =	sor.u32 $0x50, s23  }
0x201: {  	[tilespmem:s10+$0x0] =	vst.add.f32.msk $0xffff, v11  }
0x202: {  	v11 =	vld [tilespmem:s7+$0x1060];
	_ =	sdelay $0x4  }
0x203: {  	v11 =	vmul.f32 v11, v10  }
0x204: {  	s10 =	sor.u32 $0x60, s23  }
0x205: {  	[tilespmem:s10+$0x0] =	vst.add.f32.msk $0xffff, v11  }
0x206: {  	v11 =	vld [tilespmem:s7+$0x1070];
	_ =	sdelay $0x4  }
0x207: {  	v11 =	vmul.f32 v11, v10  }
0x208: {  	s7 =	sor.u32 $0x70, s23  }
0x209: {  	[tilespmem:s7+$0x0] =	vst.add.f32.msk $0xffff, v11;
	s7 =	sor.u32 $0x1400, s24  }
0x20a: {  	v11 =	vld [tilespmem:s7+$0x18600];
	_ =	sdelay $0x4  }
0x20b: {  	v11 =	vmul.f32 v11, v10  }
0x20c: {  	s10 =	sor.u32 $0x400, s23  }
0x20d: {  	[tilespmem:s10+$0x0] =	vst.add.f32.msk $0xffff, v11  }
0x20e: {  	v11 =	vld [tilespmem:s7+$0x18610];
	_ =	sdelay $0x4  }
0x20f: {  	v11 =	vmul.f32 v11, v10  }
0x210: {  	s10 =	sor.u32 $0x410, s23  }
0x211: {  	[tilespmem:s10+$0x0] =	vst.add.f32.msk $0xffff, v11  }
0x212: {  	v11 =	vld [tilespmem:s7+$0x18620];
	_ =	sdelay $0x4  }
0x213: {  	v11 =	vmul.f32 v11, v10  }
0x214: {  	s10 =	sor.u32 $0x420, s23  }
0x215: {  	[tilespmem:s10+$0x0] =	vst.add.f32.msk $0xffff, v11  }
0x216: {  	v11 =	vld [tilespmem:s7+$0x18630];
	_ =	sdelay $0x4  }
0x217: {  	v11 =	vmul.f32 v11, v10  }
0x218: {  	s10 =	sor.u32 $0x430, s23  }
0x219: {  	[tilespmem:s10+$0x0] =	vst.add.f32.msk $0xffff, v11  }
0x21a: {  	v11 =	vld [tilespmem:s7+$0x18640];
	_ =	sdelay $0x4  }
0x21b: {  	v11 =	vmul.f32 v11, v10  }
0x21c: {  	s10 =	sor.u32 $0x440, s23  }
0x21d: {  	[tilespmem:s10+$0x0] =	vst.add.f32.msk $0xffff, v11  }
0x21e: {  	v11 =	vld [tilespmem:s7+$0x18650];
	_ =	sdelay $0x1  }
0x21f: {  	v12 =	vmov s6  }
0x220: {  	vm1 =	veq.s32 v12, v2  }
0x221: {  	v12 =	vnsel vm1, $0x80000000, v9;
	v13 =	vnsel vm1, $0x0, v8  }
0x222: {  	(xrf0) =	vmax.scan.msk.u32 $0xffff, v12;
	v11 =	vmul.f32 v11, v10  }
0x223: {  	s6 =	sor.u32 $0x450, s23;
	(xrf0) =	vmax.scan.msk.f32 $0xffff, v13  }
0x224: {  	[tilespmem:s6+$0x0] =	vst.add.f32.msk $0xffff, v11  }
0x225: {  	v12 =	vld [tilespmem:s7+$0x18660];
	_ =	sdelay $0x2  }
0x226: {  	v11, _, _ =	vpop (xrf0)  }
0x227: {  	(v2sf) =	vpush v11, $0xF;
	v11, _, _ =	vpop (xrf0)  }
0x228: {  	v12 =	vmul.f32 v12, v10  }
0x229: {  	s6 =	sor.u32 $0x460, s23  }
0x22a: {  	[tilespmem:s6+$0x0] =	vst.add.f32.msk $0xffff, v12  }
0x22b: {  	v12 =	vld [tilespmem:s7+$0x18670];
	_ =	sdelay $0x1  }
.Ltmp10:
0x22c: {  	(pc) =	sbr.rel @p0 .LBB2_11-.Ltmp10, $4  }
0x22d: {  	_ = 	snop  }
0x22e: {  	s11 =	sadd.s32 $0x80, s11;
	s25 =	sadd.s32 $0x100, s25  }
0x22f: {  	s6 =	sand.u32 $0x800, s25;
	s7 =	sand.u32 $0x380, s11;
	v10 =	vmul.f32 v12, v10  }
0x230: {  	s24 =	sor.u32 s6, s11;
	s7 =	sor.u32 s7, s6;
	s6 =	sor.u32 $0x470, s23  }
0x231: {  	s2 =	sadd.s32 $0x18600, s7;
	[tilespmem:s6+$0x0] =	vst.add.f32.msk $0xffff, v10  }
0x232: {  	v8 =	vld [tilespmem:s2+$0x1000];
	_ =	sdelay $0x2  }
0x233: {  	v9 =	vbroadcast v11, $0xF;
	s23 =	spop (v2sf)  }
0x234: {  	s25 =	sshll.u32 s23, $0x8;
	s6 =	sshll.u32 s23, $0x7  }
0x235: {  	v8 =	vmul.f32 v8, v9;
	s7 =	sand.u32 $0xFFFFF800, s25;
	s6 =	sand.u32 $0x380, s6  }
0x236: {  	s6 =	sor.u32 s6, s7  }
0x237: {  	[tilespmem:s6+$0x0] =	vst.add.f32.msk $0xffff, v8  }
0x238: {  	v8 =	vld [tilespmem:s2+$0x1010];
	_ =	sdelay $0x4  }
0x239: {  	v8 =	vmul.f32 v8, v9  }
0x23a: {  	s7 =	sor.u32 $0x10, s6  }
0x23b: {  	[tilespmem:s7+$0x0] =	vst.add.f32.msk $0xffff, v8  }
0x23c: {  	v8 =	vld [tilespmem:s2+$0x1020];
	_ =	sdelay $0x4  }
0x23d: {  	v8 =	vmul.f32 v8, v9  }
0x23e: {  	s10 =	sor.u32 $0x20, s6  }
0x23f: {  	[tilespmem:s10+$0x0] =	vst.add.f32.msk $0xffff, v8  }
0x240: {  	v8 =	vld [tilespmem:s2+$0x1030];
	_ =	sdelay $0x4  }
0x241: {  	v8 =	vmul.f32 v8, v9  }
0x242: {  	s11 =	sor.u32 $0x30, s6  }
0x243: {  	[tilespmem:s11+$0x0] =	vst.add.f32.msk $0xffff, v8  }
0x244: {  	v8 =	vld [tilespmem:s2+$0x1040];
	_ =	sdelay $0x4  }
0x245: {  	v8 =	vmul.f32 v8, v9  }
0x246: {  	s23 =	sor.u32 $0x40, s6  }
0x247: {  	[tilespmem:s23+$0x0] =	vst.add.f32.msk $0xffff, v8  }
0x248: {  	v8 =	vld [tilespmem:s2+$0x1050];
	_ =	sdelay $0x4  }
0x249: {  	v8 =	vmul.f32 v8, v9  }
0x24a: {  	s25 =	sor.u32 $0x50, s6  }
0x24b: {  	[tilespmem:s25+$0x0] =	vst.add.f32.msk $0xffff, v8  }
0x24c: {  	v8 =	vld [tilespmem:s2+$0x1060];
	_ =	sdelay $0x4  }
0x24d: {  	v8 =	vmul.f32 v8, v9  }
0x24e: {  	s10 =	sor.u32 $0x60, s6  }
0x24f: {  	[tilespmem:s10+$0x0] =	vst.add.f32.msk $0xffff, v8  }
0x250: {  	v8 =	vld [tilespmem:s2+$0x1070];
	_ =	sdelay $0x4  }
0x251: {  	v8 =	vmul.f32 v8, v9  }
0x252: {  	s11 =	sor.u32 $0x70, s6  }
0x253: {  	s2 =	sor.u32 $0x1400, s24;
	[tilespmem:s11+$0x0] =	vst.add.f32.msk $0xffff, v8  }
0x254: {  	v8 =	vld [tilespmem:s2+$0x18600];
	_ =	sdelay $0x4  }
0x255: {  	v8 =	vmul.f32 v8, v9  }
0x256: {  	s23 =	sor.u32 $0x400, s6  }
0x257: {  	[tilespmem:s23+$0x0] =	vst.add.f32.msk $0xffff, v8  }
0x258: {  	v8 =	vld [tilespmem:s2+$0x18610];
	_ =	sdelay $0x4  }
0x259: {  	v8 =	vmul.f32 v8, v9  }
0x25a: {  	s24 =	sor.u32 $0x410, s6  }
0x25b: {  	[tilespmem:s24+$0x0] =	vst.add.f32.msk $0xffff, v8  }
0x25c: {  	v8 =	vld [tilespmem:s2+$0x18620];
	_ =	sdelay $0x4  }
0x25d: {  	v8 =	vmul.f32 v8, v9  }
0x25e: {  	s25 =	sor.u32 $0x420, s6  }
0x25f: {  	[tilespmem:s25+$0x0] =	vst.add.f32.msk $0xffff, v8  }
0x260: {  	v8 =	vld [tilespmem:s2+$0x18630];
	_ =	sdelay $0x4  }
0x261: {  	v8 =	vmul.f32 v8, v9  }
0x262: {  	s10 =	sor.u32 $0x430, s6  }
0x263: {  	[tilespmem:s10+$0x0] =	vst.add.f32.msk $0xffff, v8  }
0x264: {  	v8 =	vld [tilespmem:s2+$0x18640];
	_ =	sdelay $0x4  }
0x265: {  	v8 =	vmul.f32 v8, v9  }
0x266: {  	s11 =	sor.u32 $0x440, s6  }
0x267: {  	[tilespmem:s11+$0x0] =	vst.add.f32.msk $0xffff, v8  }
0x268: {  	v8 =	vld [tilespmem:s2+$0x18650];
	_ =	sdelay $0x4  }
0x269: {  	v8 =	vmul.f32 v8, v9  }
0x26a: {  	s23 =	sor.u32 $0x450, s6  }
0x26b: {  	[tilespmem:s23+$0x0] =	vst.add.f32.msk $0xffff, v8  }
0x26c: {  	v8 =	vld [tilespmem:s2+$0x18660];
	_ =	sdelay $0x4  }
0x26d: {  	v8 =	vmul.f32 v8, v9  }
0x26e: {  	s24 =	sor.u32 $0x460, s6  }
0x26f: {  	[tilespmem:s24+$0x0] =	vst.add.f32.msk $0xffff, v8  }
0x270: {  	v8 =	vld [tilespmem:s2+$0x18670]  }
0x271: {  	s1 =	sadd.s32 $0x1, s1  }
0x272: {  	p0 =	sne.s32 s1, s31  }
.Ltmp11:
0x273: {  	_ = 	snop;
	(pc) =	sbr.rel @p0 .LBB2_8-.Ltmp11, $4  }
.Ltmp12:
0x274: {  	_ = 	snop;
	(pc) =	sbr.rel @!p0 .LBB2_13-.Ltmp12, $4  }
0x275: {  	v8 =	vmul.f32 v8, v9  }
0x276: {  	s25 =	sor.u32 $0x470, s6  }
0x277: {  	[tilespmem:s25+$0x0] =	vst.add.f32.msk $0xffff, v8  }
0x278: {  	_ = 	snop  }
.LBB2_16:
0x279: {  	_ =	sfence.sel $0x180000  }
0x27a: {  	[bflag:$0x0] =	sbarrier.arrive $0xFFFF  }
0x27b: {  	_ =	strace $0x9000004A  }
0x27c: {  	s0 =	stileid.u32;
	[bflag:$0x2] =	sbarrier.arrive $0xFFFF  }
0x27d: {  	p0 =	sne.s32 s0, $0x0;
	s0 =	rddreg [dreg:$0x1]  }
0x27e: {  	s0 =	sadd.s32 @!p0 $0x100000, s0  }
0x27f: {  	[sflag:s0] =	ssyncadd.tile.s32 @!p0 $0x1;
	_ =	shalt  }
.Lfunc_end2:
_tile_overlayer_lowered:
.L_overlay_start_2:
0x280: {  	(tag) =	ssettag $0x2  }
0x281: {  	s0 =	rddreg [dreg:$0x0];
	s2 =	stileid.u32  }
0x282: {  	s1 =	rddreg [dreg:$0x1];
	p0 =	sne.s32 s2, $0x0  }
0x283: {  	s3 =	rddreg [dreg:$0x2];
	[bflag:$0x3] =	sbarrier.arrive $0xFFFF;
	s2 =	simm.s32 @!p0 $0x1C01  }
0x284: {  	[timem:s3], [sflag:s2] =	dma.local @!p0 [hbm:s0], s1  }
0x285: {  	s0 =	simm.s32 @!p0 $0x1  }
0x286: {  	_ =	swait.ge @!p0 [sflag:s0], s1  }
0x287: {  	s1 =	ssub.s32 @!p0 $0x0, s1;
	[sflag:s0] =	ssyncset.done @!p0 $0x0  }
0x288: {  	[sflag:s0] =	ssyncadd.s32 @!p0 s1  }
0x289: {  	[bflag:$0x3] =	sbarrier.arrive $0xFFFF  }
0x28a: {  	_ =	shalt  }

// kernel: kernel.15.cloned.1.call-start
scs
__scs_entry_jumppad:
0x0: {  	(pc) =	sbr.rel $0x88, $3  }
0x1: {  	(tag) =	ssettag $0x0;
	lr =	simm.s32 $0x1  }
0x2: {  	[smem:$0x3F95] =	sst lr;
	_ =	strace $0xD0000000  }
0x3: {  	_ = 	snop  }
0x4: {  	_ = 	snop  }
0x5: {  	_ = 	snop  }
0x6: {  	_ = 	snop  }
0x7: {  	_ = 	snop  }
__scs_overlays_trampoline_lowered:
0x8: {  	[smem:$0x3FA4] =	sst s0  }
0x9: {  	[smem:$0x3FA5] =	sst s1  }
0xa: {  	[smem:$0x3FA6] =	sst s2  }
0xb: {  	[smem:$0x3FA7] =	sst s3  }
0xc: {  	[smem:$0x3FA8] =	sst s4  }
0xd: {  	[smem:$0x3FA9] =	sst s5  }
0xe: {  	[smem:$0x3FAA] =	sst s6  }
0xf: {  	[smem:$0x3FAB] =	sst s7  }
0x10: {  	[smem:$0x3FAC] =	sst s8  }
0x11: {  	[smem:$0x3FAD] =	sst s9;
	s0 =	simm.s32 @!p0 $0x0  }
0x12: {  	s1 =	sld [smem:$0x3F93];
	s0 =	simm.s32 @p0 $0x1  }
0x13: {  	[smem:$0x3FAE] =	sst s0;
	s0 =	simm.s32 @!p1 $0x0  }
0x14: {  	s2 =	sld [smem:$0x3F92];
	s0 =	simm.s32 @p1 $0x1  }
0x15: {  	[smem:$0x3FAF] =	sst s0;
	s0 =	simm.s32 @!p2 $0x0  }
0x16: {  	s3 =	sld [smem:$0x3FDB];
	s0 =	simm.s32 @p2 $0x1  }
0x17: {  	s4 =	simm.s32 $0x1BF5;
	[smem:$0x3FB1] =	sst s0  }
0x18: {  	s0 =	sld [smem:$0x3F94];
	_ =	swait.ge [sflag:s4], $0x0  }
0x19: {  	s7 =	sld [smem:$0x3F95]  }
0x1a: {  	s8 =	sadd.s32 $0xFFFFE003, lr  }
0x1b: {  	s9 =	sadd.s32 $0xFFFFFEF7, lr;
	s5 =	simm.s32 $0xFFFFFFFF;
	p2 =	slt.u32 s8, $0xFFFFF086  }
0x1c: {  	p1 =	slt.u32 s9, $0xF7A;
	s5 =	simm.s32 @!p2 $0x0  }
0x1d: {  	s5 =	simm.s32 @p1 $0x1;
	p0 =	seq.s32 s7, s2  }
0x1e: {  	s7 =	smul.u32 @!p0 $0xF7A, s2;
	p2 =	seq.s32 @!p0 s5, $0x0  }
0x1f: {  	s9 =	smul.u32 $0xF7A, s1;
	s8 =	simm.s32 @!p0 $0x1BF5;
	p2 =	por !p2, p0  }
0x20: {  	[sflag:s8] =	ssyncset.s32 @!p0 $0xFFFFF086;
	s6 =	sadd.s32 @!p0 s3, s7;
	s7 =	simm.s32 @!p0 $0x108  }
0x21: {  	s3 =	sadd.s32 s3, s9;
	s6 =	sadd.s32 @!p0 $0x88, s6;
	s7 =	simm.s32 @p2 $0x1082  }
0x22: {  	[simem:s7], [sflag:s8] =	dma.local @!p0 [hbm:s6], $0xF7A  }
0x23: {  	s9 =	sor.u32 $0xD0000000, s2;
	s6 =	simm.s32 $0x108;
	_ =	swait.ge @!p0 [sflag:s8], $0x0  }
0x24: {  	s3 =	sadd.s32 $0x88, s3;
	s6 =	simm.s32 @!p1 $0x1082;
	[sflag:s4] =	ssyncset.s32 $0xFFFFF086  }
0x25: {  	[simem:s6], [sflag:s4] =	dma.local [hbm:s3], $0xF7A  }
0x26: {  	[smem:$0x3F95] =	sst s1;
	(tag) =	ssettag s2;
	_ =	strace s9  }
0x27: {  	s1 =	sld [smem:$0x3FA5]  }
0x28: {  	s2 =	sld [smem:$0x3FA6]  }
0x29: {  	s4 =	sld [smem:$0x3FA8]  }
0x2a: {  	p0 =	seq.s32 s5, $0x0;
	s5 =	sld [smem:$0x3FA9]  }
0x2b: {  	s6 =	sld [smem:$0x3FAA]  }
0x2c: {  	s7 =	sld [smem:$0x3FAB]  }
0x2d: {  	s3 =	simm.s32 $0x108;
	s8 =	sld [smem:$0x3FAC]  }
0x2e: {  	s3 =	simm.s32 @!p0 $0x1082;
	s9 =	sld [smem:$0x3FAD]  }
0x2f: {  	lr =	sadd.s32 s0, s3;
	s0 =	sld [smem:$0x3FA4]  }
0x30: {  	s3 =	sld [smem:$0x3FA7]  }
0x31: {  	[smem:$0x3FB0] =	sst s10  }
0x32: {  	s10 =	sld [smem:$0x3FAE];
	_ =	sdelay $0x3  }
0x33: {  	p0 =	seq.s32 s10, $0x1;
	s10 =	sld [smem:$0x3FB0];
	_ =	sdelay $0x3  }
0x34: {  	[smem:$0x3FB0] =	sst s10  }
0x35: {  	s10 =	sld [smem:$0x3FAF];
	_ =	sdelay $0x3  }
0x36: {  	p1 =	seq.s32 s10, $0x1;
	s10 =	sld [smem:$0x3FB0];
	_ =	sdelay $0x3  }
0x37: {  	[smem:$0x3FB0] =	sst s10  }
0x38: {  	s10 =	sld [smem:$0x3FB1]  }
0x39: {  	_ = 	snop;
	(pc) =	sbr.ind lr, $3  }
0x3a: {  	_ = 	snop  }
0x3b: {  	_ = 	snop  }
0x3c: {  	p2 =	seq.s32 s10, $0x1;
	s10 =	sld [smem:$0x3FB0]  }
0x3d: {  	_ =	shalt  }
0x3e: {  	_ =	shalt  }
0x3f: {  	_ =	shalt  }
0x40: {  	_ =	shalt  }
0x41: {  	_ =	shalt  }
0x42: {  	_ =	shalt  }
0x43: {  	_ =	shalt  }
0x44: {  	_ =	shalt  }
0x45: {  	_ =	shalt  }
0x46: {  	_ =	shalt  }
0x47: {  	_ =	shalt  }
0x48: {  	_ =	shalt  }
0x49: {  	_ =	shalt  }
0x4a: {  	_ =	shalt  }
0x4b: {  	_ =	shalt  }
0x4c: {  	_ =	shalt  }
0x4d: {  	_ =	shalt  }
0x4e: {  	_ =	shalt  }
0x4f: {  	_ =	shalt  }
0x50: {  	_ =	shalt  }
0x51: {  	_ =	shalt  }
0x52: {  	_ =	shalt  }
0x53: {  	_ =	shalt  }
0x54: {  	_ =	shalt  }
0x55: {  	_ =	shalt  }
0x56: {  	_ =	shalt  }
0x57: {  	_ =	shalt  }
0x58: {  	_ =	shalt  }
0x59: {  	_ =	shalt  }
0x5a: {  	_ =	shalt  }
0x5b: {  	_ =	shalt  }
0x5c: {  	_ =	shalt  }
0x5d: {  	_ =	shalt  }
0x5e: {  	_ =	shalt  }
0x5f: {  	_ =	shalt  }
0x60: {  	_ =	shalt  }
0x61: {  	_ =	shalt  }
0x62: {  	_ =	shalt  }
0x63: {  	_ =	shalt  }
0x64: {  	_ =	shalt  }
0x65: {  	_ =	shalt  }
0x66: {  	_ =	shalt  }
0x67: {  	_ =	shalt  }
0x68: {  	_ =	shalt  }
0x69: {  	_ =	shalt  }
0x6a: {  	_ =	shalt  }
0x6b: {  	_ =	shalt  }
0x6c: {  	_ =	shalt  }
0x6d: {  	_ =	shalt  }
0x6e: {  	_ =	shalt  }
0x6f: {  	_ =	shalt  }
0x70: {  	_ =	shalt  }
0x71: {  	_ =	shalt  }
0x72: {  	_ =	shalt  }
0x73: {  	_ =	shalt  }
0x74: {  	_ =	shalt  }
0x75: {  	_ =	shalt  }
0x76: {  	_ =	shalt  }
0x77: {  	_ =	shalt  }
0x78: {  	_ =	shalt  }
0x79: {  	_ =	shalt  }
0x7a: {  	_ =	shalt  }
0x7b: {  	_ =	shalt  }
0x7c: {  	_ =	shalt  }
0x7d: {  	_ =	shalt  }
0x7e: {  	_ =	shalt  }
0x7f: {  	_ =	shalt  }
0x80: {  	_ =	shalt  }
0x81: {  	_ =	shalt  }
0x82: {  	_ =	shalt  }
0x83: {  	_ =	shalt  }
0x84: {  	_ =	shalt  }
0x85: {  	_ =	shalt  }
0x86: {  	_ =	shalt  }
0x87: {  	_ =	shalt  }
.Lfunc_end0:
.L_simem_size_0:
called_computation.2_lowered:
.L_overlay_start_0:
0x88: {  	s2 =	sld [smem:$0x3FD9]  }
0x89: {  	s3 =	sld [smem:$0x3FFE];
	_ =	sdelay $0x1  }
0x8a: {  	s1 =	srdreg.scid  }
0x8b: {  	s0 =	sand.u32 $0x1, s1  }
0x8c: {  	s17 =	sshll.u32 s0, $0xA;
	s2 =	sadd.s32 s3, s2  }
0x8d: {  	s2 =	sadd.s32 s2, s17  }
0x8e: {  	[smem:$0x3FBC] =	sst s2  }
0x8f: {  	_ = 	snop  }
0x90: {  	s2 =	sld [smem:$0x3FD0];
	(tm) =	ssettm $0x1  }
0x91: {  	s18 =	sld [smem:$0x3FFB];
	_ =	sdelay $0x3  }
0x92: {  	_ =	strace s18  }
0x93: {  	s3 =	sld [smem:$0x3FFC];
	_ =	sdelay $0x3  }
0x94: {  	_ =	strace s3  }
0x95: {  	s3 =	sld [smem:$0x3FFD];
	_ =	sdelay $0x3  }
0x96: {  	_ =	strace s3  }
0x97: {  	_ =	strace $0x8FFFFFFF  }
0x98: {  	s19 =	sld [smem:$0x3FDB];
	_ =	sdelay $0x1  }
0x99: {  	s4 =	simm.s32 $_scs_section_size  }
0x9a: {  	s5 =	simm.s32 $_size__tile_overlayer_lowered;
	s6 =	simm.s32 $_tile_overlayer_lowered  }
0x9b: {  	s22 =	simm.s32 $0x1BFF;
	s21 =	sshll.u32 s6, $0x1;
	s3 =	sadd.s32 s4, s19  }
0x9c: {  	s7 =	simm.s32 $0x0;
	s20 =	sshll.u32 s5, $0x1;
	s5 =	sadd.s32 s21, s3  }
0x9d: {  	[timem:s7], [sflag:s22] =	dma.local [hbm:s5], s20  }
0x9e: {  	_ =	swait.ge [sflag:s22], s20  }
0x9f: {  	s4 =	ssub.s32 $0x0, s20;
	[sflag:s22] =	ssyncset.done $0x0  }
0xa0: {  	[sflag:s22] =	ssyncadd.s32 s4;
	_ =	sdelay $0x1  }
0xa1: {  	s23 =	simm.s32 $0x1B8B  }
0xa2: {  	_ =	swait.ge [sflag:s23], $0x1  }
0xa3: {  	[sflag:s23] =	ssyncset.done $0x0  }
0xa4: {  	s25 =	simm.s32 $0x1B8E;
	s24 =	sld [smem:$0x3FFE];
	[sflag:s23] =	ssyncadd.s32 $0xFFFFFFFF  }
0xa5: {  	s26 =	simm.s32 $execute0_lowered;
	[smem:$0x3FD2] =	sst s25  }
0xa6: {  	s5 =	sshll.u32 s26, $0x1;
	_ =	strace $0x8000004C;
	[dreg:$0x1] =	wrdreg $0xFFFFFFFF  }
0xa7: {  	s28 =	simm.s32 $_size_execute0_lowered;
	s3 =	sadd.s32 s3, s5;
	[dreg:$0x0] =	wrdreg $0x0  }
0xa8: {  	s5 =	sshll.u32 s28, $0x1;
	[dreg:$0x2] =	wrdreg s3  }
0xa9: {  	[dreg:$0x3] =	wrdreg s5  }
0xaa: {  	[dreg:$0x4] =	wrdreg $0xC0  }
0xab: {  	_ =	task [dreg:s7], $0x5FFFF  }
0xac: {  	[dreg:$0x1] =	wrdreg $0xFFFFFFFF  }
0xad: {  	[dreg:$0x0] =	wrdreg $0x60  }
0xae: {  	[dreg:$0x2] =	wrdreg s24  }
0xaf: {  	[dreg:$0x3] =	wrdreg s2  }
0xb0: {  	[dreg:$0x4] =	wrdreg $0x9  }
0xb1: {  	_ =	task.clear_ibuf [dreg:s7], $0x5FFFF;
	_ =	strace $0x9000004C  }
0xb2: {  	s29 =	simm.s32 $0x9;
	_ =	strace $0x8000004E  }
0xb3: {  	_ =	swait.ge [sflag:s29], $0x1  }
0xb4: {  	[sflag:s29] =	ssyncadd.s32 $0xFFFFFFFF  }
0xb5: {  	_ =	strace $0x9000004E  }
0xb6: {  	_ =	sfence  }
0xb7: {  	s30 =	sld [smem:$0x0];
	_ =	sdelay $0x2  }
0xb8: {  	s31 =	sshll.u32 s1, $0xD;
	s1 =	sshrl.u32 s1, $0x2  }
0xb9: {  	s3 =	sand.u32 $0x4000, s31;
	s1 =	sadd.s32 s1, s30  }
0xba: {  	s0 =	sor.u32 s3, s0;
	s1 =	sshll.u32 s1, $0x11  }
0xbb: {  	s0 =	sor.u32 s1, s0  }
0xbc: {  	s0 =	sadd.s32 $0x8F2B, s0  }
0xbd: {  	[sflag:s0] =	ssyncadd.remote.s32 $0x1  }
0xbe: {  	_ =	sfence.sel $0xFFFF  }
0xbf: {  	[dreg:$0x0] =	wrdreg $0xFFFFFFFF;
	(pc) =	sbr.abs _section_cstart, $3  }
0xc0: {  	[dreg:$0x1] =	wrdreg $0xFFFFFFFF  }
0xc1: {  	_ =	task.clear_ibuf [dreg:s7], $0x2FFFF;
	_ =	strace $0x9FFFFFFF  }
0xc2: {  	(tm) =	ssettm $0x7FFFFFFF  }
0xc3: {  	_ =	shalt  }
tec
execute0_lowered:
.L_overlay_start_1:
0x0: {  	(tag) =	ssettag $0x1  }
0x1: {  	s5 =	rddreg [dreg:$0x0];
	s1 =	srdreg.scid  }
0x2: {  	s0 =	stileid.u32;
	s9 =	rddreg [dreg:$0x1]  }
0x3: {  	s2 =	simm.s32 $0x0;
	s15 =	simm.s32 $0x7700;
	s16 =	simm.s32 $0x8B00  }
0x4: {  	s17 =	simm.s32 $0x4F00;
	s18 =	simm.s32 $0x9F00;
	s19 =	simm.s32 $0x0  }
0x5: {  	s8 =	sand.u32 $0x1, s1;
	s3 =	sshll.u32 s0, $0x1;
	s1 =	rddreg [dreg:$0x2]  }
0x6: {  	[smem:$0x7FF] =	sst s2;
	s13 =	smul.u32 $0x2800, s0;
	s6 =	sor.u32 s8, s3  }
0x7: {  	s4 =	sadd.s32 $0x51000, s5;
	s10 =	ssub.s32 $0x2, s8;
	s7 =	smul.u32 $0x1400, s6  }
0x8: {  	_ =	strace $0x8000004D;
	s31 =	sshrl.u32 s10, $0x1;
	s12 =	smul.u32 $0x4F0, s6  }
0x9: {  	s3 =	sadd.s32 $0x51200, s5;
	s14 =	smul.u32 $0x1400, s8;
	s10 =	ssub.s32 s10, s31  }
0xa: {  	s7 =	sshrl.u32 s7, $0x3;
	s9 =	sadd.s32 s9, s12;
	s10 =	smax.u32 s10, $0x1  }
0xb: {  	s12 =	simm.s32 $0x1;
	s11 =	sadd.s32 s7, s5;
	s5 =	sadd.s32 $0x53980, s5  }
0xc: {  	s6 =	sadd.s32 $0x279000, s11;
	s7 =	sadd.s32 $0x27E000, s11;
	s8 =	sadd.s32 $0x56200, s11  }
0xd: {  	v0 =	vimm.f32 $0.0e+00;
	vm0 =	vmmov $0x1;
	s11 =	sadd.s32 s14, s13;
	s13 =	simm.s32 $0x2780;
	s14 =	simm.s32 $0x7680  }
.LBB2_1:
0xe: {  	[tilespmem:s2], [sflag:$0x1] =	stream.linear.gather [hbm4b:s3+s2], $0x2780, $0x38;
	[tilespmem:$0xB300] =	vst v63  }
0xf: {  	_ =	swait.ge [sflag:s12], $0x2780  }
0x10: {  	[sflag:s12] =	ssyncset.done $0x0  }
0x11: {  	[sflag:s12] =	ssyncadd.s32 $0xFFFFD880  }
0x12: {  	[tilespmem:s13], [sflag:$0x1] =	stream.linear.gather [hbm4b:s5+s2], $0x2780, $0x38;
	[tilespmem:$0xB300] =	vst v63  }
0x13: {  	_ =	swait.ge [sflag:s12], $0x2780  }
0x14: {  	[sflag:s12] =	ssyncset.done $0x0  }
0x15: {  	[sflag:s12] =	ssyncadd.s32 $0xFFFFD880  }
0x16: {  	[tilespmem:s14], [sflag:$0x1] =	stream.linear.gather [hbm4b:s4+s2], $0x80, $0x38;
	[tilespmem:$0xB300] =	vst v63  }
0x17: {  	_ =	swait.ge [sflag:s12], $0x80  }
0x18: {  	[sflag:s12] =	ssyncset.done $0x0  }
0x19: {  	[sflag:s12] =	ssyncadd.s32 $0xFFFFFF80  }
0x1a: {  	s20 =	simm.s32 $0x40;
	s21 =	simm.s32 $0x0;
	v1 =	vld [tilespmem:$0x7680]  }
.LBB2_2:
0x1b: {  	p0 =	sne.s32 s20, $0x9DC0;
	[tilespmem:s21+$0x4F00] =	vst v0;
	s21 =	smov.u32 s20;
	s20 =	sadd.s32 $0x40, s20  }
.Ltmp0:
0x1c: {  	(pc) =	sbr.rel @p0 .LBB2_2-.Ltmp0, $2  }
0x1d: {  	_ =	sdelay $0x2  }
0x1e: {  	s21 =	sshra.s32 s21, $0x2  }
0x1f: {  	v1 =	vnsel vm0, $0xFF7FC99E, v1  }
0x20: {  	(xrf0) =	vmax.scan.msk.f32 $0xffff, v1;
	_ =	sdelay $0x4  }
0x21: {  	[tilespmem:s21+$0x4F00] =	vst v0;
	s20 =	simm.s32 $0x0  }
0x22: {  	[tilespmem:s15], [sflag:$0x1] =	stream.linear.gather [hbm4b:s6+s20], $0x1400, $0x38;
	v1, _, _ =	vpop (xrf0);
	[tilespmem:$0xB300] =	vst v63  }
0x23: {  	_ =	swait.ge [sflag:s12], $0x1400  }
0x24: {  	[sflag:s12] =	ssyncset.done $0x0  }
0x25: {  	[sflag:s12] =	ssyncadd.s32 $0xFFFFEC00  }
0x26: {  	[tilespmem:s16], [sflag:$0x1] =	stream.linear.gather [hbm4b:s7+s20], $0x1400, $0x38;
	[tilespmem:$0xB300] =	vst v63  }
0x27: {  	_ =	swait.ge [sflag:s12], $0x1400  }
0x28: {  	[sflag:s12] =	ssyncset.done $0x0  }
0x29: {  	s31 =	simm.s32 $0x0;
	[sflag:s12] =	ssyncadd.s32 $0xFFFFEC00  }
0x2a: {  	v2 =	vld [tilespmem:s31+$0x8B00]  }
0x2b: {  	v3 =	vld [tilespmem:s31+$0x7700];
	_ =	sdelay $0x6  }
0x2c: {  	v4 =	vld.idx.msk [tilespmem:v2+s13+$0x0], $0xffff  }
0x2d: {  	v3 =	vld.idx.msk [tilespmem:v3+s2+$0x0], $0xffff;
	_ =	sdelay $0x4  }
0x2e: {  	v3 =	vadd.f32 v4, v3;
	_ =	sdelay $0x1  }
0x2f: {  	v4 =	vmul.f32 $2.000000030e-01, v3  }
0x30: {  	v1 =	vbroadcast v1, $0xF;
	vm1 =	vge.f32 v3, $0.0e+00  }
0x31: {  	v3 =	vsel vm1, v3, v4  }
0x32: {  	v3 =	vsub.f32 v3, v1;
	_ =	sdelay $0x1  }
0x33: {  	v3 =	vmul.f32 $1.442695020e+00, v3;
	_ =	sdelay $0x1  }
0x34: {  	(erf) = vpow2.f32 v3;
	_ =	sdelay $0x8  }
0x35: {  	p0 =	slt.u32 s11, $0x27100;
	v3 =	vpop (erf)  }
0x36: {  	v3 =	vpsel !p0, $0x0, v3  }
0x37: {  	[tilespmem:s31+$0x9F00] =	vst v3  }
0x38: {  	s20 =	simm.s32 $0x10;
	[tilespmem:v2+s17+$0x0] =	vst.idx.add.f32.msk $0xffff, v3  }
0x39: {  	v2 =	vld [tilespmem:s20+$0x8B00]  }
0x3a: {  	s22 =	simm.s32 $0x80;
	s21 =	smov.u32 s11;
	v3 =	vld [tilespmem:s20+$0x7700]  }
.LBB2_4:
0x3b: {  	p0 =	sne.s32 s22, $0x4FC0;
	_ =	sdelay $0x5  }
0x3c: {  	v4 =	vld.idx.msk [tilespmem:v2+s13+$0x0], $0xffff  }
0x3d: {  	v3 =	vld.idx.msk [tilespmem:v3+s2+$0x0], $0xffff;
	_ =	sdelay $0x5  }
0x3e: {  	v3 =	vadd.f32 v4, v3;
	_ =	sdelay $0x1  }
0x3f: {  	v4 =	vmul.f32 $2.000000030e-01, v3  }
0x40: {  	vm1 =	vge.f32 v3, $0.0e+00  }
0x41: {  	v3 =	vsel vm1, v3, v4  }
0x42: {  	v3 =	vsub.f32 v3, v1;
	_ =	sdelay $0x1  }
0x43: {  	v3 =	vmul.f32 $1.442695020e+00, v3;
	_ =	sdelay $0x1  }
0x44: {  	(erf) = vpow2.f32 v3;
	_ =	sdelay $0x7  }
0x45: {  	s21 =	sadd.s32 $0x10, s21  }
0x46: {  	p1 =	slt.u32 s21, $0x27100;
	v3 =	vpop (erf)  }
.Ltmp1:
0x47: {  	v3 =	vpsel !p1, $0x0, v3;
	(pc) =	sbr.rel @p0 .LBB2_4-.Ltmp1, $4  }
0x48: {  	[tilespmem:s20+$0x9F00] =	vst v3  }
0x49: {  	s20 =	sshra.s32 s22, $0x2;
	[tilespmem:v2+s17+$0x0] =	vst.idx.add.f32.msk $0xffff, v3  }
0x4a: {  	v2 =	vld [tilespmem:s20+$0x8B00]  }
0x4b: {  	s22 =	sadd.s32 $0x40, s22;
	v3 =	vld [tilespmem:s20+$0x7700]  }
0x4c: {  	_ =	sdelay $0x6  }
0x4d: {  	v4 =	vld.idx.msk [tilespmem:v2+s13+$0x0], $0xffff  }
0x4e: {  	v3 =	vld.idx.msk [tilespmem:v3+s2+$0x0], $0xffff;
	_ =	sdelay $0x4  }
0x4f: {  	v3 =	vadd.f32 v4, v3;
	_ =	sdelay $0x1  }
0x50: {  	v4 =	vmul.f32 $2.000000030e-01, v3  }
0x51: {  	vm1 =	vge.f32 v3, $0.0e+00  }
0x52: {  	v3 =	vsel vm1, v3, v4  }
0x53: {  	v1 =	vsub.f32 v3, v1;
	_ =	sdelay $0x1  }
0x54: {  	v1 =	vmul.f32 $1.442695020e+00, v1;
	_ =	sdelay $0x1  }
0x55: {  	(erf) = vpow2.f32 v1;
	_ =	sdelay $0x7  }
0x56: {  	s21 =	sadd.s32 $0x10, s21  }
0x57: {  	p0 =	slt.u32 s21, $0x27100;
	v1 =	vpop (erf)  }
0x58: {  	v1 =	vpsel !p0, $0x0, v1  }
0x59: {  	[tilespmem:s20+$0x9F00] =	vst v1  }
0x5a: {  	[tilespmem:v2+s17+$0x0] =	vst.idx.add.f32.msk $0xffff, v1  }
0x5b: {  	[hbm4b:s8+s2] =	stream.linear.scatter [tilespmem:s18], [sflag:$0x1], $0x1400, $0x38;
	[tilespmem:$0xB300] =	vst v63  }
0x5c: {  	s19 =	sadd.s32 $0x1, s19;
	_ =	swait.ge [sflag:s12], $0x1400  }
0x5d: {  	p0 =	sne.s32 s19, s10;
	[sflag:s12] =	ssyncset.done $0x0  }
.Ltmp2:
0x5e: {  	[sflag:s12] =	ssyncadd.s32 $0xFFFFEC00;
	(pc) =	sbr.rel @p0 .LBB2_1-.Ltmp2, $4  }
0x5f: {  	[hbm4b:s9+s2] =	stream.linear.scatter [tilespmem:s17], [sflag:$0x1], $0x2780, $0x38;
	[tilespmem:$0xB300] =	vst v63  }
0x60: {  	_ =	swait.ge [sflag:s12], $0x2780  }
0x61: {  	[sflag:s12] =	ssyncset.done $0x0  }
0x62: {  	[sflag:s12] =	ssyncadd.s32 $0xFFFFD880  }
0x63: {  	_ =	sfence.sel $0x180000  }
0x64: {  	[bflag:$0x0] =	sbarrier.arrive $0xFFFF  }
0x65: {  	p0 =	sne.s32 s0, $0x0;
	_ =	strace $0x9000004D  }
0x66: {  	s0 =	sadd.s32 @!p0 $0x100000, s1;
	[bflag:$0x2] =	sbarrier.arrive $0xFFFF  }
0x67: {  	[sflag:s0] =	ssyncadd.tile.s32 @!p0 $0x1;
	_ =	shalt  }
.Lfunc_end2:
_tile_overlayer_lowered:
.L_overlay_start_2:
0x68: {  	(tag) =	ssettag $0x2  }
0x69: {  	s0 =	rddreg [dreg:$0x0];
	s2 =	stileid.u32  }
0x6a: {  	s1 =	rddreg [dreg:$0x1];
	p0 =	sne.s32 s2, $0x0  }
0x6b: {  	s3 =	rddreg [dreg:$0x2];
	[bflag:$0x3] =	sbarrier.arrive $0xFFFF;
	s2 =	simm.s32 @!p0 $0x1C01  }
0x6c: {  	[timem:s3], [sflag:s2] =	dma.local @!p0 [hbm:s0], s1  }
0x6d: {  	s0 =	simm.s32 @!p0 $0x1  }
0x6e: {  	_ =	swait.ge @!p0 [sflag:s0], s1  }
0x6f: {  	s1 =	ssub.s32 @!p0 $0x0, s1;
	[sflag:s0] =	ssyncset.done @!p0 $0x0  }
0x70: {  	[sflag:s0] =	ssyncadd.s32 @!p0 s1  }
0x71: {  	[bflag:$0x3] =	sbarrier.arrive $0xFFFF  }
0x72: {  	_ =	shalt  }

// kernel: kernel.18.cloned.1.call-start
scs
__scs_entry_jumppad:
0x0: {  	(pc) =	sbr.rel $0x88, $3  }
0x1: {  	(tag) =	ssettag $0x0;
	lr =	simm.s32 $0x1  }
0x2: {  	[smem:$0x3F95] =	sst lr;
	_ =	strace $0xD0000000  }
0x3: {  	_ = 	snop  }
0x4: {  	_ = 	snop  }
0x5: {  	_ = 	snop  }
0x6: {  	_ = 	snop  }
0x7: {  	_ = 	snop  }
__scs_overlays_trampoline_lowered:
0x8: {  	[smem:$0x3FA4] =	sst s0  }
0x9: {  	[smem:$0x3FA5] =	sst s1  }
0xa: {  	[smem:$0x3FA6] =	sst s2  }
0xb: {  	[smem:$0x3FA7] =	sst s3  }
0xc: {  	[smem:$0x3FA8] =	sst s4  }
0xd: {  	[smem:$0x3FA9] =	sst s5  }
0xe: {  	[smem:$0x3FAA] =	sst s6  }
0xf: {  	[smem:$0x3FAB] =	sst s7  }
0x10: {  	[smem:$0x3FAC] =	sst s8  }
0x11: {  	[smem:$0x3FAD] =	sst s9;
	s0 =	simm.s32 @!p0 $0x0  }
0x12: {  	s1 =	sld [smem:$0x3F93];
	s0 =	simm.s32 @p0 $0x1  }
0x13: {  	[smem:$0x3FAE] =	sst s0;
	s0 =	simm.s32 @!p1 $0x0  }
0x14: {  	s2 =	sld [smem:$0x3F92];
	s0 =	simm.s32 @p1 $0x1  }
0x15: {  	[smem:$0x3FAF] =	sst s0;
	s0 =	simm.s32 @!p2 $0x0  }
0x16: {  	s3 =	sld [smem:$0x3FDB];
	s0 =	simm.s32 @p2 $0x1  }
0x17: {  	s4 =	simm.s32 $0x1BF5;
	[smem:$0x3FB1] =	sst s0  }
0x18: {  	s0 =	sld [smem:$0x3F94];
	_ =	swait.ge [sflag:s4], $0x0  }
0x19: {  	s7 =	sld [smem:$0x3F95]  }
0x1a: {  	s8 =	sadd.s32 $0xFFFFE003, lr  }
0x1b: {  	s9 =	sadd.s32 $0xFFFFFEF7, lr;
	s5 =	simm.s32 $0xFFFFFFFF;
	p2 =	slt.u32 s8, $0xFFFFF086  }
0x1c: {  	p1 =	slt.u32 s9, $0xF7A;
	s5 =	simm.s32 @!p2 $0x0  }
0x1d: {  	s5 =	simm.s32 @p1 $0x1;
	p0 =	seq.s32 s7, s2  }
0x1e: {  	s7 =	smul.u32 @!p0 $0xF7A, s2;
	p2 =	seq.s32 @!p0 s5, $0x0  }
0x1f: {  	s9 =	smul.u32 $0xF7A, s1;
	s8 =	simm.s32 @!p0 $0x1BF5;
	p2 =	por !p2, p0  }
0x20: {  	[sflag:s8] =	ssyncset.s32 @!p0 $0xFFFFF086;
	s6 =	sadd.s32 @!p0 s3, s7;
	s7 =	simm.s32 @!p0 $0x108  }
0x21: {  	s3 =	sadd.s32 s3, s9;
	s6 =	sadd.s32 @!p0 $0x88, s6;
	s7 =	simm.s32 @p2 $0x1082  }
0x22: {  	[simem:s7], [sflag:s8] =	dma.local @!p0 [hbm:s6], $0xF7A  }
0x23: {  	s9 =	sor.u32 $0xD0000000, s2;
	s6 =	simm.s32 $0x108;
	_ =	swait.ge @!p0 [sflag:s8], $0x0  }
0x24: {  	s3 =	sadd.s32 $0x88, s3;
	s6 =	simm.s32 @!p1 $0x1082;
	[sflag:s4] =	ssyncset.s32 $0xFFFFF086  }
0x25: {  	[simem:s6], [sflag:s4] =	dma.local [hbm:s3], $0xF7A  }
0x26: {  	[smem:$0x3F95] =	sst s1;
	(tag) =	ssettag s2;
	_ =	strace s9  }
0x27: {  	s1 =	sld [smem:$0x3FA5]  }
0x28: {  	s2 =	sld [smem:$0x3FA6]  }
0x29: {  	s4 =	sld [smem:$0x3FA8]  }
0x2a: {  	p0 =	seq.s32 s5, $0x0;
	s5 =	sld [smem:$0x3FA9]  }
0x2b: {  	s6 =	sld [smem:$0x3FAA]  }
0x2c: {  	s7 =	sld [smem:$0x3FAB]  }
0x2d: {  	s3 =	simm.s32 $0x108;
	s8 =	sld [smem:$0x3FAC]  }
0x2e: {  	s3 =	simm.s32 @!p0 $0x1082;
	s9 =	sld [smem:$0x3FAD]  }
0x2f: {  	lr =	sadd.s32 s0, s3;
	s0 =	sld [smem:$0x3FA4]  }
0x30: {  	s3 =	sld [smem:$0x3FA7]  }
0x31: {  	[smem:$0x3FB0] =	sst s10  }
0x32: {  	s10 =	sld [smem:$0x3FAE];
	_ =	sdelay $0x3  }
0x33: {  	p0 =	seq.s32 s10, $0x1;
	s10 =	sld [smem:$0x3FB0];
	_ =	sdelay $0x3  }
0x34: {  	[smem:$0x3FB0] =	sst s10  }
0x35: {  	s10 =	sld [smem:$0x3FAF];
	_ =	sdelay $0x3  }
0x36: {  	p1 =	seq.s32 s10, $0x1;
	s10 =	sld [smem:$0x3FB0];
	_ =	sdelay $0x3  }
0x37: {  	[smem:$0x3FB0] =	sst s10  }
0x38: {  	s10 =	sld [smem:$0x3FB1]  }
0x39: {  	_ = 	snop;
	(pc) =	sbr.ind lr, $3  }
0x3a: {  	_ = 	snop  }
0x3b: {  	_ = 	snop  }
0x3c: {  	p2 =	seq.s32 s10, $0x1;
	s10 =	sld [smem:$0x3FB0]  }
0x3d: {  	_ =	shalt  }
0x3e: {  	_ =	shalt  }
0x3f: {  	_ =	shalt  }
0x40: {  	_ =	shalt  }
0x41: {  	_ =	shalt  }
0x42: {  	_ =	shalt  }
0x43: {  	_ =	shalt  }
0x44: {  	_ =	shalt  }
0x45: {  	_ =	shalt  }
0x46: {  	_ =	shalt  }
0x47: {  	_ =	shalt  }
0x48: {  	_ =	shalt  }
0x49: {  	_ =	shalt  }
0x4a: {  	_ =	shalt  }
0x4b: {  	_ =	shalt  }
0x4c: {  	_ =	shalt  }
0x4d: {  	_ =	shalt  }
0x4e: {  	_ =	shalt  }
0x4f: {  	_ =	shalt  }
0x50: {  	_ =	shalt  }
0x51: {  	_ =	shalt  }
0x52: {  	_ =	shalt  }
0x53: {  	_ =	shalt  }
0x54: {  	_ =	shalt  }
0x55: {  	_ =	shalt  }
0x56: {  	_ =	shalt  }
0x57: {  	_ =	shalt  }
0x58: {  	_ =	shalt  }
0x59: {  	_ =	shalt  }
0x5a: {  	_ =	shalt  }
0x5b: {  	_ =	shalt  }
0x5c: {  	_ =	shalt  }
0x5d: {  	_ =	shalt  }
0x5e: {  	_ =	shalt  }
0x5f: {  	_ =	shalt  }
0x60: {  	_ =	shalt  }
0x61: {  	_ =	shalt  }
0x62: {  	_ =	shalt  }
0x63: {  	_ =	shalt  }
0x64: {  	_ =	shalt  }
0x65: {  	_ =	shalt  }
0x66: {  	_ =	shalt  }
0x67: {  	_ =	shalt  }
0x68: {  	_ =	shalt  }
0x69: {  	_ =	shalt  }
0x6a: {  	_ =	shalt  }
0x6b: {  	_ =	shalt  }
0x6c: {  	_ =	shalt  }
0x6d: {  	_ =	shalt  }
0x6e: {  	_ =	shalt  }
0x6f: {  	_ =	shalt  }
0x70: {  	_ =	shalt  }
0x71: {  	_ =	shalt  }
0x72: {  	_ =	shalt  }
0x73: {  	_ =	shalt  }
0x74: {  	_ =	shalt  }
0x75: {  	_ =	shalt  }
0x76: {  	_ =	shalt  }
0x77: {  	_ =	shalt  }
0x78: {  	_ =	shalt  }
0x79: {  	_ =	shalt  }
0x7a: {  	_ =	shalt  }
0x7b: {  	_ =	shalt  }
0x7c: {  	_ =	shalt  }
0x7d: {  	_ =	shalt  }
0x7e: {  	_ =	shalt  }
0x7f: {  	_ =	shalt  }
0x80: {  	_ =	shalt  }
0x81: {  	_ =	shalt  }
0x82: {  	_ =	shalt  }
0x83: {  	_ =	shalt  }
0x84: {  	_ =	shalt  }
0x85: {  	_ =	shalt  }
0x86: {  	_ =	shalt  }
0x87: {  	_ =	shalt  }
.Lfunc_end0:
.L_simem_size_0:
called_computation.3_lowered:
.L_overlay_start_0:
0x88: {  	s2 =	sld [smem:$0x3FD9]  }
0x89: {  	s3 =	sld [smem:$0x3FFE];
	_ =	sdelay $0x1  }
0x8a: {  	s1 =	srdreg.scid  }
0x8b: {  	s0 =	sand.u32 $0x1, s1  }
0x8c: {  	s16 =	sshll.u32 s0, $0xA;
	s2 =	sadd.s32 s3, s2  }
0x8d: {  	s2 =	sadd.s32 s2, s16  }
0x8e: {  	[smem:$0x3FBC] =	sst s2  }
0x8f: {  	_ = 	snop  }
0x90: {  	(tm) =	ssettm $0x1  }
0x91: {  	s17 =	sld [smem:$0x3FFB];
	_ =	sdelay $0x3  }
0x92: {  	_ =	strace s17  }
0x93: {  	s2 =	sld [smem:$0x3FFC];
	_ =	sdelay $0x3  }
0x94: {  	_ =	strace s2  }
0x95: {  	s2 =	sld [smem:$0x3FFD];
	_ =	sdelay $0x3  }
0x96: {  	_ =	strace s2  }
0x97: {  	_ =	strace $0x8FFFFFFF  }
0x98: {  	s18 =	sld [smem:$0x3FDB];
	_ =	sdelay $0x1  }
0x99: {  	s19 =	simm.s32 $_scs_section_size  }
0x9a: {  	s4 =	simm.s32 $_size__tile_overlayer_lowered;
	s5 =	simm.s32 $_tile_overlayer_lowered  }
0x9b: {  	s22 =	simm.s32 $0x1BFF;
	s21 =	sshll.u32 s5, $0x1;
	s2 =	sadd.s32 s19, s18  }
0x9c: {  	s6 =	simm.s32 $0x0;
	s20 =	sshll.u32 s4, $0x1;
	s4 =	sadd.s32 s21, s2  }
0x9d: {  	[timem:s6], [sflag:s22] =	dma.local [hbm:s4], s20  }
0x9e: {  	_ =	swait.ge [sflag:s22], s20  }
0x9f: {  	s3 =	ssub.s32 $0x0, s20;
	[sflag:s22] =	ssyncset.done $0x0  }
0xa0: {  	[sflag:s22] =	ssyncadd.s32 s3;
	_ =	sdelay $0x1  }
0xa1: {  	s23 =	simm.s32 $0x1B8B  }
0xa2: {  	_ =	swait.ge [sflag:s23], $0x1  }
0xa3: {  	[sflag:s23] =	ssyncset.done $0x0  }
0xa4: {  	s25 =	simm.s32 $0x1B8E;
	s24 =	sld [smem:$0x3FFE];
	[sflag:s23] =	ssyncadd.s32 $0xFFFFFFFF  }
0xa5: {  	s26 =	simm.s32 $execute0_lowered;
	[smem:$0x3FD2] =	sst s25  }
0xa6: {  	s4 =	sshll.u32 s26, $0x1;
	_ =	strace $0x8000004F;
	[dreg:$0x1] =	wrdreg $0xFFFFFFFF  }
0xa7: {  	s28 =	simm.s32 $_size_execute0_lowered;
	s2 =	sadd.s32 s2, s4;
	[dreg:$0x0] =	wrdreg $0x0  }
0xa8: {  	s4 =	sshll.u32 s28, $0x1;
	[dreg:$0x2] =	wrdreg s2  }
0xa9: {  	[dreg:$0x3] =	wrdreg s4  }
0xaa: {  	[dreg:$0x4] =	wrdreg $0xC0  }
0xab: {  	_ =	task [dreg:s6], $0x5FFFF  }
0xac: {  	[dreg:$0x1] =	wrdreg $0xFFFFFFFF  }
0xad: {  	[dreg:$0x0] =	wrdreg $0x60  }
0xae: {  	[dreg:$0x2] =	wrdreg s24  }
0xaf: {  	[dreg:$0x3] =	wrdreg $0x9  }
0xb0: {  	_ =	task.clear_ibuf [dreg:s6], $0x4FFFF;
	_ =	strace $0x9000004F  }
0xb1: {  	s29 =	simm.s32 $0x9;
	_ =	strace $0x80000051  }
0xb2: {  	_ =	swait.ge [sflag:s29], $0x1  }
0xb3: {  	[sflag:s29] =	ssyncadd.s32 $0xFFFFFFFF  }
0xb4: {  	_ =	strace $0x90000051  }
0xb5: {  	_ =	sfence  }
0xb6: {  	s30 =	sld [smem:$0x0];
	_ =	sdelay $0x2  }
0xb7: {  	s31 =	sshll.u32 s1, $0xD;
	s1 =	sshrl.u32 s1, $0x2  }
0xb8: {  	s3 =	sand.u32 $0x4000, s31;
	s1 =	sadd.s32 s1, s30  }
0xb9: {  	s0 =	sor.u32 s3, s0;
	s1 =	sshll.u32 s1, $0x11  }
0xba: {  	s0 =	sor.u32 s1, s0  }
0xbb: {  	s0 =	sadd.s32 $0x8F2B, s0  }
0xbc: {  	[sflag:s0] =	ssyncadd.remote.s32 $0x1  }
0xbd: {  	_ =	sfence.sel $0xFFFF  }
0xbe: {  	[dreg:$0x0] =	wrdreg $0xFFFFFFFF;
	(pc) =	sbr.abs _section_cstart, $3  }
0xbf: {  	[dreg:$0x1] =	wrdreg $0xFFFFFFFF  }
0xc0: {  	_ =	task.clear_ibuf [dreg:s6], $0x2FFFF;
	_ =	strace $0x9FFFFFFF  }
0xc1: {  	(tm) =	ssettm $0x7FFFFFFF  }
tec
execute0_lowered:
.L_overlay_start_1:
0x0: {  	(tag) =	ssettag $0x1  }
0x1: {  	s0 =	rddreg [dreg:$0x0];
	s1 =	srdreg.scid  }
0x2: {  	s2 =	simm.s32 $0x0;
	s4 =	stileid.u32;
	s10 =	simm.s32 $0x1  }
0x3: {  	s11 =	simm.s32 $0x15200;
	s12 =	simm.s32 $0x15C00;
	s13 =	simm.s32 $0x16600  }
0x4: {  	s14 =	simm.s32 $0x18600;
	s15 =	simm.s32 $0x18E00;
	s1 =	sand.u32 $0x1, s1  }
0x5: {  	s16 =	simm.s32 $0x19600;
	s17 =	simm.s32 $0x19E00;
	s3 =	sshll.u32 s1, $0x4  }
0x6: {  	s18 =	simm.s32 $0x17080;
	s19 =	simm.s32 $0x17B00;
	s6 =	sor.u32 s4, s3  }
0x7: {  	s20 =	simm.s32 $0x0;
	[smem:$0x7FF] =	sst s2;
	s7 =	smul.u32 $0x2800, s6  }
.Ltmp0:
0x8: {  	s5 =	sadd.s32 $0x27E000, s0;
	_ =	strace $0x80000050;
	(pc) =	sbr.rel .LBB2_1-.Ltmp0, $4  }
0x9: {  	v1 =	vimm.f32 $0.0e+00;
	s1 =	ssub.s32 $0x2, s1;
	s3 =	sadd.s32 $0x2E00, s0;
	s4 =	sadd.s32 $0x279000, s0  }
0xa: {  	v2 =	vimm.s32 $0x0;
	v3 =	vlaneseq.u32;
	v4 =	vimm.s32 $0x140;
	s8 =	sshrl.u32 s1, $0x1;
	s9 =	smul.u32 $0xFFFFFEC0, s6;
	s7 =	sadd.s32 s7, s0  }
0xb: {  	vm0 =	vmmov $0xffff;
	v6 =	vshrl.u32 v3, $0x3;
	v5 =	vand.u32 $0x7, v3;
	s1 =	ssub.s32 s1, s8;
	s6 =	sadd.s32 $0x56200, s0;
	s31 =	sadd.s32 $0x5B200, s7  }
0xc: {  	v7 =	vor.u32 $0x8, v3;
	v6 =	vmul.u32 $0x8, v6;
	s8 =	smax.u32 s1, $0x1;
	v0 =	vmov s9;
	s9 =	simm.s32 $0x14800;
	[dreg:$0x2] =	wrdreg s31  }
.LBB2_16:
0xd: {  	s20 =	sadd.s32 $0x1, s20  }
0xe: {  	p0 =	sne.s32 s20, s8  }
.Ltmp1:
0xf: {  	s0 =	rddreg [dreg:$0x2];
	(pc) =	sbr.rel @!p0 .LBB2_17-.Ltmp1, $4  }
0x10: {  	[hbm4b:s0+s2] =	stream.linear.scatter [tilespmem:s2], [sflag:$0x1], $0x14000, $0x38;
	[tilespmem:$0x1A600] =	vst v63  }
0x11: {  	_ =	swait.ge [sflag:s10], $0x14000  }
0x12: {  	[sflag:s10] =	ssyncset.done $0x0  }
0x13: {  	[sflag:s10] =	ssyncadd.s32 $0xFFFEC000  }
.LBB2_1:
0x14: {  	s0 =	sand.u32 $0x1F800, s2;
	s1 =	sand.u32 $0x380, s2  }
0x15: {  	s0 =	sor.u32 s1, s0  }
0x16: {  	[tilespmem:s0+$0x470] =	vst v1  }
0x17: {  	[tilespmem:s0+$0x0] =	vst v1  }
0x18: {  	[tilespmem:s0+$0x10] =	vst v1  }
0x19: {  	[tilespmem:s0+$0x20] =	vst v1  }
0x1a: {  	[tilespmem:s0+$0x30] =	vst v1  }
0x1b: {  	[tilespmem:s0+$0x40] =	vst v1  }
0x1c: {  	[tilespmem:s0+$0x50] =	vst v1  }
0x1d: {  	[tilespmem:s0+$0x60] =	vst v1  }
0x1e: {  	[tilespmem:s0+$0x70] =	vst v1  }
0x1f: {  	[tilespmem:s0+$0x400] =	vst v1  }
0x20: {  	[tilespmem:s0+$0x410] =	vst v1  }
0x21: {  	[tilespmem:s0+$0x420] =	vst v1  }
0x22: {  	[tilespmem:s0+$0x430] =	vst v1  }
0x23: {  	s21 =	simm.s32 $0x100;
	s1 =	simm.s32 $0x80;
	[tilespmem:s0+$0x440] =	vst v1  }
0x24: {  	s22 =	sand.u32 $0x1F800, s21;
	s21 =	simm.s32 $0x200;
	s23 =	sand.u32 $0x380, s1;
	[tilespmem:s0+$0x450] =	vst v1  }
.LBB2_2:
0x25: {  	p0 =	sne.s32 s21, $0x14700;
	[tilespmem:s0+$0x460] =	vst v1;
	s0 =	sor.u32 s23, s22  }
0x26: {  	[tilespmem:s0+$0x470] =	vst v1  }
0x27: {  	[tilespmem:s0+$0x0] =	vst v1  }
0x28: {  	[tilespmem:s0+$0x10] =	vst v1  }
0x29: {  	[tilespmem:s0+$0x20] =	vst v1  }
0x2a: {  	[tilespmem:s0+$0x30] =	vst v1  }
0x2b: {  	[tilespmem:s0+$0x40] =	vst v1  }
0x2c: {  	[tilespmem:s0+$0x50] =	vst v1  }
0x2d: {  	[tilespmem:s0+$0x60] =	vst v1  }
0x2e: {  	[tilespmem:s0+$0x70] =	vst v1  }
0x2f: {  	[tilespmem:s0+$0x400] =	vst v1  }
.Ltmp2:
0x30: {  	[tilespmem:s0+$0x410] =	vst v1;
	(pc) =	sbr.rel @p0 .LBB2_2-.Ltmp2, $4  }
0x31: {  	[tilespmem:s0+$0x420] =	vst v1  }
0x32: {  	[tilespmem:s0+$0x430] =	vst v1  }
0x33: {  	s1 =	sadd.s32 $0x80, s1;
	[tilespmem:s0+$0x440] =	vst v1  }
0x34: {  	s22 =	sand.u32 $0x1F800, s21;
	s21 =	sadd.s32 $0x100, s21;
	s23 =	sand.u32 $0x380, s1;
	[tilespmem:s0+$0x450] =	vst v1  }
0x35: {  	s1 =	sor.u32 s23, s22;
	[tilespmem:s0+$0x460] =	vst v1  }
0x36: {  	[tilespmem:s1+$0x470] =	vst v1  }
0x37: {  	[tilespmem:s1+$0x0] =	vst v1  }
0x38: {  	[tilespmem:s1+$0x10] =	vst v1  }
0x39: {  	[tilespmem:s1+$0x20] =	vst v1  }
0x3a: {  	[tilespmem:s1+$0x30] =	vst v1  }
0x3b: {  	[tilespmem:s1+$0x40] =	vst v1  }
0x3c: {  	[tilespmem:s1+$0x50] =	vst v1  }
0x3d: {  	[tilespmem:s1+$0x60] =	vst v1  }
0x3e: {  	[tilespmem:s1+$0x70] =	vst v1  }
0x3f: {  	[tilespmem:s1+$0x400] =	vst v1  }
0x40: {  	[tilespmem:s1+$0x410] =	vst v1  }
.Ltmp3:
0x41: {  	[tilespmem:s1+$0x420] =	vst v1;
	(pc) =	sbr.rel .LBB2_4-.Ltmp3, $4  }
0x42: {  	[tilespmem:s1+$0x430] =	vst v1  }
0x43: {  	[tilespmem:s1+$0x440] =	vst v1  }
0x44: {  	[tilespmem:s1+$0x450] =	vst v1  }
0x45: {  	s21 =	simm.s32 $0x0;
	s22 =	simm.s32 $0x0;
	[tilespmem:s1+$0x460] =	vst v1  }
.LBB2_15:
0x46: {  	s22 =	sadd.s32 $0x1, s22  }
0x47: {  	p0 =	sne.s32 s22, $0x40  }
.Ltmp4:
0x48: {  	_ = 	snop;
	(pc) =	sbr.rel @!p0 .LBB2_16-.Ltmp4, $1  }
0x49: {  	_ =	sdelay $0x3  }
.LBB2_4:
0x4a: {  	s0 =	smul.u32 $0x140, s22;
	_ =	sdelay $0x1  }
0x4b: {  	s1 =	sadd.s32 s4, s0  }
0x4c: {  	[tilespmem:s9], [sflag:$0x1] =	stream.linear.gather [hbm4b:s1+s21], $0xA00, $0x38;
	[tilespmem:$0x1A600] =	vst v63  }
0x4d: {  	_ =	swait.ge [sflag:s10], $0xA00  }
0x4e: {  	[sflag:s10] =	ssyncset.done $0x0  }
0x4f: {  	s31 =	sadd.s32 s5, s0;
	[sflag:s10] =	ssyncadd.s32 $0xFFFFF600  }
0x50: {  	[tilespmem:s11], [sflag:$0x1] =	stream.linear.gather [hbm4b:s31+s21], $0xA00, $0x38;
	[tilespmem:$0x1A600] =	vst v63  }
0x51: {  	_ =	swait.ge [sflag:s10], $0xA00  }
0x52: {  	[sflag:s10] =	ssyncset.done $0x0  }
0x53: {  	p1 =	por $0x1, $0x1;
	s0 =	sadd.s32 s6, s0;
	[sflag:s10] =	ssyncadd.s32 $0xFFFFF600  }
0x54: {  	[tilespmem:s12], [sflag:$0x1] =	stream.linear.gather [hbm4b:s0+s21], $0xA00, $0x38;
	[tilespmem:$0x1A600] =	vst v63  }
.Ltmp5:
0x55: {  	_ =	swait.ge [sflag:s10], $0xA00;
	(pc) =	sbr.rel @!p1 .LBB2_5-.Ltmp5, $4  }
0x56: {  	[sflag:s10] =	ssyncset.done $0x0  }
0x57: {  	s1 =	simm.s32 $0x0;
	[sflag:s10] =	ssyncadd.s32 $0xFFFFF600  }
0x58: {  	v9 =	vld [tilespmem:s1+$0x14800]  }
0x59: {  	p0 =	por $0x0, $0x0;
	v8 =	vld [tilespmem:s1+$0x15C00]  }
0x5a: {  	v10 =	vld [tilespmem:s1+$0x15200];
	_ =	sdelay $0x4  }
0x5b: {  	v10 =	vadd.s32 v0, v10  }
0x5c: {  	vm1 =	vlt.u32 v10, $0x140  }
0x5d: {  	[tilespmem:s21+$0x16600] =	vst.msk vm1, v9  }
0x5e: {  	[tilespmem:s21+$0x17080] =	vst.msk vm1, v10;
	v10 =	vmpcnt.ones.xlane vm1;
	_ =	sdelay $0x1  }
0x5f: {  	(v2sf) =	vpush v10, $0x0  }
0x60: {  	p1 =	por $0x1, $0x1  }
.Ltmp6:
0x61: {  	_ = 	snop;
	(pc) =	sbr.rel @!p1 .LBB2_7-.Ltmp6, $4  }
0x62: {  	_ = 	snop  }
0x63: {  	s1 =	simm.s32 $0x10;
	[tilespmem:s21+$0x17B00] =	vst.msk vm1, v8  }
0x64: {  	v9 =	vld [tilespmem:s1+$0x14800]  }
0x65: {  	s23 =	simm.s32 $0x80;
	p0 =	por $0x1, $0x1;
	s0 =	simm.s32 $0x0;
	v8 =	vld [tilespmem:s1+$0x15C00]  }
.LBB2_8:
0x66: {  	p1 =	sne.s32 s23, $0x27C0;
	v10 =	vld [tilespmem:s1+$0x15200];
	_ =	sdelay $0x4  }
0x67: {  	v10 =	vadd.s32 v0, v10  }
0x68: {  	vm1 =	vlt.u32 v10, $0x140  }
0x69: {  	v11 =	vmpcnt.ones.xlane vm1  }
0x6a: {  	s1 =	spop (v2sf)  }
0x6b: {  	(v2sf) =	vpush v11, $0x0;
	s0 =	sadd.s32 s0, s1  }
0x6c: {  	[tilespmem:s0+$0x16600] =	vst.msk vm1, v9  }
.Ltmp7:
0x6d: {  	[tilespmem:s0+$0x17080] =	vst.msk vm1, v10;
	(pc) =	sbr.rel @p1 .LBB2_8-.Ltmp7, $4  }
0x6e: {  	s1 =	sshra.s32 s23, $0x2;
	[tilespmem:s0+$0x17B00] =	vst.msk vm1, v8  }
0x6f: {  	v9 =	vld [tilespmem:s1+$0x14800]  }
0x70: {  	v8 =	vld [tilespmem:s1+$0x15C00]  }
0x71: {  	s23 =	sadd.s32 $0x40, s23  }
.LBB2_9:
0x72: {  	v10 =	vld [tilespmem:s1+$0x15200];
	_ =	sdelay $0x4  }
0x73: {  	v10 =	vadd.s32 v0, v10  }
0x74: {  	vm1 =	vlt.u32 v10, $0x140  }
0x75: {  	v11 =	vmpcnt.ones.xlane vm1;
	_ =	sdelay $0x1  }
0x76: {  	(v2sf) =	vpush v11, $0x0;
	_ =	sdelay $0xc  }
0x77: {  	s1 =	spop @p0 (v2sf)  }
0x78: {  	s0 =	sadd.s32 @p0 s0, s1;
	s1 =	simm.s32 $0x0  }
0x79: {  	s1 =	smov.u32 @p0 s0;
	s30 =	spop (v2sf)  }
0x7a: {  	s0 =	sadd.s32 s1, s30  }
0x7b: {  	s23 =	sadd.s32 $0x1F, s0  }
0x7c: {  	[tilespmem:s1+$0x16600] =	vst.msk vm1, v9;
	s24 =	sand.u32 $0x1F, s23  }
0x7d: {  	[tilespmem:s1+$0x17080] =	vst.msk vm1, v10;
	s31 =	sshra.s32 s23, $0x1F;
	p1 =	slt.s32 s23, $0x1;
	p6 =	sne.s32 s24, $0x0  }
0x7e: {  	[tilespmem:s1+$0x17B00] =	vst.msk vm1, v8;
	s1 =	sshrl.u32 s31, $0x1B;
	p0 =	por !p1, !p6  }
0x7f: {  	s1 =	sadd.s32 s1, s23;
	s23 =	simm.s32 $0x1;
	p0 =	por !p0, !p0  }
0x80: {  	s1 =	sshra.s32 s1, $0x5;
	s23 =	simm.s32 @!p0 $0x0  }
0x81: {  	s23 =	ssub.s32 s1, s23  }
0x82: {  	[tilespmem:s0+$0x16600] =	vst v2;
	p0 =	slt.s32 s23, $0x1  }
.Ltmp8:
0x83: {  	[tilespmem:s0+$0x17080] =	vst v4;
	(pc) =	sbr.rel @p0 .LBB2_15-.Ltmp8, $4  }
0x84: {  	[tilespmem:s0+$0x17B00] =	vst v1  }
0x85: {  	[tilespmem:s0+$0x16610] =	vst v2  }
0x86: {  	[tilespmem:s0+$0x17090] =	vst v4  }
0x87: {  	s25 =	simm.s32 $0x0;
	[tilespmem:s0+$0x17B10] =	vst v1;
	s24 =	simm.s32 $0x0  }
.LBB2_10:
0x88: {  	s0 =	sshll.u32 s25, $0x5  }
0x89: {  	v10 =	vor.u32 s0, v3;
	_ =	sdelay $0x4  }
0x8a: {  	v9 =	vld.idx.msk [tilespmem:v10+s13+$0x0], $0xffff;
	_ =	sdelay $0x2  }
0x8b: {  	s0 =	sor.u32 $0x10, s0  }
0x8c: {  	v8 =	vor.u32 s0, v3  }
0x8d: {  	v11 =	vshll.u32 v9, $0x1  }
0x8e: {  	v12 =	vand.u32 $0x7, v9;
	v11 =	vand.u32 $0xFFFFFFF0, v11  }
0x8f: {  	v11 =	vor.u32 v12, v11  }
0x90: {  	[tilespmem:$0x18580] =	vst v9;
	v9 =	vperm.xlane v11, v5  }
0x91: {  	v12 =	vld.idx.msk [tilespmem:v8+s13+$0x0], $0xffff  }
0x92: {  	v11 =	vperm.xlane v11, v7;
	v9 =	vadd.s32 v6, v9;
	_ =	sdelay $0x1  }
0x93: {  	v11 =	vadd.s32 v6, v11;
	_ =	sdelay $0x1  }
0x94: {  	[tilespmem:$0x18590] =	vst v12  }
0x95: {  	[tilespmem:s14], [sflag:$0x1] =	stream.indirect_vreg.gather [hbm4b:s3+s24], $0x80, v9, vm0, $0xb8;
	[tilespmem:$0x1A600] =	vst v63  }
0x96: {  	_ = 	snop  }
0x97: {  	[tilespmem:s15], [sflag:$0x1] =	stream.indirect_vreg.gather [hbm4b:s3+s24], $0x80, v11, vm0, $0xb8;
	[tilespmem:$0x1A600] =	vst v63  }
0x98: {  	v9 =	vld [tilespmem:$0x18590];
	_ =	sdelay $0x4  }
0x99: {  	v11 =	vshll.u32 v9, $0x1  }
0x9a: {  	v9 =	vand.u32 $0x7, v9;
	v11 =	vand.u32 $0xFFFFFFF0, v11  }
0x9b: {  	v9 =	vor.u32 v9, v11  }
0x9c: {  	v11 =	vperm.xlane v9, v5;
	_ =	sdelay $0x1  }
0x9d: {  	v9 =	vperm.xlane v9, v7;
	v11 =	vadd.s32 v6, v11;
	_ =	sdelay $0x1  }
0x9e: {  	v9 =	vadd.s32 v6, v9;
	_ =	sdelay $0x2  }
0x9f: {  	[tilespmem:s16], [sflag:$0x1] =	stream.indirect_vreg.gather [hbm4b:s3+s24], $0x80, v11, vm0, $0xb8;
	[tilespmem:$0x1A600] =	vst v63  }
0xa0: {  	_ = 	snop  }
0xa1: {  	[tilespmem:s17], [sflag:$0x1] =	stream.indirect_vreg.gather [hbm4b:s3+s24], $0x80, v9, vm0, $0xb8;
	[tilespmem:$0x1A600] =	vst v63  }
0xa2: {  	_ =	swait.ge [sflag:s10], $0x2000  }
0xa3: {  	[sflag:s10] =	ssyncset.done $0x0  }
0xa4: {  	[sflag:s10] =	ssyncadd.s32 $0xFFFFE000  }
0xa5: {  	v9 =	vld.idx.msk [tilespmem:v10+s18+$0x0], $0xffff;
	_ =	sdelay $0x3  }
0xa6: {  	v11 =	vmov s24  }
0xa7: {  	vm1 =	veq.s32 v11, v3;
	v9 =	vxor.u32 $0x80000000, v9  }
0xa8: {  	v11 =	vnsel vm1, $0x80000000, v9  }
0xa9: {  	(xrf0) =	vmax.scan.msk.u32 $0xffff, v11;
	_ =	sdelay $0x5  }
0xaa: {  	v11, _, _ =	vpop (xrf0)  }
0xab: {  	(v2sf) =	vpush v11, $0xF;
	_ =	sdelay $0x1  }
0xac: {  	v10 =	vld.idx.msk [tilespmem:v10+s19+$0x0], $0xffff;
	_ =	sdelay $0x4  }
0xad: {  	v11 =	vnsel vm1, $0x0, v10  }
0xae: {  	(xrf0) =	vmax.scan.msk.f32 $0xffff, v11;
	_ =	sdelay $0x1  }
0xaf: {  	s26 =	sand.u32 $0x800, s24;
	s1 =	sand.u32 $0x380, s24  }
0xb0: {  	s1 =	sor.u32 s1, s26  }
0xb1: {  	v11 =	vld [tilespmem:s1+$0x18600];
	_ =	sdelay $0x1  }
0xb2: {  	v12, _, _ =	vpop (xrf0)  }
0xb3: {  	v13 =	vbroadcast v12, $0xF;
	s30 =	spop (v2sf)  }
0xb4: {  	s26 =	sshll.u32 s30, $0x8;
	s0 =	sshll.u32 s30, $0x7  }
0xb5: {  	v11 =	vmul.f32 v11, v13;
	s26 =	sand.u32 $0xFFFFF800, s26;
	s0 =	sand.u32 $0x380, s0  }
0xb6: {  	s0 =	sor.u32 s0, s26  }
0xb7: {  	s1 =	sadd.s32 $0x18600, s1;
	[tilespmem:s0+$0x0] =	vst.add.f32.msk $0xffff, v11  }
0xb8: {  	v11 =	vld [tilespmem:s1+$0x10];
	_ =	sdelay $0x4  }
0xb9: {  	v11 =	vmul.f32 v11, v13  }
0xba: {  	s26 =	sor.u32 $0x10, s0  }
0xbb: {  	[tilespmem:s26+$0x0] =	vst.add.f32.msk $0xffff, v11  }
0xbc: {  	v11 =	vld [tilespmem:s1+$0x20];
	_ =	sdelay $0x4  }
0xbd: {  	v11 =	vmul.f32 v11, v13  }
0xbe: {  	s7 =	sor.u32 $0x20, s0  }
0xbf: {  	[tilespmem:s7+$0x0] =	vst.add.f32.msk $0xffff, v11  }
0xc0: {  	v11 =	vld [tilespmem:s1+$0x30];
	_ =	sdelay $0x4  }
0xc1: {  	v11 =	vmul.f32 v11, v13  }
0xc2: {  	s30 =	sor.u32 $0x30, s0  }
0xc3: {  	[tilespmem:s30+$0x0] =	vst.add.f32.msk $0xffff, v11  }
0xc4: {  	v11 =	vld [tilespmem:s1+$0x40];
	_ =	sdelay $0x4  }
0xc5: {  	v11 =	vmul.f32 v11, v13  }
0xc6: {  	s7 =	sor.u32 $0x40, s0  }
0xc7: {  	[tilespmem:s7+$0x0] =	vst.add.f32.msk $0xffff, v11  }
0xc8: {  	v11 =	vld [tilespmem:s1+$0x50];
	_ =	sdelay $0x4  }
0xc9: {  	v11 =	vmul.f32 v11, v13  }
0xca: {  	s30 =	sor.u32 $0x50, s0  }
0xcb: {  	[tilespmem:s30+$0x0] =	vst.add.f32.msk $0xffff, v11  }
0xcc: {  	v11 =	vld [tilespmem:s1+$0x60];
	_ =	sdelay $0x4  }
0xcd: {  	v11 =	vmul.f32 v11, v13  }
0xce: {  	s7 =	sor.u32 $0x60, s0  }
0xcf: {  	[tilespmem:s7+$0x0] =	vst.add.f32.msk $0xffff, v11  }
0xd0: {  	v11 =	vld [tilespmem:s1+$0x70];
	_ =	sdelay $0x4  }
0xd1: {  	v11 =	vmul.f32 v11, v13  }
0xd2: {  	s30 =	sor.u32 $0x70, s0  }
0xd3: {  	[tilespmem:s30+$0x0] =	vst.add.f32.msk $0xffff, v11  }
0xd4: {  	v11 =	vld [tilespmem:s1+$0x400];
	_ =	sdelay $0x4  }
0xd5: {  	v11 =	vmul.f32 v11, v13  }
0xd6: {  	s7 =	sor.u32 $0x400, s0  }
0xd7: {  	[tilespmem:s7+$0x0] =	vst.add.f32.msk $0xffff, v11  }
0xd8: {  	v11 =	vld [tilespmem:s1+$0x410];
	_ =	sdelay $0x4  }
0xd9: {  	v11 =	vmul.f32 v11, v13  }
0xda: {  	s30 =	sor.u32 $0x410, s0  }
0xdb: {  	[tilespmem:s30+$0x0] =	vst.add.f32.msk $0xffff, v11  }
0xdc: {  	v11 =	vld [tilespmem:s1+$0x420];
	_ =	sdelay $0x4  }
0xdd: {  	v11 =	vmul.f32 v11, v13  }
0xde: {  	s7 =	sor.u32 $0x420, s0  }
0xdf: {  	[tilespmem:s7+$0x0] =	vst.add.f32.msk $0xffff, v11  }
0xe0: {  	v11 =	vld [tilespmem:s1+$0x430];
	_ =	sdelay $0x4  }
0xe1: {  	v11 =	vmul.f32 v11, v13  }
0xe2: {  	s30 =	sor.u32 $0x430, s0  }
0xe3: {  	[tilespmem:s30+$0x0] =	vst.add.f32.msk $0xffff, v11  }
0xe4: {  	v11 =	vld [tilespmem:s1+$0x440];
	_ =	sdelay $0x4  }
0xe5: {  	v11 =	vmul.f32 v11, v13  }
0xe6: {  	s7 =	sor.u32 $0x440, s0  }
0xe7: {  	[tilespmem:s7+$0x0] =	vst.add.f32.msk $0xffff, v11  }
0xe8: {  	v11 =	vld [tilespmem:s1+$0x450]  }
0xe9: {  	s7 =	simm.s32 $0x1  }
0xea: {  	v12 =	vmov s7  }
0xeb: {  	vm1 =	veq.s32 v12, v3  }
0xec: {  	v12 =	vnsel vm1, $0x80000000, v9  }
0xed: {  	(xrf0) =	vmax.scan.msk.u32 $0xffff, v12;
	v11 =	vmul.f32 v11, v13  }
0xee: {  	s30 =	sor.u32 $0x450, s0  }
0xef: {  	[tilespmem:s30+$0x0] =	vst.add.f32.msk $0xffff, v11  }
0xf0: {  	v11 =	vld [tilespmem:s1+$0x460];
	_ =	sdelay $0x2  }
0xf1: {  	v12, _, _ =	vpop (xrf0)  }
0xf2: {  	(v2sf) =	vpush v12, $0xF  }
0xf3: {  	v11 =	vmul.f32 v11, v13  }
0xf4: {  	v14 =	vnsel vm1, $0x0, v10;
	s30 =	sor.u32 $0x460, s0  }
0xf5: {  	(xrf0) =	vmax.scan.msk.f32 $0xffff, v14;
	[tilespmem:s30+$0x0] =	vst.add.f32.msk $0xffff, v11  }
0xf6: {  	v11 =	vld [tilespmem:s1+$0x470];
	_ =	sdelay $0x2  }
0xf7: {  	s28 =	simm.s32 $0x80  }
0xf8: {  	s29 =	simm.s32 $0x100;
	s31 =	sand.u32 $0x380, s28  }
0xf9: {  	s26 =	simm.s32 $0x2;
	s0 =	sor.u32 $0x470, s0;
	v12, _, _ =	vpop (xrf0);
	s1 =	sand.u32 $0x800, s29;
	v11 =	vmul.f32 v11, v13  }
.LBB2_11:
0xfa: {  	p0 =	sne.s32 s26, $0xF  }
0xfb: {  	s1 =	sor.u32 s31, s1;
	[tilespmem:s0+$0x0] =	vst.add.f32.msk $0xffff, v11;
	s0 =	smov.u32 s26;
	s26 =	sadd.s32 $0x1, s26  }
0xfc: {  	v13 =	vld [tilespmem:s1+$0x18600];
	_ =	sdelay $0x2  }
0xfd: {  	v11 =	vbroadcast v12, $0xF;
	s30 =	spop (v2sf)  }
0xfe: {  	s31 =	sshll.u32 s30, $0x8;
	s30 =	sshll.u32 s30, $0x7  }
0xff: {  	v12 =	vmul.f32 v13, v11;
	s31 =	sand.u32 $0xFFFFF800, s31;
	s30 =	sand.u32 $0x380, s30  }
0x100: {  	s30 =	sor.u32 s30, s31  }
0x101: {  	s31 =	sadd.s32 $0x18600, s1;
	[tilespmem:s30+$0x0] =	vst.add.f32.msk $0xffff, v12  }
0x102: {  	v12 =	vld [tilespmem:s31+$0x10];
	_ =	sdelay $0x4  }
0x103: {  	v12 =	vmul.f32 v12, v11  }
0x104: {  	s1 =	sor.u32 $0x10, s30  }
0x105: {  	[tilespmem:s1+$0x0] =	vst.add.f32.msk $0xffff, v12  }
0x106: {  	v12 =	vld [tilespmem:s31+$0x20];
	_ =	sdelay $0x4  }
0x107: {  	v12 =	vmul.f32 v12, v11  }
0x108: {  	s1 =	sor.u32 $0x20, s30  }
0x109: {  	[tilespmem:s1+$0x0] =	vst.add.f32.msk $0xffff, v12  }
0x10a: {  	v12 =	vld [tilespmem:s31+$0x30];
	_ =	sdelay $0x4  }
0x10b: {  	v12 =	vmul.f32 v12, v11  }
0x10c: {  	s1 =	sor.u32 $0x30, s30  }
0x10d: {  	[tilespmem:s1+$0x0] =	vst.add.f32.msk $0xffff, v12  }
0x10e: {  	v12 =	vld [tilespmem:s31+$0x40];
	_ =	sdelay $0x4  }
0x10f: {  	v12 =	vmul.f32 v12, v11  }
0x110: {  	s1 =	sor.u32 $0x40, s30  }
0x111: {  	[tilespmem:s1+$0x0] =	vst.add.f32.msk $0xffff, v12  }
0x112: {  	v12 =	vld [tilespmem:s31+$0x50];
	_ =	sdelay $0x4  }
0x113: {  	v12 =	vmul.f32 v12, v11  }
0x114: {  	s1 =	sor.u32 $0x50, s30  }
0x115: {  	[tilespmem:s1+$0x0] =	vst.add.f32.msk $0xffff, v12  }
0x116: {  	v12 =	vld [tilespmem:s31+$0x60];
	_ =	sdelay $0x4  }
0x117: {  	v12 =	vmul.f32 v12, v11  }
0x118: {  	s1 =	sor.u32 $0x60, s30  }
0x119: {  	[tilespmem:s1+$0x0] =	vst.add.f32.msk $0xffff, v12  }
0x11a: {  	v12 =	vld [tilespmem:s31+$0x70];
	_ =	sdelay $0x4  }
0x11b: {  	v12 =	vmul.f32 v12, v11  }
0x11c: {  	s1 =	sor.u32 $0x70, s30  }
0x11d: {  	[tilespmem:s1+$0x0] =	vst.add.f32.msk $0xffff, v12  }
0x11e: {  	v12 =	vld [tilespmem:s31+$0x400];
	_ =	sdelay $0x4  }
0x11f: {  	v12 =	vmul.f32 v12, v11  }
0x120: {  	s1 =	sor.u32 $0x400, s30  }
0x121: {  	[tilespmem:s1+$0x0] =	vst.add.f32.msk $0xffff, v12  }
0x122: {  	v12 =	vld [tilespmem:s31+$0x410];
	_ =	sdelay $0x4  }
0x123: {  	v12 =	vmul.f32 v12, v11  }
0x124: {  	s1 =	sor.u32 $0x410, s30  }
0x125: {  	[tilespmem:s1+$0x0] =	vst.add.f32.msk $0xffff, v12  }
0x126: {  	v12 =	vld [tilespmem:s31+$0x420];
	_ =	sdelay $0x4  }
0x127: {  	v12 =	vmul.f32 v12, v11  }
0x128: {  	s1 =	sor.u32 $0x420, s30  }
0x129: {  	[tilespmem:s1+$0x0] =	vst.add.f32.msk $0xffff, v12  }
0x12a: {  	v12 =	vld [tilespmem:s31+$0x430];
	_ =	sdelay $0x4  }
0x12b: {  	v12 =	vmul.f32 v12, v11  }
0x12c: {  	s1 =	sor.u32 $0x430, s30  }
0x12d: {  	[tilespmem:s1+$0x0] =	vst.add.f32.msk $0xffff, v12  }
0x12e: {  	v12 =	vld [tilespmem:s31+$0x440];
	_ =	sdelay $0x4  }
0x12f: {  	v12 =	vmul.f32 v12, v11  }
0x130: {  	s1 =	sor.u32 $0x440, s30  }
0x131: {  	[tilespmem:s1+$0x0] =	vst.add.f32.msk $0xffff, v12  }
0x132: {  	v12 =	vld [tilespmem:s31+$0x450];
	_ =	sdelay $0x1  }
0x133: {  	v13 =	vmov s0  }
0x134: {  	vm1 =	veq.s32 v13, v3  }
0x135: {  	v13 =	vnsel vm1, $0x80000000, v9;
	v14 =	vnsel vm1, $0x0, v10  }
0x136: {  	(xrf0) =	vmax.scan.msk.u32 $0xffff, v13;
	v12 =	vmul.f32 v12, v11  }
0x137: {  	s0 =	sor.u32 $0x450, s30;
	(xrf0) =	vmax.scan.msk.f32 $0xffff, v14  }
0x138: {  	[tilespmem:s0+$0x0] =	vst.add.f32.msk $0xffff, v12  }
0x139: {  	v13 =	vld [tilespmem:s31+$0x460];
	_ =	sdelay $0x2  }
0x13a: {  	v12, _, _ =	vpop (xrf0)  }
0x13b: {  	(v2sf) =	vpush v12, $0xF;
	v12, _, _ =	vpop (xrf0)  }
0x13c: {  	v13 =	vmul.f32 v13, v11  }
0x13d: {  	s0 =	sor.u32 $0x460, s30  }
0x13e: {  	[tilespmem:s0+$0x0] =	vst.add.f32.msk $0xffff, v13  }
0x13f: {  	v13 =	vld [tilespmem:s31+$0x470];
	_ =	sdelay $0x1  }
.Ltmp9:
0x140: {  	(pc) =	sbr.rel @p0 .LBB2_11-.Ltmp9, $3  }
0x141: {  	_ =	sdelay $0x1  }
0x142: {  	s28 =	sadd.s32 $0x80, s28;
	s29 =	sadd.s32 $0x100, s29;
	v11 =	vmul.f32 v13, v11  }
0x143: {  	s1 =	sand.u32 $0x800, s29;
	s0 =	sor.u32 $0x470, s30;
	s31 =	sand.u32 $0x380, s28  }
0x144: {  	s1 =	sor.u32 s31, s1;
	[tilespmem:s0+$0x0] =	vst.add.f32.msk $0xffff, v11  }
0x145: {  	v9 =	vld [tilespmem:s1+$0x18600];
	_ =	sdelay $0x2  }
0x146: {  	v10 =	vbroadcast v12, $0xF;
	s30 =	spop (v2sf)  }
0x147: {  	s26 =	sshll.u32 s30, $0x8;
	s0 =	sshll.u32 s30, $0x7  }
0x148: {  	v9 =	vmul.f32 v9, v10;
	s26 =	sand.u32 $0xFFFFF800, s26;
	s0 =	sand.u32 $0x380, s0  }
0x149: {  	s0 =	sor.u32 s0, s26  }
0x14a: {  	s1 =	sadd.s32 $0x18600, s1;
	[tilespmem:s0+$0x0] =	vst.add.f32.msk $0xffff, v9  }
0x14b: {  	v9 =	vld [tilespmem:s1+$0x10];
	_ =	sdelay $0x4  }
0x14c: {  	v9 =	vmul.f32 v9, v10  }
0x14d: {  	s26 =	sor.u32 $0x10, s0  }
0x14e: {  	[tilespmem:s26+$0x0] =	vst.add.f32.msk $0xffff, v9  }
0x14f: {  	v9 =	vld [tilespmem:s1+$0x20];
	_ =	sdelay $0x4  }
0x150: {  	v9 =	vmul.f32 v9, v10  }
0x151: {  	s7 =	sor.u32 $0x20, s0  }
0x152: {  	[tilespmem:s7+$0x0] =	vst.add.f32.msk $0xffff, v9  }
0x153: {  	v9 =	vld [tilespmem:s1+$0x30];
	_ =	sdelay $0x4  }
0x154: {  	v9 =	vmul.f32 v9, v10  }
0x155: {  	s30 =	sor.u32 $0x30, s0  }
0x156: {  	[tilespmem:s30+$0x0] =	vst.add.f32.msk $0xffff, v9  }
0x157: {  	v9 =	vld [tilespmem:s1+$0x40];
	_ =	sdelay $0x4  }
0x158: {  	v9 =	vmul.f32 v9, v10  }
0x159: {  	s7 =	sor.u32 $0x40, s0  }
0x15a: {  	[tilespmem:s7+$0x0] =	vst.add.f32.msk $0xffff, v9  }
0x15b: {  	v9 =	vld [tilespmem:s1+$0x50];
	_ =	sdelay $0x4  }
0x15c: {  	v9 =	vmul.f32 v9, v10  }
0x15d: {  	s30 =	sor.u32 $0x50, s0  }
0x15e: {  	[tilespmem:s30+$0x0] =	vst.add.f32.msk $0xffff, v9  }
0x15f: {  	v9 =	vld [tilespmem:s1+$0x60];
	_ =	sdelay $0x4  }
0x160: {  	v9 =	vmul.f32 v9, v10  }
0x161: {  	s7 =	sor.u32 $0x60, s0  }
0x162: {  	[tilespmem:s7+$0x0] =	vst.add.f32.msk $0xffff, v9  }
0x163: {  	v9 =	vld [tilespmem:s1+$0x70];
	_ =	sdelay $0x4  }
0x164: {  	v9 =	vmul.f32 v9, v10  }
0x165: {  	s30 =	sor.u32 $0x70, s0  }
0x166: {  	[tilespmem:s30+$0x0] =	vst.add.f32.msk $0xffff, v9  }
0x167: {  	v9 =	vld [tilespmem:s1+$0x400];
	_ =	sdelay $0x4  }
0x168: {  	v9 =	vmul.f32 v9, v10  }
0x169: {  	s7 =	sor.u32 $0x400, s0  }
0x16a: {  	[tilespmem:s7+$0x0] =	vst.add.f32.msk $0xffff, v9  }
0x16b: {  	v9 =	vld [tilespmem:s1+$0x410];
	_ =	sdelay $0x4  }
0x16c: {  	v9 =	vmul.f32 v9, v10  }
0x16d: {  	s30 =	sor.u32 $0x410, s0  }
0x16e: {  	[tilespmem:s30+$0x0] =	vst.add.f32.msk $0xffff, v9  }
0x16f: {  	v9 =	vld [tilespmem:s1+$0x420];
	_ =	sdelay $0x4  }
0x170: {  	v9 =	vmul.f32 v9, v10  }
0x171: {  	s7 =	sor.u32 $0x420, s0  }
0x172: {  	[tilespmem:s7+$0x0] =	vst.add.f32.msk $0xffff, v9  }
0x173: {  	v9 =	vld [tilespmem:s1+$0x430];
	_ =	sdelay $0x4  }
0x174: {  	v9 =	vmul.f32 v9, v10  }
0x175: {  	s30 =	sor.u32 $0x430, s0  }
0x176: {  	[tilespmem:s30+$0x0] =	vst.add.f32.msk $0xffff, v9  }
0x177: {  	v9 =	vld [tilespmem:s1+$0x440];
	_ =	sdelay $0x4  }
0x178: {  	v9 =	vmul.f32 v9, v10  }
0x179: {  	s7 =	sor.u32 $0x440, s0  }
0x17a: {  	[tilespmem:s7+$0x0] =	vst.add.f32.msk $0xffff, v9  }
0x17b: {  	v9 =	vld [tilespmem:s1+$0x450];
	_ =	sdelay $0x4  }
0x17c: {  	v9 =	vmul.f32 v9, v10  }
0x17d: {  	s30 =	sor.u32 $0x450, s0  }
0x17e: {  	[tilespmem:s30+$0x0] =	vst.add.f32.msk $0xffff, v9  }
0x17f: {  	v9 =	vld [tilespmem:s1+$0x460];
	_ =	sdelay $0x4  }
0x180: {  	v9 =	vmul.f32 v9, v10  }
0x181: {  	s7 =	sor.u32 $0x460, s0  }
0x182: {  	[tilespmem:s7+$0x0] =	vst.add.f32.msk $0xffff, v9  }
0x183: {  	v9 =	vld [tilespmem:s1+$0x470];
	_ =	sdelay $0x4  }
0x184: {  	v9 =	vmul.f32 v9, v10  }
0x185: {  	s0 =	sor.u32 $0x470, s0  }
0x186: {  	[tilespmem:s0+$0x0] =	vst.add.f32.msk $0xffff, v9  }
0x187: {  	v9 =	vld.idx.msk [tilespmem:v8+s18+$0x0], $0xffff;
	_ =	sdelay $0x2  }
0x188: {  	s1 =	simm.s32 $0x0  }
0x189: {  	v10 =	vmov s1  }
0x18a: {  	vm1 =	veq.s32 v10, v3;
	v9 =	vxor.u32 $0x80000000, v9  }
0x18b: {  	v10 =	vnsel vm1, $0x80000000, v9  }
0x18c: {  	(xrf0) =	vmax.scan.msk.u32 $0xffff, v10;
	_ =	sdelay $0x5  }
0x18d: {  	v10, _, _ =	vpop (xrf0)  }
0x18e: {  	(v2sf) =	vpush v10, $0xF;
	_ =	sdelay $0x1  }
0x18f: {  	v8 =	vld.idx.msk [tilespmem:v8+s19+$0x0], $0xffff;
	_ =	sdelay $0x4  }
0x190: {  	v10 =	vnsel vm1, $0x0, v8  }
0x191: {  	(xrf0) =	vmax.scan.msk.f32 $0xffff, v10  }
0x192: {  	s26 =	sand.u32 $0x800, s1;
	s30 =	sand.u32 $0x380, s1  }
0x193: {  	s0 =	sor.u32 s30, s26  }
0x194: {  	s28 =	sadd.s32 $0x18600, s0  }
0x195: {  	v10 =	vld [tilespmem:s28+$0x1000];
	_ =	sdelay $0x1  }
0x196: {  	v11, _, _ =	vpop (xrf0)  }
0x197: {  	v63 =	vbroadcast v11, $0xF;
	s7 =	spop (v2sf)  }
0x198: {  	s29 =	sshll.u32 s7, $0x8;
	s0 =	sshll.u32 s7, $0x7  }
0x199: {  	v10 =	vmul.f32 v10, v63;
	s29 =	sand.u32 $0xFFFFF800, s29;
	s0 =	sand.u32 $0x380, s0  }
0x19a: {  	s0 =	sor.u32 s0, s29  }
0x19b: {  	[tilespmem:s0+$0x0] =	vst.add.f32.msk $0xffff, v10  }
0x19c: {  	v10 =	vld [tilespmem:s28+$0x1010];
	_ =	sdelay $0x4  }
0x19d: {  	v10 =	vmul.f32 v10, v63  }
0x19e: {  	s29 =	sor.u32 $0x10, s0  }
0x19f: {  	[tilespmem:s29+$0x0] =	vst.add.f32.msk $0xffff, v10  }
0x1a0: {  	v10 =	vld [tilespmem:s28+$0x1020];
	_ =	sdelay $0x4  }
0x1a1: {  	v10 =	vmul.f32 v10, v63  }
0x1a2: {  	s29 =	sor.u32 $0x20, s0  }
0x1a3: {  	[tilespmem:s29+$0x0] =	vst.add.f32.msk $0xffff, v10  }
0x1a4: {  	v10 =	vld [tilespmem:s28+$0x1030];
	_ =	sdelay $0x4  }
0x1a5: {  	v10 =	vmul.f32 v10, v63  }
0x1a6: {  	s29 =	sor.u32 $0x30, s0  }
0x1a7: {  	[tilespmem:s29+$0x0] =	vst.add.f32.msk $0xffff, v10  }
0x1a8: {  	v10 =	vld [tilespmem:s28+$0x1040];
	_ =	sdelay $0x4  }
0x1a9: {  	v10 =	vmul.f32 v10, v63  }
0x1aa: {  	s29 =	sor.u32 $0x40, s0  }
0x1ab: {  	[tilespmem:s29+$0x0] =	vst.add.f32.msk $0xffff, v10  }
0x1ac: {  	v10 =	vld [tilespmem:s28+$0x1050];
	_ =	sdelay $0x4  }
0x1ad: {  	v10 =	vmul.f32 v10, v63  }
0x1ae: {  	s29 =	sor.u32 $0x50, s0  }
0x1af: {  	[tilespmem:s29+$0x0] =	vst.add.f32.msk $0xffff, v10  }
0x1b0: {  	v10 =	vld [tilespmem:s28+$0x1060];
	_ =	sdelay $0x4  }
0x1b1: {  	v10 =	vmul.f32 v10, v63  }
0x1b2: {  	s29 =	sor.u32 $0x60, s0  }
0x1b3: {  	[tilespmem:s29+$0x0] =	vst.add.f32.msk $0xffff, v10  }
0x1b4: {  	v10 =	vld [tilespmem:s28+$0x1070];
	_ =	sdelay $0x4  }
0x1b5: {  	v10 =	vmul.f32 v10, v63  }
0x1b6: {  	s1 =	sor.u32 s26, s1;
	s30 =	sor.u32 $0x70, s0  }
0x1b7: {  	s1 =	sor.u32 $0x1400, s1;
	[tilespmem:s30+$0x0] =	vst.add.f32.msk $0xffff, v10  }
0x1b8: {  	v10 =	vld [tilespmem:s1+$0x18600];
	_ =	sdelay $0x4  }
0x1b9: {  	v10 =	vmul.f32 v10, v63  }
0x1ba: {  	s7 =	sor.u32 $0x400, s0  }
0x1bb: {  	[tilespmem:s7+$0x0] =	vst.add.f32.msk $0xffff, v10  }
0x1bc: {  	v10 =	vld [tilespmem:s1+$0x18610];
	_ =	sdelay $0x4  }
0x1bd: {  	v10 =	vmul.f32 v10, v63  }
0x1be: {  	s30 =	sor.u32 $0x410, s0  }
0x1bf: {  	[tilespmem:s30+$0x0] =	vst.add.f32.msk $0xffff, v10  }
0x1c0: {  	v10 =	vld [tilespmem:s1+$0x18620];
	_ =	sdelay $0x4  }
0x1c1: {  	v10 =	vmul.f32 v10, v63  }
0x1c2: {  	s7 =	sor.u32 $0x420, s0  }
0x1c3: {  	[tilespmem:s7+$0x0] =	vst.add.f32.msk $0xffff, v10  }
0x1c4: {  	v10 =	vld [tilespmem:s1+$0x18630];
	_ =	sdelay $0x4  }
0x1c5: {  	v10 =	vmul.f32 v10, v63  }
0x1c6: {  	s30 =	sor.u32 $0x430, s0  }
0x1c7: {  	[tilespmem:s30+$0x0] =	vst.add.f32.msk $0xffff, v10  }
0x1c8: {  	v10 =	vld [tilespmem:s1+$0x18640];
	_ =	sdelay $0x4  }
0x1c9: {  	v10 =	vmul.f32 v10, v63  }
0x1ca: {  	s7 =	sor.u32 $0x440, s0  }
0x1cb: {  	[tilespmem:s7+$0x0] =	vst.add.f32.msk $0xffff, v10  }
0x1cc: {  	v10 =	vld [tilespmem:s1+$0x18650]  }
0x1cd: {  	s7 =	simm.s32 $0x1  }
0x1ce: {  	v11 =	vmov s7  }
0x1cf: {  	vm1 =	veq.s32 v11, v3  }
0x1d0: {  	v11 =	vnsel vm1, $0x80000000, v9  }
0x1d1: {  	(xrf0) =	vmax.scan.msk.u32 $0xffff, v11;
	v10 =	vmul.f32 v10, v63  }
0x1d2: {  	s30 =	sor.u32 $0x450, s0  }
0x1d3: {  	[tilespmem:s30+$0x0] =	vst.add.f32.msk $0xffff, v10  }
0x1d4: {  	v10 =	vld [tilespmem:s1+$0x18660];
	_ =	sdelay $0x2  }
0x1d5: {  	v11, _, _ =	vpop (xrf0)  }
0x1d6: {  	(v2sf) =	vpush v11, $0xF  }
0x1d7: {  	v10 =	vmul.f32 v10, v63  }
0x1d8: {  	v13 =	vnsel vm1, $0x0, v8;
	s30 =	sor.u32 $0x460, s0  }
0x1d9: {  	(xrf0) =	vmax.scan.msk.f32 $0xffff, v13;
	[tilespmem:s30+$0x0] =	vst.add.f32.msk $0xffff, v10  }
0x1da: {  	v10 =	vld [tilespmem:s1+$0x18670];
	_ =	sdelay $0x2  }
0x1db: {  	s26 =	simm.s32 $0x80;
	s28 =	simm.s32 $0x100  }
0x1dc: {  	s29 =	simm.s32 $0x2;
	s7 =	sand.u32 $0x380, s26;
	s30 =	sand.u32 $0x800, s28  }
0x1dd: {  	s0 =	sor.u32 $0x470, s0;
	v11, _, _ =	vpop (xrf0);
	s1 =	sor.u32 s7, s30;
	s31 =	sor.u32 s30, s26;
	v10 =	vmul.f32 v10, v63  }
.LBB2_13:
0x1de: {  	p0 =	sne.s32 s29, $0xF  }
0x1df: {  	s1 =	sadd.s32 $0x18600, s1;
	[tilespmem:s0+$0x0] =	vst.add.f32.msk $0xffff, v10;
	s0 =	smov.u32 s29;
	s29 =	sadd.s32 $0x1, s29  }
0x1e0: {  	v12 =	vld [tilespmem:s1+$0x1000];
	_ =	sdelay $0x2  }
0x1e1: {  	v10 =	vbroadcast v11, $0xF;
	s30 =	spop (v2sf)  }
0x1e2: {  	s7 =	sshll.u32 s30, $0x8;
	s30 =	sshll.u32 s30, $0x7  }
0x1e3: {  	v11 =	vmul.f32 v12, v10;
	s7 =	sand.u32 $0xFFFFF800, s7;
	s30 =	sand.u32 $0x380, s30  }
0x1e4: {  	s30 =	sor.u32 s30, s7  }
0x1e5: {  	[tilespmem:s30+$0x0] =	vst.add.f32.msk $0xffff, v11  }
0x1e6: {  	v11 =	vld [tilespmem:s1+$0x1010];
	_ =	sdelay $0x4  }
0x1e7: {  	v11 =	vmul.f32 v11, v10  }
0x1e8: {  	s7 =	sor.u32 $0x10, s30  }
0x1e9: {  	[tilespmem:s7+$0x0] =	vst.add.f32.msk $0xffff, v11  }
0x1ea: {  	v11 =	vld [tilespmem:s1+$0x1020];
	_ =	sdelay $0x4  }
0x1eb: {  	v11 =	vmul.f32 v11, v10  }
0x1ec: {  	s7 =	sor.u32 $0x20, s30  }
0x1ed: {  	[tilespmem:s7+$0x0] =	vst.add.f32.msk $0xffff, v11  }
0x1ee: {  	v11 =	vld [tilespmem:s1+$0x1030];
	_ =	sdelay $0x4  }
0x1ef: {  	v11 =	vmul.f32 v11, v10  }
0x1f0: {  	s7 =	sor.u32 $0x30, s30  }
0x1f1: {  	[tilespmem:s7+$0x0] =	vst.add.f32.msk $0xffff, v11  }
0x1f2: {  	v11 =	vld [tilespmem:s1+$0x1040];
	_ =	sdelay $0x4  }
0x1f3: {  	v11 =	vmul.f32 v11, v10  }
0x1f4: {  	s7 =	sor.u32 $0x40, s30  }
0x1f5: {  	[tilespmem:s7+$0x0] =	vst.add.f32.msk $0xffff, v11  }
0x1f6: {  	v11 =	vld [tilespmem:s1+$0x1050];
	_ =	sdelay $0x4  }
0x1f7: {  	v11 =	vmul.f32 v11, v10  }
0x1f8: {  	s7 =	sor.u32 $0x50, s30  }
0x1f9: {  	[tilespmem:s7+$0x0] =	vst.add.f32.msk $0xffff, v11  }
0x1fa: {  	v11 =	vld [tilespmem:s1+$0x1060];
	_ =	sdelay $0x4  }
0x1fb: {  	v11 =	vmul.f32 v11, v10  }
0x1fc: {  	s7 =	sor.u32 $0x60, s30  }
0x1fd: {  	[tilespmem:s7+$0x0] =	vst.add.f32.msk $0xffff, v11  }
0x1fe: {  	v11 =	vld [tilespmem:s1+$0x1070];
	_ =	sdelay $0x4  }
0x1ff: {  	v11 =	vmul.f32 v11, v10  }
0x200: {  	s1 =	sor.u32 $0x70, s30  }
0x201: {  	[tilespmem:s1+$0x0] =	vst.add.f32.msk $0xffff, v11;
	s1 =	sor.u32 $0x1400, s31  }
0x202: {  	v11 =	vld [tilespmem:s1+$0x18600];
	_ =	sdelay $0x4  }
0x203: {  	v11 =	vmul.f32 v11, v10  }
0x204: {  	s7 =	sor.u32 $0x400, s30  }
0x205: {  	[tilespmem:s7+$0x0] =	vst.add.f32.msk $0xffff, v11  }
0x206: {  	v11 =	vld [tilespmem:s1+$0x18610];
	_ =	sdelay $0x4  }
0x207: {  	v11 =	vmul.f32 v11, v10  }
0x208: {  	s7 =	sor.u32 $0x410, s30  }
0x209: {  	[tilespmem:s7+$0x0] =	vst.add.f32.msk $0xffff, v11  }
0x20a: {  	v11 =	vld [tilespmem:s1+$0x18620];
	_ =	sdelay $0x4  }
0x20b: {  	v11 =	vmul.f32 v11, v10  }
0x20c: {  	s7 =	sor.u32 $0x420, s30  }
0x20d: {  	[tilespmem:s7+$0x0] =	vst.add.f32.msk $0xffff, v11  }
0x20e: {  	v11 =	vld [tilespmem:s1+$0x18630];
	_ =	sdelay $0x4  }
0x20f: {  	v11 =	vmul.f32 v11, v10  }
0x210: {  	s7 =	sor.u32 $0x430, s30  }
0x211: {  	[tilespmem:s7+$0x0] =	vst.add.f32.msk $0xffff, v11  }
0x212: {  	v11 =	vld [tilespmem:s1+$0x18640];
	_ =	sdelay $0x4  }
0x213: {  	v11 =	vmul.f32 v11, v10  }
0x214: {  	s7 =	sor.u32 $0x440, s30  }
0x215: {  	[tilespmem:s7+$0x0] =	vst.add.f32.msk $0xffff, v11  }
0x216: {  	v11 =	vld [tilespmem:s1+$0x18650];
	_ =	sdelay $0x1  }
0x217: {  	v12 =	vmov s0  }
0x218: {  	vm1 =	veq.s32 v12, v3  }
0x219: {  	v12 =	vnsel vm1, $0x80000000, v9;
	v13 =	vnsel vm1, $0x0, v8  }
0x21a: {  	(xrf0) =	vmax.scan.msk.u32 $0xffff, v12;
	v11 =	vmul.f32 v11, v10  }
0x21b: {  	s0 =	sor.u32 $0x450, s30;
	(xrf0) =	vmax.scan.msk.f32 $0xffff, v13  }
0x21c: {  	[tilespmem:s0+$0x0] =	vst.add.f32.msk $0xffff, v11  }
0x21d: {  	v12 =	vld [tilespmem:s1+$0x18660];
	_ =	sdelay $0x2  }
0x21e: {  	v11, _, _ =	vpop (xrf0)  }
0x21f: {  	(v2sf) =	vpush v11, $0xF;
	v11, _, _ =	vpop (xrf0)  }
0x220: {  	v12 =	vmul.f32 v12, v10  }
0x221: {  	s0 =	sor.u32 $0x460, s30  }
0x222: {  	[tilespmem:s0+$0x0] =	vst.add.f32.msk $0xffff, v12  }
0x223: {  	v12 =	vld [tilespmem:s1+$0x18670];
	_ =	sdelay $0x1  }
.Ltmp10:
0x224: {  	(pc) =	sbr.rel @p0 .LBB2_13-.Ltmp10, $4  }
0x225: {  	_ = 	snop  }
0x226: {  	s26 =	sadd.s32 $0x80, s26;
	s28 =	sadd.s32 $0x100, s28  }
0x227: {  	s0 =	sand.u32 $0x800, s28;
	s1 =	sand.u32 $0x380, s26;
	v10 =	vmul.f32 v12, v10  }
0x228: {  	s31 =	sor.u32 s0, s26;
	s1 =	sor.u32 s1, s0;
	s0 =	sor.u32 $0x470, s30  }
0x229: {  	s1 =	sadd.s32 $0x18600, s1;
	[tilespmem:s0+$0x0] =	vst.add.f32.msk $0xffff, v10  }
0x22a: {  	v8 =	vld [tilespmem:s1+$0x1000];
	_ =	sdelay $0x2  }
0x22b: {  	v9 =	vbroadcast v11, $0xF;
	s26 =	spop (v2sf)  }
0x22c: {  	s7 =	sshll.u32 s26, $0x8;
	s0 =	sshll.u32 s26, $0x7  }
0x22d: {  	v8 =	vmul.f32 v8, v9;
	s7 =	sand.u32 $0xFFFFF800, s7;
	s0 =	sand.u32 $0x380, s0  }
0x22e: {  	s0 =	sor.u32 s0, s7  }
0x22f: {  	[tilespmem:s0+$0x0] =	vst.add.f32.msk $0xffff, v8  }
0x230: {  	v8 =	vld [tilespmem:s1+$0x1010];
	_ =	sdelay $0x4  }
0x231: {  	v8 =	vmul.f32 v8, v9  }
0x232: {  	s7 =	sor.u32 $0x10, s0  }
0x233: {  	[tilespmem:s7+$0x0] =	vst.add.f32.msk $0xffff, v8  }
0x234: {  	v8 =	vld [tilespmem:s1+$0x1020];
	_ =	sdelay $0x4  }
0x235: {  	v8 =	vmul.f32 v8, v9  }
0x236: {  	s28 =	sor.u32 $0x20, s0  }
0x237: {  	[tilespmem:s28+$0x0] =	vst.add.f32.msk $0xffff, v8  }
0x238: {  	v8 =	vld [tilespmem:s1+$0x1030];
	_ =	sdelay $0x4  }
0x239: {  	v8 =	vmul.f32 v8, v9  }
0x23a: {  	s29 =	sor.u32 $0x30, s0  }
0x23b: {  	[tilespmem:s29+$0x0] =	vst.add.f32.msk $0xffff, v8  }
0x23c: {  	v8 =	vld [tilespmem:s1+$0x1040];
	_ =	sdelay $0x4  }
0x23d: {  	v8 =	vmul.f32 v8, v9  }
0x23e: {  	s30 =	sor.u32 $0x40, s0  }
0x23f: {  	[tilespmem:s30+$0x0] =	vst.add.f32.msk $0xffff, v8  }
0x240: {  	v8 =	vld [tilespmem:s1+$0x1050];
	_ =	sdelay $0x4  }
0x241: {  	v8 =	vmul.f32 v8, v9  }
0x242: {  	s26 =	sor.u32 $0x50, s0  }
0x243: {  	[tilespmem:s26+$0x0] =	vst.add.f32.msk $0xffff, v8  }
0x244: {  	v8 =	vld [tilespmem:s1+$0x1060];
	_ =	sdelay $0x4  }
0x245: {  	v8 =	vmul.f32 v8, v9  }
0x246: {  	s28 =	sor.u32 $0x60, s0  }
0x247: {  	[tilespmem:s28+$0x0] =	vst.add.f32.msk $0xffff, v8  }
0x248: {  	v8 =	vld [tilespmem:s1+$0x1070];
	_ =	sdelay $0x4  }
0x249: {  	v8 =	vmul.f32 v8, v9  }
0x24a: {  	s29 =	sor.u32 $0x70, s0  }
0x24b: {  	s1 =	sor.u32 $0x1400, s31;
	[tilespmem:s29+$0x0] =	vst.add.f32.msk $0xffff, v8  }
0x24c: {  	v8 =	vld [tilespmem:s1+$0x18600];
	_ =	sdelay $0x4  }
0x24d: {  	v8 =	vmul.f32 v8, v9  }
0x24e: {  	s30 =	sor.u32 $0x400, s0  }
0x24f: {  	[tilespmem:s30+$0x0] =	vst.add.f32.msk $0xffff, v8  }
0x250: {  	v8 =	vld [tilespmem:s1+$0x18610];
	_ =	sdelay $0x4  }
0x251: {  	v8 =	vmul.f32 v8, v9  }
0x252: {  	s31 =	sor.u32 $0x410, s0  }
0x253: {  	[tilespmem:s31+$0x0] =	vst.add.f32.msk $0xffff, v8  }
0x254: {  	v8 =	vld [tilespmem:s1+$0x18620];
	_ =	sdelay $0x4  }
0x255: {  	v8 =	vmul.f32 v8, v9  }
0x256: {  	s26 =	sor.u32 $0x420, s0  }
0x257: {  	[tilespmem:s26+$0x0] =	vst.add.f32.msk $0xffff, v8  }
0x258: {  	v8 =	vld [tilespmem:s1+$0x18630];
	_ =	sdelay $0x4  }
0x259: {  	v8 =	vmul.f32 v8, v9  }
0x25a: {  	s28 =	sor.u32 $0x430, s0  }
0x25b: {  	[tilespmem:s28+$0x0] =	vst.add.f32.msk $0xffff, v8  }
0x25c: {  	v8 =	vld [tilespmem:s1+$0x18640];
	_ =	sdelay $0x4  }
0x25d: {  	v8 =	vmul.f32 v8, v9  }
0x25e: {  	s29 =	sor.u32 $0x440, s0  }
0x25f: {  	[tilespmem:s29+$0x0] =	vst.add.f32.msk $0xffff, v8  }
0x260: {  	v8 =	vld [tilespmem:s1+$0x18650];
	_ =	sdelay $0x4  }
0x261: {  	v8 =	vmul.f32 v8, v9  }
0x262: {  	s30 =	sor.u32 $0x450, s0  }
0x263: {  	[tilespmem:s30+$0x0] =	vst.add.f32.msk $0xffff, v8  }
0x264: {  	v8 =	vld [tilespmem:s1+$0x18660];
	_ =	sdelay $0x4  }
0x265: {  	v8 =	vmul.f32 v8, v9  }
0x266: {  	s31 =	sor.u32 $0x460, s0  }
0x267: {  	[tilespmem:s31+$0x0] =	vst.add.f32.msk $0xffff, v8  }
0x268: {  	v8 =	vld [tilespmem:s1+$0x18670]  }
0x269: {  	s25 =	sadd.s32 $0x1, s25  }
0x26a: {  	p0 =	sne.s32 s25, s23  }
.Ltmp11:
0x26b: {  	_ = 	snop;
	(pc) =	sbr.rel @p0 .LBB2_10-.Ltmp11, $4  }
.Ltmp12:
0x26c: {  	_ = 	snop;
	(pc) =	sbr.rel @!p0 .LBB2_15-.Ltmp12, $4  }
0x26d: {  	v8 =	vmul.f32 v8, v9  }
0x26e: {  	s0 =	sor.u32 $0x470, s0  }
0x26f: {  	[tilespmem:s0+$0x0] =	vst.add.f32.msk $0xffff, v8  }
0x270: {  	_ = 	snop  }
.LBB2_5:
.Ltmp13:
0x271: {  	(pc) =	sbr.rel .LBB2_9-.Ltmp13, $2  }
0x272: {  	_ =	sdelay $0x2  }
0x273: {  	s0 =	simm.s32 $0x0  }
.LBB2_7:
.Ltmp14:
0x274: {  	(pc) =	sbr.rel .LBB2_9-.Ltmp14, $2  }
0x275: {  	_ =	sdelay $0x2  }
0x276: {  	s0 =	simm.s32 $0x0  }
.LBB2_17:
0x277: {  	_ =	sfence.sel $0x180000  }
0x278: {  	[bflag:$0x0] =	sbarrier.arrive $0xFFFF  }
0x279: {  	_ =	strace $0x90000050  }
0x27a: {  	s0 =	stileid.u32;
	[bflag:$0x2] =	sbarrier.arrive $0xFFFF  }
0x27b: {  	p0 =	sne.s32 s0, $0x0;
	s0 =	rddreg [dreg:$0x1]  }
0x27c: {  	s0 =	sadd.s32 @!p0 $0x100000, s0  }
0x27d: {  	[sflag:s0] =	ssyncadd.tile.s32 @!p0 $0x1;
	_ =	shalt  }
.Lfunc_end2:
_tile_overlayer_lowered:
.L_overlay_start_2:
0x27e: {  	(tag) =	ssettag $0x2  }
0x27f: {  	s0 =	rddreg [dreg:$0x0];
	s2 =	stileid.u32  }
0x280: {  	s1 =	rddreg [dreg:$0x1];
	p0 =	sne.s32 s2, $0x0  }
0x281: {  	s3 =	rddreg [dreg:$0x2];
	[bflag:$0x3] =	sbarrier.arrive $0xFFFF;
	s2 =	simm.s32 @!p0 $0x1C01  }
0x282: {  	[timem:s3], [sflag:s2] =	dma.local @!p0 [hbm:s0], s1  }
0x283: {  	s0 =	simm.s32 @!p0 $0x1  }
0x284: {  	_ =	swait.ge @!p0 [sflag:s0], s1  }
0x285: {  	s1 =	ssub.s32 @!p0 $0x0, s1;
	[sflag:s0] =	ssyncset.done @!p0 $0x0  }
0x286: {  	[sflag:s0] =	ssyncadd.s32 @!p0 s1  }
0x287: {  	[bflag:$0x3] =	sbarrier.arrive $0xFFFF  }
0x288: {  	_ =	shalt  }

// kernel: kernel.9.cloned.1.call-start
scs
__scs_entry_jumppad:
0x0: {  	(pc) =	sbr.rel $0x88, $3  }
0x1: {  	(tag) =	ssettag $0x0;
	lr =	simm.s32 $0x1  }
0x2: {  	[smem:$0x3F95] =	sst lr;
	_ =	strace $0xD0000000  }
0x3: {  	_ = 	snop  }
0x4: {  	_ = 	snop  }
0x5: {  	_ = 	snop  }
0x6: {  	_ = 	snop  }
0x7: {  	_ = 	snop  }
__scs_overlays_trampoline_lowered:
0x8: {  	[smem:$0x3FA4] =	sst s0  }
0x9: {  	[smem:$0x3FA5] =	sst s1  }
0xa: {  	[smem:$0x3FA6] =	sst s2  }
0xb: {  	[smem:$0x3FA7] =	sst s3  }
0xc: {  	[smem:$0x3FA8] =	sst s4  }
0xd: {  	[smem:$0x3FA9] =	sst s5  }
0xe: {  	[smem:$0x3FAA] =	sst s6  }
0xf: {  	[smem:$0x3FAB] =	sst s7  }
0x10: {  	[smem:$0x3FAC] =	sst s8  }
0x11: {  	[smem:$0x3FAD] =	sst s9;
	s0 =	simm.s32 @!p0 $0x0  }
0x12: {  	s1 =	sld [smem:$0x3F93];
	s0 =	simm.s32 @p0 $0x1  }
0x13: {  	[smem:$0x3FAE] =	sst s0;
	s0 =	simm.s32 @!p1 $0x0  }
0x14: {  	s2 =	sld [smem:$0x3F92];
	s0 =	simm.s32 @p1 $0x1  }
0x15: {  	[smem:$0x3FAF] =	sst s0;
	s0 =	simm.s32 @!p2 $0x0  }
0x16: {  	s3 =	sld [smem:$0x3FDB];
	s0 =	simm.s32 @p2 $0x1  }
0x17: {  	s4 =	simm.s32 $0x1BF5;
	[smem:$0x3FB1] =	sst s0  }
0x18: {  	s0 =	sld [smem:$0x3F94];
	_ =	swait.ge [sflag:s4], $0x0  }
0x19: {  	s7 =	sld [smem:$0x3F95]  }
0x1a: {  	s8 =	sadd.s32 $0xFFFFE003, lr  }
0x1b: {  	s9 =	sadd.s32 $0xFFFFFEF7, lr;
	s5 =	simm.s32 $0xFFFFFFFF;
	p2 =	slt.u32 s8, $0xFFFFF086  }
0x1c: {  	p1 =	slt.u32 s9, $0xF7A;
	s5 =	simm.s32 @!p2 $0x0  }
0x1d: {  	s5 =	simm.s32 @p1 $0x1;
	p0 =	seq.s32 s7, s2  }
0x1e: {  	s7 =	smul.u32 @!p0 $0xF7A, s2;
	p2 =	seq.s32 @!p0 s5, $0x0  }
0x1f: {  	s9 =	smul.u32 $0xF7A, s1;
	s8 =	simm.s32 @!p0 $0x1BF5;
	p2 =	por !p2, p0  }
0x20: {  	[sflag:s8] =	ssyncset.s32 @!p0 $0xFFFFF086;
	s6 =	sadd.s32 @!p0 s3, s7;
	s7 =	simm.s32 @!p0 $0x108  }
0x21: {  	s3 =	sadd.s32 s3, s9;
	s6 =	sadd.s32 @!p0 $0x88, s6;
	s7 =	simm.s32 @p2 $0x1082  }
0x22: {  	[simem:s7], [sflag:s8] =	dma.local @!p0 [hbm:s6], $0xF7A  }
0x23: {  	s9 =	sor.u32 $0xD0000000, s2;
	s6 =	simm.s32 $0x108;
	_ =	swait.ge @!p0 [sflag:s8], $0x0  }
0x24: {  	s3 =	sadd.s32 $0x88, s3;
	s6 =	simm.s32 @!p1 $0x1082;
	[sflag:s4] =	ssyncset.s32 $0xFFFFF086  }
0x25: {  	[simem:s6], [sflag:s4] =	dma.local [hbm:s3], $0xF7A  }
0x26: {  	[smem:$0x3F95] =	sst s1;
	(tag) =	ssettag s2;
	_ =	strace s9  }
0x27: {  	s1 =	sld [smem:$0x3FA5]  }
0x28: {  	s2 =	sld [smem:$0x3FA6]  }
0x29: {  	s4 =	sld [smem:$0x3FA8]  }
0x2a: {  	p0 =	seq.s32 s5, $0x0;
	s5 =	sld [smem:$0x3FA9]  }
0x2b: {  	s6 =	sld [smem:$0x3FAA]  }
0x2c: {  	s7 =	sld [smem:$0x3FAB]  }
0x2d: {  	s3 =	simm.s32 $0x108;
	s8 =	sld [smem:$0x3FAC]  }
0x2e: {  	s3 =	simm.s32 @!p0 $0x1082;
	s9 =	sld [smem:$0x3FAD]  }
0x2f: {  	lr =	sadd.s32 s0, s3;
	s0 =	sld [smem:$0x3FA4]  }
0x30: {  	s3 =	sld [smem:$0x3FA7]  }
0x31: {  	[smem:$0x3FB0] =	sst s10  }
0x32: {  	s10 =	sld [smem:$0x3FAE];
	_ =	sdelay $0x3  }
0x33: {  	p0 =	seq.s32 s10, $0x1;
	s10 =	sld [smem:$0x3FB0];
	_ =	sdelay $0x3  }
0x34: {  	[smem:$0x3FB0] =	sst s10  }
0x35: {  	s10 =	sld [smem:$0x3FAF];
	_ =	sdelay $0x3  }
0x36: {  	p1 =	seq.s32 s10, $0x1;
	s10 =	sld [smem:$0x3FB0];
	_ =	sdelay $0x3  }
0x37: {  	[smem:$0x3FB0] =	sst s10  }
0x38: {  	s10 =	sld [smem:$0x3FB1]  }
0x39: {  	_ = 	snop;
	(pc) =	sbr.ind lr, $3  }
0x3a: {  	_ = 	snop  }
0x3b: {  	_ = 	snop  }
0x3c: {  	p2 =	seq.s32 s10, $0x1;
	s10 =	sld [smem:$0x3FB0]  }
0x3d: {  	_ =	shalt  }
0x3e: {  	_ =	shalt  }
0x3f: {  	_ =	shalt  }
0x40: {  	_ =	shalt  }
0x41: {  	_ =	shalt  }
0x42: {  	_ =	shalt  }
0x43: {  	_ =	shalt  }
0x44: {  	_ =	shalt  }
0x45: {  	_ =	shalt  }
0x46: {  	_ =	shalt  }
0x47: {  	_ =	shalt  }
0x48: {  	_ =	shalt  }
0x49: {  	_ =	shalt  }
0x4a: {  	_ =	shalt  }
0x4b: {  	_ =	shalt  }
0x4c: {  	_ =	shalt  }
0x4d: {  	_ =	shalt  }
0x4e: {  	_ =	shalt  }
0x4f: {  	_ =	shalt  }
0x50: {  	_ =	shalt  }
0x51: {  	_ =	shalt  }
0x52: {  	_ =	shalt  }
0x53: {  	_ =	shalt  }
0x54: {  	_ =	shalt  }
0x55: {  	_ =	shalt  }
0x56: {  	_ =	shalt  }
0x57: {  	_ =	shalt  }
0x58: {  	_ =	shalt  }
0x59: {  	_ =	shalt  }
0x5a: {  	_ =	shalt  }
0x5b: {  	_ =	shalt  }
0x5c: {  	_ =	shalt  }
0x5d: {  	_ =	shalt  }
0x5e: {  	_ =	shalt  }
0x5f: {  	_ =	shalt  }
0x60: {  	_ =	shalt  }
0x61: {  	_ =	shalt  }
0x62: {  	_ =	shalt  }
0x63: {  	_ =	shalt  }
0x64: {  	_ =	shalt  }
0x65: {  	_ =	shalt  }
0x66: {  	_ =	shalt  }
0x67: {  	_ =	shalt  }
0x68: {  	_ =	shalt  }
0x69: {  	_ =	shalt  }
0x6a: {  	_ =	shalt  }
0x6b: {  	_ =	shalt  }
0x6c: {  	_ =	shalt  }
0x6d: {  	_ =	shalt  }
0x6e: {  	_ =	shalt  }
0x6f: {  	_ =	shalt  }
0x70: {  	_ =	shalt  }
0x71: {  	_ =	shalt  }
0x72: {  	_ =	shalt  }
0x73: {  	_ =	shalt  }
0x74: {  	_ =	shalt  }
0x75: {  	_ =	shalt  }
0x76: {  	_ =	shalt  }
0x77: {  	_ =	shalt  }
0x78: {  	_ =	shalt  }
0x79: {  	_ =	shalt  }
0x7a: {  	_ =	shalt  }
0x7b: {  	_ =	shalt  }
0x7c: {  	_ =	shalt  }
0x7d: {  	_ =	shalt  }
0x7e: {  	_ =	shalt  }
0x7f: {  	_ =	shalt  }
0x80: {  	_ =	shalt  }
0x81: {  	_ =	shalt  }
0x82: {  	_ =	shalt  }
0x83: {  	_ =	shalt  }
0x84: {  	_ =	shalt  }
0x85: {  	_ =	shalt  }
0x86: {  	_ =	shalt  }
0x87: {  	_ =	shalt  }
.Lfunc_end0:
.L_simem_size_0:
called_computation_lowered:
.L_overlay_start_0:
0x88: {  	s2 =	sld [smem:$0x3FD9]  }
0x89: {  	s3 =	sld [smem:$0x3FFE];
	_ =	sdelay $0x1  }
0x8a: {  	s1 =	srdreg.scid  }
0x8b: {  	s0 =	sand.u32 $0x1, s1  }
0x8c: {  	s17 =	sshll.u32 s0, $0xA;
	s2 =	sadd.s32 s3, s2  }
0x8d: {  	s2 =	sadd.s32 s2, s17  }
0x8e: {  	[smem:$0x3FBC] =	sst s2  }
0x8f: {  	_ = 	snop  }
0x90: {  	s2 =	sld [smem:$0x3FD0];
	(tm) =	ssettm $0x1  }
0x91: {  	s18 =	sld [smem:$0x3FFB];
	_ =	sdelay $0x3  }
0x92: {  	_ =	strace s18  }
0x93: {  	s3 =	sld [smem:$0x3FFC];
	_ =	sdelay $0x3  }
0x94: {  	_ =	strace s3  }
0x95: {  	s3 =	sld [smem:$0x3FFD];
	_ =	sdelay $0x3  }
0x96: {  	_ =	strace s3  }
0x97: {  	_ =	strace $0x8FFFFFFF  }
0x98: {  	s19 =	sld [smem:$0x3FDB];
	_ =	sdelay $0x1  }
0x99: {  	s4 =	simm.s32 $_scs_section_size  }
0x9a: {  	s5 =	simm.s32 $_size__tile_overlayer_lowered;
	s6 =	simm.s32 $_tile_overlayer_lowered  }
0x9b: {  	s22 =	simm.s32 $0x1BFF;
	s21 =	sshll.u32 s6, $0x1;
	s3 =	sadd.s32 s4, s19  }
0x9c: {  	s7 =	simm.s32 $0x0;
	s20 =	sshll.u32 s5, $0x1;
	s5 =	sadd.s32 s21, s3  }
0x9d: {  	[timem:s7], [sflag:s22] =	dma.local [hbm:s5], s20  }
0x9e: {  	_ =	swait.ge [sflag:s22], s20  }
0x9f: {  	s4 =	ssub.s32 $0x0, s20;
	[sflag:s22] =	ssyncset.done $0x0  }
0xa0: {  	[sflag:s22] =	ssyncadd.s32 s4;
	_ =	sdelay $0x1  }
0xa1: {  	s23 =	simm.s32 $0x1B8B  }
0xa2: {  	_ =	swait.ge [sflag:s23], $0x1  }
0xa3: {  	[sflag:s23] =	ssyncset.done $0x0  }
0xa4: {  	s25 =	simm.s32 $0x1B8E;
	s24 =	sld [smem:$0x3FFE];
	[sflag:s23] =	ssyncadd.s32 $0xFFFFFFFF  }
0xa5: {  	s26 =	simm.s32 $execute0_lowered;
	[smem:$0x3FD2] =	sst s25  }
0xa6: {  	s5 =	sshll.u32 s26, $0x1;
	_ =	strace $0x80000046;
	[dreg:$0x1] =	wrdreg $0xFFFFFFFF  }
0xa7: {  	s28 =	simm.s32 $_size_execute0_lowered;
	s3 =	sadd.s32 s3, s5;
	[dreg:$0x0] =	wrdreg $0x0  }
0xa8: {  	s5 =	sshll.u32 s28, $0x1;
	[dreg:$0x2] =	wrdreg s3  }
0xa9: {  	[dreg:$0x3] =	wrdreg s5  }
0xaa: {  	[dreg:$0x4] =	wrdreg $0xC0  }
0xab: {  	_ =	task [dreg:s7], $0x5FFFF  }
0xac: {  	[dreg:$0x1] =	wrdreg $0xFFFFFFFF  }
0xad: {  	[dreg:$0x0] =	wrdreg $0x60  }
0xae: {  	[dreg:$0x2] =	wrdreg s24  }
0xaf: {  	[dreg:$0x3] =	wrdreg s2  }
0xb0: {  	[dreg:$0x4] =	wrdreg $0x9  }
0xb1: {  	_ =	task.clear_ibuf [dreg:s7], $0x5FFFF;
	_ =	strace $0x90000046  }
0xb2: {  	s29 =	simm.s32 $0x9;
	_ =	strace $0x80000048  }
0xb3: {  	_ =	swait.ge [sflag:s29], $0x1  }
0xb4: {  	[sflag:s29] =	ssyncadd.s32 $0xFFFFFFFF  }
0xb5: {  	_ =	strace $0x90000048  }
0xb6: {  	_ =	sfence  }
0xb7: {  	s30 =	sld [smem:$0x0];
	_ =	sdelay $0x2  }
0xb8: {  	s31 =	sshll.u32 s1, $0xD;
	s1 =	sshrl.u32 s1, $0x2  }
0xb9: {  	s3 =	sand.u32 $0x4000, s31;
	s1 =	sadd.s32 s1, s30  }
0xba: {  	s0 =	sor.u32 s3, s0;
	s1 =	sshll.u32 s1, $0x11  }
0xbb: {  	s0 =	sor.u32 s1, s0  }
0xbc: {  	s0 =	sadd.s32 $0x8F2B, s0  }
0xbd: {  	[sflag:s0] =	ssyncadd.remote.s32 $0x1  }
0xbe: {  	_ =	sfence.sel $0xFFFF  }
0xbf: {  	[dreg:$0x0] =	wrdreg $0xFFFFFFFF;
	(pc) =	sbr.abs _section_cstart, $3  }
0xc0: {  	[dreg:$0x1] =	wrdreg $0xFFFFFFFF  }
0xc1: {  	_ =	task.clear_ibuf [dreg:s7], $0x2FFFF;
	_ =	strace $0x9FFFFFFF  }
0xc2: {  	(tm) =	ssettm $0x7FFFFFFF  }
0xc3: {  	_ =	shalt  }
tec
execute0_lowered:
.L_overlay_start_1:
0x0: {  	(tag) =	ssettag $0x1  }
0x1: {  	s0 =	srdreg.scid;
	s4 =	stileid.u32  }
0x2: {  	s9 =	rddreg [dreg:$0x0];
	s0 =	sand.u32 $0x1, s0;
	s1 =	sshll.u32 s4, $0x1  }
0x3: {  	s7 =	sshrl.u32 s4, $0x2;
	s5 =	sadd.s32 $0x273E00, s9;
	s3 =	sor.u32 s0, s1  }
0x4: {  	s0 =	ssub.s32 $0x2, s0;
	s24 =	smul.u32 $0xA000, s7;
	s16 =	sand.u32 $0x7, s3  }
0x5: {  	s11 =	sadd.s32 $0x27E000, s9;
	s6 =	sshrl.u32 s0, $0x1;
	s2 =	smul.u32 $0x4F0, s16  }
0x6: {  	s7 =	sadd.s32 $0x279000, s9;
	s8 =	smul.u32 $0x2780, s16;
	s1 =	ssub.s32 s0, s6  }
0x7: {  	s13 =	sshrl.u32 s24, $0x3;
	s4 =	sor.u32 $0x1400, s24;
	s6 =	sadd.s32 $0x2800, s24  }
0x8: {  	s14 =	sadd.s32 s7, s13;
	s15 =	sadd.s32 s11, s13;
	s17 =	sshrl.u32 s4, $0x3  }
0x9: {  	s19 =	sshrl.u32 s6, $0x3;
	s13 =	sadd.s32 $0x5000, s24;
	[dreg:$0x4] =	wrdreg s14  }
0xa: {  	s10 =	sadd.s32 s5, s2;
	s12 =	sshrl.u32 s8, $0x3;
	[dreg:$0x5] =	wrdreg s15  }
0xb: {  	s18 =	sadd.s32 s7, s17;
	s8 =	sadd.s32 $0x3C00, s24;
	[dreg:$0x3] =	wrdreg s10  }
0xc: {  	s0 =	sadd.s32 s11, s17;
	s20 =	sadd.s32 s7, s19;
	[dreg:$0x6] =	wrdreg s18  }
0xd: {  	s2 =	sadd.s32 s11, s19;
	s23 =	sshrl.u32 s13, $0x3;
	[dreg:$0x7] =	wrdreg s0  }
0xe: {  	s15 =	sadd.s32 $0x6400, s24;
	s10 =	sadd.s32 s5, s12;
	[dreg:$0x8] =	wrdreg s20  }
0xf: {  	s21 =	sshrl.u32 s8, $0x3;
	[dreg:$0x9] =	wrdreg s2;
	s25 =	sadd.s32 s7, s23  }
0x10: {  	s26 =	sshrl.u32 s15, $0x3;
	s20 =	sadd.s32 $0x7800, s24;
	s22 =	sadd.s32 s7, s21  }
0x11: {  	s0 =	sadd.s32 s11, s21;
	[dreg:$0xc] =	wrdreg s25;
	s5 =	sadd.s32 s7, s26  }
0x12: {  	s12 =	sshrl.u32 s20, $0x3;
	s21 =	sadd.s32 $0x8C00, s24;
	[dreg:$0xa] =	wrdreg s22  }
0x13: {  	s25 =	simm.s32 $0x0;
	s10 =	sadd.s32 $0x2780, s10;
	[dreg:$0xb] =	wrdreg s0  }
0x14: {  	s0 =	sadd.s32 s11, s23;
	[dreg:$0xe] =	wrdreg s5;
	s5 =	smul.u32 $0x28000, s16  }
0x15: {  	s14 =	sadd.s32 s7, s12;
	s17 =	sshrl.u32 s21, $0x3;
	[smem:$0x7FF] =	sst s25  }
0x16: {  	v1 =	vmov s16;
	s16 =	simm.s32 $0x7700;
	[dreg:$0xd] =	wrdreg s0;
	s0 =	sadd.s32 s11, s26  }
0x17: {  	[dreg:$0x10] =	wrdreg s14;
	s18 =	sadd.s32 s7, s17;
	s7 =	sadd.s32 $0x283000, s9  }
0x18: {  	s9 =	sadd.s32 $0x278E00, s9;
	[dreg:$0xf] =	wrdreg s0;
	s0 =	sadd.s32 s11, s12  }
0x19: {  	[dreg:$0x12] =	wrdreg s18;
	s19 =	sadd.s32 s24, s5;
	s23 =	sadd.s32 s4, s5  }
0x1a: {  	s26 =	sadd.s32 s6, s5;
	s18 =	sadd.s32 s13, s5;
	[dreg:$0x11] =	wrdreg s0  }
0x1b: {  	s0 =	sadd.s32 s11, s17;
	s22 =	sshrl.u32 s19, $0x3;
	s12 =	sshrl.u32 s23, $0x3  }
0x1c: {  	s14 =	sshrl.u32 s26, $0x3;
	s17 =	sadd.s32 s8, s5;
	s19 =	sadd.s32 s15, s5  }
0x1d: {  	s26 =	sadd.s32 s20, s5;
	s5 =	sadd.s32 s21, s5;
	[dreg:$0x13] =	wrdreg s0  }
0x1e: {  	s28 =	sadd.s32 s7, s22;
	s29 =	sadd.s32 s7, s12;
	s30 =	sadd.s32 s7, s14  }
0x1f: {  	s0 =	sshrl.u32 s17, $0x3;
	s22 =	sshrl.u32 s18, $0x3;
	s23 =	sshrl.u32 s19, $0x3  }
0x20: {  	s11 =	sshrl.u32 s26, $0x3;
	s12 =	rddreg [dreg:$0x1];
	s5 =	sshrl.u32 s5, $0x3  }
0x21: {  	s14 =	smul.u32 $0x4F0, s3;
	s17 =	simm.s32 $0x8B00;
	s18 =	simm.s32 $0x4F00  }
0x22: {  	s19 =	simm.s32 $0x9F00;
	s31 =	sadd.s32 s7, s0;
	s0 =	sadd.s32 s7, s22  }
0x23: {  	s2 =	sadd.s32 s7, s23;
	s3 =	sadd.s32 s7, s11;
	s5 =	sadd.s32 s7, s5  }
0x24: {  	v2 =	vlaneseq.u32;
	_ =	strace $0x80000047;
	s11 =	smax.u32 s1, $0x1;
	s22 =	simm.s32 $0x0  }
0x25: {  	v0 =	vimm.f32 $0.0e+00;
	vm0 =	veq.s32 v1, v2;
	s7 =	sadd.s32 s12, s14;
	s12 =	simm.s32 $0x1;
	s14 =	simm.s32 $0x2780  }
.LBB2_1:
0x26: {  	s1 =	rddreg [dreg:$0x3]  }
0x27: {  	[tilespmem:s25], [sflag:$0x1] =	stream.linear.gather [hbm4b:s1+s25], $0x2780, $0x38;
	[tilespmem:$0xB300] =	vst v63  }
0x28: {  	_ =	swait.ge [sflag:s12], $0x2780  }
0x29: {  	[sflag:s12] =	ssyncset.done $0x0  }
0x2a: {  	[sflag:s12] =	ssyncadd.s32 $0xFFFFD880  }
0x2b: {  	[tilespmem:s14], [sflag:$0x1] =	stream.linear.gather [hbm4b:s10+s25], $0x2780, $0x38;
	[tilespmem:$0xB300] =	vst v63  }
0x2c: {  	_ =	swait.ge [sflag:s12], $0x2780  }
0x2d: {  	[sflag:s12] =	ssyncset.done $0x0  }
0x2e: {  	s26 =	simm.s32 $0x7680;
	[sflag:s12] =	ssyncadd.s32 $0xFFFFD880  }
0x2f: {  	[tilespmem:s26], [sflag:$0x1] =	stream.linear.gather [hbm4b:s9+s25], $0x80, $0x38;
	[tilespmem:$0xB300] =	vst v63  }
0x30: {  	_ =	swait.ge [sflag:s12], $0x80  }
0x31: {  	[sflag:s12] =	ssyncset.done $0x0  }
0x32: {  	[sflag:s12] =	ssyncadd.s32 $0xFFFFFF80  }
0x33: {  	s23 =	simm.s32 $0x0;
	s1 =	simm.s32 $0x40;
	v1 =	vld [tilespmem:$0x7680]  }
.LBB2_2:
0x34: {  	p0 =	sne.s32 s1, $0x9DC0;
	[tilespmem:s23+$0x4F00] =	vst v0;
	s23 =	smov.u32 s1;
	s1 =	sadd.s32 $0x40, s1  }
.Ltmp0:
0x35: {  	(pc) =	sbr.rel @p0 .LBB2_2-.Ltmp0, $2  }
0x36: {  	_ =	sdelay $0x2  }
0x37: {  	s23 =	sshra.s32 s23, $0x2  }
0x38: {  	v1 =	vnsel vm0, $0xFF7FC99E, v1  }
0x39: {  	(xrf0) =	vmax.scan.msk.f32 $0xffff, v1;
	_ =	sdelay $0x4  }
0x3a: {  	[tilespmem:s23+$0x4F00] =	vst v0;
	s1 =	simm.s32 $0x0;
	s26 =	rddreg [dreg:$0x4]  }
0x3b: {  	[tilespmem:s16], [sflag:$0x1] =	stream.linear.gather [hbm4b:s26+s1], $0x1400, $0x38;
	v1, _, _ =	vpop (xrf0);
	[tilespmem:$0xB300] =	vst v63  }
0x3c: {  	_ =	swait.ge [sflag:s12], $0x1400  }
0x3d: {  	[sflag:s12] =	ssyncset.done $0x0  }
0x3e: {  	s26 =	rddreg [dreg:$0x5];
	[sflag:s12] =	ssyncadd.s32 $0xFFFFEC00  }
0x3f: {  	[tilespmem:s17], [sflag:$0x1] =	stream.linear.gather [hbm4b:s26+s1], $0x1400, $0x38;
	[tilespmem:$0xB300] =	vst v63  }
0x40: {  	_ =	swait.ge [sflag:s12], $0x1400  }
0x41: {  	[sflag:s12] =	ssyncset.done $0x0  }
0x42: {  	s26 =	simm.s32 $0x0;
	[sflag:s12] =	ssyncadd.s32 $0xFFFFEC00  }
0x43: {  	v2 =	vld [tilespmem:s26+$0x8B00]  }
0x44: {  	v3 =	vld [tilespmem:s26+$0x7700];
	_ =	sdelay $0x6  }
0x45: {  	v4 =	vld.idx.msk [tilespmem:v2+s14+$0x0], $0xffff  }
0x46: {  	v3 =	vld.idx.msk [tilespmem:v3+s25+$0x0], $0xffff;
	_ =	sdelay $0x4  }
0x47: {  	v3 =	vadd.f32 v4, v3;
	_ =	sdelay $0x1  }
0x48: {  	v4 =	vmul.f32 $2.000000030e-01, v3  }
0x49: {  	v1 =	vbroadcast v1, $0xF;
	vm1 =	vge.f32 v3, $0.0e+00  }
0x4a: {  	v3 =	vsel vm1, v3, v4  }
0x4b: {  	v3 =	vsub.f32 v3, v1;
	_ =	sdelay $0x1  }
0x4c: {  	v3 =	vmul.f32 $1.442695020e+00, v3;
	_ =	sdelay $0x1  }
0x4d: {  	(erf) = vpow2.f32 v3;
	_ =	sdelay $0x8  }
0x4e: {  	p0 =	slt.u32 s24, $0x27100;
	v3 =	vpop (erf)  }
0x4f: {  	v3 =	vpsel !p0, $0x0, v3  }
0x50: {  	[tilespmem:s26+$0x9F00] =	vst v3  }
0x51: {  	s23 =	simm.s32 $0x10;
	[tilespmem:v2+s18+$0x0] =	vst.idx.add.f32.msk $0xffff, v3  }
0x52: {  	v2 =	vld [tilespmem:s23+$0x8B00]  }
0x53: {  	s1 =	smov.u32 s24;
	s26 =	simm.s32 $0x80;
	v3 =	vld [tilespmem:s23+$0x7700]  }
.LBB2_4:
0x54: {  	p0 =	sne.s32 s26, $0x4FC0;
	_ =	sdelay $0x5  }
0x55: {  	v4 =	vld.idx.msk [tilespmem:v2+s14+$0x0], $0xffff  }
0x56: {  	v3 =	vld.idx.msk [tilespmem:v3+s25+$0x0], $0xffff;
	_ =	sdelay $0x5  }
0x57: {  	v3 =	vadd.f32 v4, v3;
	_ =	sdelay $0x1  }
0x58: {  	v4 =	vmul.f32 $2.000000030e-01, v3  }
0x59: {  	vm1 =	vge.f32 v3, $0.0e+00  }
0x5a: {  	v3 =	vsel vm1, v3, v4  }
0x5b: {  	v3 =	vsub.f32 v3, v1;
	_ =	sdelay $0x1  }
0x5c: {  	v3 =	vmul.f32 $1.442695020e+00, v3;
	_ =	sdelay $0x1  }
0x5d: {  	(erf) = vpow2.f32 v3;
	_ =	sdelay $0x7  }
0x5e: {  	s1 =	sadd.s32 $0x10, s1  }
0x5f: {  	p1 =	slt.u32 s1, $0x27100;
	v3 =	vpop (erf)  }
.Ltmp1:
0x60: {  	v3 =	vpsel !p1, $0x0, v3;
	(pc) =	sbr.rel @p0 .LBB2_4-.Ltmp1, $4  }
0x61: {  	[tilespmem:s23+$0x9F00] =	vst v3  }
0x62: {  	s23 =	sshra.s32 s26, $0x2;
	[tilespmem:v2+s18+$0x0] =	vst.idx.add.f32.msk $0xffff, v3  }
0x63: {  	v2 =	vld [tilespmem:s23+$0x8B00]  }
0x64: {  	s26 =	sadd.s32 $0x40, s26;
	v3 =	vld [tilespmem:s23+$0x7700]  }
0x65: {  	_ =	sdelay $0x6  }
0x66: {  	v4 =	vld.idx.msk [tilespmem:v2+s14+$0x0], $0xffff  }
0x67: {  	v3 =	vld.idx.msk [tilespmem:v3+s25+$0x0], $0xffff;
	_ =	sdelay $0x4  }
0x68: {  	v3 =	vadd.f32 v4, v3;
	_ =	sdelay $0x1  }
0x69: {  	v4 =	vmul.f32 $2.000000030e-01, v3  }
0x6a: {  	vm1 =	vge.f32 v3, $0.0e+00  }
0x6b: {  	v3 =	vsel vm1, v3, v4  }
0x6c: {  	v3 =	vsub.f32 v3, v1;
	_ =	sdelay $0x1  }
0x6d: {  	v3 =	vmul.f32 $1.442695020e+00, v3;
	_ =	sdelay $0x1  }
0x6e: {  	(erf) = vpow2.f32 v3;
	_ =	sdelay $0x7  }
0x6f: {  	s1 =	sadd.s32 $0x10, s1  }
0x70: {  	p0 =	slt.u32 s1, $0x27100;
	v3 =	vpop (erf)  }
0x71: {  	v3 =	vpsel !p0, $0x0, v3  }
0x72: {  	[tilespmem:s23+$0x9F00] =	vst v3  }
0x73: {  	s1 =	simm.s32 $0x0;
	[tilespmem:v2+s18+$0x0] =	vst.idx.add.f32.msk $0xffff, v3  }
0x74: {  	[hbm4b:s28+s1] =	stream.linear.scatter [tilespmem:s19], [sflag:$0x1], $0x1400, $0x38;
	[tilespmem:$0xB300] =	vst v63  }
0x75: {  	_ =	swait.ge [sflag:s12], $0x1400  }
0x76: {  	[sflag:s12] =	ssyncset.done $0x0  }
0x77: {  	s26 =	rddreg [dreg:$0x6];
	[sflag:s12] =	ssyncadd.s32 $0xFFFFEC00  }
0x78: {  	[tilespmem:s16], [sflag:$0x1] =	stream.linear.gather [hbm4b:s26+s1], $0x1400, $0x38;
	[tilespmem:$0xB300] =	vst v63  }
0x79: {  	_ =	swait.ge [sflag:s12], $0x1400  }
0x7a: {  	[sflag:s12] =	ssyncset.done $0x0  }
0x7b: {  	s26 =	rddreg [dreg:$0x7];
	[sflag:s12] =	ssyncadd.s32 $0xFFFFEC00  }
0x7c: {  	[tilespmem:s17], [sflag:$0x1] =	stream.linear.gather [hbm4b:s26+s1], $0x1400, $0x38;
	[tilespmem:$0xB300] =	vst v63  }
0x7d: {  	_ =	swait.ge [sflag:s12], $0x1400  }
0x7e: {  	[sflag:s12] =	ssyncset.done $0x0  }
0x7f: {  	s26 =	simm.s32 $0x0;
	[sflag:s12] =	ssyncadd.s32 $0xFFFFEC00  }
0x80: {  	v2 =	vld [tilespmem:s26+$0x8B00]  }
0x81: {  	v3 =	vld [tilespmem:s26+$0x7700];
	_ =	sdelay $0x6  }
0x82: {  	v4 =	vld.idx.msk [tilespmem:v2+s14+$0x0], $0xffff  }
0x83: {  	v3 =	vld.idx.msk [tilespmem:v3+s25+$0x0], $0xffff;
	_ =	sdelay $0x4  }
0x84: {  	v3 =	vadd.f32 v4, v3;
	_ =	sdelay $0x1  }
0x85: {  	v4 =	vmul.f32 $2.000000030e-01, v3  }
0x86: {  	vm1 =	vge.f32 v3, $0.0e+00  }
0x87: {  	v3 =	vsel vm1, v3, v4  }
0x88: {  	v3 =	vsub.f32 v3, v1;
	_ =	sdelay $0x1  }
0x89: {  	v3 =	vmul.f32 $1.442695020e+00, v3;
	_ =	sdelay $0x1  }
0x8a: {  	(erf) = vpow2.f32 v3;
	_ =	sdelay $0x8  }
0x8b: {  	p6 =	slt.u32 s4, $0x27100;
	v3 =	vpop (erf)  }
0x8c: {  	v3 =	vpsel !p6, $0x0, v3  }
0x8d: {  	[tilespmem:s26+$0x9F00] =	vst v3  }
0x8e: {  	s23 =	simm.s32 $0x10;
	[tilespmem:v2+s18+$0x0] =	vst.idx.add.f32.msk $0xffff, v3  }
0x8f: {  	v2 =	vld [tilespmem:s23+$0x8B00]  }
0x90: {  	s1 =	smov.u32 s4;
	s26 =	simm.s32 $0x80;
	v3 =	vld [tilespmem:s23+$0x7700]  }
.LBB2_6:
0x91: {  	p0 =	sne.s32 s26, $0x4FC0;
	_ =	sdelay $0x5  }
0x92: {  	v4 =	vld.idx.msk [tilespmem:v2+s14+$0x0], $0xffff  }
0x93: {  	v3 =	vld.idx.msk [tilespmem:v3+s25+$0x0], $0xffff;
	_ =	sdelay $0x5  }
0x94: {  	v3 =	vadd.f32 v4, v3;
	_ =	sdelay $0x1  }
0x95: {  	v4 =	vmul.f32 $2.000000030e-01, v3  }
0x96: {  	vm1 =	vge.f32 v3, $0.0e+00  }
0x97: {  	v3 =	vsel vm1, v3, v4  }
0x98: {  	v3 =	vsub.f32 v3, v1;
	_ =	sdelay $0x1  }
0x99: {  	v3 =	vmul.f32 $1.442695020e+00, v3;
	_ =	sdelay $0x1  }
0x9a: {  	(erf) = vpow2.f32 v3;
	_ =	sdelay $0x7  }
0x9b: {  	s1 =	sadd.s32 $0x10, s1  }
0x9c: {  	p1 =	slt.u32 s1, $0x27100;
	v3 =	vpop (erf)  }
.Ltmp2:
0x9d: {  	v3 =	vpsel !p1, $0x0, v3;
	(pc) =	sbr.rel @p0 .LBB2_6-.Ltmp2, $4  }
0x9e: {  	[tilespmem:s23+$0x9F00] =	vst v3  }
0x9f: {  	s23 =	sshra.s32 s26, $0x2;
	[tilespmem:v2+s18+$0x0] =	vst.idx.add.f32.msk $0xffff, v3  }
0xa0: {  	v2 =	vld [tilespmem:s23+$0x8B00]  }
0xa1: {  	s26 =	sadd.s32 $0x40, s26;
	v3 =	vld [tilespmem:s23+$0x7700]  }
0xa2: {  	_ =	sdelay $0x6  }
0xa3: {  	v4 =	vld.idx.msk [tilespmem:v2+s14+$0x0], $0xffff  }
0xa4: {  	v3 =	vld.idx.msk [tilespmem:v3+s25+$0x0], $0xffff;
	_ =	sdelay $0x4  }
0xa5: {  	v3 =	vadd.f32 v4, v3;
	_ =	sdelay $0x1  }
0xa6: {  	v4 =	vmul.f32 $2.000000030e-01, v3  }
0xa7: {  	vm1 =	vge.f32 v3, $0.0e+00  }
0xa8: {  	v3 =	vsel vm1, v3, v4  }
0xa9: {  	v3 =	vsub.f32 v3, v1;
	_ =	sdelay $0x1  }
0xaa: {  	v3 =	vmul.f32 $1.442695020e+00, v3;
	_ =	sdelay $0x1  }
0xab: {  	(erf) = vpow2.f32 v3;
	_ =	sdelay $0x7  }
0xac: {  	s1 =	sadd.s32 $0x10, s1  }
0xad: {  	p0 =	slt.u32 s1, $0x27100;
	v3 =	vpop (erf)  }
0xae: {  	v3 =	vpsel !p0, $0x0, v3  }
0xaf: {  	[tilespmem:s23+$0x9F00] =	vst v3  }
0xb0: {  	s1 =	simm.s32 $0x0;
	[tilespmem:v2+s18+$0x0] =	vst.idx.add.f32.msk $0xffff, v3  }
0xb1: {  	[hbm4b:s29+s1] =	stream.linear.scatter [tilespmem:s19], [sflag:$0x1], $0x1400, $0x38;
	[tilespmem:$0xB300] =	vst v63  }
0xb2: {  	_ =	swait.ge [sflag:s12], $0x1400  }
0xb3: {  	[sflag:s12] =	ssyncset.done $0x0  }
0xb4: {  	s26 =	rddreg [dreg:$0x8];
	[sflag:s12] =	ssyncadd.s32 $0xFFFFEC00  }
0xb5: {  	[tilespmem:s16], [sflag:$0x1] =	stream.linear.gather [hbm4b:s26+s1], $0x1400, $0x38;
	[tilespmem:$0xB300] =	vst v63  }
0xb6: {  	_ =	swait.ge [sflag:s12], $0x1400  }
0xb7: {  	[sflag:s12] =	ssyncset.done $0x0  }
0xb8: {  	s26 =	rddreg [dreg:$0x9];
	[sflag:s12] =	ssyncadd.s32 $0xFFFFEC00  }
0xb9: {  	[tilespmem:s17], [sflag:$0x1] =	stream.linear.gather [hbm4b:s26+s1], $0x1400, $0x38;
	[tilespmem:$0xB300] =	vst v63  }
0xba: {  	_ =	swait.ge [sflag:s12], $0x1400  }
0xbb: {  	[sflag:s12] =	ssyncset.done $0x0  }
0xbc: {  	s26 =	simm.s32 $0x0;
	[sflag:s12] =	ssyncadd.s32 $0xFFFFEC00  }
0xbd: {  	v2 =	vld [tilespmem:s26+$0x8B00]  }
0xbe: {  	v3 =	vld [tilespmem:s26+$0x7700];
	_ =	sdelay $0x6  }
0xbf: {  	v4 =	vld.idx.msk [tilespmem:v2+s14+$0x0], $0xffff  }
0xc0: {  	v3 =	vld.idx.msk [tilespmem:v3+s25+$0x0], $0xffff;
	_ =	sdelay $0x4  }
0xc1: {  	v3 =	vadd.f32 v4, v3;
	_ =	sdelay $0x1  }
0xc2: {  	v4 =	vmul.f32 $2.000000030e-01, v3  }
0xc3: {  	vm1 =	vge.f32 v3, $0.0e+00  }
0xc4: {  	v3 =	vsel vm1, v3, v4  }
0xc5: {  	v3 =	vsub.f32 v3, v1;
	_ =	sdelay $0x1  }
0xc6: {  	v3 =	vmul.f32 $1.442695020e+00, v3;
	_ =	sdelay $0x1  }
0xc7: {  	(erf) = vpow2.f32 v3;
	_ =	sdelay $0x8  }
0xc8: {  	p6 =	slt.u32 s6, $0x27100;
	v3 =	vpop (erf)  }
0xc9: {  	v3 =	vpsel !p6, $0x0, v3  }
0xca: {  	[tilespmem:s26+$0x9F00] =	vst v3  }
0xcb: {  	s23 =	simm.s32 $0x10;
	[tilespmem:v2+s18+$0x0] =	vst.idx.add.f32.msk $0xffff, v3  }
0xcc: {  	v2 =	vld [tilespmem:s23+$0x8B00]  }
0xcd: {  	s1 =	smov.u32 s6;
	s26 =	simm.s32 $0x80;
	v3 =	vld [tilespmem:s23+$0x7700]  }
.LBB2_8:
0xce: {  	p0 =	sne.s32 s26, $0x4FC0;
	_ =	sdelay $0x5  }
0xcf: {  	v4 =	vld.idx.msk [tilespmem:v2+s14+$0x0], $0xffff  }
0xd0: {  	v3 =	vld.idx.msk [tilespmem:v3+s25+$0x0], $0xffff;
	_ =	sdelay $0x5  }
0xd1: {  	v3 =	vadd.f32 v4, v3;
	_ =	sdelay $0x1  }
0xd2: {  	v4 =	vmul.f32 $2.000000030e-01, v3  }
0xd3: {  	vm1 =	vge.f32 v3, $0.0e+00  }
0xd4: {  	v3 =	vsel vm1, v3, v4  }
0xd5: {  	v3 =	vsub.f32 v3, v1;
	_ =	sdelay $0x1  }
0xd6: {  	v3 =	vmul.f32 $1.442695020e+00, v3;
	_ =	sdelay $0x1  }
0xd7: {  	(erf) = vpow2.f32 v3;
	_ =	sdelay $0x7  }
0xd8: {  	s1 =	sadd.s32 $0x10, s1  }
0xd9: {  	p1 =	slt.u32 s1, $0x27100;
	v3 =	vpop (erf)  }
.Ltmp3:
0xda: {  	v3 =	vpsel !p1, $0x0, v3;
	(pc) =	sbr.rel @p0 .LBB2_8-.Ltmp3, $4  }
0xdb: {  	[tilespmem:s23+$0x9F00] =	vst v3  }
0xdc: {  	s23 =	sshra.s32 s26, $0x2;
	[tilespmem:v2+s18+$0x0] =	vst.idx.add.f32.msk $0xffff, v3  }
0xdd: {  	v2 =	vld [tilespmem:s23+$0x8B00]  }
0xde: {  	s26 =	sadd.s32 $0x40, s26;
	v3 =	vld [tilespmem:s23+$0x7700]  }
0xdf: {  	_ =	sdelay $0x6  }
0xe0: {  	v4 =	vld.idx.msk [tilespmem:v2+s14+$0x0], $0xffff  }
0xe1: {  	v3 =	vld.idx.msk [tilespmem:v3+s25+$0x0], $0xffff;
	_ =	sdelay $0x4  }
0xe2: {  	v3 =	vadd.f32 v4, v3;
	_ =	sdelay $0x1  }
0xe3: {  	v4 =	vmul.f32 $2.000000030e-01, v3  }
0xe4: {  	vm1 =	vge.f32 v3, $0.0e+00  }
0xe5: {  	v3 =	vsel vm1, v3, v4  }
0xe6: {  	v3 =	vsub.f32 v3, v1;
	_ =	sdelay $0x1  }
0xe7: {  	v3 =	vmul.f32 $1.442695020e+00, v3;
	_ =	sdelay $0x1  }
0xe8: {  	(erf) = vpow2.f32 v3;
	_ =	sdelay $0x7  }
0xe9: {  	s1 =	sadd.s32 $0x10, s1  }
0xea: {  	p0 =	slt.u32 s1, $0x27100;
	v3 =	vpop (erf)  }
0xeb: {  	v3 =	vpsel !p0, $0x0, v3  }
0xec: {  	[tilespmem:s23+$0x9F00] =	vst v3  }
0xed: {  	s1 =	simm.s32 $0x0;
	[tilespmem:v2+s18+$0x0] =	vst.idx.add.f32.msk $0xffff, v3  }
0xee: {  	[hbm4b:s30+s1] =	stream.linear.scatter [tilespmem:s19], [sflag:$0x1], $0x1400, $0x38;
	[tilespmem:$0xB300] =	vst v63  }
0xef: {  	_ =	swait.ge [sflag:s12], $0x1400  }
0xf0: {  	[sflag:s12] =	ssyncset.done $0x0  }
0xf1: {  	s26 =	rddreg [dreg:$0xa];
	[sflag:s12] =	ssyncadd.s32 $0xFFFFEC00  }
0xf2: {  	[tilespmem:s16], [sflag:$0x1] =	stream.linear.gather [hbm4b:s26+s1], $0x1400, $0x38;
	[tilespmem:$0xB300] =	vst v63  }
0xf3: {  	_ =	swait.ge [sflag:s12], $0x1400  }
0xf4: {  	[sflag:s12] =	ssyncset.done $0x0  }
0xf5: {  	s26 =	rddreg [dreg:$0xb];
	[sflag:s12] =	ssyncadd.s32 $0xFFFFEC00  }
0xf6: {  	[tilespmem:s17], [sflag:$0x1] =	stream.linear.gather [hbm4b:s26+s1], $0x1400, $0x38;
	[tilespmem:$0xB300] =	vst v63  }
0xf7: {  	_ =	swait.ge [sflag:s12], $0x1400  }
0xf8: {  	[sflag:s12] =	ssyncset.done $0x0  }
0xf9: {  	s26 =	simm.s32 $0x0;
	[sflag:s12] =	ssyncadd.s32 $0xFFFFEC00  }
0xfa: {  	v2 =	vld [tilespmem:s26+$0x8B00]  }
0xfb: {  	v3 =	vld [tilespmem:s26+$0x7700];
	_ =	sdelay $0x6  }
0xfc: {  	v4 =	vld.idx.msk [tilespmem:v2+s14+$0x0], $0xffff  }
0xfd: {  	v3 =	vld.idx.msk [tilespmem:v3+s25+$0x0], $0xffff;
	_ =	sdelay $0x4  }
0xfe: {  	v3 =	vadd.f32 v4, v3;
	_ =	sdelay $0x1  }
0xff: {  	v4 =	vmul.f32 $2.000000030e-01, v3  }
0x100: {  	vm1 =	vge.f32 v3, $0.0e+00  }
0x101: {  	v3 =	vsel vm1, v3, v4  }
0x102: {  	v3 =	vsub.f32 v3, v1;
	_ =	sdelay $0x1  }
0x103: {  	v3 =	vmul.f32 $1.442695020e+00, v3;
	_ =	sdelay $0x1  }
0x104: {  	(erf) = vpow2.f32 v3;
	_ =	sdelay $0x8  }
0x105: {  	p6 =	slt.u32 s8, $0x27100;
	v3 =	vpop (erf)  }
0x106: {  	v3 =	vpsel !p6, $0x0, v3  }
0x107: {  	[tilespmem:s26+$0x9F00] =	vst v3  }
0x108: {  	s23 =	simm.s32 $0x10;
	[tilespmem:v2+s18+$0x0] =	vst.idx.add.f32.msk $0xffff, v3  }
0x109: {  	v2 =	vld [tilespmem:s23+$0x8B00]  }
0x10a: {  	s1 =	smov.u32 s8;
	s26 =	simm.s32 $0x80;
	v3 =	vld [tilespmem:s23+$0x7700]  }
.LBB2_10:
0x10b: {  	p0 =	sne.s32 s26, $0x4FC0;
	_ =	sdelay $0x5  }
0x10c: {  	v4 =	vld.idx.msk [tilespmem:v2+s14+$0x0], $0xffff  }
0x10d: {  	v3 =	vld.idx.msk [tilespmem:v3+s25+$0x0], $0xffff;
	_ =	sdelay $0x5  }
0x10e: {  	v3 =	vadd.f32 v4, v3;
	_ =	sdelay $0x1  }
0x10f: {  	v4 =	vmul.f32 $2.000000030e-01, v3  }
0x110: {  	vm1 =	vge.f32 v3, $0.0e+00  }
0x111: {  	v3 =	vsel vm1, v3, v4  }
0x112: {  	v3 =	vsub.f32 v3, v1;
	_ =	sdelay $0x1  }
0x113: {  	v3 =	vmul.f32 $1.442695020e+00, v3;
	_ =	sdelay $0x1  }
0x114: {  	(erf) = vpow2.f32 v3;
	_ =	sdelay $0x7  }
0x115: {  	s1 =	sadd.s32 $0x10, s1  }
0x116: {  	p1 =	slt.u32 s1, $0x27100;
	v3 =	vpop (erf)  }
.Ltmp4:
0x117: {  	v3 =	vpsel !p1, $0x0, v3;
	(pc) =	sbr.rel @p0 .LBB2_10-.Ltmp4, $4  }
0x118: {  	[tilespmem:s23+$0x9F00] =	vst v3  }
0x119: {  	s23 =	sshra.s32 s26, $0x2;
	[tilespmem:v2+s18+$0x0] =	vst.idx.add.f32.msk $0xffff, v3  }
0x11a: {  	v2 =	vld [tilespmem:s23+$0x8B00]  }
0x11b: {  	s26 =	sadd.s32 $0x40, s26;
	v3 =	vld [tilespmem:s23+$0x7700]  }
0x11c: {  	_ =	sdelay $0x6  }
0x11d: {  	v4 =	vld.idx.msk [tilespmem:v2+s14+$0x0], $0xffff  }
0x11e: {  	v3 =	vld.idx.msk [tilespmem:v3+s25+$0x0], $0xffff;
	_ =	sdelay $0x4  }
0x11f: {  	v3 =	vadd.f32 v4, v3;
	_ =	sdelay $0x1  }
0x120: {  	v4 =	vmul.f32 $2.000000030e-01, v3  }
0x121: {  	vm1 =	vge.f32 v3, $0.0e+00  }
0x122: {  	v3 =	vsel vm1, v3, v4  }
0x123: {  	v3 =	vsub.f32 v3, v1;
	_ =	sdelay $0x1  }
0x124: {  	v3 =	vmul.f32 $1.442695020e+00, v3;
	_ =	sdelay $0x1  }
0x125: {  	(erf) = vpow2.f32 v3;
	_ =	sdelay $0x7  }
0x126: {  	s1 =	sadd.s32 $0x10, s1  }
0x127: {  	p0 =	slt.u32 s1, $0x27100;
	v3 =	vpop (erf)  }
0x128: {  	v3 =	vpsel !p0, $0x0, v3  }
0x129: {  	[tilespmem:s23+$0x9F00] =	vst v3  }
0x12a: {  	s1 =	simm.s32 $0x0;
	[tilespmem:v2+s18+$0x0] =	vst.idx.add.f32.msk $0xffff, v3  }
0x12b: {  	[hbm4b:s31+s1] =	stream.linear.scatter [tilespmem:s19], [sflag:$0x1], $0x1400, $0x38;
	[tilespmem:$0xB300] =	vst v63  }
0x12c: {  	_ =	swait.ge [sflag:s12], $0x1400  }
0x12d: {  	[sflag:s12] =	ssyncset.done $0x0  }
0x12e: {  	s26 =	rddreg [dreg:$0xc];
	[sflag:s12] =	ssyncadd.s32 $0xFFFFEC00  }
0x12f: {  	[tilespmem:s16], [sflag:$0x1] =	stream.linear.gather [hbm4b:s26+s1], $0x1400, $0x38;
	[tilespmem:$0xB300] =	vst v63  }
0x130: {  	_ =	swait.ge [sflag:s12], $0x1400  }
0x131: {  	[sflag:s12] =	ssyncset.done $0x0  }
0x132: {  	s26 =	rddreg [dreg:$0xd];
	[sflag:s12] =	ssyncadd.s32 $0xFFFFEC00  }
0x133: {  	[tilespmem:s17], [sflag:$0x1] =	stream.linear.gather [hbm4b:s26+s1], $0x1400, $0x38;
	[tilespmem:$0xB300] =	vst v63  }
0x134: {  	_ =	swait.ge [sflag:s12], $0x1400  }
0x135: {  	[sflag:s12] =	ssyncset.done $0x0  }
0x136: {  	s26 =	simm.s32 $0x0;
	[sflag:s12] =	ssyncadd.s32 $0xFFFFEC00  }
0x137: {  	v2 =	vld [tilespmem:s26+$0x8B00]  }
0x138: {  	v3 =	vld [tilespmem:s26+$0x7700];
	_ =	sdelay $0x6  }
0x139: {  	v4 =	vld.idx.msk [tilespmem:v2+s14+$0x0], $0xffff  }
0x13a: {  	v3 =	vld.idx.msk [tilespmem:v3+s25+$0x0], $0xffff;
	_ =	sdelay $0x4  }
0x13b: {  	v3 =	vadd.f32 v4, v3;
	_ =	sdelay $0x1  }
0x13c: {  	v4 =	vmul.f32 $2.000000030e-01, v3  }
0x13d: {  	vm1 =	vge.f32 v3, $0.0e+00  }
0x13e: {  	v3 =	vsel vm1, v3, v4  }
0x13f: {  	v3 =	vsub.f32 v3, v1;
	_ =	sdelay $0x1  }
0x140: {  	v3 =	vmul.f32 $1.442695020e+00, v3;
	_ =	sdelay $0x1  }
0x141: {  	(erf) = vpow2.f32 v3;
	_ =	sdelay $0x8  }
0x142: {  	p6 =	slt.u32 s13, $0x27100;
	v3 =	vpop (erf)  }
0x143: {  	v3 =	vpsel !p6, $0x0, v3  }
0x144: {  	[tilespmem:s26+$0x9F00] =	vst v3  }
0x145: {  	s23 =	simm.s32 $0x10;
	[tilespmem:v2+s18+$0x0] =	vst.idx.add.f32.msk $0xffff, v3  }
0x146: {  	v2 =	vld [tilespmem:s23+$0x8B00]  }
0x147: {  	s1 =	smov.u32 s13;
	s26 =	simm.s32 $0x80;
	v3 =	vld [tilespmem:s23+$0x7700]  }
.LBB2_12:
0x148: {  	p0 =	sne.s32 s26, $0x4FC0;
	_ =	sdelay $0x5  }
0x149: {  	v4 =	vld.idx.msk [tilespmem:v2+s14+$0x0], $0xffff  }
0x14a: {  	v3 =	vld.idx.msk [tilespmem:v3+s25+$0x0], $0xffff;
	_ =	sdelay $0x5  }
0x14b: {  	v3 =	vadd.f32 v4, v3;
	_ =	sdelay $0x1  }
0x14c: {  	v4 =	vmul.f32 $2.000000030e-01, v3  }
0x14d: {  	vm1 =	vge.f32 v3, $0.0e+00  }
0x14e: {  	v3 =	vsel vm1, v3, v4  }
0x14f: {  	v3 =	vsub.f32 v3, v1;
	_ =	sdelay $0x1  }
0x150: {  	v3 =	vmul.f32 $1.442695020e+00, v3;
	_ =	sdelay $0x1  }
0x151: {  	(erf) = vpow2.f32 v3;
	_ =	sdelay $0x7  }
0x152: {  	s1 =	sadd.s32 $0x10, s1  }
0x153: {  	p1 =	slt.u32 s1, $0x27100;
	v3 =	vpop (erf)  }
.Ltmp5:
0x154: {  	v3 =	vpsel !p1, $0x0, v3;
	(pc) =	sbr.rel @p0 .LBB2_12-.Ltmp5, $4  }
0x155: {  	[tilespmem:s23+$0x9F00] =	vst v3  }
0x156: {  	s23 =	sshra.s32 s26, $0x2;
	[tilespmem:v2+s18+$0x0] =	vst.idx.add.f32.msk $0xffff, v3  }
0x157: {  	v2 =	vld [tilespmem:s23+$0x8B00]  }
0x158: {  	s26 =	sadd.s32 $0x40, s26;
	v3 =	vld [tilespmem:s23+$0x7700]  }
0x159: {  	_ =	sdelay $0x6  }
0x15a: {  	v4 =	vld.idx.msk [tilespmem:v2+s14+$0x0], $0xffff  }
0x15b: {  	v3 =	vld.idx.msk [tilespmem:v3+s25+$0x0], $0xffff;
	_ =	sdelay $0x4  }
0x15c: {  	v3 =	vadd.f32 v4, v3;
	_ =	sdelay $0x1  }
0x15d: {  	v4 =	vmul.f32 $2.000000030e-01, v3  }
0x15e: {  	vm1 =	vge.f32 v3, $0.0e+00  }
0x15f: {  	v3 =	vsel vm1, v3, v4  }
0x160: {  	v3 =	vsub.f32 v3, v1;
	_ =	sdelay $0x1  }
0x161: {  	v3 =	vmul.f32 $1.442695020e+00, v3;
	_ =	sdelay $0x1  }
0x162: {  	(erf) = vpow2.f32 v3;
	_ =	sdelay $0x7  }
0x163: {  	s1 =	sadd.s32 $0x10, s1  }
0x164: {  	p0 =	slt.u32 s1, $0x27100;
	v3 =	vpop (erf)  }
0x165: {  	v3 =	vpsel !p0, $0x0, v3  }
0x166: {  	[tilespmem:s23+$0x9F00] =	vst v3  }
0x167: {  	s1 =	simm.s32 $0x0;
	[tilespmem:v2+s18+$0x0] =	vst.idx.add.f32.msk $0xffff, v3  }
0x168: {  	[hbm4b:s0+s1] =	stream.linear.scatter [tilespmem:s19], [sflag:$0x1], $0x1400, $0x38;
	[tilespmem:$0xB300] =	vst v63  }
0x169: {  	_ =	swait.ge [sflag:s12], $0x1400  }
0x16a: {  	[sflag:s12] =	ssyncset.done $0x0  }
0x16b: {  	s26 =	rddreg [dreg:$0xe];
	[sflag:s12] =	ssyncadd.s32 $0xFFFFEC00  }
0x16c: {  	[tilespmem:s16], [sflag:$0x1] =	stream.linear.gather [hbm4b:s26+s1], $0x1400, $0x38;
	[tilespmem:$0xB300] =	vst v63  }
0x16d: {  	_ =	swait.ge [sflag:s12], $0x1400  }
0x16e: {  	[sflag:s12] =	ssyncset.done $0x0  }
0x16f: {  	s26 =	rddreg [dreg:$0xf];
	[sflag:s12] =	ssyncadd.s32 $0xFFFFEC00  }
0x170: {  	[tilespmem:s17], [sflag:$0x1] =	stream.linear.gather [hbm4b:s26+s1], $0x1400, $0x38;
	[tilespmem:$0xB300] =	vst v63  }
0x171: {  	_ =	swait.ge [sflag:s12], $0x1400  }
0x172: {  	[sflag:s12] =	ssyncset.done $0x0  }
0x173: {  	s26 =	simm.s32 $0x0;
	[sflag:s12] =	ssyncadd.s32 $0xFFFFEC00  }
0x174: {  	v2 =	vld [tilespmem:s26+$0x8B00]  }
0x175: {  	v3 =	vld [tilespmem:s26+$0x7700];
	_ =	sdelay $0x6  }
0x176: {  	v4 =	vld.idx.msk [tilespmem:v2+s14+$0x0], $0xffff  }
0x177: {  	v3 =	vld.idx.msk [tilespmem:v3+s25+$0x0], $0xffff;
	_ =	sdelay $0x4  }
0x178: {  	v3 =	vadd.f32 v4, v3;
	_ =	sdelay $0x1  }
0x179: {  	v4 =	vmul.f32 $2.000000030e-01, v3  }
0x17a: {  	vm1 =	vge.f32 v3, $0.0e+00  }
0x17b: {  	v3 =	vsel vm1, v3, v4  }
0x17c: {  	v3 =	vsub.f32 v3, v1;
	_ =	sdelay $0x1  }
0x17d: {  	v3 =	vmul.f32 $1.442695020e+00, v3;
	_ =	sdelay $0x1  }
0x17e: {  	(erf) = vpow2.f32 v3;
	_ =	sdelay $0x8  }
0x17f: {  	p6 =	slt.u32 s15, $0x27100;
	v3 =	vpop (erf)  }
0x180: {  	v3 =	vpsel !p6, $0x0, v3  }
0x181: {  	[tilespmem:s26+$0x9F00] =	vst v3  }
0x182: {  	s23 =	simm.s32 $0x10;
	[tilespmem:v2+s18+$0x0] =	vst.idx.add.f32.msk $0xffff, v3  }
0x183: {  	v2 =	vld [tilespmem:s23+$0x8B00]  }
0x184: {  	s1 =	smov.u32 s15;
	s26 =	simm.s32 $0x80;
	v3 =	vld [tilespmem:s23+$0x7700]  }
.LBB2_14:
0x185: {  	p0 =	sne.s32 s26, $0x4FC0;
	_ =	sdelay $0x5  }
0x186: {  	v4 =	vld.idx.msk [tilespmem:v2+s14+$0x0], $0xffff  }
0x187: {  	v3 =	vld.idx.msk [tilespmem:v3+s25+$0x0], $0xffff;
	_ =	sdelay $0x5  }
0x188: {  	v3 =	vadd.f32 v4, v3;
	_ =	sdelay $0x1  }
0x189: {  	v4 =	vmul.f32 $2.000000030e-01, v3  }
0x18a: {  	vm1 =	vge.f32 v3, $0.0e+00  }
0x18b: {  	v3 =	vsel vm1, v3, v4  }
0x18c: {  	v3 =	vsub.f32 v3, v1;
	_ =	sdelay $0x1  }
0x18d: {  	v3 =	vmul.f32 $1.442695020e+00, v3;
	_ =	sdelay $0x1  }
0x18e: {  	(erf) = vpow2.f32 v3;
	_ =	sdelay $0x7  }
0x18f: {  	s1 =	sadd.s32 $0x10, s1  }
0x190: {  	p1 =	slt.u32 s1, $0x27100;
	v3 =	vpop (erf)  }
.Ltmp6:
0x191: {  	v3 =	vpsel !p1, $0x0, v3;
	(pc) =	sbr.rel @p0 .LBB2_14-.Ltmp6, $4  }
0x192: {  	[tilespmem:s23+$0x9F00] =	vst v3  }
0x193: {  	s23 =	sshra.s32 s26, $0x2;
	[tilespmem:v2+s18+$0x0] =	vst.idx.add.f32.msk $0xffff, v3  }
0x194: {  	v2 =	vld [tilespmem:s23+$0x8B00]  }
0x195: {  	s26 =	sadd.s32 $0x40, s26;
	v3 =	vld [tilespmem:s23+$0x7700]  }
0x196: {  	_ =	sdelay $0x6  }
0x197: {  	v4 =	vld.idx.msk [tilespmem:v2+s14+$0x0], $0xffff  }
0x198: {  	v3 =	vld.idx.msk [tilespmem:v3+s25+$0x0], $0xffff;
	_ =	sdelay $0x4  }
0x199: {  	v3 =	vadd.f32 v4, v3;
	_ =	sdelay $0x1  }
0x19a: {  	v4 =	vmul.f32 $2.000000030e-01, v3  }
0x19b: {  	vm1 =	vge.f32 v3, $0.0e+00  }
0x19c: {  	v3 =	vsel vm1, v3, v4  }
0x19d: {  	v3 =	vsub.f32 v3, v1;
	_ =	sdelay $0x1  }
0x19e: {  	v3 =	vmul.f32 $1.442695020e+00, v3;
	_ =	sdelay $0x1  }
0x19f: {  	(erf) = vpow2.f32 v3;
	_ =	sdelay $0x7  }
0x1a0: {  	s1 =	sadd.s32 $0x10, s1  }
0x1a1: {  	p0 =	slt.u32 s1, $0x27100;
	v3 =	vpop (erf)  }
0x1a2: {  	v3 =	vpsel !p0, $0x0, v3  }
0x1a3: {  	[tilespmem:s23+$0x9F00] =	vst v3  }
0x1a4: {  	s1 =	simm.s32 $0x0;
	[tilespmem:v2+s18+$0x0] =	vst.idx.add.f32.msk $0xffff, v3  }
0x1a5: {  	[hbm4b:s2+s1] =	stream.linear.scatter [tilespmem:s19], [sflag:$0x1], $0x1400, $0x38;
	[tilespmem:$0xB300] =	vst v63  }
0x1a6: {  	_ =	swait.ge [sflag:s12], $0x1400  }
0x1a7: {  	[sflag:s12] =	ssyncset.done $0x0  }
0x1a8: {  	s26 =	rddreg [dreg:$0x10];
	[sflag:s12] =	ssyncadd.s32 $0xFFFFEC00  }
0x1a9: {  	[tilespmem:s16], [sflag:$0x1] =	stream.linear.gather [hbm4b:s26+s1], $0x1400, $0x38;
	[tilespmem:$0xB300] =	vst v63  }
0x1aa: {  	_ =	swait.ge [sflag:s12], $0x1400  }
0x1ab: {  	[sflag:s12] =	ssyncset.done $0x0  }
0x1ac: {  	s26 =	rddreg [dreg:$0x11];
	[sflag:s12] =	ssyncadd.s32 $0xFFFFEC00  }
0x1ad: {  	[tilespmem:s17], [sflag:$0x1] =	stream.linear.gather [hbm4b:s26+s1], $0x1400, $0x38;
	[tilespmem:$0xB300] =	vst v63  }
0x1ae: {  	_ =	swait.ge [sflag:s12], $0x1400  }
0x1af: {  	[sflag:s12] =	ssyncset.done $0x0  }
0x1b0: {  	s26 =	simm.s32 $0x0;
	[sflag:s12] =	ssyncadd.s32 $0xFFFFEC00  }
0x1b1: {  	v2 =	vld [tilespmem:s26+$0x8B00]  }
0x1b2: {  	v3 =	vld [tilespmem:s26+$0x7700];
	_ =	sdelay $0x6  }
0x1b3: {  	v4 =	vld.idx.msk [tilespmem:v2+s14+$0x0], $0xffff  }
0x1b4: {  	v3 =	vld.idx.msk [tilespmem:v3+s25+$0x0], $0xffff;
	_ =	sdelay $0x4  }
0x1b5: {  	v3 =	vadd.f32 v4, v3;
	_ =	sdelay $0x1  }
0x1b6: {  	v4 =	vmul.f32 $2.000000030e-01, v3  }
0x1b7: {  	vm1 =	vge.f32 v3, $0.0e+00  }
0x1b8: {  	v3 =	vsel vm1, v3, v4  }
0x1b9: {  	v3 =	vsub.f32 v3, v1;
	_ =	sdelay $0x1  }
0x1ba: {  	v3 =	vmul.f32 $1.442695020e+00, v3;
	_ =	sdelay $0x1  }
0x1bb: {  	(erf) = vpow2.f32 v3;
	_ =	sdelay $0x8  }
0x1bc: {  	p6 =	slt.u32 s20, $0x27100;
	v3 =	vpop (erf)  }
0x1bd: {  	v3 =	vpsel !p6, $0x0, v3  }
0x1be: {  	[tilespmem:s26+$0x9F00] =	vst v3  }
0x1bf: {  	s23 =	simm.s32 $0x10;
	[tilespmem:v2+s18+$0x0] =	vst.idx.add.f32.msk $0xffff, v3  }
0x1c0: {  	v2 =	vld [tilespmem:s23+$0x8B00]  }
0x1c1: {  	s1 =	smov.u32 s20;
	s26 =	simm.s32 $0x80;
	v3 =	vld [tilespmem:s23+$0x7700]  }
.LBB2_16:
0x1c2: {  	p0 =	sne.s32 s26, $0x4FC0;
	_ =	sdelay $0x5  }
0x1c3: {  	v4 =	vld.idx.msk [tilespmem:v2+s14+$0x0], $0xffff  }
0x1c4: {  	v3 =	vld.idx.msk [tilespmem:v3+s25+$0x0], $0xffff;
	_ =	sdelay $0x5  }
0x1c5: {  	v3 =	vadd.f32 v4, v3;
	_ =	sdelay $0x1  }
0x1c6: {  	v4 =	vmul.f32 $2.000000030e-01, v3  }
0x1c7: {  	vm1 =	vge.f32 v3, $0.0e+00  }
0x1c8: {  	v3 =	vsel vm1, v3, v4  }
0x1c9: {  	v3 =	vsub.f32 v3, v1;
	_ =	sdelay $0x1  }
0x1ca: {  	v3 =	vmul.f32 $1.442695020e+00, v3;
	_ =	sdelay $0x1  }
0x1cb: {  	(erf) = vpow2.f32 v3;
	_ =	sdelay $0x7  }
0x1cc: {  	s1 =	sadd.s32 $0x10, s1  }
0x1cd: {  	p1 =	slt.u32 s1, $0x27100;
	v3 =	vpop (erf)  }
.Ltmp7:
0x1ce: {  	v3 =	vpsel !p1, $0x0, v3;
	(pc) =	sbr.rel @p0 .LBB2_16-.Ltmp7, $4  }
0x1cf: {  	[tilespmem:s23+$0x9F00] =	vst v3  }
0x1d0: {  	s23 =	sshra.s32 s26, $0x2;
	[tilespmem:v2+s18+$0x0] =	vst.idx.add.f32.msk $0xffff, v3  }
0x1d1: {  	v2 =	vld [tilespmem:s23+$0x8B00]  }
0x1d2: {  	s26 =	sadd.s32 $0x40, s26;
	v3 =	vld [tilespmem:s23+$0x7700]  }
0x1d3: {  	_ =	sdelay $0x6  }
0x1d4: {  	v4 =	vld.idx.msk [tilespmem:v2+s14+$0x0], $0xffff  }
0x1d5: {  	v3 =	vld.idx.msk [tilespmem:v3+s25+$0x0], $0xffff;
	_ =	sdelay $0x4  }
0x1d6: {  	v3 =	vadd.f32 v4, v3;
	_ =	sdelay $0x1  }
0x1d7: {  	v4 =	vmul.f32 $2.000000030e-01, v3  }
0x1d8: {  	vm1 =	vge.f32 v3, $0.0e+00  }
0x1d9: {  	v3 =	vsel vm1, v3, v4  }
0x1da: {  	v3 =	vsub.f32 v3, v1;
	_ =	sdelay $0x1  }
0x1db: {  	v3 =	vmul.f32 $1.442695020e+00, v3;
	_ =	sdelay $0x1  }
0x1dc: {  	(erf) = vpow2.f32 v3;
	_ =	sdelay $0x7  }
0x1dd: {  	s1 =	sadd.s32 $0x10, s1  }
0x1de: {  	p0 =	slt.u32 s1, $0x27100;
	v3 =	vpop (erf)  }
0x1df: {  	v3 =	vpsel !p0, $0x0, v3  }
0x1e0: {  	[tilespmem:s23+$0x9F00] =	vst v3  }
0x1e1: {  	s1 =	simm.s32 $0x0;
	[tilespmem:v2+s18+$0x0] =	vst.idx.add.f32.msk $0xffff, v3  }
0x1e2: {  	[hbm4b:s3+s1] =	stream.linear.scatter [tilespmem:s19], [sflag:$0x1], $0x1400, $0x38;
	[tilespmem:$0xB300] =	vst v63  }
0x1e3: {  	_ =	swait.ge [sflag:s12], $0x1400  }
0x1e4: {  	[sflag:s12] =	ssyncset.done $0x0  }
0x1e5: {  	s26 =	rddreg [dreg:$0x12];
	[sflag:s12] =	ssyncadd.s32 $0xFFFFEC00  }
0x1e6: {  	[tilespmem:s16], [sflag:$0x1] =	stream.linear.gather [hbm4b:s26+s1], $0x1400, $0x38;
	[tilespmem:$0xB300] =	vst v63  }
0x1e7: {  	_ =	swait.ge [sflag:s12], $0x1400  }
0x1e8: {  	[sflag:s12] =	ssyncset.done $0x0  }
0x1e9: {  	s26 =	rddreg [dreg:$0x13];
	[sflag:s12] =	ssyncadd.s32 $0xFFFFEC00  }
0x1ea: {  	[tilespmem:s17], [sflag:$0x1] =	stream.linear.gather [hbm4b:s26+s1], $0x1400, $0x38;
	[tilespmem:$0xB300] =	vst v63  }
0x1eb: {  	_ =	swait.ge [sflag:s12], $0x1400  }
0x1ec: {  	[sflag:s12] =	ssyncset.done $0x0  }
0x1ed: {  	s26 =	simm.s32 $0x0;
	[sflag:s12] =	ssyncadd.s32 $0xFFFFEC00  }
0x1ee: {  	v2 =	vld [tilespmem:s26+$0x8B00]  }
0x1ef: {  	v3 =	vld [tilespmem:s26+$0x7700];
	_ =	sdelay $0x6  }
0x1f0: {  	v4 =	vld.idx.msk [tilespmem:v2+s14+$0x0], $0xffff  }
0x1f1: {  	v3 =	vld.idx.msk [tilespmem:v3+s25+$0x0], $0xffff;
	_ =	sdelay $0x4  }
0x1f2: {  	v3 =	vadd.f32 v4, v3;
	_ =	sdelay $0x1  }
0x1f3: {  	v4 =	vmul.f32 $2.000000030e-01, v3  }
0x1f4: {  	vm1 =	vge.f32 v3, $0.0e+00  }
0x1f5: {  	v3 =	vsel vm1, v3, v4  }
0x1f6: {  	v3 =	vsub.f32 v3, v1;
	_ =	sdelay $0x1  }
0x1f7: {  	v3 =	vmul.f32 $1.442695020e+00, v3;
	_ =	sdelay $0x1  }
0x1f8: {  	(erf) = vpow2.f32 v3;
	_ =	sdelay $0x8  }
0x1f9: {  	p6 =	slt.u32 s21, $0x27100;
	v3 =	vpop (erf)  }
0x1fa: {  	v3 =	vpsel !p6, $0x0, v3  }
0x1fb: {  	[tilespmem:s26+$0x9F00] =	vst v3  }
0x1fc: {  	s23 =	simm.s32 $0x10;
	[tilespmem:v2+s18+$0x0] =	vst.idx.add.f32.msk $0xffff, v3  }
0x1fd: {  	v2 =	vld [tilespmem:s23+$0x8B00]  }
0x1fe: {  	s1 =	smov.u32 s21;
	s26 =	simm.s32 $0x80;
	v3 =	vld [tilespmem:s23+$0x7700]  }
.LBB2_18:
0x1ff: {  	p0 =	sne.s32 s26, $0x4FC0;
	_ =	sdelay $0x5  }
0x200: {  	v4 =	vld.idx.msk [tilespmem:v2+s14+$0x0], $0xffff  }
0x201: {  	v3 =	vld.idx.msk [tilespmem:v3+s25+$0x0], $0xffff;
	_ =	sdelay $0x5  }
0x202: {  	v3 =	vadd.f32 v4, v3;
	_ =	sdelay $0x1  }
0x203: {  	v4 =	vmul.f32 $2.000000030e-01, v3  }
0x204: {  	vm1 =	vge.f32 v3, $0.0e+00  }
0x205: {  	v3 =	vsel vm1, v3, v4  }
0x206: {  	v3 =	vsub.f32 v3, v1;
	_ =	sdelay $0x1  }
0x207: {  	v3 =	vmul.f32 $1.442695020e+00, v3;
	_ =	sdelay $0x1  }
0x208: {  	(erf) = vpow2.f32 v3;
	_ =	sdelay $0x7  }
0x209: {  	s1 =	sadd.s32 $0x10, s1  }
0x20a: {  	p1 =	slt.u32 s1, $0x27100;
	v3 =	vpop (erf)  }
.Ltmp8:
0x20b: {  	v3 =	vpsel !p1, $0x0, v3;
	(pc) =	sbr.rel @p0 .LBB2_18-.Ltmp8, $4  }
0x20c: {  	[tilespmem:s23+$0x9F00] =	vst v3  }
0x20d: {  	s23 =	sshra.s32 s26, $0x2;
	[tilespmem:v2+s18+$0x0] =	vst.idx.add.f32.msk $0xffff, v3  }
0x20e: {  	v2 =	vld [tilespmem:s23+$0x8B00]  }
0x20f: {  	s26 =	sadd.s32 $0x40, s26;
	v3 =	vld [tilespmem:s23+$0x7700]  }
0x210: {  	_ =	sdelay $0x6  }
0x211: {  	v4 =	vld.idx.msk [tilespmem:v2+s14+$0x0], $0xffff  }
0x212: {  	v3 =	vld.idx.msk [tilespmem:v3+s25+$0x0], $0xffff;
	_ =	sdelay $0x4  }
0x213: {  	v3 =	vadd.f32 v4, v3;
	_ =	sdelay $0x1  }
0x214: {  	v4 =	vmul.f32 $2.000000030e-01, v3  }
0x215: {  	vm1 =	vge.f32 v3, $0.0e+00  }
0x216: {  	v3 =	vsel vm1, v3, v4  }
0x217: {  	v1 =	vsub.f32 v3, v1;
	_ =	sdelay $0x1  }
0x218: {  	v1 =	vmul.f32 $1.442695020e+00, v1;
	_ =	sdelay $0x1  }
0x219: {  	(erf) = vpow2.f32 v1;
	_ =	sdelay $0x7  }
0x21a: {  	s1 =	sadd.s32 $0x10, s1  }
0x21b: {  	p0 =	slt.u32 s1, $0x27100;
	v1 =	vpop (erf)  }
0x21c: {  	v1 =	vpsel !p0, $0x0, v1  }
0x21d: {  	[tilespmem:s23+$0x9F00] =	vst v1  }
0x21e: {  	[tilespmem:v2+s18+$0x0] =	vst.idx.add.f32.msk $0xffff, v1  }
0x21f: {  	[hbm4b:s5+s25] =	stream.linear.scatter [tilespmem:s19], [sflag:$0x1], $0x1400, $0x38;
	[tilespmem:$0xB300] =	vst v63  }
0x220: {  	s22 =	sadd.s32 $0x1, s22;
	_ =	swait.ge [sflag:s12], $0x1400  }
0x221: {  	p0 =	sne.s32 s22, s11;
	[sflag:s12] =	ssyncset.done $0x0  }
.Ltmp9:
0x222: {  	[sflag:s12] =	ssyncadd.s32 $0xFFFFEC00;
	(pc) =	sbr.rel @p0 .LBB2_1-.Ltmp9, $4  }
0x223: {  	[hbm4b:s7+s25] =	stream.linear.scatter [tilespmem:s18], [sflag:$0x1], $0x2780, $0x38;
	[tilespmem:$0xB300] =	vst v63  }
0x224: {  	_ =	swait.ge [sflag:s12], $0x2780  }
0x225: {  	[sflag:s12] =	ssyncset.done $0x0  }
0x226: {  	[sflag:s12] =	ssyncadd.s32 $0xFFFFD880  }
0x227: {  	_ =	sfence.sel $0x180000  }
0x228: {  	[bflag:$0x0] =	sbarrier.arrive $0xFFFF  }
0x229: {  	_ =	strace $0x90000047  }
0x22a: {  	s0 =	stileid.u32;
	[bflag:$0x2] =	sbarrier.arrive $0xFFFF  }
0x22b: {  	p0 =	sne.s32 s0, $0x0;
	s0 =	rddreg [dreg:$0x2]  }
0x22c: {  	s0 =	sadd.s32 @!p0 $0x100000, s0  }
0x22d: {  	[sflag:s0] =	ssyncadd.tile.s32 @!p0 $0x1;
	_ =	shalt  }
.Lfunc_end2:
_tile_overlayer_lowered:
.L_overlay_start_2:
0x22e: {  	(tag) =	ssettag $0x2  }
0x22f: {  	s0 =	rddreg [dreg:$0x0];
	s2 =	stileid.u32  }
0x230: {  	s1 =	rddreg [dreg:$0x1];
	p0 =	sne.s32 s2, $0x0  }
0x231: {  	s3 =	rddreg [dreg:$0x2];
	[bflag:$0x3] =	sbarrier.arrive $0xFFFF;
	s2 =	simm.s32 @!p0 $0x1C01  }
0x232: {  	[timem:s3], [sflag:s2] =	dma.local @!p0 [hbm:s0], s1  }
0x233: {  	s0 =	simm.s32 @!p0 $0x1  }
0x234: {  	_ =	swait.ge @!p0 [sflag:s0], s1  }
0x235: {  	s1 =	ssub.s32 @!p0 $0x0, s1;
	[sflag:s0] =	ssyncset.done @!p0 $0x0  }
0x236: {  	[sflag:s0] =	ssyncadd.s32 @!p0 s1  }
0x237: {  	[bflag:$0x3] =	sbarrier.arrive $0xFFFF  }
0x238: {  	_ =	shalt  }

</sc_bundles>
